<compile_context>
chip_gen: v7x
topology: tpu7x:2x2x1
jax: 0.10.2.dev20260603
libtpu: 0.0.44.dev20260713+nightly
codegen_flags: <defaults>
</compile_context>

<pallas_src>
import functools

import jax
import jax.numpy as jnp
from jax import lax
from jax.experimental import pallas as pl
from jax.experimental.pallas import tpu as pltpu
from jax.experimental.pallas import tpu_sc as plsc


@functools.lru_cache(maxsize=None)
def _make_gather(V, D, B):
    info = plsc.get_sparse_core_info()
    NC, NS = info.num_cores, info.num_subcores
    NW = NC * NS
    assert B % NW == 0
    b_per_w = B // NW
    C = 32
    NBUF = 3
    assert b_per_w % C == 0
    n_chunks = b_per_w // C
    mesh = plsc.VectorSubcoreMesh(core_axis_name="c", subcore_axis_name="s")

    @functools.partial(
        pl.kernel,
        mesh=mesh,
        out_type=jax.ShapeDtypeStruct((B, D), jnp.float32),
        scratch_types=[
            pltpu.VMEM((b_per_w,), jnp.int32),
            pltpu.VMEM((NBUF, C, D), jnp.float32),
            pltpu.SemaphoreType.DMA,
            pltpu.SemaphoreType.DMA,
        ],
    )
    def k(table_hbm, idx_hbm, out_hbm, idx_v, rows_v, gsem, osem):
        wid = lax.axis_index("s") * NC + lax.axis_index("c")
        base = wid * b_per_w
        pltpu.sync_copy(idx_hbm.at[pl.ds(base, b_per_w)], idx_v)
        for i in range(b_per_w // 16):
            v = idx_v[pl.ds(i * 16, 16)]
            idx_v[pl.ds(i * 16, 16)] = jnp.minimum(
                jnp.maximum(v, 0), jnp.int32(V - 1)
            )

        def gather(g):
            return pltpu.async_copy(
                table_hbm.at[idx_v.at[pl.ds(g * C, C)]], rows_v.at[g % NBUF], gsem
            )

        gathers = [gather(g) for g in range(NBUF - 1)]
        outs = []
        for g in range(n_chunks):
            f = g + NBUF - 1
            if f < n_chunks:
                if f - NBUF >= 0:
                    outs[f - NBUF].wait()
                gathers.append(gather(f))
            gathers[g].wait()
            outs.append(
                pltpu.async_copy(
                    rows_v.at[g % NBUF], out_hbm.at[pl.ds(base + g * C, C)], osem
                )
            )
        for g in range(max(0, n_chunks - NBUF), n_chunks):
            outs[g].wait()

    return k


def kernel(pos, pos_encoder):
    V, D = pos_encoder.shape
    idx = pos.astype(jnp.int32).reshape(-1)
    out = _make_gather(V, D, idx.shape[0])(pos_encoder, idx)
    return out.reshape(pos.shape + (D,))

# --- scband reference (transcript-rebuilt; emitter-appended) ---
"""Pipeline reference for scband-positional-embedding-51900384804984 (READ-ONLY COPY).

The authoritative reference and input builder live on the scoring server;
editing this copy changes nothing except your own understanding.
"""

import jax, jax.numpy as jnp
import numpy as np

MAX_LENGTH = 8192
EMB_SIZE = 1024


def _get_sinusoid_encoding(position_size, hidden_size):
    hid = np.arange(hidden_size)
    pos = np.arange(position_size)[:, None]
    angle = pos / np.power(10000, 2 * (hid // 2) / hidden_size)
    angle[:, 0::2] = np.sin(angle[:, 0::2])
    angle[:, 1::2] = np.cos(angle[:, 1::2])
    return jnp.asarray(angle, dtype=jnp.float32)


def setup_inputs(seed: int = 0) -> dict:
    key = jax.random.key(seed)
    pos = jax.random.randint(key, (4, 8192), 0, MAX_LENGTH)
    pos_encoder = _get_sinusoid_encoding(MAX_LENGTH, EMB_SIZE)
    return {"pos": pos, "pos_encoder": pos_encoder}


def reference(pos, pos_encoder):
    max_length = pos_encoder.shape[0]
    p = jnp.clip(pos, 0, max_length - 1)
    pos_emb = jnp.take(pos_encoder, p, axis=0)
    pos_emb = jax.lax.stop_gradient(pos_emb)
    return pos_emb

if __name__ == "__main__":
    import jax
    _d = setup_inputs()
    print(jax.jit(kernel)(*tuple(_d.values())))

</pallas_src>

<mosaic_0001>
#map = affine_map<(d0, d1) -> (0, 0)>
#map1 = affine_map<(d0, d1) -> (0)>
module attributes {stable_mosaic.version = 14 : i64} {
  func.func @k(%arg0: i32, %arg1: i32, %arg2: memref<8192x1024xf32, #tpu.memory_space<hbm>>, %arg3: memref<32768xi32, #tpu.memory_space<hbm>>, %arg4: memref<32768x1024xf32, #tpu.memory_space<hbm>>, %arg5: memref<1024xi32, #tpu.memory_space<vmem>>, %arg6: memref<3x32x1024xf32, #tpu.memory_space<vmem>>, %arg7: memref<!tpu.dma_semaphore, #tpu.memory_space<semaphore_mem>>, %arg8: memref<!tpu.dma_semaphore, #tpu.memory_space<semaphore_mem>>) attributes {dimension_semantics = [#tpu.dimension_semantics<core_parallel>, #tpu.dimension_semantics<subcore_parallel>], iteration_bounds = array<i64: 2, 16>, scalar_prefetch = 0 : i64, scratch_operands = 4 : i64, tpu.core_type = #tpu.core_type<sc_vector_subcore>, window_params = [{transform_indices = #map}, {transform_indices = #map1}, {transform_indices = #map}]} {
    %mul3A = arith.constant 2 : i32
    %mul3A_0 = arith.muli %arg1, %mul3A : i32
    %add3A = arith.addi %mul3A_0, %arg0 : i32
    %mul3A_1 = arith.constant 1024 : i32
    %mul3A_2 = arith.muli %add3A, %mul3A_1 : i32
    "tpu.region"() ({
      %run_scoped3A = tpu.sem_alloc : memref<!tpu.dma_semaphore, #tpu.memory_space<semaphore_mem>>
      %dma_start3A_2365 = tpu.memref_slice %arg3[%mul3A_2] : memref<32768xi32, #tpu.memory_space<hbm>> -> memref<1024xi32, #tpu.memory_space<hbm>>
      %dma_start3A_2366 = tpu.memref_slice %arg3[%mul3A_2] : memref<32768xi32, #tpu.memory_space<hbm>> -> memref<1024xi32, #tpu.memory_space<hbm>>
      tpu.enqueue_dma source(%dma_start3A_2366 : memref<1024xi32, #tpu.memory_space<hbm>>) target(%arg5 : memref<1024xi32, #tpu.memory_space<vmem>>) target_semaphore(%run_scoped3A : memref<!tpu.dma_semaphore, #tpu.memory_space<semaphore_mem>>)
      %dma_wait3A_2367 = tpu.memref_slice %arg3[%mul3A_2] : memref<32768xi32, #tpu.memory_space<hbm>> -> memref<1024xi32, #tpu.memory_space<hbm>>
      %dma_wait3A_2368 = tpu.memref_slice %arg3[%mul3A_2] : memref<32768xi32, #tpu.memory_space<hbm>> -> memref<1024xi32, #tpu.memory_space<hbm>>
      tpu.wait_dma2 semaphore(%run_scoped3A : memref<!tpu.dma_semaphore, #tpu.memory_space<semaphore_mem>>) src(%dma_wait3A_2368 : memref<1024xi32, #tpu.memory_space<hbm>>) dst(%arg5 : memref<1024xi32, #tpu.memory_space<vmem>>)
      tpu.yield
    }) : () -> ()
    %get3A = arith.constant 0 : index
    %get3A_3 = tpu.vector_load %arg5[%get3A] {strides = array<i32>} : memref<1024xi32, #tpu.memory_space<vmem>>, vector<16xi32>,
    %get3A_4 = vector.shape_cast %get3A_3 : vector<16xi32> to vector<16xi32>
    %max3A = arith.constant 0 : i32
    %max3A_5 = vector.broadcast %max3A : i32 to vector<16xi32>
    %max3A_6 = arith.maxsi %get3A_4, %max3A_5 : vector<16xi32>
    %min3A = arith.constant 8191 : i32
    %min3A_7 = vector.broadcast %min3A : i32 to vector<16xi32>
    %min3A_8 = arith.minsi %max3A_6, %min3A_7 : vector<16xi32>
    %swap3A = arith.constant 0 : index
    %swap3A_9 = tpu.vector_load %arg5[%swap3A] {strides = array<i32>} : memref<1024xi32, #tpu.memory_space<vmem>>, vector<16xi32>,
    %swap3A_10 = vector.shape_cast %swap3A_9 : vector<16xi32> to vector<16xi32>
    %swap3A_11 = vector.shape_cast %min3A_8 : vector<16xi32> to vector<16xi32>
    tpu.vector_store %arg5[%swap3A], %swap3A_11 {strides = array<i32>} : memref<1024xi32, #tpu.memory_space<vmem>>, vector<16xi32>,
    %get3A_12 = arith.constant 16 : index
    %get3A_13 = tpu.vector_load %arg5[%get3A_12] {strides = array<i32>} : memref<1024xi32, #tpu.memory_space<vmem>>, vector<16xi32>,
    %get3A_14 = vector.shape_cast %get3A_13 : vector<16xi32> to vector<16xi32>
    %max3A_15 = arith.constant 0 : i32
    %max3A_16 = vector.broadcast %max3A_15 : i32 to vector<16xi32>
    %max3A_17 = arith.maxsi %get3A_14, %max3A_16 : vector<16xi32>
    %min3A_18 = arith.constant 8191 : i32
    %min3A_19 = vector.broadcast %min3A_18 : i32 to vector<16xi32>
    %min3A_20 = arith.minsi %max3A_17, %min3A_19 : vector<16xi32>
    %swap3A_21 = arith.constant 16 : index
    %swap3A_22 = tpu.vector_load %arg5[%swap3A_21] {strides = array<i32>} : memref<1024xi32, #tpu.memory_space<vmem>>, vector<16xi32>,
    %swap3A_23 = vector.shape_cast %swap3A_22 : vector<16xi32> to vector<16xi32>
    %swap3A_24 = vector.shape_cast %min3A_20 : vector<16xi32> to vector<16xi32>
    tpu.vector_store %arg5[%swap3A_21], %swap3A_24 {strides = array<i32>} : memref<1024xi32, #tpu.memory_space<vmem>>, vector<16xi32>,
    %get3A_25 = arith.constant 32 : index
    %get3A_26 = tpu.vector_load %arg5[%get3A_25] {strides = array<i32>} : memref<1024xi32, #tpu.memory_space<vmem>>, vector<16xi32>,
    %get3A_27 = vector.shape_cast %get3A_26 : vector<16xi32> to vector<16xi32>
    %max3A_28 = arith.constant 0 : i32
    %max3A_29 = vector.broadcast %max3A_28 : i32 to vector<16xi32>
    %max3A_30 = arith.maxsi %get3A_27, %max3A_29 : vector<16xi32>
    %min3A_31 = arith.constant 8191 : i32
    %min3A_32 = vector.broadcast %min3A_31 : i32 to vector<16xi32>
    %min3A_33 = arith.minsi %max3A_30, %min3A_32 : vector<16xi32>
    %swap3A_34 = arith.constant 32 : index
    %swap3A_35 = tpu.vector_load %arg5[%swap3A_34] {strides = array<i32>} : memref<1024xi32, #tpu.memory_space<vmem>>, vector<16xi32>,
    %swap3A_36 = vector.shape_cast %swap3A_35 : vector<16xi32> to vector<16xi32>
    %swap3A_37 = vector.shape_cast %min3A_33 : vector<16xi32> to vector<16xi32>
    tpu.vector_store %arg5[%swap3A_34], %swap3A_37 {strides = array<i32>} : memref<1024xi32, #tpu.memory_space<vmem>>, vector<16xi32>,
    %get3A_38 = arith.constant 48 : index
    %get3A_39 = tpu.vector_load %arg5[%get3A_38] {strides = array<i32>} : memref<1024xi32, #tpu.memory_space<vmem>>, vector<16xi32>,
    %get3A_40 = vector.shape_cast %get3A_39 : vector<16xi32> to vector<16xi32>
    %max3A_41 = arith.constant 0 : i32
    %max3A_42 = vector.broadcast %max3A_41 : i32 to vector<16xi32>
    %max3A_43 = arith.maxsi %get3A_40, %max3A_42 : vector<16xi32>
    %min3A_44 = arith.constant 8191 : i32
    %min3A_45 = vector.broadcast %min3A_44 : i32 to vector<16xi32>
    %min3A_46 = arith.minsi %max3A_43, %min3A_45 : vector<16xi32>
    %swap3A_47 = arith.constant 48 : index
    %swap3A_48 = tpu.vector_load %arg5[%swap3A_47] {strides = array<i32>} : memref<1024xi32, #tpu.memory_space<vmem>>, vector<16xi32>,
    %swap3A_49 = vector.shape_cast %swap3A_48 : vector<16xi32> to vector<16xi32>
    %swap3A_50 = vector.shape_cast %min3A_46 : vector<16xi32> to vector<16xi32>
    tpu.vector_store %arg5[%swap3A_47], %swap3A_50 {strides = array<i32>} : memref<1024xi32, #tpu.memory_space<vmem>>, vector<16xi32>,
    %get3A_51 = arith.constant 64 : index
    %get3A_52 = tpu.vector_load %arg5[%get3A_51] {strides = array<i32>} : memref<1024xi32, #tpu.memory_space<vmem>>, vector<16xi32>,
    %get3A_53 = vector.shape_cast %get3A_52 : vector<16xi32> to vector<16xi32>
    %max3A_54 = arith.constant 0 : i32
    %max3A_55 = vector.broadcast %max3A_54 : i32 to vector<16xi32>
    %max3A_56 = arith.maxsi %get3A_53, %max3A_55 : vector<16xi32>
    %min3A_57 = arith.constant 8191 : i32
    %min3A_58 = vector.broadcast %min3A_57 : i32 to vector<16xi32>
    %min3A_59 = arith.minsi %max3A_56, %min3A_58 : vector<16xi32>
    %swap3A_60 = arith.constant 64 : index
    %swap3A_61 = tpu.vector_load %arg5[%swap3A_60] {strides = array<i32>} : memref<1024xi32, #tpu.memory_space<vmem>>, vector<16xi32>,
    %swap3A_62 = vector.shape_cast %swap3A_61 : vector<16xi32> to vector<16xi32>
    %swap3A_63 = vector.shape_cast %min3A_59 : vector<16xi32> to vector<16xi32>
    tpu.vector_store %arg5[%swap3A_60], %swap3A_63 {strides = array<i32>} : memref<1024xi32, #tpu.memory_space<vmem>>, vector<16xi32>,
    %get3A_64 = arith.constant 80 : index
    %get3A_65 = tpu.vector_load %arg5[%get3A_64] {strides = array<i32>} : memref<1024xi32, #tpu.memory_space<vmem>>, vector<16xi32>,
    %get3A_66 = vector.shape_cast %get3A_65 : vector<16xi32> to vector<16xi32>
    %max3A_67 = arith.constant 0 : i32
    %max3A_68 = vector.broadcast %max3A_67 : i32 to vector<16xi32>
    %max3A_69 = arith.maxsi %get3A_66, %max3A_68 : vector<16xi32>
    %min3A_70 = arith.constant 8191 : i32
    %min3A_71 = vector.broadcast %min3A_70 : i32 to vector<16xi32>
    %min3A_72 = arith.minsi %max3A_69, %min3A_71 : vector<16xi32>
    %swap3A_73 = arith.constant 80 : index
    %swap3A_74 = tpu.vector_load %arg5[%swap3A_73] {strides = array<i32>} : memref<1024xi32, #tpu.memory_space<vmem>>, vector<16xi32>,
    %swap3A_75 = vector.shape_cast %swap3A_74 : vector<16xi32> to vector<16xi32>
    %swap3A_76 = vector.shape_cast %min3A_72 : vector<16xi32> to vector<16xi32>
    tpu.vector_store %arg5[%swap3A_73], %swap3A_76 {strides = array<i32>} : memref<1024xi32, #tpu.memory_space<vmem>>, vector<16xi32>,
    %get3A_77 = arith.constant 96 : index
    %get3A_78 = tpu.vector_load %arg5[%get3A_77] {strides = array<i32>} : memref<1024xi32, #tpu.memory_space<vmem>>, vector<16xi32>,
    %get3A_79 = vector.shape_cast %get3A_78 : vector<16xi32> to vector<16xi32>
    %max3A_80 = arith.constant 0 : i32
    %max3A_81 = vector.broadcast %max3A_80 : i32 to vector<16xi32>
    %max3A_82 = arith.maxsi %get3A_79, %max3A_81 : vector<16xi32>
    %min3A_83 = arith.constant 8191 : i32
    %min3A_84 = vector.broadcast %min3A_83 : i32 to vector<16xi32>
    %min3A_85 = arith.minsi %max3A_82, %min3A_84 : vector<16xi32>
    %swap3A_86 = arith.constant 96 : index
    %swap3A_87 = tpu.vector_load %arg5[%swap3A_86] {strides = array<i32>} : memref<1024xi32, #tpu.memory_space<vmem>>, vector<16xi32>,
    %swap3A_88 = vector.shape_cast %swap3A_87 : vector<16xi32> to vector<16xi32>
    %swap3A_89 = vector.shape_cast %min3A_85 : vector<16xi32> to vector<16xi32>
    tpu.vector_store %arg5[%swap3A_86], %swap3A_89 {strides = array<i32>} : memref<1024xi32, #tpu.memory_space<vmem>>, vector<16xi32>,
    %get3A_90 = arith.constant 112 : index
    %get3A_91 = tpu.vector_load %arg5[%get3A_90] {strides = array<i32>} : memref<1024xi32, #tpu.memory_space<vmem>>, vector<16xi32>,
    %get3A_92 = vector.shape_cast %get3A_91 : vector<16xi32> to vector<16xi32>
    %max3A_93 = arith.constant 0 : i32
    %max3A_94 = vector.broadcast %max3A_93 : i32 to vector<16xi32>
    %max3A_95 = arith.maxsi %get3A_92, %max3A_94 : vector<16xi32>
    %min3A_96 = arith.constant 8191 : i32
    %min3A_97 = vector.broadcast %min3A_96 : i32 to vector<16xi32>
    %min3A_98 = arith.minsi %max3A_95, %min3A_97 : vector<16xi32>
    %swap3A_99 = arith.constant 112 : index
    %swap3A_100 = tpu.vector_load %arg5[%swap3A_99] {strides = array<i32>} : memref<1024xi32, #tpu.memory_space<vmem>>, vector<16xi32>,
    %swap3A_101 = vector.shape_cast %swap3A_100 : vector<16xi32> to vector<16xi32>
    %swap3A_102 = vector.shape_cast %min3A_98 : vector<16xi32> to vector<16xi32>
    tpu.vector_store %arg5[%swap3A_99], %swap3A_102 {strides = array<i32>} : memref<1024xi32, #tpu.memory_space<vmem>>, vector<16xi32>,
    %get3A_103 = arith.constant 128 : index
    %get3A_104 = tpu.vector_load %arg5[%get3A_103] {strides = array<i32>} : memref<1024xi32, #tpu.memory_space<vmem>>, vector<16xi32>,
    %get3A_105 = vector.shape_cast %get3A_104 : vector<16xi32> to vector<16xi32>
    %max3A_106 = arith.constant 0 : i32
    %max3A_107 = vector.broadcast %max3A_106 : i32 to vector<16xi32>
    %max3A_108 = arith.maxsi %get3A_105, %max3A_107 : vector<16xi32>
    %min3A_109 = arith.constant 8191 : i32
    %min3A_110 = vector.broadcast %min3A_109 : i32 to vector<16xi32>
    %min3A_111 = arith.minsi %max3A_108, %min3A_110 : vector<16xi32>
    %swap3A_112 = arith.constant 128 : index
    %swap3A_113 = tpu.vector_load %arg5[%swap3A_112] {strides = array<i32>} : memref<1024xi32, #tpu.memory_space<vmem>>, vector<16xi32>,
    %swap3A_114 = vector.shape_cast %swap3A_113 : vector<16xi32> to vector<16xi32>
    %swap3A_115 = vector.shape_cast %min3A_111 : vector<16xi32> to vector<16xi32>
    tpu.vector_store %arg5[%swap3A_112], %swap3A_115 {strides = array<i32>} : memref<1024xi32, #tpu.memory_space<vmem>>, vector<16xi32>,
    %get3A_116 = arith.constant 144 : index
    %get3A_117 = tpu.vector_load %arg5[%get3A_116] {strides = array<i32>} : memref<1024xi32, #tpu.memory_space<vmem>>, vector<16xi32>,
    %get3A_118 = vector.shape_cast %get3A_117 : vector<16xi32> to vector<16xi32>
    %max3A_119 = arith.constant 0 : i32
    %max3A_120 = vector.broadcast %max3A_119 : i32 to vector<16xi32>
    %max3A_121 = arith.maxsi %get3A_118, %max3A_120 : vector<16xi32>
    %min3A_122 = arith.constant 8191 : i32
    %min3A_123 = vector.broadcast %min3A_122 : i32 to vector<16xi32>
    %min3A_124 = arith.minsi %max3A_121, %min3A_123 : vector<16xi32>
    %swap3A_125 = arith.constant 144 : index
    %swap3A_126 = tpu.vector_load %arg5[%swap3A_125] {strides = array<i32>} : memref<1024xi32, #tpu.memory_space<vmem>>, vector<16xi32>,
    %swap3A_127 = vector.shape_cast %swap3A_126 : vector<16xi32> to vector<16xi32>
    %swap3A_128 = vector.shape_cast %min3A_124 : vector<16xi32> to vector<16xi32>
    tpu.vector_store %arg5[%swap3A_125], %swap3A_128 {strides = array<i32>} : memref<1024xi32, #tpu.memory_space<vmem>>, vector<16xi32>,
    %get3A_129 = arith.constant 160 : index
    %get3A_130 = tpu.vector_load %arg5[%get3A_129] {strides = array<i32>} : memref<1024xi32, #tpu.memory_space<vmem>>, vector<16xi32>,
    %get3A_131 = vector.shape_cast %get3A_130 : vector<16xi32> to vector<16xi32>
    %max3A_132 = arith.constant 0 : i32
    %max3A_133 = vector.broadcast %max3A_132 : i32 to vector<16xi32>
    %max3A_134 = arith.maxsi %get3A_131, %max3A_133 : vector<16xi32>
    %min3A_135 = arith.constant 8191 : i32
    %min3A_136 = vector.broadcast %min3A_135 : i32 to vector<16xi32>
    %min3A_137 = arith.minsi %max3A_134, %min3A_136 : vector<16xi32>
    %swap3A_138 = arith.constant 160 : index
    %swap3A_139 = tpu.vector_load %arg5[%swap3A_138] {strides = array<i32>} : memref<1024xi32, #tpu.memory_space<vmem>>, vector<16xi32>,
    %swap3A_140 = vector.shape_cast %swap3A_139 : vector<16xi32> to vector<16xi32>
    %swap3A_141 = vector.shape_cast %min3A_137 : vector<16xi32> to vector<16xi32>
    tpu.vector_store %arg5[%swap3A_138], %swap3A_141 {strides = array<i32>} : memref<1024xi32, #tpu.memory_space<vmem>>, vector<16xi32>,
    %get3A_142 = arith.constant 176 : index
    %get3A_143 = tpu.vector_load %arg5[%get3A_142] {strides = array<i32>} : memref<1024xi32, #tpu.memory_space<vmem>>, vector<16xi32>,
    %get3A_144 = vector.shape_cast %get3A_143 : vector<16xi32> to vector<16xi32>
    %max3A_145 = arith.constant 0 : i32
    %max3A_146 = vector.broadcast %max3A_145 : i32 to vector<16xi32>
    %max3A_147 = arith.maxsi %get3A_144, %max3A_146 : vector<16xi32>
    %min3A_148 = arith.constant 8191 : i32
    %min3A_149 = vector.broadcast %min3A_148 : i32 to vector<16xi32>
    %min3A_150 = arith.minsi %max3A_147, %min3A_149 : vector<16xi32>
    %swap3A_151 = arith.constant 176 : index
    %swap3A_152 = tpu.vector_load %arg5[%swap3A_151] {strides = array<i32>} : memref<1024xi32, #tpu.memory_space<vmem>>, vector<16xi32>,
    %swap3A_153 = vector.shape_cast %swap3A_152 : vector<16xi32> to vector<16xi32>
    %swap3A_154 = vector.shape_cast %min3A_150 : vector<16xi32> to vector<16xi32>
    tpu.vector_store %arg5[%swap3A_151], %swap3A_154 {strides = array<i32>} : memref<1024xi32, #tpu.memory_space<vmem>>, vector<16xi32>,
    %get3A_155 = arith.constant 192 : index
    %get3A_156 = tpu.vector_load %arg5[%get3A_155] {strides = array<i32>} : memref<1024xi32, #tpu.memory_space<vmem>>, vector<16xi32>,
    %get3A_157 = vector.shape_cast %get3A_156 : vector<16xi32> to vector<16xi32>
    %max3A_158 = arith.constant 0 : i32
    %max3A_159 = vector.broadcast %max3A_158 : i32 to vector<16xi32>
    %max3A_160 = arith.maxsi %get3A_157, %max3A_159 : vector<16xi32>
    %min3A_161 = arith.constant 8191 : i32
    %min3A_162 = vector.broadcast %min3A_161 : i32 to vector<16xi32>
    %min3A_163 = arith.minsi %max3A_160, %min3A_162 : vector<16xi32>
    %swap3A_164 = arith.constant 192 : index
    %swap3A_165 = tpu.vector_load %arg5[%swap3A_164] {strides = array<i32>} : memref<1024xi32, #tpu.memory_space<vmem>>, vector<16xi32>,
    %swap3A_166 = vector.shape_cast %swap3A_165 : vector<16xi32> to vector<16xi32>
    %swap3A_167 = vector.shape_cast %min3A_163 : vector<16xi32> to vector<16xi32>
    tpu.vector_store %arg5[%swap3A_164], %swap3A_167 {strides = array<i32>} : memref<1024xi32, #tpu.memory_space<vmem>>, vector<16xi32>,
    %get3A_168 = arith.constant 208 : index
    %get3A_169 = tpu.vector_load %arg5[%get3A_168] {strides = array<i32>} : memref<1024xi32, #tpu.memory_space<vmem>>, vector<16xi32>,
    %get3A_170 = vector.shape_cast %get3A_169 : vector<16xi32> to vector<16xi32>
    %max3A_171 = arith.constant 0 : i32
    %max3A_172 = vector.broadcast %max3A_171 : i32 to vector<16xi32>
    %max3A_173 = arith.maxsi %get3A_170, %max3A_172 : vector<16xi32>
    %min3A_174 = arith.constant 8191 : i32
    %min3A_175 = vector.broadcast %min3A_174 : i32 to vector<16xi32>
    %min3A_176 = arith.minsi %max3A_173, %min3A_175 : vector<16xi32>
    %swap3A_177 = arith.constant 208 : index
    %swap3A_178 = tpu.vector_load %arg5[%swap3A_177] {strides = array<i32>} : memref<1024xi32, #tpu.memory_space<vmem>>, vector<16xi32>,
    %swap3A_179 = vector.shape_cast %swap3A_178 : vector<16xi32> to vector<16xi32>
    %swap3A_180 = vector.shape_cast %min3A_176 : vector<16xi32> to vector<16xi32>
    tpu.vector_store %arg5[%swap3A_177], %swap3A_180 {strides = array<i32>} : memref<1024xi32, #tpu.memory_space<vmem>>, vector<16xi32>,
    %get3A_181 = arith.constant 224 : index
    %get3A_182 = tpu.vector_load %arg5[%get3A_181] {strides = array<i32>} : memref<1024xi32, #tpu.memory_space<vmem>>, vector<16xi32>,
    %get3A_183 = vector.shape_cast %get3A_182 : vector<16xi32> to vector<16xi32>
    %max3A_184 = arith.constant 0 : i32
    %max3A_185 = vector.broadcast %max3A_184 : i32 to vector<16xi32>
    %max3A_186 = arith.maxsi %get3A_183, %max3A_185 : vector<16xi32>
    %min3A_187 = arith.constant 8191 : i32
    %min3A_188 = vector.broadcast %min3A_187 : i32 to vector<16xi32>
    %min3A_189 = arith.minsi %max3A_186, %min3A_188 : vector<16xi32>
    %swap3A_190 = arith.constant 224 : index
    %swap3A_191 = tpu.vector_load %arg5[%swap3A_190] {strides = array<i32>} : memref<1024xi32, #tpu.memory_space<vmem>>, vector<16xi32>,
    %swap3A_192 = vector.shape_cast %swap3A_191 : vector<16xi32> to vector<16xi32>
    %swap3A_193 = vector.shape_cast %min3A_189 : vector<16xi32> to vector<16xi32>
    tpu.vector_store %arg5[%swap3A_190], %swap3A_193 {strides = array<i32>} : memref<1024xi32, #tpu.memory_space<vmem>>, vector<16xi32>,
    %get3A_194 = arith.constant 240 : index
    %get3A_195 = tpu.vector_load %arg5[%get3A_194] {strides = array<i32>} : memref<1024xi32, #tpu.memory_space<vmem>>, vector<16xi32>,
    %get3A_196 = vector.shape_cast %get3A_195 : vector<16xi32> to vector<16xi32>
    %max3A_197 = arith.constant 0 : i32
    %max3A_198 = vector.broadcast %max3A_197 : i32 to vector<16xi32>
    %max3A_199 = arith.maxsi %get3A_196, %max3A_198 : vector<16xi32>
    %min3A_200 = arith.constant 8191 : i32
    %min3A_201 = vector.broadcast %min3A_200 : i32 to vector<16xi32>
    %min3A_202 = arith.minsi %max3A_199, %min3A_201 : vector<16xi32>
    %swap3A_203 = arith.constant 240 : index
    %swap3A_204 = tpu.vector_load %arg5[%swap3A_203] {strides = array<i32>} : memref<1024xi32, #tpu.memory_space<vmem>>, vector<16xi32>,
    %swap3A_205 = vector.shape_cast %swap3A_204 : vector<16xi32> to vector<16xi32>
    %swap3A_206 = vector.shape_cast %min3A_202 : vector<16xi32> to vector<16xi32>
    tpu.vector_store %arg5[%swap3A_203], %swap3A_206 {strides = array<i32>} : memref<1024xi32, #tpu.memory_space<vmem>>, vector<16xi32>,
    %get3A_207 = arith.constant 256 : index
    %get3A_208 = tpu.vector_load %arg5[%get3A_207] {strides = array<i32>} : memref<1024xi32, #tpu.memory_space<vmem>>, vector<16xi32>,
    %get3A_209 = vector.shape_cast %get3A_208 : vector<16xi32> to vector<16xi32>
    %max3A_210 = arith.constant 0 : i32
    %max3A_211 = vector.broadcast %max3A_210 : i32 to vector<16xi32>
    %max3A_212 = arith.maxsi %get3A_209, %max3A_211 : vector<16xi32>
    %min3A_213 = arith.constant 8191 : i32
    %min3A_214 = vector.broadcast %min3A_213 : i32 to vector<16xi32>
    %min3A_215 = arith.minsi %max3A_212, %min3A_214 : vector<16xi32>
    %swap3A_216 = arith.constant 256 : index
    %swap3A_217 = tpu.vector_load %arg5[%swap3A_216] {strides = array<i32>} : memref<1024xi32, #tpu.memory_space<vmem>>, vector<16xi32>,
    %swap3A_218 = vector.shape_cast %swap3A_217 : vector<16xi32> to vector<16xi32>
    %swap3A_219 = vector.shape_cast %min3A_215 : vector<16xi32> to vector<16xi32>
    tpu.vector_store %arg5[%swap3A_216], %swap3A_219 {strides = array<i32>} : memref<1024xi32, #tpu.memory_space<vmem>>, vector<16xi32>,
    %get3A_220 = arith.constant 272 : index
    %get3A_221 = tpu.vector_load %arg5[%get3A_220] {strides = array<i32>} : memref<1024xi32, #tpu.memory_space<vmem>>, vector<16xi32>,
    %get3A_222 = vector.shape_cast %get3A_221 : vector<16xi32> to vector<16xi32>
    %max3A_223 = arith.constant 0 : i32
    %max3A_224 = vector.broadcast %max3A_223 : i32 to vector<16xi32>
    %max3A_225 = arith.maxsi %get3A_222, %max3A_224 : vector<16xi32>
    %min3A_226 = arith.constant 8191 : i32
    %min3A_227 = vector.broadcast %min3A_226 : i32 to vector<16xi32>
    %min3A_228 = arith.minsi %max3A_225, %min3A_227 : vector<16xi32>
    %swap3A_229 = arith.constant 272 : index
    %swap3A_230 = tpu.vector_load %arg5[%swap3A_229] {strides = array<i32>} : memref<1024xi32, #tpu.memory_space<vmem>>, vector<16xi32>,
    %swap3A_231 = vector.shape_cast %swap3A_230 : vector<16xi32> to vector<16xi32>
    %swap3A_232 = vector.shape_cast %min3A_228 : vector<16xi32> to vector<16xi32>
    tpu.vector_store %arg5[%swap3A_229], %swap3A_232 {strides = array<i32>} : memref<1024xi32, #tpu.memory_space<vmem>>, vector<16xi32>,
    %get3A_233 = arith.constant 288 : index
    %get3A_234 = tpu.vector_load %arg5[%get3A_233] {strides = array<i32>} : memref<1024xi32, #tpu.memory_space<vmem>>, vector<16xi32>,
    %get3A_235 = vector.shape_cast %get3A_234 : vector<16xi32> to vector<16xi32>
    %max3A_236 = arith.constant 0 : i32
    %max3A_237 = vector.broadcast %max3A_236 : i32 to vector<16xi32>
    %max3A_238 = arith.maxsi %get3A_235, %max3A_237 : vector<16xi32>
    %min3A_239 = arith.constant 8191 : i32
    %min3A_240 = vector.broadcast %min3A_239 : i32 to vector<16xi32>
    %min3A_241 = arith.minsi %max3A_238, %min3A_240 : vector<16xi32>
    %swap3A_242 = arith.constant 288 : index
    %swap3A_243 = tpu.vector_load %arg5[%swap3A_242] {strides = array<i32>} : memref<1024xi32, #tpu.memory_space<vmem>>, vector<16xi32>,
    %swap3A_244 = vector.shape_cast %swap3A_243 : vector<16xi32> to vector<16xi32>
    %swap3A_245 = vector.shape_cast %min3A_241 : vector<16xi32> to vector<16xi32>
    tpu.vector_store %arg5[%swap3A_242], %swap3A_245 {strides = array<i32>} : memref<1024xi32, #tpu.memory_space<vmem>>, vector<16xi32>,
    %get3A_246 = arith.constant 304 : index
    %get3A_247 = tpu.vector_load %arg5[%get3A_246] {strides = array<i32>} : memref<1024xi32, #tpu.memory_space<vmem>>, vector<16xi32>,
    %get3A_248 = vector.shape_cast %get3A_247 : vector<16xi32> to vector<16xi32>
    %max3A_249 = arith.constant 0 : i32
    %max3A_250 = vector.broadcast %max3A_249 : i32 to vector<16xi32>
    %max3A_251 = arith.maxsi %get3A_248, %max3A_250 : vector<16xi32>
    %min3A_252 = arith.constant 8191 : i32
    %min3A_253 = vector.broadcast %min3A_252 : i32 to vector<16xi32>
    %min3A_254 = arith.minsi %max3A_251, %min3A_253 : vector<16xi32>
    %swap3A_255 = arith.constant 304 : index
    %swap3A_256 = tpu.vector_load %arg5[%swap3A_255] {strides = array<i32>} : memref<1024xi32, #tpu.memory_space<vmem>>, vector<16xi32>,
    %swap3A_257 = vector.shape_cast %swap3A_256 : vector<16xi32> to vector<16xi32>
    %swap3A_258 = vector.shape_cast %min3A_254 : vector<16xi32> to vector<16xi32>
    tpu.vector_store %arg5[%swap3A_255], %swap3A_258 {strides = array<i32>} : memref<1024xi32, #tpu.memory_space<vmem>>, vector<16xi32>,
    %get3A_259 = arith.constant 320 : index
    %get3A_260 = tpu.vector_load %arg5[%get3A_259] {strides = array<i32>} : memref<1024xi32, #tpu.memory_space<vmem>>, vector<16xi32>,
    %get3A_261 = vector.shape_cast %get3A_260 : vector<16xi32> to vector<16xi32>
    %max3A_262 = arith.constant 0 : i32
    %max3A_263 = vector.broadcast %max3A_262 : i32 to vector<16xi32>
    %max3A_264 = arith.maxsi %get3A_261, %max3A_263 : vector<16xi32>
    %min3A_265 = arith.constant 8191 : i32
    %min3A_266 = vector.broadcast %min3A_265 : i32 to vector<16xi32>
    %min3A_267 = arith.minsi %max3A_264, %min3A_266 : vector<16xi32>
    %swap3A_268 = arith.constant 320 : index
    %swap3A_269 = tpu.vector_load %arg5[%swap3A_268] {strides = array<i32>} : memref<1024xi32, #tpu.memory_space<vmem>>, vector<16xi32>,
    %swap3A_270 = vector.shape_cast %swap3A_269 : vector<16xi32> to vector<16xi32>
    %swap3A_271 = vector.shape_cast %min3A_267 : vector<16xi32> to vector<16xi32>
    tpu.vector_store %arg5[%swap3A_268], %swap3A_271 {strides = array<i32>} : memref<1024xi32, #tpu.memory_space<vmem>>, vector<16xi32>,
    %get3A_272 = arith.constant 336 : index
    %get3A_273 = tpu.vector_load %arg5[%get3A_272] {strides = array<i32>} : memref<1024xi32, #tpu.memory_space<vmem>>, vector<16xi32>,
    %get3A_274 = vector.shape_cast %get3A_273 : vector<16xi32> to vector<16xi32>
    %max3A_275 = arith.constant 0 : i32
    %max3A_276 = vector.broadcast %max3A_275 : i32 to vector<16xi32>
    %max3A_277 = arith.maxsi %get3A_274, %max3A_276 : vector<16xi32>
    %min3A_278 = arith.constant 8191 : i32
    %min3A_279 = vector.broadcast %min3A_278 : i32 to vector<16xi32>
    %min3A_280 = arith.minsi %max3A_277, %min3A_279 : vector<16xi32>
    %swap3A_281 = arith.constant 336 : index
    %swap3A_282 = tpu.vector_load %arg5[%swap3A_281] {strides = array<i32>} : memref<1024xi32, #tpu.memory_space<vmem>>, vector<16xi32>,
    %swap3A_283 = vector.shape_cast %swap3A_282 : vector<16xi32> to vector<16xi32>
    %swap3A_284 = vector.shape_cast %min3A_280 : vector<16xi32> to vector<16xi32>
    tpu.vector_store %arg5[%swap3A_281], %swap3A_284 {strides = array<i32>} : memref<1024xi32, #tpu.memory_space<vmem>>, vector<16xi32>,
    %get3A_285 = arith.constant 352 : index
    %get3A_286 = tpu.vector_load %arg5[%get3A_285] {strides = array<i32>} : memref<1024xi32, #tpu.memory_space<vmem>>, vector<16xi32>,
    %get3A_287 = vector.shape_cast %get3A_286 : vector<16xi32> to vector<16xi32>
    %max3A_288 = arith.constant 0 : i32
    %max3A_289 = vector.broadcast %max3A_288 : i32 to vector<16xi32>
    %max3A_290 = arith.maxsi %get3A_287, %max3A_289 : vector<16xi32>
    %min3A_291 = arith.constant 8191 : i32
    %min3A_292 = vector.broadcast %min3A_291 : i32 to vector<16xi32>
    %min3A_293 = arith.minsi %max3A_290, %min3A_292 : vector<16xi32>
    %swap3A_294 = arith.constant 352 : index
    %swap3A_295 = tpu.vector_load %arg5[%swap3A_294] {strides = array<i32>} : memref<1024xi32, #tpu.memory_space<vmem>>, vector<16xi32>,
    %swap3A_296 = vector.shape_cast %swap3A_295 : vector<16xi32> to vector<16xi32>
    %swap3A_297 = vector.shape_cast %min3A_293 : vector<16xi32> to vector<16xi32>
    tpu.vector_store %arg5[%swap3A_294], %swap3A_297 {strides = array<i32>} : memref<1024xi32, #tpu.memory_space<vmem>>, vector<16xi32>,
    %get3A_298 = arith.constant 368 : index
    %get3A_299 = tpu.vector_load %arg5[%get3A_298] {strides = array<i32>} : memref<1024xi32, #tpu.memory_space<vmem>>, vector<16xi32>,
    %get3A_300 = vector.shape_cast %get3A_299 : vector<16xi32> to vector<16xi32>
    %max3A_301 = arith.constant 0 : i32
    %max3A_302 = vector.broadcast %max3A_301 : i32 to vector<16xi32>
    %max3A_303 = arith.maxsi %get3A_300, %max3A_302 : vector<16xi32>
    %min3A_304 = arith.constant 8191 : i32
    %min3A_305 = vector.broadcast %min3A_304 : i32 to vector<16xi32>
    %min3A_306 = arith.minsi %max3A_303, %min3A_305 : vector<16xi32>
    %swap3A_307 = arith.constant 368 : index
    %swap3A_308 = tpu.vector_load %arg5[%swap3A_307] {strides = array<i32>} : memref<1024xi32, #tpu.memory_space<vmem>>, vector<16xi32>,
    %swap3A_309 = vector.shape_cast %swap3A_308 : vector<16xi32> to vector<16xi32>
    %swap3A_310 = vector.shape_cast %min3A_306 : vector<16xi32> to vector<16xi32>
    tpu.vector_store %arg5[%swap3A_307], %swap3A_310 {strides = array<i32>} : memref<1024xi32, #tpu.memory_space<vmem>>, vector<16xi32>,
    %get3A_311 = arith.constant 384 : index
    %get3A_312 = tpu.vector_load %arg5[%get3A_311] {strides = array<i32>} : memref<1024xi32, #tpu.memory_space<vmem>>, vector<16xi32>,
    %get3A_313 = vector.shape_cast %get3A_312 : vector<16xi32> to vector<16xi32>
    %max3A_314 = arith.constant 0 : i32
    %max3A_315 = vector.broadcast %max3A_314 : i32 to vector<16xi32>
    %max3A_316 = arith.maxsi %get3A_313, %max3A_315 : vector<16xi32>
    %min3A_317 = arith.constant 8191 : i32
    %min3A_318 = vector.broadcast %min3A_317 : i32 to vector<16xi32>
    %min3A_319 = arith.minsi %max3A_316, %min3A_318 : vector<16xi32>
    %swap3A_320 = arith.constant 384 : index
    %swap3A_321 = tpu.vector_load %arg5[%swap3A_320] {strides = array<i32>} : memref<1024xi32, #tpu.memory_space<vmem>>, vector<16xi32>,
    %swap3A_322 = vector.shape_cast %swap3A_321 : vector<16xi32> to vector<16xi32>
    %swap3A_323 = vector.shape_cast %min3A_319 : vector<16xi32> to vector<16xi32>
    tpu.vector_store %arg5[%swap3A_320], %swap3A_323 {strides = array<i32>} : memref<1024xi32, #tpu.memory_space<vmem>>, vector<16xi32>,
    %get3A_324 = arith.constant 400 : index
    %get3A_325 = tpu.vector_load %arg5[%get3A_324] {strides = array<i32>} : memref<1024xi32, #tpu.memory_space<vmem>>, vector<16xi32>,
    %get3A_326 = vector.shape_cast %get3A_325 : vector<16xi32> to vector<16xi32>
    %max3A_327 = arith.constant 0 : i32
    %max3A_328 = vector.broadcast %max3A_327 : i32 to vector<16xi32>
    %max3A_329 = arith.maxsi %get3A_326, %max3A_328 : vector<16xi32>
    %min3A_330 = arith.constant 8191 : i32
    %min3A_331 = vector.broadcast %min3A_330 : i32 to vector<16xi32>
    %min3A_332 = arith.minsi %max3A_329, %min3A_331 : vector<16xi32>
    %swap3A_333 = arith.constant 400 : index
    %swap3A_334 = tpu.vector_load %arg5[%swap3A_333] {strides = array<i32>} : memref<1024xi32, #tpu.memory_space<vmem>>, vector<16xi32>,
    %swap3A_335 = vector.shape_cast %swap3A_334 : vector<16xi32> to vector<16xi32>
    %swap3A_336 = vector.shape_cast %min3A_332 : vector<16xi32> to vector<16xi32>
    tpu.vector_store %arg5[%swap3A_333], %swap3A_336 {strides = array<i32>} : memref<1024xi32, #tpu.memory_space<vmem>>, vector<16xi32>,
    %get3A_337 = arith.constant 416 : index
    %get3A_338 = tpu.vector_load %arg5[%get3A_337] {strides = array<i32>} : memref<1024xi32, #tpu.memory_space<vmem>>, vector<16xi32>,
    %get3A_339 = vector.shape_cast %get3A_338 : vector<16xi32> to vector<16xi32>
    %max3A_340 = arith.constant 0 : i32
    %max3A_341 = vector.broadcast %max3A_340 : i32 to vector<16xi32>
    %max3A_342 = arith.maxsi %get3A_339, %max3A_341 : vector<16xi32>
    %min3A_343 = arith.constant 8191 : i32
    %min3A_344 = vector.broadcast %min3A_343 : i32 to vector<16xi32>
    %min3A_345 = arith.minsi %max3A_342, %min3A_344 : vector<16xi32>
    %swap3A_346 = arith.constant 416 : index
    %swap3A_347 = tpu.vector_load %arg5[%swap3A_346] {strides = array<i32>} : memref<1024xi32, #tpu.memory_space<vmem>>, vector<16xi32>,
    %swap3A_348 = vector.shape_cast %swap3A_347 : vector<16xi32> to vector<16xi32>
    %swap3A_349 = vector.shape_cast %min3A_345 : vector<16xi32> to vector<16xi32>
    tpu.vector_store %arg5[%swap3A_346], %swap3A_349 {strides = array<i32>} : memref<1024xi32, #tpu.memory_space<vmem>>, vector<16xi32>,
    %get3A_350 = arith.constant 432 : index
    %get3A_351 = tpu.vector_load %arg5[%get3A_350] {strides = array<i32>} : memref<1024xi32, #tpu.memory_space<vmem>>, vector<16xi32>,
    %get3A_352 = vector.shape_cast %get3A_351 : vector<16xi32> to vector<16xi32>
    %max3A_353 = arith.constant 0 : i32
    %max3A_354 = vector.broadcast %max3A_353 : i32 to vector<16xi32>
    %max3A_355 = arith.maxsi %get3A_352, %max3A_354 : vector<16xi32>
    %min3A_356 = arith.constant 8191 : i32
    %min3A_357 = vector.broadcast %min3A_356 : i32 to vector<16xi32>
    %min3A_358 = arith.minsi %max3A_355, %min3A_357 : vector<16xi32>
    %swap3A_359 = arith.constant 432 : index
    %swap3A_360 = tpu.vector_load %arg5[%swap3A_359] {strides = array<i32>} : memref<1024xi32, #tpu.memory_space<vmem>>, vector<16xi32>,
    %swap3A_361 = vector.shape_cast %swap3A_360 : vector<16xi32> to vector<16xi32>
    %swap3A_362 = vector.shape_cast %min3A_358 : vector<16xi32> to vector<16xi32>
    tpu.vector_store %arg5[%swap3A_359], %swap3A_362 {strides = array<i32>} : memref<1024xi32, #tpu.memory_space<vmem>>, vector<16xi32>,
    %get3A_363 = arith.constant 448 : index
    %get3A_364 = tpu.vector_load %arg5[%get3A_363] {strides = array<i32>} : memref<1024xi32, #tpu.memory_space<vmem>>, vector<16xi32>,
    %get3A_365 = vector.shape_cast %get3A_364 : vector<16xi32> to vector<16xi32>
    %max3A_366 = arith.constant 0 : i32
    %max3A_367 = vector.broadcast %max3A_366 : i32 to vector<16xi32>
    %max3A_368 = arith.maxsi %get3A_365, %max3A_367 : vector<16xi32>
    %min3A_369 = arith.constant 8191 : i32
    %min3A_370 = vector.broadcast %min3A_369 : i32 to vector<16xi32>
    %min3A_371 = arith.minsi %max3A_368, %min3A_370 : vector<16xi32>
    %swap3A_372 = arith.constant 448 : index
    %swap3A_373 = tpu.vector_load %arg5[%swap3A_372] {strides = array<i32>} : memref<1024xi32, #tpu.memory_space<vmem>>, vector<16xi32>,
    %swap3A_374 = vector.shape_cast %swap3A_373 : vector<16xi32> to vector<16xi32>
    %swap3A_375 = vector.shape_cast %min3A_371 : vector<16xi32> to vector<16xi32>
    tpu.vector_store %arg5[%swap3A_372], %swap3A_375 {strides = array<i32>} : memref<1024xi32, #tpu.memory_space<vmem>>, vector<16xi32>,
    %get3A_376 = arith.constant 464 : index
    %get3A_377 = tpu.vector_load %arg5[%get3A_376] {strides = array<i32>} : memref<1024xi32, #tpu.memory_space<vmem>>, vector<16xi32>,
    %get3A_378 = vector.shape_cast %get3A_377 : vector<16xi32> to vector<16xi32>
    %max3A_379 = arith.constant 0 : i32
    %max3A_380 = vector.broadcast %max3A_379 : i32 to vector<16xi32>
    %max3A_381 = arith.maxsi %get3A_378, %max3A_380 : vector<16xi32>
    %min3A_382 = arith.constant 8191 : i32
    %min3A_383 = vector.broadcast %min3A_382 : i32 to vector<16xi32>
    %min3A_384 = arith.minsi %max3A_381, %min3A_383 : vector<16xi32>
    %swap3A_385 = arith.constant 464 : index
    %swap3A_386 = tpu.vector_load %arg5[%swap3A_385] {strides = array<i32>} : memref<1024xi32, #tpu.memory_space<vmem>>, vector<16xi32>,
    %swap3A_387 = vector.shape_cast %swap3A_386 : vector<16xi32> to vector<16xi32>
    %swap3A_388 = vector.shape_cast %min3A_384 : vector<16xi32> to vector<16xi32>
    tpu.vector_store %arg5[%swap3A_385], %swap3A_388 {strides = array<i32>} : memref<1024xi32, #tpu.memory_space<vmem>>, vector<16xi32>,
    %get3A_389 = arith.constant 480 : index
    %get3A_390 = tpu.vector_load %arg5[%get3A_389] {strides = array<i32>} : memref<1024xi32, #tpu.memory_space<vmem>>, vector<16xi32>,
    %get3A_391 = vector.shape_cast %get3A_390 : vector<16xi32> to vector<16xi32>
    %max3A_392 = arith.constant 0 : i32
    %max3A_393 = vector.broadcast %max3A_392 : i32 to vector<16xi32>
    %max3A_394 = arith.maxsi %get3A_391, %max3A_393 : vector<16xi32>
    %min3A_395 = arith.constant 8191 : i32
    %min3A_396 = vector.broadcast %min3A_395 : i32 to vector<16xi32>
    %min3A_397 = arith.minsi %max3A_394, %min3A_396 : vector<16xi32>
    %swap3A_398 = arith.constant 480 : index
    %swap3A_399 = tpu.vector_load %arg5[%swap3A_398] {strides = array<i32>} : memref<1024xi32, #tpu.memory_space<vmem>>, vector<16xi32>,
    %swap3A_400 = vector.shape_cast %swap3A_399 : vector<16xi32> to vector<16xi32>
    %swap3A_401 = vector.shape_cast %min3A_397 : vector<16xi32> to vector<16xi32>
    tpu.vector_store %arg5[%swap3A_398], %swap3A_401 {strides = array<i32>} : memref<1024xi32, #tpu.memory_space<vmem>>, vector<16xi32>,
    %get3A_402 = arith.constant 496 : index
    %get3A_403 = tpu.vector_load %arg5[%get3A_402] {strides = array<i32>} : memref<1024xi32, #tpu.memory_space<vmem>>, vector<16xi32>,
    %get3A_404 = vector.shape_cast %get3A_403 : vector<16xi32> to vector<16xi32>
    %max3A_405 = arith.constant 0 : i32
    %max3A_406 = vector.broadcast %max3A_405 : i32 to vector<16xi32>
    %max3A_407 = arith.maxsi %get3A_404, %max3A_406 : vector<16xi32>
    %min3A_408 = arith.constant 8191 : i32
    %min3A_409 = vector.broadcast %min3A_408 : i32 to vector<16xi32>
    %min3A_410 = arith.minsi %max3A_407, %min3A_409 : vector<16xi32>
    %swap3A_411 = arith.constant 496 : index
    %swap3A_412 = tpu.vector_load %arg5[%swap3A_411] {strides = array<i32>} : memref<1024xi32, #tpu.memory_space<vmem>>, vector<16xi32>,
    %swap3A_413 = vector.shape_cast %swap3A_412 : vector<16xi32> to vector<16xi32>
    %swap3A_414 = vector.shape_cast %min3A_410 : vector<16xi32> to vector<16xi32>
    tpu.vector_store %arg5[%swap3A_411], %swap3A_414 {strides = array<i32>} : memref<1024xi32, #tpu.memory_space<vmem>>, vector<16xi32>,
    %get3A_415 = arith.constant 512 : index
    %get3A_416 = tpu.vector_load %arg5[%get3A_415] {strides = array<i32>} : memref<1024xi32, #tpu.memory_space<vmem>>, vector<16xi32>,
    %get3A_417 = vector.shape_cast %get3A_416 : vector<16xi32> to vector<16xi32>
    %max3A_418 = arith.constant 0 : i32
    %max3A_419 = vector.broadcast %max3A_418 : i32 to vector<16xi32>
    %max3A_420 = arith.maxsi %get3A_417, %max3A_419 : vector<16xi32>
    %min3A_421 = arith.constant 8191 : i32
    %min3A_422 = vector.broadcast %min3A_421 : i32 to vector<16xi32>
    %min3A_423 = arith.minsi %max3A_420, %min3A_422 : vector<16xi32>
    %swap3A_424 = arith.constant 512 : index
    %swap3A_425 = tpu.vector_load %arg5[%swap3A_424] {strides = array<i32>} : memref<1024xi32, #tpu.memory_space<vmem>>, vector<16xi32>,
    %swap3A_426 = vector.shape_cast %swap3A_425 : vector<16xi32> to vector<16xi32>
    %swap3A_427 = vector.shape_cast %min3A_423 : vector<16xi32> to vector<16xi32>
    tpu.vector_store %arg5[%swap3A_424], %swap3A_427 {strides = array<i32>} : memref<1024xi32, #tpu.memory_space<vmem>>, vector<16xi32>,
    %get3A_428 = arith.constant 528 : index
    %get3A_429 = tpu.vector_load %arg5[%get3A_428] {strides = array<i32>} : memref<1024xi32, #tpu.memory_space<vmem>>, vector<16xi32>,
    %get3A_430 = vector.shape_cast %get3A_429 : vector<16xi32> to vector<16xi32>
    %max3A_431 = arith.constant 0 : i32
    %max3A_432 = vector.broadcast %max3A_431 : i32 to vector<16xi32>
    %max3A_433 = arith.maxsi %get3A_430, %max3A_432 : vector<16xi32>
    %min3A_434 = arith.constant 8191 : i32
    %min3A_435 = vector.broadcast %min3A_434 : i32 to vector<16xi32>
    %min3A_436 = arith.minsi %max3A_433, %min3A_435 : vector<16xi32>
    %swap3A_437 = arith.constant 528 : index
    %swap3A_438 = tpu.vector_load %arg5[%swap3A_437] {strides = array<i32>} : memref<1024xi32, #tpu.memory_space<vmem>>, vector<16xi32>,
    %swap3A_439 = vector.shape_cast %swap3A_438 : vector<16xi32> to vector<16xi32>
    %swap3A_440 = vector.shape_cast %min3A_436 : vector<16xi32> to vector<16xi32>
    tpu.vector_store %arg5[%swap3A_437], %swap3A_440 {strides = array<i32>} : memref<1024xi32, #tpu.memory_space<vmem>>, vector<16xi32>,
    %get3A_441 = arith.constant 544 : index
    %get3A_442 = tpu.vector_load %arg5[%get3A_441] {strides = array<i32>} : memref<1024xi32, #tpu.memory_space<vmem>>, vector<16xi32>,
    %get3A_443 = vector.shape_cast %get3A_442 : vector<16xi32> to vector<16xi32>
    %max3A_444 = arith.constant 0 : i32
    %max3A_445 = vector.broadcast %max3A_444 : i32 to vector<16xi32>
    %max3A_446 = arith.maxsi %get3A_443, %max3A_445 : vector<16xi32>
    %min3A_447 = arith.constant 8191 : i32
    %min3A_448 = vector.broadcast %min3A_447 : i32 to vector<16xi32>
    %min3A_449 = arith.minsi %max3A_446, %min3A_448 : vector<16xi32>
    %swap3A_450 = arith.constant 544 : index
    %swap3A_451 = tpu.vector_load %arg5[%swap3A_450] {strides = array<i32>} : memref<1024xi32, #tpu.memory_space<vmem>>, vector<16xi32>,
    %swap3A_452 = vector.shape_cast %swap3A_451 : vector<16xi32> to vector<16xi32>
    %swap3A_453 = vector.shape_cast %min3A_449 : vector<16xi32> to vector<16xi32>
    tpu.vector_store %arg5[%swap3A_450], %swap3A_453 {strides = array<i32>} : memref<1024xi32, #tpu.memory_space<vmem>>, vector<16xi32>,
    %get3A_454 = arith.constant 560 : index
    %get3A_455 = tpu.vector_load %arg5[%get3A_454] {strides = array<i32>} : memref<1024xi32, #tpu.memory_space<vmem>>, vector<16xi32>,
    %get3A_456 = vector.shape_cast %get3A_455 : vector<16xi32> to vector<16xi32>
    %max3A_457 = arith.constant 0 : i32
    %max3A_458 = vector.broadcast %max3A_457 : i32 to vector<16xi32>
    %max3A_459 = arith.maxsi %get3A_456, %max3A_458 : vector<16xi32>
    %min3A_460 = arith.constant 8191 : i32
    %min3A_461 = vector.broadcast %min3A_460 : i32 to vector<16xi32>
    %min3A_462 = arith.minsi %max3A_459, %min3A_461 : vector<16xi32>
    %swap3A_463 = arith.constant 560 : index
    %swap3A_464 = tpu.vector_load %arg5[%swap3A_463] {strides = array<i32>} : memref<1024xi32, #tpu.memory_space<vmem>>, vector<16xi32>,
    %swap3A_465 = vector.shape_cast %swap3A_464 : vector<16xi32> to vector<16xi32>
    %swap3A_466 = vector.shape_cast %min3A_462 : vector<16xi32> to vector<16xi32>
    tpu.vector_store %arg5[%swap3A_463], %swap3A_466 {strides = array<i32>} : memref<1024xi32, #tpu.memory_space<vmem>>, vector<16xi32>,
    %get3A_467 = arith.constant 576 : index
    %get3A_468 = tpu.vector_load %arg5[%get3A_467] {strides = array<i32>} : memref<1024xi32, #tpu.memory_space<vmem>>, vector<16xi32>,
    %get3A_469 = vector.shape_cast %get3A_468 : vector<16xi32> to vector<16xi32>
    %max3A_470 = arith.constant 0 : i32
    %max3A_471 = vector.broadcast %max3A_470 : i32 to vector<16xi32>
    %max3A_472 = arith.maxsi %get3A_469, %max3A_471 : vector<16xi32>
    %min3A_473 = arith.constant 8191 : i32
    %min3A_474 = vector.broadcast %min3A_473 : i32 to vector<16xi32>
    %min3A_475 = arith.minsi %max3A_472, %min3A_474 : vector<16xi32>
    %swap3A_476 = arith.constant 576 : index
    %swap3A_477 = tpu.vector_load %arg5[%swap3A_476] {strides = array<i32>} : memref<1024xi32, #tpu.memory_space<vmem>>, vector<16xi32>,
    %swap3A_478 = vector.shape_cast %swap3A_477 : vector<16xi32> to vector<16xi32>
    %swap3A_479 = vector.shape_cast %min3A_475 : vector<16xi32> to vector<16xi32>
    tpu.vector_store %arg5[%swap3A_476], %swap3A_479 {strides = array<i32>} : memref<1024xi32, #tpu.memory_space<vmem>>, vector<16xi32>,
    %get3A_480 = arith.constant 592 : index
    %get3A_481 = tpu.vector_load %arg5[%get3A_480] {strides = array<i32>} : memref<1024xi32, #tpu.memory_space<vmem>>, vector<16xi32>,
    %get3A_482 = vector.shape_cast %get3A_481 : vector<16xi32> to vector<16xi32>
    %max3A_483 = arith.constant 0 : i32
    %max3A_484 = vector.broadcast %max3A_483 : i32 to vector<16xi32>
    %max3A_485 = arith.maxsi %get3A_482, %max3A_484 : vector<16xi32>
    %min3A_486 = arith.constant 8191 : i32
    %min3A_487 = vector.broadcast %min3A_486 : i32 to vector<16xi32>
    %min3A_488 = arith.minsi %max3A_485, %min3A_487 : vector<16xi32>
    %swap3A_489 = arith.constant 592 : index
    %swap3A_490 = tpu.vector_load %arg5[%swap3A_489] {strides = array<i32>} : memref<1024xi32, #tpu.memory_space<vmem>>, vector<16xi32>,
    %swap3A_491 = vector.shape_cast %swap3A_490 : vector<16xi32> to vector<16xi32>
    %swap3A_492 = vector.shape_cast %min3A_488 : vector<16xi32> to vector<16xi32>
    tpu.vector_store %arg5[%swap3A_489], %swap3A_492 {strides = array<i32>} : memref<1024xi32, #tpu.memory_space<vmem>>, vector<16xi32>,
    %get3A_493 = arith.constant 608 : index
    %get3A_494 = tpu.vector_load %arg5[%get3A_493] {strides = array<i32>} : memref<1024xi32, #tpu.memory_space<vmem>>, vector<16xi32>,
    %get3A_495 = vector.shape_cast %get3A_494 : vector<16xi32> to vector<16xi32>
    %max3A_496 = arith.constant 0 : i32
    %max3A_497 = vector.broadcast %max3A_496 : i32 to vector<16xi32>
    %max3A_498 = arith.maxsi %get3A_495, %max3A_497 : vector<16xi32>
    %min3A_499 = arith.constant 8191 : i32
    %min3A_500 = vector.broadcast %min3A_499 : i32 to vector<16xi32>
    %min3A_501 = arith.minsi %max3A_498, %min3A_500 : vector<16xi32>
    %swap3A_502 = arith.constant 608 : index
    %swap3A_503 = tpu.vector_load %arg5[%swap3A_502] {strides = array<i32>} : memref<1024xi32, #tpu.memory_space<vmem>>, vector<16xi32>,
    %swap3A_504 = vector.shape_cast %swap3A_503 : vector<16xi32> to vector<16xi32>
    %swap3A_505 = vector.shape_cast %min3A_501 : vector<16xi32> to vector<16xi32>
    tpu.vector_store %arg5[%swap3A_502], %swap3A_505 {strides = array<i32>} : memref<1024xi32, #tpu.memory_space<vmem>>, vector<16xi32>,
    %get3A_506 = arith.constant 624 : index
    %get3A_507 = tpu.vector_load %arg5[%get3A_506] {strides = array<i32>} : memref<1024xi32, #tpu.memory_space<vmem>>, vector<16xi32>,
    %get3A_508 = vector.shape_cast %get3A_507 : vector<16xi32> to vector<16xi32>
    %max3A_509 = arith.constant 0 : i32
    %max3A_510 = vector.broadcast %max3A_509 : i32 to vector<16xi32>
    %max3A_511 = arith.maxsi %get3A_508, %max3A_510 : vector<16xi32>
    %min3A_512 = arith.constant 8191 : i32
    %min3A_513 = vector.broadcast %min3A_512 : i32 to vector<16xi32>
    %min3A_514 = arith.minsi %max3A_511, %min3A_513 : vector<16xi32>
    %swap3A_515 = arith.constant 624 : index
    %swap3A_516 = tpu.vector_load %arg5[%swap3A_515] {strides = array<i32>} : memref<1024xi32, #tpu.memory_space<vmem>>, vector<16xi32>,
    %swap3A_517 = vector.shape_cast %swap3A_516 : vector<16xi32> to vector<16xi32>
    %swap3A_518 = vector.shape_cast %min3A_514 : vector<16xi32> to vector<16xi32>
    tpu.vector_store %arg5[%swap3A_515], %swap3A_518 {strides = array<i32>} : memref<1024xi32, #tpu.memory_space<vmem>>, vector<16xi32>,
    %get3A_519 = arith.constant 640 : index
    %get3A_520 = tpu.vector_load %arg5[%get3A_519] {strides = array<i32>} : memref<1024xi32, #tpu.memory_space<vmem>>, vector<16xi32>,
    %get3A_521 = vector.shape_cast %get3A_520 : vector<16xi32> to vector<16xi32>
    %max3A_522 = arith.constant 0 : i32
    %max3A_523 = vector.broadcast %max3A_522 : i32 to vector<16xi32>
    %max3A_524 = arith.maxsi %get3A_521, %max3A_523 : vector<16xi32>
    %min3A_525 = arith.constant 8191 : i32
    %min3A_526 = vector.broadcast %min3A_525 : i32 to vector<16xi32>
    %min3A_527 = arith.minsi %max3A_524, %min3A_526 : vector<16xi32>
    %swap3A_528 = arith.constant 640 : index
    %swap3A_529 = tpu.vector_load %arg5[%swap3A_528] {strides = array<i32>} : memref<1024xi32, #tpu.memory_space<vmem>>, vector<16xi32>,
    %swap3A_530 = vector.shape_cast %swap3A_529 : vector<16xi32> to vector<16xi32>
    %swap3A_531 = vector.shape_cast %min3A_527 : vector<16xi32> to vector<16xi32>
    tpu.vector_store %arg5[%swap3A_528], %swap3A_531 {strides = array<i32>} : memref<1024xi32, #tpu.memory_space<vmem>>, vector<16xi32>,
    %get3A_532 = arith.constant 656 : index
    %get3A_533 = tpu.vector_load %arg5[%get3A_532] {strides = array<i32>} : memref<1024xi32, #tpu.memory_space<vmem>>, vector<16xi32>,
    %get3A_534 = vector.shape_cast %get3A_533 : vector<16xi32> to vector<16xi32>
    %max3A_535 = arith.constant 0 : i32
    %max3A_536 = vector.broadcast %max3A_535 : i32 to vector<16xi32>
    %max3A_537 = arith.maxsi %get3A_534, %max3A_536 : vector<16xi32>
    %min3A_538 = arith.constant 8191 : i32
    %min3A_539 = vector.broadcast %min3A_538 : i32 to vector<16xi32>
    %min3A_540 = arith.minsi %max3A_537, %min3A_539 : vector<16xi32>
    %swap3A_541 = arith.constant 656 : index
    %swap3A_542 = tpu.vector_load %arg5[%swap3A_541] {strides = array<i32>} : memref<1024xi32, #tpu.memory_space<vmem>>, vector<16xi32>,
    %swap3A_543 = vector.shape_cast %swap3A_542 : vector<16xi32> to vector<16xi32>
    %swap3A_544 = vector.shape_cast %min3A_540 : vector<16xi32> to vector<16xi32>
    tpu.vector_store %arg5[%swap3A_541], %swap3A_544 {strides = array<i32>} : memref<1024xi32, #tpu.memory_space<vmem>>, vector<16xi32>,
    %get3A_545 = arith.constant 672 : index
    %get3A_546 = tpu.vector_load %arg5[%get3A_545] {strides = array<i32>} : memref<1024xi32, #tpu.memory_space<vmem>>, vector<16xi32>,
    %get3A_547 = vector.shape_cast %get3A_546 : vector<16xi32> to vector<16xi32>
    %max3A_548 = arith.constant 0 : i32
    %max3A_549 = vector.broadcast %max3A_548 : i32 to vector<16xi32>
    %max3A_550 = arith.maxsi %get3A_547, %max3A_549 : vector<16xi32>
    %min3A_551 = arith.constant 8191 : i32
    %min3A_552 = vector.broadcast %min3A_551 : i32 to vector<16xi32>
    %min3A_553 = arith.minsi %max3A_550, %min3A_552 : vector<16xi32>
    %swap3A_554 = arith.constant 672 : index
    %swap3A_555 = tpu.vector_load %arg5[%swap3A_554] {strides = array<i32>} : memref<1024xi32, #tpu.memory_space<vmem>>, vector<16xi32>,
    %swap3A_556 = vector.shape_cast %swap3A_555 : vector<16xi32> to vector<16xi32>
    %swap3A_557 = vector.shape_cast %min3A_553 : vector<16xi32> to vector<16xi32>
    tpu.vector_store %arg5[%swap3A_554], %swap3A_557 {strides = array<i32>} : memref<1024xi32, #tpu.memory_space<vmem>>, vector<16xi32>,
    %get3A_558 = arith.constant 688 : index
    %get3A_559 = tpu.vector_load %arg5[%get3A_558] {strides = array<i32>} : memref<1024xi32, #tpu.memory_space<vmem>>, vector<16xi32>,
    %get3A_560 = vector.shape_cast %get3A_559 : vector<16xi32> to vector<16xi32>
    %max3A_561 = arith.constant 0 : i32
    %max3A_562 = vector.broadcast %max3A_561 : i32 to vector<16xi32>
    %max3A_563 = arith.maxsi %get3A_560, %max3A_562 : vector<16xi32>
    %min3A_564 = arith.constant 8191 : i32
    %min3A_565 = vector.broadcast %min3A_564 : i32 to vector<16xi32>
    %min3A_566 = arith.minsi %max3A_563, %min3A_565 : vector<16xi32>
    %swap3A_567 = arith.constant 688 : index
    %swap3A_568 = tpu.vector_load %arg5[%swap3A_567] {strides = array<i32>} : memref<1024xi32, #tpu.memory_space<vmem>>, vector<16xi32>,
    %swap3A_569 = vector.shape_cast %swap3A_568 : vector<16xi32> to vector<16xi32>
    %swap3A_570 = vector.shape_cast %min3A_566 : vector<16xi32> to vector<16xi32>
    tpu.vector_store %arg5[%swap3A_567], %swap3A_570 {strides = array<i32>} : memref<1024xi32, #tpu.memory_space<vmem>>, vector<16xi32>,
    %get3A_571 = arith.constant 704 : index
    %get3A_572 = tpu.vector_load %arg5[%get3A_571] {strides = array<i32>} : memref<1024xi32, #tpu.memory_space<vmem>>, vector<16xi32>,
    %get3A_573 = vector.shape_cast %get3A_572 : vector<16xi32> to vector<16xi32>
    %max3A_574 = arith.constant 0 : i32
    %max3A_575 = vector.broadcast %max3A_574 : i32 to vector<16xi32>
    %max3A_576 = arith.maxsi %get3A_573, %max3A_575 : vector<16xi32>
    %min3A_577 = arith.constant 8191 : i32
    %min3A_578 = vector.broadcast %min3A_577 : i32 to vector<16xi32>
    %min3A_579 = arith.minsi %max3A_576, %min3A_578 : vector<16xi32>
    %swap3A_580 = arith.constant 704 : index
    %swap3A_581 = tpu.vector_load %arg5[%swap3A_580] {strides = array<i32>} : memref<1024xi32, #tpu.memory_space<vmem>>, vector<16xi32>,
    %swap3A_582 = vector.shape_cast %swap3A_581 : vector<16xi32> to vector<16xi32>
    %swap3A_583 = vector.shape_cast %min3A_579 : vector<16xi32> to vector<16xi32>
    tpu.vector_store %arg5[%swap3A_580], %swap3A_583 {strides = array<i32>} : memref<1024xi32, #tpu.memory_space<vmem>>, vector<16xi32>,
    %get3A_584 = arith.constant 720 : index
    %get3A_585 = tpu.vector_load %arg5[%get3A_584] {strides = array<i32>} : memref<1024xi32, #tpu.memory_space<vmem>>, vector<16xi32>,
    %get3A_586 = vector.shape_cast %get3A_585 : vector<16xi32> to vector<16xi32>
    %max3A_587 = arith.constant 0 : i32
    %max3A_588 = vector.broadcast %max3A_587 : i32 to vector<16xi32>
    %max3A_589 = arith.maxsi %get3A_586, %max3A_588 : vector<16xi32>
    %min3A_590 = arith.constant 8191 : i32
    %min3A_591 = vector.broadcast %min3A_590 : i32 to vector<16xi32>
    %min3A_592 = arith.minsi %max3A_589, %min3A_591 : vector<16xi32>
    %swap3A_593 = arith.constant 720 : index
    %swap3A_594 = tpu.vector_load %arg5[%swap3A_593] {strides = array<i32>} : memref<1024xi32, #tpu.memory_space<vmem>>, vector<16xi32>,
    %swap3A_595 = vector.shape_cast %swap3A_594 : vector<16xi32> to vector<16xi32>
    %swap3A_596 = vector.shape_cast %min3A_592 : vector<16xi32> to vector<16xi32>
    tpu.vector_store %arg5[%swap3A_593], %swap3A_596 {strides = array<i32>} : memref<1024xi32, #tpu.memory_space<vmem>>, vector<16xi32>,
    %get3A_597 = arith.constant 736 : index
    %get3A_598 = tpu.vector_load %arg5[%get3A_597] {strides = array<i32>} : memref<1024xi32, #tpu.memory_space<vmem>>, vector<16xi32>,
    %get3A_599 = vector.shape_cast %get3A_598 : vector<16xi32> to vector<16xi32>
    %max3A_600 = arith.constant 0 : i32
    %max3A_601 = vector.broadcast %max3A_600 : i32 to vector<16xi32>
    %max3A_602 = arith.maxsi %get3A_599, %max3A_601 : vector<16xi32>
    %min3A_603 = arith.constant 8191 : i32
    %min3A_604 = vector.broadcast %min3A_603 : i32 to vector<16xi32>
    %min3A_605 = arith.minsi %max3A_602, %min3A_604 : vector<16xi32>
    %swap3A_606 = arith.constant 736 : index
    %swap3A_607 = tpu.vector_load %arg5[%swap3A_606] {strides = array<i32>} : memref<1024xi32, #tpu.memory_space<vmem>>, vector<16xi32>,
    %swap3A_608 = vector.shape_cast %swap3A_607 : vector<16xi32> to vector<16xi32>
    %swap3A_609 = vector.shape_cast %min3A_605 : vector<16xi32> to vector<16xi32>
    tpu.vector_store %arg5[%swap3A_606], %swap3A_609 {strides = array<i32>} : memref<1024xi32, #tpu.memory_space<vmem>>, vector<16xi32>,
    %get3A_610 = arith.constant 752 : index
    %get3A_611 = tpu.vector_load %arg5[%get3A_610] {strides = array<i32>} : memref<1024xi32, #tpu.memory_space<vmem>>, vector<16xi32>,
    %get3A_612 = vector.shape_cast %get3A_611 : vector<16xi32> to vector<16xi32>
    %max3A_613 = arith.constant 0 : i32
    %max3A_614 = vector.broadcast %max3A_613 : i32 to vector<16xi32>
    %max3A_615 = arith.maxsi %get3A_612, %max3A_614 : vector<16xi32>
    %min3A_616 = arith.constant 8191 : i32
    %min3A_617 = vector.broadcast %min3A_616 : i32 to vector<16xi32>
    %min3A_618 = arith.minsi %max3A_615, %min3A_617 : vector<16xi32>
    %swap3A_619 = arith.constant 752 : index
    %swap3A_620 = tpu.vector_load %arg5[%swap3A_619] {strides = array<i32>} : memref<1024xi32, #tpu.memory_space<vmem>>, vector<16xi32>,
    %swap3A_621 = vector.shape_cast %swap3A_620 : vector<16xi32> to vector<16xi32>
    %swap3A_622 = vector.shape_cast %min3A_618 : vector<16xi32> to vector<16xi32>
    tpu.vector_store %arg5[%swap3A_619], %swap3A_622 {strides = array<i32>} : memref<1024xi32, #tpu.memory_space<vmem>>, vector<16xi32>,
    %get3A_623 = arith.constant 768 : index
    %get3A_624 = tpu.vector_load %arg5[%get3A_623] {strides = array<i32>} : memref<1024xi32, #tpu.memory_space<vmem>>, vector<16xi32>,
    %get3A_625 = vector.shape_cast %get3A_624 : vector<16xi32> to vector<16xi32>
    %max3A_626 = arith.constant 0 : i32
    %max3A_627 = vector.broadcast %max3A_626 : i32 to vector<16xi32>
    %max3A_628 = arith.maxsi %get3A_625, %max3A_627 : vector<16xi32>
    %min3A_629 = arith.constant 8191 : i32
    %min3A_630 = vector.broadcast %min3A_629 : i32 to vector<16xi32>
    %min3A_631 = arith.minsi %max3A_628, %min3A_630 : vector<16xi32>
    %swap3A_632 = arith.constant 768 : index
    %swap3A_633 = tpu.vector_load %arg5[%swap3A_632] {strides = array<i32>} : memref<1024xi32, #tpu.memory_space<vmem>>, vector<16xi32>,
    %swap3A_634 = vector.shape_cast %swap3A_633 : vector<16xi32> to vector<16xi32>
    %swap3A_635 = vector.shape_cast %min3A_631 : vector<16xi32> to vector<16xi32>
    tpu.vector_store %arg5[%swap3A_632], %swap3A_635 {strides = array<i32>} : memref<1024xi32, #tpu.memory_space<vmem>>, vector<16xi32>,
    %get3A_636 = arith.constant 784 : index
    %get3A_637 = tpu.vector_load %arg5[%get3A_636] {strides = array<i32>} : memref<1024xi32, #tpu.memory_space<vmem>>, vector<16xi32>,
    %get3A_638 = vector.shape_cast %get3A_637 : vector<16xi32> to vector<16xi32>
    %max3A_639 = arith.constant 0 : i32
    %max3A_640 = vector.broadcast %max3A_639 : i32 to vector<16xi32>
    %max3A_641 = arith.maxsi %get3A_638, %max3A_640 : vector<16xi32>
    %min3A_642 = arith.constant 8191 : i32
    %min3A_643 = vector.broadcast %min3A_642 : i32 to vector<16xi32>
    %min3A_644 = arith.minsi %max3A_641, %min3A_643 : vector<16xi32>
    %swap3A_645 = arith.constant 784 : index
    %swap3A_646 = tpu.vector_load %arg5[%swap3A_645] {strides = array<i32>} : memref<1024xi32, #tpu.memory_space<vmem>>, vector<16xi32>,
    %swap3A_647 = vector.shape_cast %swap3A_646 : vector<16xi32> to vector<16xi32>
    %swap3A_648 = vector.shape_cast %min3A_644 : vector<16xi32> to vector<16xi32>
    tpu.vector_store %arg5[%swap3A_645], %swap3A_648 {strides = array<i32>} : memref<1024xi32, #tpu.memory_space<vmem>>, vector<16xi32>,
    %get3A_649 = arith.constant 800 : index
    %get3A_650 = tpu.vector_load %arg5[%get3A_649] {strides = array<i32>} : memref<1024xi32, #tpu.memory_space<vmem>>, vector<16xi32>,
    %get3A_651 = vector.shape_cast %get3A_650 : vector<16xi32> to vector<16xi32>
    %max3A_652 = arith.constant 0 : i32
    %max3A_653 = vector.broadcast %max3A_652 : i32 to vector<16xi32>
    %max3A_654 = arith.maxsi %get3A_651, %max3A_653 : vector<16xi32>
    %min3A_655 = arith.constant 8191 : i32
    %min3A_656 = vector.broadcast %min3A_655 : i32 to vector<16xi32>
    %min3A_657 = arith.minsi %max3A_654, %min3A_656 : vector<16xi32>
    %swap3A_658 = arith.constant 800 : index
    %swap3A_659 = tpu.vector_load %arg5[%swap3A_658] {strides = array<i32>} : memref<1024xi32, #tpu.memory_space<vmem>>, vector<16xi32>,
    %swap3A_660 = vector.shape_cast %swap3A_659 : vector<16xi32> to vector<16xi32>
    %swap3A_661 = vector.shape_cast %min3A_657 : vector<16xi32> to vector<16xi32>
    tpu.vector_store %arg5[%swap3A_658], %swap3A_661 {strides = array<i32>} : memref<1024xi32, #tpu.memory_space<vmem>>, vector<16xi32>,
    %get3A_662 = arith.constant 816 : index
    %get3A_663 = tpu.vector_load %arg5[%get3A_662] {strides = array<i32>} : memref<1024xi32, #tpu.memory_space<vmem>>, vector<16xi32>,
    %get3A_664 = vector.shape_cast %get3A_663 : vector<16xi32> to vector<16xi32>
    %max3A_665 = arith.constant 0 : i32
    %max3A_666 = vector.broadcast %max3A_665 : i32 to vector<16xi32>
    %max3A_667 = arith.maxsi %get3A_664, %max3A_666 : vector<16xi32>
    %min3A_668 = arith.constant 8191 : i32
    %min3A_669 = vector.broadcast %min3A_668 : i32 to vector<16xi32>
    %min3A_670 = arith.minsi %max3A_667, %min3A_669 : vector<16xi32>
    %swap3A_671 = arith.constant 816 : index
    %swap3A_672 = tpu.vector_load %arg5[%swap3A_671] {strides = array<i32>} : memref<1024xi32, #tpu.memory_space<vmem>>, vector<16xi32>,
    %swap3A_673 = vector.shape_cast %swap3A_672 : vector<16xi32> to vector<16xi32>
    %swap3A_674 = vector.shape_cast %min3A_670 : vector<16xi32> to vector<16xi32>
    tpu.vector_store %arg5[%swap3A_671], %swap3A_674 {strides = array<i32>} : memref<1024xi32, #tpu.memory_space<vmem>>, vector<16xi32>,
    %get3A_675 = arith.constant 832 : index
    %get3A_676 = tpu.vector_load %arg5[%get3A_675] {strides = array<i32>} : memref<1024xi32, #tpu.memory_space<vmem>>, vector<16xi32>,
    %get3A_677 = vector.shape_cast %get3A_676 : vector<16xi32> to vector<16xi32>
    %max3A_678 = arith.constant 0 : i32
    %max3A_679 = vector.broadcast %max3A_678 : i32 to vector<16xi32>
    %max3A_680 = arith.maxsi %get3A_677, %max3A_679 : vector<16xi32>
    %min3A_681 = arith.constant 8191 : i32
    %min3A_682 = vector.broadcast %min3A_681 : i32 to vector<16xi32>
    %min3A_683 = arith.minsi %max3A_680, %min3A_682 : vector<16xi32>
    %swap3A_684 = arith.constant 832 : index
    %swap3A_685 = tpu.vector_load %arg5[%swap3A_684] {strides = array<i32>} : memref<1024xi32, #tpu.memory_space<vmem>>, vector<16xi32>,
    %swap3A_686 = vector.shape_cast %swap3A_685 : vector<16xi32> to vector<16xi32>
    %swap3A_687 = vector.shape_cast %min3A_683 : vector<16xi32> to vector<16xi32>
    tpu.vector_store %arg5[%swap3A_684], %swap3A_687 {strides = array<i32>} : memref<1024xi32, #tpu.memory_space<vmem>>, vector<16xi32>,
    %get3A_688 = arith.constant 848 : index
    %get3A_689 = tpu.vector_load %arg5[%get3A_688] {strides = array<i32>} : memref<1024xi32, #tpu.memory_space<vmem>>, vector<16xi32>,
    %get3A_690 = vector.shape_cast %get3A_689 : vector<16xi32> to vector<16xi32>
    %max3A_691 = arith.constant 0 : i32
    %max3A_692 = vector.broadcast %max3A_691 : i32 to vector<16xi32>
    %max3A_693 = arith.maxsi %get3A_690, %max3A_692 : vector<16xi32>
    %min3A_694 = arith.constant 8191 : i32
    %min3A_695 = vector.broadcast %min3A_694 : i32 to vector<16xi32>
    %min3A_696 = arith.minsi %max3A_693, %min3A_695 : vector<16xi32>
    %swap3A_697 = arith.constant 848 : index
    %swap3A_698 = tpu.vector_load %arg5[%swap3A_697] {strides = array<i32>} : memref<1024xi32, #tpu.memory_space<vmem>>, vector<16xi32>,
    %swap3A_699 = vector.shape_cast %swap3A_698 : vector<16xi32> to vector<16xi32>
    %swap3A_700 = vector.shape_cast %min3A_696 : vector<16xi32> to vector<16xi32>
    tpu.vector_store %arg5[%swap3A_697], %swap3A_700 {strides = array<i32>} : memref<1024xi32, #tpu.memory_space<vmem>>, vector<16xi32>,
    %get3A_701 = arith.constant 864 : index
    %get3A_702 = tpu.vector_load %arg5[%get3A_701] {strides = array<i32>} : memref<1024xi32, #tpu.memory_space<vmem>>, vector<16xi32>,
    %get3A_703 = vector.shape_cast %get3A_702 : vector<16xi32> to vector<16xi32>
    %max3A_704 = arith.constant 0 : i32
    %max3A_705 = vector.broadcast %max3A_704 : i32 to vector<16xi32>
    %max3A_706 = arith.maxsi %get3A_703, %max3A_705 : vector<16xi32>
    %min3A_707 = arith.constant 8191 : i32
    %min3A_708 = vector.broadcast %min3A_707 : i32 to vector<16xi32>
    %min3A_709 = arith.minsi %max3A_706, %min3A_708 : vector<16xi32>
    %swap3A_710 = arith.constant 864 : index
    %swap3A_711 = tpu.vector_load %arg5[%swap3A_710] {strides = array<i32>} : memref<1024xi32, #tpu.memory_space<vmem>>, vector<16xi32>,
    %swap3A_712 = vector.shape_cast %swap3A_711 : vector<16xi32> to vector<16xi32>
    %swap3A_713 = vector.shape_cast %min3A_709 : vector<16xi32> to vector<16xi32>
    tpu.vector_store %arg5[%swap3A_710], %swap3A_713 {strides = array<i32>} : memref<1024xi32, #tpu.memory_space<vmem>>, vector<16xi32>,
    %get3A_714 = arith.constant 880 : index
    %get3A_715 = tpu.vector_load %arg5[%get3A_714] {strides = array<i32>} : memref<1024xi32, #tpu.memory_space<vmem>>, vector<16xi32>,
    %get3A_716 = vector.shape_cast %get3A_715 : vector<16xi32> to vector<16xi32>
    %max3A_717 = arith.constant 0 : i32
    %max3A_718 = vector.broadcast %max3A_717 : i32 to vector<16xi32>
    %max3A_719 = arith.maxsi %get3A_716, %max3A_718 : vector<16xi32>
    %min3A_720 = arith.constant 8191 : i32
    %min3A_721 = vector.broadcast %min3A_720 : i32 to vector<16xi32>
    %min3A_722 = arith.minsi %max3A_719, %min3A_721 : vector<16xi32>
    %swap3A_723 = arith.constant 880 : index
    %swap3A_724 = tpu.vector_load %arg5[%swap3A_723] {strides = array<i32>} : memref<1024xi32, #tpu.memory_space<vmem>>, vector<16xi32>,
    %swap3A_725 = vector.shape_cast %swap3A_724 : vector<16xi32> to vector<16xi32>
    %swap3A_726 = vector.shape_cast %min3A_722 : vector<16xi32> to vector<16xi32>
    tpu.vector_store %arg5[%swap3A_723], %swap3A_726 {strides = array<i32>} : memref<1024xi32, #tpu.memory_space<vmem>>, vector<16xi32>,
    %get3A_727 = arith.constant 896 : index
    %get3A_728 = tpu.vector_load %arg5[%get3A_727] {strides = array<i32>} : memref<1024xi32, #tpu.memory_space<vmem>>, vector<16xi32>,
    %get3A_729 = vector.shape_cast %get3A_728 : vector<16xi32> to vector<16xi32>
    %max3A_730 = arith.constant 0 : i32
    %max3A_731 = vector.broadcast %max3A_730 : i32 to vector<16xi32>
    %max3A_732 = arith.maxsi %get3A_729, %max3A_731 : vector<16xi32>
    %min3A_733 = arith.constant 8191 : i32
    %min3A_734 = vector.broadcast %min3A_733 : i32 to vector<16xi32>
    %min3A_735 = arith.minsi %max3A_732, %min3A_734 : vector<16xi32>
    %swap3A_736 = arith.constant 896 : index
    %swap3A_737 = tpu.vector_load %arg5[%swap3A_736] {strides = array<i32>} : memref<1024xi32, #tpu.memory_space<vmem>>, vector<16xi32>,
    %swap3A_738 = vector.shape_cast %swap3A_737 : vector<16xi32> to vector<16xi32>
    %swap3A_739 = vector.shape_cast %min3A_735 : vector<16xi32> to vector<16xi32>
    tpu.vector_store %arg5[%swap3A_736], %swap3A_739 {strides = array<i32>} : memref<1024xi32, #tpu.memory_space<vmem>>, vector<16xi32>,
    %get3A_740 = arith.constant 912 : index
    %get3A_741 = tpu.vector_load %arg5[%get3A_740] {strides = array<i32>} : memref<1024xi32, #tpu.memory_space<vmem>>, vector<16xi32>,
    %get3A_742 = vector.shape_cast %get3A_741 : vector<16xi32> to vector<16xi32>
    %max3A_743 = arith.constant 0 : i32
    %max3A_744 = vector.broadcast %max3A_743 : i32 to vector<16xi32>
    %max3A_745 = arith.maxsi %get3A_742, %max3A_744 : vector<16xi32>
    %min3A_746 = arith.constant 8191 : i32
    %min3A_747 = vector.broadcast %min3A_746 : i32 to vector<16xi32>
    %min3A_748 = arith.minsi %max3A_745, %min3A_747 : vector<16xi32>
    %swap3A_749 = arith.constant 912 : index
    %swap3A_750 = tpu.vector_load %arg5[%swap3A_749] {strides = array<i32>} : memref<1024xi32, #tpu.memory_space<vmem>>, vector<16xi32>,
    %swap3A_751 = vector.shape_cast %swap3A_750 : vector<16xi32> to vector<16xi32>
    %swap3A_752 = vector.shape_cast %min3A_748 : vector<16xi32> to vector<16xi32>
    tpu.vector_store %arg5[%swap3A_749], %swap3A_752 {strides = array<i32>} : memref<1024xi32, #tpu.memory_space<vmem>>, vector<16xi32>,
    %get3A_753 = arith.constant 928 : index
    %get3A_754 = tpu.vector_load %arg5[%get3A_753] {strides = array<i32>} : memref<1024xi32, #tpu.memory_space<vmem>>, vector<16xi32>,
    %get3A_755 = vector.shape_cast %get3A_754 : vector<16xi32> to vector<16xi32>
    %max3A_756 = arith.constant 0 : i32
    %max3A_757 = vector.broadcast %max3A_756 : i32 to vector<16xi32>
    %max3A_758 = arith.maxsi %get3A_755, %max3A_757 : vector<16xi32>
    %min3A_759 = arith.constant 8191 : i32
    %min3A_760 = vector.broadcast %min3A_759 : i32 to vector<16xi32>
    %min3A_761 = arith.minsi %max3A_758, %min3A_760 : vector<16xi32>
    %swap3A_762 = arith.constant 928 : index
    %swap3A_763 = tpu.vector_load %arg5[%swap3A_762] {strides = array<i32>} : memref<1024xi32, #tpu.memory_space<vmem>>, vector<16xi32>,
    %swap3A_764 = vector.shape_cast %swap3A_763 : vector<16xi32> to vector<16xi32>
    %swap3A_765 = vector.shape_cast %min3A_761 : vector<16xi32> to vector<16xi32>
    tpu.vector_store %arg5[%swap3A_762], %swap3A_765 {strides = array<i32>} : memref<1024xi32, #tpu.memory_space<vmem>>, vector<16xi32>,
    %get3A_766 = arith.constant 944 : index
    %get3A_767 = tpu.vector_load %arg5[%get3A_766] {strides = array<i32>} : memref<1024xi32, #tpu.memory_space<vmem>>, vector<16xi32>,
    %get3A_768 = vector.shape_cast %get3A_767 : vector<16xi32> to vector<16xi32>
    %max3A_769 = arith.constant 0 : i32
    %max3A_770 = vector.broadcast %max3A_769 : i32 to vector<16xi32>
    %max3A_771 = arith.maxsi %get3A_768, %max3A_770 : vector<16xi32>
    %min3A_772 = arith.constant 8191 : i32
    %min3A_773 = vector.broadcast %min3A_772 : i32 to vector<16xi32>
    %min3A_774 = arith.minsi %max3A_771, %min3A_773 : vector<16xi32>
    %swap3A_775 = arith.constant 944 : index
    %swap3A_776 = tpu.vector_load %arg5[%swap3A_775] {strides = array<i32>} : memref<1024xi32, #tpu.memory_space<vmem>>, vector<16xi32>,
    %swap3A_777 = vector.shape_cast %swap3A_776 : vector<16xi32> to vector<16xi32>
    %swap3A_778 = vector.shape_cast %min3A_774 : vector<16xi32> to vector<16xi32>
    tpu.vector_store %arg5[%swap3A_775], %swap3A_778 {strides = array<i32>} : memref<1024xi32, #tpu.memory_space<vmem>>, vector<16xi32>,
    %get3A_779 = arith.constant 960 : index
    %get3A_780 = tpu.vector_load %arg5[%get3A_779] {strides = array<i32>} : memref<1024xi32, #tpu.memory_space<vmem>>, vector<16xi32>,
    %get3A_781 = vector.shape_cast %get3A_780 : vector<16xi32> to vector<16xi32>
    %max3A_782 = arith.constant 0 : i32
    %max3A_783 = vector.broadcast %max3A_782 : i32 to vector<16xi32>
    %max3A_784 = arith.maxsi %get3A_781, %max3A_783 : vector<16xi32>
    %min3A_785 = arith.constant 8191 : i32
    %min3A_786 = vector.broadcast %min3A_785 : i32 to vector<16xi32>
    %min3A_787 = arith.minsi %max3A_784, %min3A_786 : vector<16xi32>
    %swap3A_788 = arith.constant 960 : index
    %swap3A_789 = tpu.vector_load %arg5[%swap3A_788] {strides = array<i32>} : memref<1024xi32, #tpu.memory_space<vmem>>, vector<16xi32>,
    %swap3A_790 = vector.shape_cast %swap3A_789 : vector<16xi32> to vector<16xi32>
    %swap3A_791 = vector.shape_cast %min3A_787 : vector<16xi32> to vector<16xi32>
    tpu.vector_store %arg5[%swap3A_788], %swap3A_791 {strides = array<i32>} : memref<1024xi32, #tpu.memory_space<vmem>>, vector<16xi32>,
    %get3A_792 = arith.constant 976 : index
    %get3A_793 = tpu.vector_load %arg5[%get3A_792] {strides = array<i32>} : memref<1024xi32, #tpu.memory_space<vmem>>, vector<16xi32>,
    %get3A_794 = vector.shape_cast %get3A_793 : vector<16xi32> to vector<16xi32>
    %max3A_795 = arith.constant 0 : i32
    %max3A_796 = vector.broadcast %max3A_795 : i32 to vector<16xi32>
    %max3A_797 = arith.maxsi %get3A_794, %max3A_796 : vector<16xi32>
    %min3A_798 = arith.constant 8191 : i32
    %min3A_799 = vector.broadcast %min3A_798 : i32 to vector<16xi32>
    %min3A_800 = arith.minsi %max3A_797, %min3A_799 : vector<16xi32>
    %swap3A_801 = arith.constant 976 : index
    %swap3A_802 = tpu.vector_load %arg5[%swap3A_801] {strides = array<i32>} : memref<1024xi32, #tpu.memory_space<vmem>>, vector<16xi32>,
    %swap3A_803 = vector.shape_cast %swap3A_802 : vector<16xi32> to vector<16xi32>
    %swap3A_804 = vector.shape_cast %min3A_800 : vector<16xi32> to vector<16xi32>
    tpu.vector_store %arg5[%swap3A_801], %swap3A_804 {strides = array<i32>} : memref<1024xi32, #tpu.memory_space<vmem>>, vector<16xi32>,
    %get3A_805 = arith.constant 992 : index
    %get3A_806 = tpu.vector_load %arg5[%get3A_805] {strides = array<i32>} : memref<1024xi32, #tpu.memory_space<vmem>>, vector<16xi32>,
    %get3A_807 = vector.shape_cast %get3A_806 : vector<16xi32> to vector<16xi32>
    %max3A_808 = arith.constant 0 : i32
    %max3A_809 = vector.broadcast %max3A_808 : i32 to vector<16xi32>
    %max3A_810 = arith.maxsi %get3A_807, %max3A_809 : vector<16xi32>
    %min3A_811 = arith.constant 8191 : i32
    %min3A_812 = vector.broadcast %min3A_811 : i32 to vector<16xi32>
    %min3A_813 = arith.minsi %max3A_810, %min3A_812 : vector<16xi32>
    %swap3A_814 = arith.constant 992 : index
    %swap3A_815 = tpu.vector_load %arg5[%swap3A_814] {strides = array<i32>} : memref<1024xi32, #tpu.memory_space<vmem>>, vector<16xi32>,
    %swap3A_816 = vector.shape_cast %swap3A_815 : vector<16xi32> to vector<16xi32>
    %swap3A_817 = vector.shape_cast %min3A_813 : vector<16xi32> to vector<16xi32>
    tpu.vector_store %arg5[%swap3A_814], %swap3A_817 {strides = array<i32>} : memref<1024xi32, #tpu.memory_space<vmem>>, vector<16xi32>,
    %get3A_818 = arith.constant 1008 : index
    %get3A_819 = tpu.vector_load %arg5[%get3A_818] {strides = array<i32>} : memref<1024xi32, #tpu.memory_space<vmem>>, vector<16xi32>,
    %get3A_820 = vector.shape_cast %get3A_819 : vector<16xi32> to vector<16xi32>
    %max3A_821 = arith.constant 0 : i32
    %max3A_822 = vector.broadcast %max3A_821 : i32 to vector<16xi32>
    %max3A_823 = arith.maxsi %get3A_820, %max3A_822 : vector<16xi32>
    %min3A_824 = arith.constant 8191 : i32
    %min3A_825 = vector.broadcast %min3A_824 : i32 to vector<16xi32>
    %min3A_826 = arith.minsi %max3A_823, %min3A_825 : vector<16xi32>
    %swap3A_827 = arith.constant 1008 : index
    %swap3A_828 = tpu.vector_load %arg5[%swap3A_827] {strides = array<i32>} : memref<1024xi32, #tpu.memory_space<vmem>>, vector<16xi32>,
    %swap3A_829 = vector.shape_cast %swap3A_828 : vector<16xi32> to vector<16xi32>
    %swap3A_830 = vector.shape_cast %min3A_826 : vector<16xi32> to vector<16xi32>
    tpu.vector_store %arg5[%swap3A_827], %swap3A_830 {strides = array<i32>} : memref<1024xi32, #tpu.memory_space<vmem>>, vector<16xi32>,
    %dma_start3A = arith.constant 0 : i32
    %dma_start3A_831 = arith.constant 0 : i32
    %dma_start3A_832 = arith.constant 0 : i32
    %dma_start3A_833 = tpu.memref_slice %arg6[%dma_start3A, %dma_start3A_831, %dma_start3A_832] : memref<3x32x1024xf32, #tpu.memory_space<vmem>> -> memref<1x32x1024xf32, #tpu.memory_space<vmem>>
    %dma_start3A_834 = tpu.memref_squeeze %dma_start3A_833 : memref<1x32x1024xf32, #tpu.memory_space<vmem>> -> memref<32x1024xf32, #tpu.memory_space<vmem>>
    %dma_start3A_835 = arith.constant 0 : i32
    %dma_start3A_836 = tpu.memref_slice %arg5[%dma_start3A_835] : memref<1024xi32, #tpu.memory_space<vmem>> -> memref<32xi32, #tpu.memory_space<vmem>>
    %dma_start3A_837 = arith.constant 0 : i32
    %dma_start3A_838 = arith.constant 0 : i32
    %dma_start3A_839 = tpu.memref_slice %arg2[%dma_start3A_837, %dma_start3A_838] : memref<8192x1024xf32, #tpu.memory_space<hbm>> -> memref<8192x1024xf32, #tpu.memory_space<hbm>>
    tpu.enqueue_indirect_dma source(%dma_start3A_839 : memref<8192x1024xf32, #tpu.memory_space<hbm>>) target(%dma_start3A_834 : memref<32x1024xf32, #tpu.memory_space<vmem>>) offsets(%dma_start3A_836 : memref<32xi32, #tpu.memory_space<vmem>>) semaphore(%arg7 : memref<!tpu.dma_semaphore, #tpu.memory_space<semaphore_mem>>)
    %dma_start3A_840 = arith.constant 1 : i32
    %dma_start3A_841 = arith.constant 0 : i32
    %dma_start3A_842 = arith.constant 0 : i32
    %dma_start3A_843 = tpu.memref_slice %arg6[%dma_start3A_840, %dma_start3A_841, %dma_start3A_842] : memref<3x32x1024xf32, #tpu.memory_space<vmem>> -> memref<1x32x1024xf32, #tpu.memory_space<vmem>>
    %dma_start3A_844 = tpu.memref_squeeze %dma_start3A_843 : memref<1x32x1024xf32, #tpu.memory_space<vmem>> -> memref<32x1024xf32, #tpu.memory_space<vmem>>
    %dma_start3A_845 = arith.constant 32 : i32
    %dma_start3A_846 = tpu.memref_slice %arg5[%dma_start3A_845] : memref<1024xi32, #tpu.memory_space<vmem>> -> memref<32xi32, #tpu.memory_space<vmem>>
    %dma_start3A_847 = arith.constant 0 : i32
    %dma_start3A_848 = arith.constant 0 : i32
    %dma_start3A_849 = tpu.memref_slice %arg2[%dma_start3A_847, %dma_start3A_848] : memref<8192x1024xf32, #tpu.memory_space<hbm>> -> memref<8192x1024xf32, #tpu.memory_space<hbm>>
    tpu.enqueue_indirect_dma source(%dma_start3A_849 : memref<8192x1024xf32, #tpu.memory_space<hbm>>) target(%dma_start3A_844 : memref<32x1024xf32, #tpu.memory_space<vmem>>) offsets(%dma_start3A_846 : memref<32xi32, #tpu.memory_space<vmem>>) semaphore(%arg7 : memref<!tpu.dma_semaphore, #tpu.memory_space<semaphore_mem>>)
    %dma_start3A_850 = arith.constant 2 : i32
    %dma_start3A_851 = arith.constant 0 : i32
    %dma_start3A_852 = arith.constant 0 : i32
    %dma_start3A_853 = tpu.memref_slice %arg6[%dma_start3A_850, %dma_start3A_851, %dma_start3A_852] : memref<3x32x1024xf32, #tpu.memory_space<vmem>> -> memref<1x32x1024xf32, #tpu.memory_space<vmem>>
    %dma_start3A_854 = tpu.memref_squeeze %dma_start3A_853 : memref<1x32x1024xf32, #tpu.memory_space<vmem>> -> memref<32x1024xf32, #tpu.memory_space<vmem>>
    %dma_start3A_855 = arith.constant 64 : i32
    %dma_start3A_856 = tpu.memref_slice %arg5[%dma_start3A_855] : memref<1024xi32, #tpu.memory_space<vmem>> -> memref<32xi32, #tpu.memory_space<vmem>>
    %dma_start3A_857 = arith.constant 0 : i32
    %dma_start3A_858 = arith.constant 0 : i32
    %dma_start3A_859 = tpu.memref_slice %arg2[%dma_start3A_857, %dma_start3A_858] : memref<8192x1024xf32, #tpu.memory_space<hbm>> -> memref<8192x1024xf32, #tpu.memory_space<hbm>>
    tpu.enqueue_indirect_dma source(%dma_start3A_859 : memref<8192x1024xf32, #tpu.memory_space<hbm>>) target(%dma_start3A_854 : memref<32x1024xf32, #tpu.memory_space<vmem>>) offsets(%dma_start3A_856 : memref<32xi32, #tpu.memory_space<vmem>>) semaphore(%arg7 : memref<!tpu.dma_semaphore, #tpu.memory_space<semaphore_mem>>)
    %dma_wait3A = arith.constant 0 : i32
    %dma_wait3A_860 = arith.constant 0 : i32
    %dma_wait3A_861 = arith.constant 0 : i32
    %dma_wait3A_862 = tpu.memref_slice %arg6[%dma_wait3A, %dma_wait3A_860, %dma_wait3A_861] : memref<3x32x1024xf32, #tpu.memory_space<vmem>> -> memref<1x32x1024xf32, #tpu.memory_space<vmem>>
    %dma_wait3A_863 = tpu.memref_squeeze %dma_wait3A_862 : memref<1x32x1024xf32, #tpu.memory_space<vmem>> -> memref<32x1024xf32, #tpu.memory_space<vmem>>
    %dma_wait3A_864 = arith.constant 0 : i32
    %dma_wait3A_865 = tpu.memref_slice %arg5[%dma_wait3A_864] : memref<1024xi32, #tpu.memory_space<vmem>> -> memref<32xi32, #tpu.memory_space<vmem>>
    %dma_wait3A_866 = arith.constant 0 : i32
    %dma_wait3A_867 = arith.constant 0 : i32
    %dma_wait3A_868 = tpu.memref_slice %arg2[%dma_wait3A_866, %dma_wait3A_867] : memref<8192x1024xf32, #tpu.memory_space<hbm>> -> memref<8192x1024xf32, #tpu.memory_space<hbm>>
    tpu.wait_indirect_dma semaphore(%arg7 : memref<!tpu.dma_semaphore, #tpu.memory_space<semaphore_mem>>) src(%dma_wait3A_868 : memref<8192x1024xf32, #tpu.memory_space<hbm>>) dst(%dma_wait3A_863 : memref<32x1024xf32, #tpu.memory_space<vmem>>)
    %add3A_869 = arith.constant 0 : i32
    %add3A_870 = arith.addi %mul3A_2, %add3A_869 : i32
    %dma_start3A_871 = arith.constant 0 : i32
    %dma_start3A_872 = arith.constant 0 : i32
    %dma_start3A_873 = arith.constant 0 : i32
    %dma_start3A_874 = tpu.memref_slice %arg6[%dma_start3A_871, %dma_start3A_872, %dma_start3A_873] : memref<3x32x1024xf32, #tpu.memory_space<vmem>> -> memref<1x32x1024xf32, #tpu.memory_space<vmem>>
    %dma_start3A_875 = tpu.memref_squeeze %dma_start3A_874 : memref<1x32x1024xf32, #tpu.memory_space<vmem>> -> memref<32x1024xf32, #tpu.memory_space<vmem>>
    %dma_start3A_876 = arith.constant 0 : i32
    %dma_start3A_877 = tpu.memref_slice %arg4[%add3A_870, %dma_start3A_876] : memref<32768x1024xf32, #tpu.memory_space<hbm>> -> memref<32x1024xf32, #tpu.memory_space<hbm>>
    %dma_start3A_878 = arith.constant 0 : i32
    %dma_start3A_879 = tpu.memref_slice %arg4[%add3A_870, %dma_start3A_878] : memref<32768x1024xf32, #tpu.memory_space<hbm>> -> memref<32x1024xf32, #tpu.memory_space<hbm>>
    %dma_start3A_880 = arith.constant 0 : i32
    %dma_start3A_881 = arith.constant 0 : i32
    %dma_start3A_882 = tpu.memref_slice %arg6[%dma_start3A_871, %dma_start3A_880, %dma_start3A_881] : memref<3x32x1024xf32, #tpu.memory_space<vmem>> -> memref<1x32x1024xf32, #tpu.memory_space<vmem>>
    %dma_start3A_883 = tpu.memref_squeeze %dma_start3A_882 : memref<1x32x1024xf32, #tpu.memory_space<vmem>> -> memref<32x1024xf32, #tpu.memory_space<vmem>>
    tpu.enqueue_dma source(%dma_start3A_883 : memref<32x1024xf32, #tpu.memory_space<vmem>>) target(%dma_start3A_879 : memref<32x1024xf32, #tpu.memory_space<hbm>>) target_semaphore(%arg8 : memref<!tpu.dma_semaphore, #tpu.memory_space<semaphore_mem>>)
    %dma_wait3A_884 = arith.constant 0 : i32
    %dma_wait3A_885 = arith.constant 0 : i32
    %dma_wait3A_886 = arith.constant 0 : i32
    %dma_wait3A_887 = tpu.memref_slice %arg6[%dma_wait3A_884, %dma_wait3A_885, %dma_wait3A_886] : memref<3x32x1024xf32, #tpu.memory_space<vmem>> -> memref<1x32x1024xf32, #tpu.memory_space<vmem>>
    %dma_wait3A_888 = tpu.memref_squeeze %dma_wait3A_887 : memref<1x32x1024xf32, #tpu.memory_space<vmem>> -> memref<32x1024xf32, #tpu.memory_space<vmem>>
    %dma_wait3A_889 = arith.constant 0 : i32
    %dma_wait3A_890 = tpu.memref_slice %arg4[%add3A_870, %dma_wait3A_889] : memref<32768x1024xf32, #tpu.memory_space<hbm>> -> memref<32x1024xf32, #tpu.memory_space<hbm>>
    %dma_wait3A_891 = arith.constant 0 : i32
    %dma_wait3A_892 = tpu.memref_slice %arg4[%add3A_870, %dma_wait3A_891] : memref<32768x1024xf32, #tpu.memory_space<hbm>> -> memref<32x1024xf32, #tpu.memory_space<hbm>>
    %dma_wait3A_893 = arith.constant 0 : i32
    %dma_wait3A_894 = arith.constant 0 : i32
    %dma_wait3A_895 = tpu.memref_slice %arg6[%dma_wait3A_884, %dma_wait3A_893, %dma_wait3A_894] : memref<3x32x1024xf32, #tpu.memory_space<vmem>> -> memref<1x32x1024xf32, #tpu.memory_space<vmem>>
    %dma_wait3A_896 = tpu.memref_squeeze %dma_wait3A_895 : memref<1x32x1024xf32, #tpu.memory_space<vmem>> -> memref<32x1024xf32, #tpu.memory_space<vmem>>
    tpu.wait_dma2 semaphore(%arg8 : memref<!tpu.dma_semaphore, #tpu.memory_space<semaphore_mem>>) src(%dma_wait3A_896 : memref<32x1024xf32, #tpu.memory_space<vmem>>) dst(%dma_wait3A_892 : memref<32x1024xf32, #tpu.memory_space<hbm>>)
    %dma_start3A_897 = arith.constant 0 : i32
    %dma_start3A_898 = arith.constant 0 : i32
    %dma_start3A_899 = arith.constant 0 : i32
    %dma_start3A_900 = tpu.memref_slice %arg6[%dma_start3A_897, %dma_start3A_898, %dma_start3A_899] : memref<3x32x1024xf32, #tpu.memory_space<vmem>> -> memref<1x32x1024xf32, #tpu.memory_space<vmem>>
    %dma_start3A_901 = tpu.memref_squeeze %dma_start3A_900 : memref<1x32x1024xf32, #tpu.memory_space<vmem>> -> memref<32x1024xf32, #tpu.memory_space<vmem>>
    %dma_start3A_902 = arith.constant 96 : i32
    %dma_start3A_903 = tpu.memref_slice %arg5[%dma_start3A_902] : memref<1024xi32, #tpu.memory_space<vmem>> -> memref<32xi32, #tpu.memory_space<vmem>>
    %dma_start3A_904 = arith.constant 0 : i32
    %dma_start3A_905 = arith.constant 0 : i32
    %dma_start3A_906 = tpu.memref_slice %arg2[%dma_start3A_904, %dma_start3A_905] : memref<8192x1024xf32, #tpu.memory_space<hbm>> -> memref<8192x1024xf32, #tpu.memory_space<hbm>>
    tpu.enqueue_indirect_dma source(%dma_start3A_906 : memref<8192x1024xf32, #tpu.memory_space<hbm>>) target(%dma_start3A_901 : memref<32x1024xf32, #tpu.memory_space<vmem>>) offsets(%dma_start3A_903 : memref<32xi32, #tpu.memory_space<vmem>>) semaphore(%arg7 : memref<!tpu.dma_semaphore, #tpu.memory_space<semaphore_mem>>)
    %dma_wait3A_907 = arith.constant 1 : i32
    %dma_wait3A_908 = arith.constant 0 : i32
    %dma_wait3A_909 = arith.constant 0 : i32
    %dma_wait3A_910 = tpu.memref_slice %arg6[%dma_wait3A_907, %dma_wait3A_908, %dma_wait3A_909] : memref<3x32x1024xf32, #tpu.memory_space<vmem>> -> memref<1x32x1024xf32, #tpu.memory_space<vmem>>
    %dma_wait3A_911 = tpu.memref_squeeze %dma_wait3A_910 : memref<1x32x1024xf32, #tpu.memory_space<vmem>> -> memref<32x1024xf32, #tpu.memory_space<vmem>>
    %dma_wait3A_912 = arith.constant 32 : i32
    %dma_wait3A_913 = tpu.memref_slice %arg5[%dma_wait3A_912] : memref<1024xi32, #tpu.memory_space<vmem>> -> memref<32xi32, #tpu.memory_space<vmem>>
    %dma_wait3A_914 = arith.constant 0 : i32
    %dma_wait3A_915 = arith.constant 0 : i32
    %dma_wait3A_916 = tpu.memref_slice %arg2[%dma_wait3A_914, %dma_wait3A_915] : memref<8192x1024xf32, #tpu.memory_space<hbm>> -> memref<8192x1024xf32, #tpu.memory_space<hbm>>
    tpu.wait_indirect_dma semaphore(%arg7 : memref<!tpu.dma_semaphore, #tpu.memory_space<semaphore_mem>>) src(%dma_wait3A_916 : memref<8192x1024xf32, #tpu.memory_space<hbm>>) dst(%dma_wait3A_911 : memref<32x1024xf32, #tpu.memory_space<vmem>>)
    %add3A_917 = arith.constant 32 : i32
    %add3A_918 = arith.addi %mul3A_2, %add3A_917 : i32
    %dma_start3A_919 = arith.constant 1 : i32
    %dma_start3A_920 = arith.constant 0 : i32
    %dma_start3A_921 = arith.constant 0 : i32
    %dma_start3A_922 = tpu.memref_slice %arg6[%dma_start3A_919, %dma_start3A_920, %dma_start3A_921] : memref<3x32x1024xf32, #tpu.memory_space<vmem>> -> memref<1x32x1024xf32, #tpu.memory_space<vmem>>
    %dma_start3A_923 = tpu.memref_squeeze %dma_start3A_922 : memref<1x32x1024xf32, #tpu.memory_space<vmem>> -> memref<32x1024xf32, #tpu.memory_space<vmem>>
    %dma_start3A_924 = arith.constant 0 : i32
    %dma_start3A_925 = tpu.memref_slice %arg4[%add3A_918, %dma_start3A_924] : memref<32768x1024xf32, #tpu.memory_space<hbm>> -> memref<32x1024xf32, #tpu.memory_space<hbm>>
    %dma_start3A_926 = arith.constant 0 : i32
    %dma_start3A_927 = tpu.memref_slice %arg4[%add3A_918, %dma_start3A_926] : memref<32768x1024xf32, #tpu.memory_space<hbm>> -> memref<32x1024xf32, #tpu.memory_space<hbm>>
    %dma_start3A_928 = arith.constant 0 : i32
    %dma_start3A_929 = arith.constant 0 : i32
    %dma_start3A_930 = tpu.memref_slice %arg6[%dma_start3A_919, %dma_start3A_928, %dma_start3A_929] : memref<3x32x1024xf32, #tpu.memory_space<vmem>> -> memref<1x32x1024xf32, #tpu.memory_space<vmem>>
    %dma_start3A_931 = tpu.memref_squeeze %dma_start3A_930 : memref<1x32x1024xf32, #tpu.memory_space<vmem>> -> memref<32x1024xf32, #tpu.memory_space<vmem>>
    tpu.enqueue_dma source(%dma_start3A_931 : memref<32x1024xf32, #tpu.memory_space<vmem>>) target(%dma_start3A_927 : memref<32x1024xf32, #tpu.memory_space<hbm>>) target_semaphore(%arg8 : memref<!tpu.dma_semaphore, #tpu.memory_space<semaphore_mem>>)
    %dma_wait3A_932 = arith.constant 1 : i32
    %dma_wait3A_933 = arith.constant 0 : i32
    %dma_wait3A_934 = arith.constant 0 : i32
    %dma_wait3A_935 = tpu.memref_slice %arg6[%dma_wait3A_932, %dma_wait3A_933, %dma_wait3A_934] : memref<3x32x1024xf32, #tpu.memory_space<vmem>> -> memref<1x32x1024xf32, #tpu.memory_space<vmem>>
    %dma_wait3A_936 = tpu.memref_squeeze %dma_wait3A_935 : memref<1x32x1024xf32, #tpu.memory_space<vmem>> -> memref<32x1024xf32, #tpu.memory_space<vmem>>
    %dma_wait3A_937 = arith.constant 0 : i32
    %dma_wait3A_938 = tpu.memref_slice %arg4[%add3A_918, %dma_wait3A_937] : memref<32768x1024xf32, #tpu.memory_space<hbm>> -> memref<32x1024xf32, #tpu.memory_space<hbm>>
    %dma_wait3A_939 = arith.constant 0 : i32
    %dma_wait3A_940 = tpu.memref_slice %arg4[%add3A_918, %dma_wait3A_939] : memref<32768x1024xf32, #tpu.memory_space<hbm>> -> memref<32x1024xf32, #tpu.memory_space<hbm>>
    %dma_wait3A_941 = arith.constant 0 : i32
    %dma_wait3A_942 = arith.constant 0 : i32
    %dma_wait3A_943 = tpu.memref_slice %arg6[%dma_wait3A_932, %dma_wait3A_941, %dma_wait3A_942] : memref<3x32x1024xf32, #tpu.memory_space<vmem>> -> memref<1x32x1024xf32, #tpu.memory_space<vmem>>
    %dma_wait3A_944 = tpu.memref_squeeze %dma_wait3A_943 : memref<1x32x1024xf32, #tpu.memory_space<vmem>> -> memref<32x1024xf32, #tpu.memory_space<vmem>>
    tpu.wait_dma2 semaphore(%arg8 : memref<!tpu.dma_semaphore, #tpu.memory_space<semaphore_mem>>) src(%dma_wait3A_944 : memref<32x1024xf32, #tpu.memory_space<vmem>>) dst(%dma_wait3A_940 : memref<32x1024xf32, #tpu.memory_space<hbm>>)
    %dma_start3A_945 = arith.constant 1 : i32
    %dma_start3A_946 = arith.constant 0 : i32
    %dma_start3A_947 = arith.constant 0 : i32
    %dma_start3A_948 = tpu.memref_slice %arg6[%dma_start3A_945, %dma_start3A_946, %dma_start3A_947] : memref<3x32x1024xf32, #tpu.memory_space<vmem>> -> memref<1x32x1024xf32, #tpu.memory_space<vmem>>
    %dma_start3A_949 = tpu.memref_squeeze %dma_start3A_948 : memref<1x32x1024xf32, #tpu.memory_space<vmem>> -> memref<32x1024xf32, #tpu.memory_space<vmem>>
    %dma_start3A_950 = arith.constant 128 : i32
    %dma_start3A_951 = tpu.memref_slice %arg5[%dma_start3A_950] : memref<1024xi32, #tpu.memory_space<vmem>> -> memref<32xi32, #tpu.memory_space<vmem>>
    %dma_start3A_952 = arith.constant 0 : i32
    %dma_start3A_953 = arith.constant 0 : i32
    %dma_start3A_954 = tpu.memref_slice %arg2[%dma_start3A_952, %dma_start3A_953] : memref<8192x1024xf32, #tpu.memory_space<hbm>> -> memref<8192x1024xf32, #tpu.memory_space<hbm>>
    tpu.enqueue_indirect_dma source(%dma_start3A_954 : memref<8192x1024xf32, #tpu.memory_space<hbm>>) target(%dma_start3A_949 : memref<32x1024xf32, #tpu.memory_space<vmem>>) offsets(%dma_start3A_951 : memref<32xi32, #tpu.memory_space<vmem>>) semaphore(%arg7 : memref<!tpu.dma_semaphore, #tpu.memory_space<semaphore_mem>>)
    %dma_wait3A_955 = arith.constant 2 : i32
    %dma_wait3A_956 = arith.constant 0 : i32
    %dma_wait3A_957 = arith.constant 0 : i32
    %dma_wait3A_958 = tpu.memref_slice %arg6[%dma_wait3A_955, %dma_wait3A_956, %dma_wait3A_957] : memref<3x32x1024xf32, #tpu.memory_space<vmem>> -> memref<1x32x1024xf32, #tpu.memory_space<vmem>>
    %dma_wait3A_959 = tpu.memref_squeeze %dma_wait3A_958 : memref<1x32x1024xf32, #tpu.memory_space<vmem>> -> memref<32x1024xf32, #tpu.memory_space<vmem>>
    %dma_wait3A_960 = arith.constant 64 : i32
    %dma_wait3A_961 = tpu.memref_slice %arg5[%dma_wait3A_960] : memref<1024xi32, #tpu.memory_space<vmem>> -> memref<32xi32, #tpu.memory_space<vmem>>
    %dma_wait3A_962 = arith.constant 0 : i32
    %dma_wait3A_963 = arith.constant 0 : i32
    %dma_wait3A_964 = tpu.memref_slice %arg2[%dma_wait3A_962, %dma_wait3A_963] : memref<8192x1024xf32, #tpu.memory_space<hbm>> -> memref<8192x1024xf32, #tpu.memory_space<hbm>>
    tpu.wait_indirect_dma semaphore(%arg7 : memref<!tpu.dma_semaphore, #tpu.memory_space<semaphore_mem>>) src(%dma_wait3A_964 : memref<8192x1024xf32, #tpu.memory_space<hbm>>) dst(%dma_wait3A_959 : memref<32x1024xf32, #tpu.memory_space<vmem>>)
    %add3A_965 = arith.constant 64 : i32
    %add3A_966 = arith.addi %mul3A_2, %add3A_965 : i32
    %dma_start3A_967 = arith.constant 2 : i32
    %dma_start3A_968 = arith.constant 0 : i32
    %dma_start3A_969 = arith.constant 0 : i32
    %dma_start3A_970 = tpu.memref_slice %arg6[%dma_start3A_967, %dma_start3A_968, %dma_start3A_969] : memref<3x32x1024xf32, #tpu.memory_space<vmem>> -> memref<1x32x1024xf32, #tpu.memory_space<vmem>>
    %dma_start3A_971 = tpu.memref_squeeze %dma_start3A_970 : memref<1x32x1024xf32, #tpu.memory_space<vmem>> -> memref<32x1024xf32, #tpu.memory_space<vmem>>
    %dma_start3A_972 = arith.constant 0 : i32
    %dma_start3A_973 = tpu.memref_slice %arg4[%add3A_966, %dma_start3A_972] : memref<32768x1024xf32, #tpu.memory_space<hbm>> -> memref<32x1024xf32, #tpu.memory_space<hbm>>
    %dma_start3A_974 = arith.constant 0 : i32
    %dma_start3A_975 = tpu.memref_slice %arg4[%add3A_966, %dma_start3A_974] : memref<32768x1024xf32, #tpu.memory_space<hbm>> -> memref<32x1024xf32, #tpu.memory_space<hbm>>
    %dma_start3A_976 = arith.constant 0 : i32
    %dma_start3A_977 = arith.constant 0 : i32
    %dma_start3A_978 = tpu.memref_slice %arg6[%dma_start3A_967, %dma_start3A_976, %dma_start3A_977] : memref<3x32x1024xf32, #tpu.memory_space<vmem>> -> memref<1x32x1024xf32, #tpu.memory_space<vmem>>
    %dma_start3A_979 = tpu.memref_squeeze %dma_start3A_978 : memref<1x32x1024xf32, #tpu.memory_space<vmem>> -> memref<32x1024xf32, #tpu.memory_space<vmem>>
    tpu.enqueue_dma source(%dma_start3A_979 : memref<32x1024xf32, #tpu.memory_space<vmem>>) target(%dma_start3A_975 : memref<32x1024xf32, #tpu.memory_space<hbm>>) target_semaphore(%arg8 : memref<!tpu.dma_semaphore, #tpu.memory_space<semaphore_mem>>)
    %dma_wait3A_980 = arith.constant 2 : i32
    %dma_wait3A_981 = arith.constant 0 : i32
    %dma_wait3A_982 = arith.constant 0 : i32
    %dma_wait3A_983 = tpu.memref_slice %arg6[%dma_wait3A_980, %dma_wait3A_981, %dma_wait3A_982] : memref<3x32x1024xf32, #tpu.memory_space<vmem>> -> memref<1x32x1024xf32, #tpu.memory_space<vmem>>
    %dma_wait3A_984 = tpu.memref_squeeze %dma_wait3A_983 : memref<1x32x1024xf32, #tpu.memory_space<vmem>> -> memref<32x1024xf32, #tpu.memory_space<vmem>>
    %dma_wait3A_985 = arith.constant 0 : i32
    %dma_wait3A_986 = tpu.memref_slice %arg4[%add3A_966, %dma_wait3A_985] : memref<32768x1024xf32, #tpu.memory_space<hbm>> -> memref<32x1024xf32, #tpu.memory_space<hbm>>
    %dma_wait3A_987 = arith.constant 0 : i32
    %dma_wait3A_988 = tpu.memref_slice %arg4[%add3A_966, %dma_wait3A_987] : memref<32768x1024xf32, #tpu.memory_space<hbm>> -> memref<32x1024xf32, #tpu.memory_space<hbm>>
    %dma_wait3A_989 = arith.constant 0 : i32
    %dma_wait3A_990 = arith.constant 0 : i32
    %dma_wait3A_991 = tpu.memref_slice %arg6[%dma_wait3A_980, %dma_wait3A_989, %dma_wait3A_990] : memref<3x32x1024xf32, #tpu.memory_space<vmem>> -> memref<1x32x1024xf32, #tpu.memory_space<vmem>>
    %dma_wait3A_992 = tpu.memref_squeeze %dma_wait3A_991 : memref<1x32x1024xf32, #tpu.memory_space<vmem>> -> memref<32x1024xf32, #tpu.memory_space<vmem>>
    tpu.wait_dma2 semaphore(%arg8 : memref<!tpu.dma_semaphore, #tpu.memory_space<semaphore_mem>>) src(%dma_wait3A_992 : memref<32x1024xf32, #tpu.memory_space<vmem>>) dst(%dma_wait3A_988 : memref<32x1024xf32, #tpu.memory_space<hbm>>)
    %dma_start3A_993 = arith.constant 2 : i32
    %dma_start3A_994 = arith.constant 0 : i32
    %dma_start3A_995 = arith.constant 0 : i32
    %dma_start3A_996 = tpu.memref_slice %arg6[%dma_start3A_993, %dma_start3A_994, %dma_start3A_995] : memref<3x32x1024xf32, #tpu.memory_space<vmem>> -> memref<1x32x1024xf32, #tpu.memory_space<vmem>>
    %dma_start3A_997 = tpu.memref_squeeze %dma_start3A_996 : memref<1x32x1024xf32, #tpu.memory_space<vmem>> -> memref<32x1024xf32, #tpu.memory_space<vmem>>
    %dma_start3A_998 = arith.constant 160 : i32
    %dma_start3A_999 = tpu.memref_slice %arg5[%dma_start3A_998] : memref<1024xi32, #tpu.memory_space<vmem>> -> memref<32xi32, #tpu.memory_space<vmem>>
    %dma_start3A_1000 = arith.constant 0 : i32
    %dma_start3A_1001 = arith.constant 0 : i32
    %dma_start3A_1002 = tpu.memref_slice %arg2[%dma_start3A_1000, %dma_start3A_1001] : memref<8192x1024xf32, #tpu.memory_space<hbm>> -> memref<8192x1024xf32, #tpu.memory_space<hbm>>
    tpu.enqueue_indirect_dma source(%dma_start3A_1002 : memref<8192x1024xf32, #tpu.memory_space<hbm>>) target(%dma_start3A_997 : memref<32x1024xf32, #tpu.memory_space<vmem>>) offsets(%dma_start3A_999 : memref<32xi32, #tpu.memory_space<vmem>>) semaphore(%arg7 : memref<!tpu.dma_semaphore, #tpu.memory_space<semaphore_mem>>)
    %dma_wait3A_1003 = arith.constant 0 : i32
    %dma_wait3A_1004 = arith.constant 0 : i32
    %dma_wait3A_1005 = arith.constant 0 : i32
    %dma_wait3A_1006 = tpu.memref_slice %arg6[%dma_wait3A_1003, %dma_wait3A_1004, %dma_wait3A_1005] : memref<3x32x1024xf32, #tpu.memory_space<vmem>> -> memref<1x32x1024xf32, #tpu.memory_space<vmem>>
    %dma_wait3A_1007 = tpu.memref_squeeze %dma_wait3A_1006 : memref<1x32x1024xf32, #tpu.memory_space<vmem>> -> memref<32x1024xf32, #tpu.memory_space<vmem>>
    %dma_wait3A_1008 = arith.constant 96 : i32
    %dma_wait3A_1009 = tpu.memref_slice %arg5[%dma_wait3A_1008] : memref<1024xi32, #tpu.memory_space<vmem>> -> memref<32xi32, #tpu.memory_space<vmem>>
    %dma_wait3A_1010 = arith.constant 0 : i32
    %dma_wait3A_1011 = arith.constant 0 : i32
    %dma_wait3A_1012 = tpu.memref_slice %arg2[%dma_wait3A_1010, %dma_wait3A_1011] : memref<8192x1024xf32, #tpu.memory_space<hbm>> -> memref<8192x1024xf32, #tpu.memory_space<hbm>>
    tpu.wait_indirect_dma semaphore(%arg7 : memref<!tpu.dma_semaphore, #tpu.memory_space<semaphore_mem>>) src(%dma_wait3A_1012 : memref<8192x1024xf32, #tpu.memory_space<hbm>>) dst(%dma_wait3A_1007 : memref<32x1024xf32, #tpu.memory_space<vmem>>)
    %add3A_1013 = arith.constant 96 : i32
    %add3A_1014 = arith.addi %mul3A_2, %add3A_1013 : i32
    %dma_start3A_1015 = arith.constant 0 : i32
    %dma_start3A_1016 = arith.constant 0 : i32
    %dma_start3A_1017 = arith.constant 0 : i32
    %dma_start3A_1018 = tpu.memref_slice %arg6[%dma_start3A_1015, %dma_start3A_1016, %dma_start3A_1017] : memref<3x32x1024xf32, #tpu.memory_space<vmem>> -> memref<1x32x1024xf32, #tpu.memory_space<vmem>>
    %dma_start3A_1019 = tpu.memref_squeeze %dma_start3A_1018 : memref<1x32x1024xf32, #tpu.memory_space<vmem>> -> memref<32x1024xf32, #tpu.memory_space<vmem>>
    %dma_start3A_1020 = arith.constant 0 : i32
    %dma_start3A_1021 = tpu.memref_slice %arg4[%add3A_1014, %dma_start3A_1020] : memref<32768x1024xf32, #tpu.memory_space<hbm>> -> memref<32x1024xf32, #tpu.memory_space<hbm>>
    %dma_start3A_1022 = arith.constant 0 : i32
    %dma_start3A_1023 = tpu.memref_slice %arg4[%add3A_1014, %dma_start3A_1022] : memref<32768x1024xf32, #tpu.memory_space<hbm>> -> memref<32x1024xf32, #tpu.memory_space<hbm>>
    %dma_start3A_1024 = arith.constant 0 : i32
    %dma_start3A_1025 = arith.constant 0 : i32
    %dma_start3A_1026 = tpu.memref_slice %arg6[%dma_start3A_1015, %dma_start3A_1024, %dma_start3A_1025] : memref<3x32x1024xf32, #tpu.memory_space<vmem>> -> memref<1x32x1024xf32, #tpu.memory_space<vmem>>
    %dma_start3A_1027 = tpu.memref_squeeze %dma_start3A_1026 : memref<1x32x1024xf32, #tpu.memory_space<vmem>> -> memref<32x1024xf32, #tpu.memory_space<vmem>>
    tpu.enqueue_dma source(%dma_start3A_1027 : memref<32x1024xf32, #tpu.memory_space<vmem>>) target(%dma_start3A_1023 : memref<32x1024xf32, #tpu.memory_space<hbm>>) target_semaphore(%arg8 : memref<!tpu.dma_semaphore, #tpu.memory_space<semaphore_mem>>)
    %dma_wait3A_1028 = arith.constant 0 : i32
    %dma_wait3A_1029 = arith.constant 0 : i32
    %dma_wait3A_1030 = arith.constant 0 : i32
    %dma_wait3A_1031 = tpu.memref_slice %arg6[%dma_wait3A_1028, %dma_wait3A_1029, %dma_wait3A_1030] : memref<3x32x1024xf32, #tpu.memory_space<vmem>> -> memref<1x32x1024xf32, #tpu.memory_space<vmem>>
    %dma_wait3A_1032 = tpu.memref_squeeze %dma_wait3A_1031 : memref<1x32x1024xf32, #tpu.memory_space<vmem>> -> memref<32x1024xf32, #tpu.memory_space<vmem>>
    %dma_wait3A_1033 = arith.constant 0 : i32
    %dma_wait3A_1034 = tpu.memref_slice %arg4[%add3A_1014, %dma_wait3A_1033] : memref<32768x1024xf32, #tpu.memory_space<hbm>> -> memref<32x1024xf32, #tpu.memory_space<hbm>>
    %dma_wait3A_1035 = arith.constant 0 : i32
    %dma_wait3A_1036 = tpu.memref_slice %arg4[%add3A_1014, %dma_wait3A_1035] : memref<32768x1024xf32, #tpu.memory_space<hbm>> -> memref<32x1024xf32, #tpu.memory_space<hbm>>
    %dma_wait3A_1037 = arith.constant 0 : i32
    %dma_wait3A_1038 = arith.constant 0 : i32
    %dma_wait3A_1039 = tpu.memref_slice %arg6[%dma_wait3A_1028, %dma_wait3A_1037, %dma_wait3A_1038] : memref<3x32x1024xf32, #tpu.memory_space<vmem>> -> memref<1x32x1024xf32, #tpu.memory_space<vmem>>
    %dma_wait3A_1040 = tpu.memref_squeeze %dma_wait3A_1039 : memref<1x32x1024xf32, #tpu.memory_space<vmem>> -> memref<32x1024xf32, #tpu.memory_space<vmem>>
    tpu.wait_dma2 semaphore(%arg8 : memref<!tpu.dma_semaphore, #tpu.memory_space<semaphore_mem>>) src(%dma_wait3A_1040 : memref<32x1024xf32, #tpu.memory_space<vmem>>) dst(%dma_wait3A_1036 : memref<32x1024xf32, #tpu.memory_space<hbm>>)
    %dma_start3A_1041 = arith.constant 0 : i32
    %dma_start3A_1042 = arith.constant 0 : i32
    %dma_start3A_1043 = arith.constant 0 : i32
    %dma_start3A_1044 = tpu.memref_slice %arg6[%dma_start3A_1041, %dma_start3A_1042, %dma_start3A_1043] : memref<3x32x1024xf32, #tpu.memory_space<vmem>> -> memref<1x32x1024xf32, #tpu.memory_space<vmem>>
    %dma_start3A_1045 = tpu.memref_squeeze %dma_start3A_1044 : memref<1x32x1024xf32, #tpu.memory_space<vmem>> -> memref<32x1024xf32, #tpu.memory_space<vmem>>
    %dma_start3A_1046 = arith.constant 192 : i32
    %dma_start3A_1047 = tpu.memref_slice %arg5[%dma_start3A_1046] : memref<1024xi32, #tpu.memory_space<vmem>> -> memref<32xi32, #tpu.memory_space<vmem>>
    %dma_start3A_1048 = arith.constant 0 : i32
    %dma_start3A_1049 = arith.constant 0 : i32
    %dma_start3A_1050 = tpu.memref_slice %arg2[%dma_start3A_1048, %dma_start3A_1049] : memref<8192x1024xf32, #tpu.memory_space<hbm>> -> memref<8192x1024xf32, #tpu.memory_space<hbm>>
    tpu.enqueue_indirect_dma source(%dma_start3A_1050 : memref<8192x1024xf32, #tpu.memory_space<hbm>>) target(%dma_start3A_1045 : memref<32x1024xf32, #tpu.memory_space<vmem>>) offsets(%dma_start3A_1047 : memref<32xi32, #tpu.memory_space<vmem>>) semaphore(%arg7 : memref<!tpu.dma_semaphore, #tpu.memory_space<semaphore_mem>>)
    %dma_wait3A_1051 = arith.constant 1 : i32
    %dma_wait3A_1052 = arith.constant 0 : i32
    %dma_wait3A_1053 = arith.constant 0 : i32
    %dma_wait3A_1054 = tpu.memref_slice %arg6[%dma_wait3A_1051, %dma_wait3A_1052, %dma_wait3A_1053] : memref<3x32x1024xf32, #tpu.memory_space<vmem>> -> memref<1x32x1024xf32, #tpu.memory_space<vmem>>
    %dma_wait3A_1055 = tpu.memref_squeeze %dma_wait3A_1054 : memref<1x32x1024xf32, #tpu.memory_space<vmem>> -> memref<32x1024xf32, #tpu.memory_space<vmem>>
    %dma_wait3A_1056 = arith.constant 128 : i32
    %dma_wait3A_1057 = tpu.memref_slice %arg5[%dma_wait3A_1056] : memref<1024xi32, #tpu.memory_space<vmem>> -> memref<32xi32, #tpu.memory_space<vmem>>
    %dma_wait3A_1058 = arith.constant 0 : i32
    %dma_wait3A_1059 = arith.constant 0 : i32
    %dma_wait3A_1060 = tpu.memref_slice %arg2[%dma_wait3A_1058, %dma_wait3A_1059] : memref<8192x1024xf32, #tpu.memory_space<hbm>> -> memref<8192x1024xf32, #tpu.memory_space<hbm>>
    tpu.wait_indirect_dma semaphore(%arg7 : memref<!tpu.dma_semaphore, #tpu.memory_space<semaphore_mem>>) src(%dma_wait3A_1060 : memref<8192x1024xf32, #tpu.memory_space<hbm>>) dst(%dma_wait3A_1055 : memref<32x1024xf32, #tpu.memory_space<vmem>>)
    %add3A_1061 = arith.constant 128 : i32
    %add3A_1062 = arith.addi %mul3A_2, %add3A_1061 : i32
    %dma_start3A_1063 = arith.constant 1 : i32
    %dma_start3A_1064 = arith.constant 0 : i32
    %dma_start3A_1065 = arith.constant 0 : i32
    %dma_start3A_1066 = tpu.memref_slice %arg6[%dma_start3A_1063, %dma_start3A_1064, %dma_start3A_1065] : memref<3x32x1024xf32, #tpu.memory_space<vmem>> -> memref<1x32x1024xf32, #tpu.memory_space<vmem>>
    %dma_start3A_1067 = tpu.memref_squeeze %dma_start3A_1066 : memref<1x32x1024xf32, #tpu.memory_space<vmem>> -> memref<32x1024xf32, #tpu.memory_space<vmem>>
    %dma_start3A_1068 = arith.constant 0 : i32
    %dma_start3A_1069 = tpu.memref_slice %arg4[%add3A_1062, %dma_start3A_1068] : memref<32768x1024xf32, #tpu.memory_space<hbm>> -> memref<32x1024xf32, #tpu.memory_space<hbm>>
    %dma_start3A_1070 = arith.constant 0 : i32
    %dma_start3A_1071 = tpu.memref_slice %arg4[%add3A_1062, %dma_start3A_1070] : memref<32768x1024xf32, #tpu.memory_space<hbm>> -> memref<32x1024xf32, #tpu.memory_space<hbm>>
    %dma_start3A_1072 = arith.constant 0 : i32
    %dma_start3A_1073 = arith.constant 0 : i32
    %dma_start3A_1074 = tpu.memref_slice %arg6[%dma_start3A_1063, %dma_start3A_1072, %dma_start3A_1073] : memref<3x32x1024xf32, #tpu.memory_space<vmem>> -> memref<1x32x1024xf32, #tpu.memory_space<vmem>>
    %dma_start3A_1075 = tpu.memref_squeeze %dma_start3A_1074 : memref<1x32x1024xf32, #tpu.memory_space<vmem>> -> memref<32x1024xf32, #tpu.memory_space<vmem>>
    tpu.enqueue_dma source(%dma_start3A_1075 : memref<32x1024xf32, #tpu.memory_space<vmem>>) target(%dma_start3A_1071 : memref<32x1024xf32, #tpu.memory_space<hbm>>) target_semaphore(%arg8 : memref<!tpu.dma_semaphore, #tpu.memory_space<semaphore_mem>>)
    %dma_wait3A_1076 = arith.constant 1 : i32
    %dma_wait3A_1077 = arith.constant 0 : i32
    %dma_wait3A_1078 = arith.constant 0 : i32
    %dma_wait3A_1079 = tpu.memref_slice %arg6[%dma_wait3A_1076, %dma_wait3A_1077, %dma_wait3A_1078] : memref<3x32x1024xf32, #tpu.memory_space<vmem>> -> memref<1x32x1024xf32, #tpu.memory_space<vmem>>
    %dma_wait3A_1080 = tpu.memref_squeeze %dma_wait3A_1079 : memref<1x32x1024xf32, #tpu.memory_space<vmem>> -> memref<32x1024xf32, #tpu.memory_space<vmem>>
    %dma_wait3A_1081 = arith.constant 0 : i32
    %dma_wait3A_1082 = tpu.memref_slice %arg4[%add3A_1062, %dma_wait3A_1081] : memref<32768x1024xf32, #tpu.memory_space<hbm>> -> memref<32x1024xf32, #tpu.memory_space<hbm>>
    %dma_wait3A_1083 = arith.constant 0 : i32
    %dma_wait3A_1084 = tpu.memref_slice %arg4[%add3A_1062, %dma_wait3A_1083] : memref<32768x1024xf32, #tpu.memory_space<hbm>> -> memref<32x1024xf32, #tpu.memory_space<hbm>>
    %dma_wait3A_1085 = arith.constant 0 : i32
    %dma_wait3A_1086 = arith.constant 0 : i32
    %dma_wait3A_1087 = tpu.memref_slice %arg6[%dma_wait3A_1076, %dma_wait3A_1085, %dma_wait3A_1086] : memref<3x32x1024xf32, #tpu.memory_space<vmem>> -> memref<1x32x1024xf32, #tpu.memory_space<vmem>>
    %dma_wait3A_1088 = tpu.memref_squeeze %dma_wait3A_1087 : memref<1x32x1024xf32, #tpu.memory_space<vmem>> -> memref<32x1024xf32, #tpu.memory_space<vmem>>
    tpu.wait_dma2 semaphore(%arg8 : memref<!tpu.dma_semaphore, #tpu.memory_space<semaphore_mem>>) src(%dma_wait3A_1088 : memref<32x1024xf32, #tpu.memory_space<vmem>>) dst(%dma_wait3A_1084 : memref<32x1024xf32, #tpu.memory_space<hbm>>)
    %dma_start3A_1089 = arith.constant 1 : i32
    %dma_start3A_1090 = arith.constant 0 : i32
    %dma_start3A_1091 = arith.constant 0 : i32
    %dma_start3A_1092 = tpu.memref_slice %arg6[%dma_start3A_1089, %dma_start3A_1090, %dma_start3A_1091] : memref<3x32x1024xf32, #tpu.memory_space<vmem>> -> memref<1x32x1024xf32, #tpu.memory_space<vmem>>
    %dma_start3A_1093 = tpu.memref_squeeze %dma_start3A_1092 : memref<1x32x1024xf32, #tpu.memory_space<vmem>> -> memref<32x1024xf32, #tpu.memory_space<vmem>>
    %dma_start3A_1094 = arith.constant 224 : i32
    %dma_start3A_1095 = tpu.memref_slice %arg5[%dma_start3A_1094] : memref<1024xi32, #tpu.memory_space<vmem>> -> memref<32xi32, #tpu.memory_space<vmem>>
    %dma_start3A_1096 = arith.constant 0 : i32
    %dma_start3A_1097 = arith.constant 0 : i32
    %dma_start3A_1098 = tpu.memref_slice %arg2[%dma_start3A_1096, %dma_start3A_1097] : memref<8192x1024xf32, #tpu.memory_space<hbm>> -> memref<8192x1024xf32, #tpu.memory_space<hbm>>
    tpu.enqueue_indirect_dma source(%dma_start3A_1098 : memref<8192x1024xf32, #tpu.memory_space<hbm>>) target(%dma_start3A_1093 : memref<32x1024xf32, #tpu.memory_space<vmem>>) offsets(%dma_start3A_1095 : memref<32xi32, #tpu.memory_space<vmem>>) semaphore(%arg7 : memref<!tpu.dma_semaphore, #tpu.memory_space<semaphore_mem>>)
    %dma_wait3A_1099 = arith.constant 2 : i32
    %dma_wait3A_1100 = arith.constant 0 : i32
    %dma_wait3A_1101 = arith.constant 0 : i32
    %dma_wait3A_1102 = tpu.memref_slice %arg6[%dma_wait3A_1099, %dma_wait3A_1100, %dma_wait3A_1101] : memref<3x32x1024xf32, #tpu.memory_space<vmem>> -> memref<1x32x1024xf32, #tpu.memory_space<vmem>>
    %dma_wait3A_1103 = tpu.memref_squeeze %dma_wait3A_1102 : memref<1x32x1024xf32, #tpu.memory_space<vmem>> -> memref<32x1024xf32, #tpu.memory_space<vmem>>
    %dma_wait3A_1104 = arith.constant 160 : i32
    %dma_wait3A_1105 = tpu.memref_slice %arg5[%dma_wait3A_1104] : memref<1024xi32, #tpu.memory_space<vmem>> -> memref<32xi32, #tpu.memory_space<vmem>>
    %dma_wait3A_1106 = arith.constant 0 : i32
    %dma_wait3A_1107 = arith.constant 0 : i32
    %dma_wait3A_1108 = tpu.memref_slice %arg2[%dma_wait3A_1106, %dma_wait3A_1107] : memref<8192x1024xf32, #tpu.memory_space<hbm>> -> memref<8192x1024xf32, #tpu.memory_space<hbm>>
    tpu.wait_indirect_dma semaphore(%arg7 : memref<!tpu.dma_semaphore, #tpu.memory_space<semaphore_mem>>) src(%dma_wait3A_1108 : memref<8192x1024xf32, #tpu.memory_space<hbm>>) dst(%dma_wait3A_1103 : memref<32x1024xf32, #tpu.memory_space<vmem>>)
    %add3A_1109 = arith.constant 160 : i32
    %add3A_1110 = arith.addi %mul3A_2, %add3A_1109 : i32
    %dma_start3A_1111 = arith.constant 2 : i32
    %dma_start3A_1112 = arith.constant 0 : i32
    %dma_start3A_1113 = arith.constant 0 : i32
    %dma_start3A_1114 = tpu.memref_slice %arg6[%dma_start3A_1111, %dma_start3A_1112, %dma_start3A_1113] : memref<3x32x1024xf32, #tpu.memory_space<vmem>> -> memref<1x32x1024xf32, #tpu.memory_space<vmem>>
    %dma_start3A_1115 = tpu.memref_squeeze %dma_start3A_1114 : memref<1x32x1024xf32, #tpu.memory_space<vmem>> -> memref<32x1024xf32, #tpu.memory_space<vmem>>
    %dma_start3A_1116 = arith.constant 0 : i32
    %dma_start3A_1117 = tpu.memref_slice %arg4[%add3A_1110, %dma_start3A_1116] : memref<32768x1024xf32, #tpu.memory_space<hbm>> -> memref<32x1024xf32, #tpu.memory_space<hbm>>
    %dma_start3A_1118 = arith.constant 0 : i32
    %dma_start3A_1119 = tpu.memref_slice %arg4[%add3A_1110, %dma_start3A_1118] : memref<32768x1024xf32, #tpu.memory_space<hbm>> -> memref<32x1024xf32, #tpu.memory_space<hbm>>
    %dma_start3A_1120 = arith.constant 0 : i32
    %dma_start3A_1121 = arith.constant 0 : i32
    %dma_start3A_1122 = tpu.memref_slice %arg6[%dma_start3A_1111, %dma_start3A_1120, %dma_start3A_1121] : memref<3x32x1024xf32, #tpu.memory_space<vmem>> -> memref<1x32x1024xf32, #tpu.memory_space<vmem>>
    %dma_start3A_1123 = tpu.memref_squeeze %dma_start3A_1122 : memref<1x32x1024xf32, #tpu.memory_space<vmem>> -> memref<32x1024xf32, #tpu.memory_space<vmem>>
    tpu.enqueue_dma source(%dma_start3A_1123 : memref<32x1024xf32, #tpu.memory_space<vmem>>) target(%dma_start3A_1119 : memref<32x1024xf32, #tpu.memory_space<hbm>>) target_semaphore(%arg8 : memref<!tpu.dma_semaphore, #tpu.memory_space<semaphore_mem>>)
    %dma_wait3A_1124 = arith.constant 2 : i32
    %dma_wait3A_1125 = arith.constant 0 : i32
    %dma_wait3A_1126 = arith.constant 0 : i32
    %dma_wait3A_1127 = tpu.memref_slice %arg6[%dma_wait3A_1124, %dma_wait3A_1125, %dma_wait3A_1126] : memref<3x32x1024xf32, #tpu.memory_space<vmem>> -> memref<1x32x1024xf32, #tpu.memory_space<vmem>>
    %dma_wait3A_1128 = tpu.memref_squeeze %dma_wait3A_1127 : memref<1x32x1024xf32, #tpu.memory_space<vmem>> -> memref<32x1024xf32, #tpu.memory_space<vmem>>
    %dma_wait3A_1129 = arith.constant 0 : i32
    %dma_wait3A_1130 = tpu.memref_slice %arg4[%add3A_1110, %dma_wait3A_1129] : memref<32768x1024xf32, #tpu.memory_space<hbm>> -> memref<32x1024xf32, #tpu.memory_space<hbm>>
    %dma_wait3A_1131 = arith.constant 0 : i32
    %dma_wait3A_1132 = tpu.memref_slice %arg4[%add3A_1110, %dma_wait3A_1131] : memref<32768x1024xf32, #tpu.memory_space<hbm>> -> memref<32x1024xf32, #tpu.memory_space<hbm>>
    %dma_wait3A_1133 = arith.constant 0 : i32
    %dma_wait3A_1134 = arith.constant 0 : i32
    %dma_wait3A_1135 = tpu.memref_slice %arg6[%dma_wait3A_1124, %dma_wait3A_1133, %dma_wait3A_1134] : memref<3x32x1024xf32, #tpu.memory_space<vmem>> -> memref<1x32x1024xf32, #tpu.memory_space<vmem>>
    %dma_wait3A_1136 = tpu.memref_squeeze %dma_wait3A_1135 : memref<1x32x1024xf32, #tpu.memory_space<vmem>> -> memref<32x1024xf32, #tpu.memory_space<vmem>>
    tpu.wait_dma2 semaphore(%arg8 : memref<!tpu.dma_semaphore, #tpu.memory_space<semaphore_mem>>) src(%dma_wait3A_1136 : memref<32x1024xf32, #tpu.memory_space<vmem>>) dst(%dma_wait3A_1132 : memref<32x1024xf32, #tpu.memory_space<hbm>>)
    %dma_start3A_1137 = arith.constant 2 : i32
    %dma_start3A_1138 = arith.constant 0 : i32
    %dma_start3A_1139 = arith.constant 0 : i32
    %dma_start3A_1140 = tpu.memref_slice %arg6[%dma_start3A_1137, %dma_start3A_1138, %dma_start3A_1139] : memref<3x32x1024xf32, #tpu.memory_space<vmem>> -> memref<1x32x1024xf32, #tpu.memory_space<vmem>>
    %dma_start3A_1141 = tpu.memref_squeeze %dma_start3A_1140 : memref<1x32x1024xf32, #tpu.memory_space<vmem>> -> memref<32x1024xf32, #tpu.memory_space<vmem>>
    %dma_start3A_1142 = arith.constant 256 : i32
    %dma_start3A_1143 = tpu.memref_slice %arg5[%dma_start3A_1142] : memref<1024xi32, #tpu.memory_space<vmem>> -> memref<32xi32, #tpu.memory_space<vmem>>
    %dma_start3A_1144 = arith.constant 0 : i32
    %dma_start3A_1145 = arith.constant 0 : i32
    %dma_start3A_1146 = tpu.memref_slice %arg2[%dma_start3A_1144, %dma_start3A_1145] : memref<8192x1024xf32, #tpu.memory_space<hbm>> -> memref<8192x1024xf32, #tpu.memory_space<hbm>>
    tpu.enqueue_indirect_dma source(%dma_start3A_1146 : memref<8192x1024xf32, #tpu.memory_space<hbm>>) target(%dma_start3A_1141 : memref<32x1024xf32, #tpu.memory_space<vmem>>) offsets(%dma_start3A_1143 : memref<32xi32, #tpu.memory_space<vmem>>) semaphore(%arg7 : memref<!tpu.dma_semaphore, #tpu.memory_space<semaphore_mem>>)
    %dma_wait3A_1147 = arith.constant 0 : i32
    %dma_wait3A_1148 = arith.constant 0 : i32
    %dma_wait3A_1149 = arith.constant 0 : i32
    %dma_wait3A_1150 = tpu.memref_slice %arg6[%dma_wait3A_1147, %dma_wait3A_1148, %dma_wait3A_1149] : memref<3x32x1024xf32, #tpu.memory_space<vmem>> -> memref<1x32x1024xf32, #tpu.memory_space<vmem>>
    %dma_wait3A_1151 = tpu.memref_squeeze %dma_wait3A_1150 : memref<1x32x1024xf32, #tpu.memory_space<vmem>> -> memref<32x1024xf32, #tpu.memory_space<vmem>>
    %dma_wait3A_1152 = arith.constant 192 : i32
    %dma_wait3A_1153 = tpu.memref_slice %arg5[%dma_wait3A_1152] : memref<1024xi32, #tpu.memory_space<vmem>> -> memref<32xi32, #tpu.memory_space<vmem>>
    %dma_wait3A_1154 = arith.constant 0 : i32
    %dma_wait3A_1155 = arith.constant 0 : i32
    %dma_wait3A_1156 = tpu.memref_slice %arg2[%dma_wait3A_1154, %dma_wait3A_1155] : memref<8192x1024xf32, #tpu.memory_space<hbm>> -> memref<8192x1024xf32, #tpu.memory_space<hbm>>
    tpu.wait_indirect_dma semaphore(%arg7 : memref<!tpu.dma_semaphore, #tpu.memory_space<semaphore_mem>>) src(%dma_wait3A_1156 : memref<8192x1024xf32, #tpu.memory_space<hbm>>) dst(%dma_wait3A_1151 : memref<32x1024xf32, #tpu.memory_space<vmem>>)
    %add3A_1157 = arith.constant 192 : i32
    %add3A_1158 = arith.addi %mul3A_2, %add3A_1157 : i32
    %dma_start3A_1159 = arith.constant 0 : i32
    %dma_start3A_1160 = arith.constant 0 : i32
    %dma_start3A_1161 = arith.constant 0 : i32
    %dma_start3A_1162 = tpu.memref_slice %arg6[%dma_start3A_1159, %dma_start3A_1160, %dma_start3A_1161] : memref<3x32x1024xf32, #tpu.memory_space<vmem>> -> memref<1x32x1024xf32, #tpu.memory_space<vmem>>
    %dma_start3A_1163 = tpu.memref_squeeze %dma_start3A_1162 : memref<1x32x1024xf32, #tpu.memory_space<vmem>> -> memref<32x1024xf32, #tpu.memory_space<vmem>>
    %dma_start3A_1164 = arith.constant 0 : i32
    %dma_start3A_1165 = tpu.memref_slice %arg4[%add3A_1158, %dma_start3A_1164] : memref<32768x1024xf32, #tpu.memory_space<hbm>> -> memref<32x1024xf32, #tpu.memory_space<hbm>>
    %dma_start3A_1166 = arith.constant 0 : i32
    %dma_start3A_1167 = tpu.memref_slice %arg4[%add3A_1158, %dma_start3A_1166] : memref<32768x1024xf32, #tpu.memory_space<hbm>> -> memref<32x1024xf32, #tpu.memory_space<hbm>>
    %dma_start3A_1168 = arith.constant 0 : i32
    %dma_start3A_1169 = arith.constant 0 : i32
    %dma_start3A_1170 = tpu.memref_slice %arg6[%dma_start3A_1159, %dma_start3A_1168, %dma_start3A_1169] : memref<3x32x1024xf32, #tpu.memory_space<vmem>> -> memref<1x32x1024xf32, #tpu.memory_space<vmem>>
    %dma_start3A_1171 = tpu.memref_squeeze %dma_start3A_1170 : memref<1x32x1024xf32, #tpu.memory_space<vmem>> -> memref<32x1024xf32, #tpu.memory_space<vmem>>
    tpu.enqueue_dma source(%dma_start3A_1171 : memref<32x1024xf32, #tpu.memory_space<vmem>>) target(%dma_start3A_1167 : memref<32x1024xf32, #tpu.memory_space<hbm>>) target_semaphore(%arg8 : memref<!tpu.dma_semaphore, #tpu.memory_space<semaphore_mem>>)
    %dma_wait3A_1172 = arith.constant 0 : i32
    %dma_wait3A_1173 = arith.constant 0 : i32
    %dma_wait3A_1174 = arith.constant 0 : i32
    %dma_wait3A_1175 = tpu.memref_slice %arg6[%dma_wait3A_1172, %dma_wait3A_1173, %dma_wait3A_1174] : memref<3x32x1024xf32, #tpu.memory_space<vmem>> -> memref<1x32x1024xf32, #tpu.memory_space<vmem>>
    %dma_wait3A_1176 = tpu.memref_squeeze %dma_wait3A_1175 : memref<1x32x1024xf32, #tpu.memory_space<vmem>> -> memref<32x1024xf32, #tpu.memory_space<vmem>>
    %dma_wait3A_1177 = arith.constant 0 : i32
    %dma_wait3A_1178 = tpu.memref_slice %arg4[%add3A_1158, %dma_wait3A_1177] : memref<32768x1024xf32, #tpu.memory_space<hbm>> -> memref<32x1024xf32, #tpu.memory_space<hbm>>
    %dma_wait3A_1179 = arith.constant 0 : i32
    %dma_wait3A_1180 = tpu.memref_slice %arg4[%add3A_1158, %dma_wait3A_1179] : memref<32768x1024xf32, #tpu.memory_space<hbm>> -> memref<32x1024xf32, #tpu.memory_space<hbm>>
    %dma_wait3A_1181 = arith.constant 0 : i32
    %dma_wait3A_1182 = arith.constant 0 : i32
    %dma_wait3A_1183 = tpu.memref_slice %arg6[%dma_wait3A_1172, %dma_wait3A_1181, %dma_wait3A_1182] : memref<3x32x1024xf32, #tpu.memory_space<vmem>> -> memref<1x32x1024xf32, #tpu.memory_space<vmem>>
    %dma_wait3A_1184 = tpu.memref_squeeze %dma_wait3A_1183 : memref<1x32x1024xf32, #tpu.memory_space<vmem>> -> memref<32x1024xf32, #tpu.memory_space<vmem>>
    tpu.wait_dma2 semaphore(%arg8 : memref<!tpu.dma_semaphore, #tpu.memory_space<semaphore_mem>>) src(%dma_wait3A_1184 : memref<32x1024xf32, #tpu.memory_space<vmem>>) dst(%dma_wait3A_1180 : memref<32x1024xf32, #tpu.memory_space<hbm>>)
    %dma_start3A_1185 = arith.constant 0 : i32
    %dma_start3A_1186 = arith.constant 0 : i32
    %dma_start3A_1187 = arith.constant 0 : i32
    %dma_start3A_1188 = tpu.memref_slice %arg6[%dma_start3A_1185, %dma_start3A_1186, %dma_start3A_1187] : memref<3x32x1024xf32, #tpu.memory_space<vmem>> -> memref<1x32x1024xf32, #tpu.memory_space<vmem>>
    %dma_start3A_1189 = tpu.memref_squeeze %dma_start3A_1188 : memref<1x32x1024xf32, #tpu.memory_space<vmem>> -> memref<32x1024xf32, #tpu.memory_space<vmem>>
    %dma_start3A_1190 = arith.constant 288 : i32
    %dma_start3A_1191 = tpu.memref_slice %arg5[%dma_start3A_1190] : memref<1024xi32, #tpu.memory_space<vmem>> -> memref<32xi32, #tpu.memory_space<vmem>>
    %dma_start3A_1192 = arith.constant 0 : i32
    %dma_start3A_1193 = arith.constant 0 : i32
    %dma_start3A_1194 = tpu.memref_slice %arg2[%dma_start3A_1192, %dma_start3A_1193] : memref<8192x1024xf32, #tpu.memory_space<hbm>> -> memref<8192x1024xf32, #tpu.memory_space<hbm>>
    tpu.enqueue_indirect_dma source(%dma_start3A_1194 : memref<8192x1024xf32, #tpu.memory_space<hbm>>) target(%dma_start3A_1189 : memref<32x1024xf32, #tpu.memory_space<vmem>>) offsets(%dma_start3A_1191 : memref<32xi32, #tpu.memory_space<vmem>>) semaphore(%arg7 : memref<!tpu.dma_semaphore, #tpu.memory_space<semaphore_mem>>)
    %dma_wait3A_1195 = arith.constant 1 : i32
    %dma_wait3A_1196 = arith.constant 0 : i32
    %dma_wait3A_1197 = arith.constant 0 : i32
    %dma_wait3A_1198 = tpu.memref_slice %arg6[%dma_wait3A_1195, %dma_wait3A_1196, %dma_wait3A_1197] : memref<3x32x1024xf32, #tpu.memory_space<vmem>> -> memref<1x32x1024xf32, #tpu.memory_space<vmem>>
    %dma_wait3A_1199 = tpu.memref_squeeze %dma_wait3A_1198 : memref<1x32x1024xf32, #tpu.memory_space<vmem>> -> memref<32x1024xf32, #tpu.memory_space<vmem>>
    %dma_wait3A_1200 = arith.constant 224 : i32
    %dma_wait3A_1201 = tpu.memref_slice %arg5[%dma_wait3A_1200] : memref<1024xi32, #tpu.memory_space<vmem>> -> memref<32xi32, #tpu.memory_space<vmem>>
    %dma_wait3A_1202 = arith.constant 0 : i32
    %dma_wait3A_1203 = arith.constant 0 : i32
    %dma_wait3A_1204 = tpu.memref_slice %arg2[%dma_wait3A_1202, %dma_wait3A_1203] : memref<8192x1024xf32, #tpu.memory_space<hbm>> -> memref<8192x1024xf32, #tpu.memory_space<hbm>>
    tpu.wait_indirect_dma semaphore(%arg7 : memref<!tpu.dma_semaphore, #tpu.memory_space<semaphore_mem>>) src(%dma_wait3A_1204 : memref<8192x1024xf32, #tpu.memory_space<hbm>>) dst(%dma_wait3A_1199 : memref<32x1024xf32, #tpu.memory_space<vmem>>)
    %add3A_1205 = arith.constant 224 : i32
    %add3A_1206 = arith.addi %mul3A_2, %add3A_1205 : i32
    %dma_start3A_1207 = arith.constant 1 : i32
    %dma_start3A_1208 = arith.constant 0 : i32
    %dma_start3A_1209 = arith.constant 0 : i32
    %dma_start3A_1210 = tpu.memref_slice %arg6[%dma_start3A_1207, %dma_start3A_1208, %dma_start3A_1209] : memref<3x32x1024xf32, #tpu.memory_space<vmem>> -> memref<1x32x1024xf32, #tpu.memory_space<vmem>>
    %dma_start3A_1211 = tpu.memref_squeeze %dma_start3A_1210 : memref<1x32x1024xf32, #tpu.memory_space<vmem>> -> memref<32x1024xf32, #tpu.memory_space<vmem>>
    %dma_start3A_1212 = arith.constant 0 : i32
    %dma_start3A_1213 = tpu.memref_slice %arg4[%add3A_1206, %dma_start3A_1212] : memref<32768x1024xf32, #tpu.memory_space<hbm>> -> memref<32x1024xf32, #tpu.memory_space<hbm>>
    %dma_start3A_1214 = arith.constant 0 : i32
    %dma_start3A_1215 = tpu.memref_slice %arg4[%add3A_1206, %dma_start3A_1214] : memref<32768x1024xf32, #tpu.memory_space<hbm>> -> memref<32x1024xf32, #tpu.memory_space<hbm>>
    %dma_start3A_1216 = arith.constant 0 : i32
    %dma_start3A_1217 = arith.constant 0 : i32
    %dma_start3A_1218 = tpu.memref_slice %arg6[%dma_start3A_1207, %dma_start3A_1216, %dma_start3A_1217] : memref<3x32x1024xf32, #tpu.memory_space<vmem>> -> memref<1x32x1024xf32, #tpu.memory_space<vmem>>
    %dma_start3A_1219 = tpu.memref_squeeze %dma_start3A_1218 : memref<1x32x1024xf32, #tpu.memory_space<vmem>> -> memref<32x1024xf32, #tpu.memory_space<vmem>>
    tpu.enqueue_dma source(%dma_start3A_1219 : memref<32x1024xf32, #tpu.memory_space<vmem>>) target(%dma_start3A_1215 : memref<32x1024xf32, #tpu.memory_space<hbm>>) target_semaphore(%arg8 : memref<!tpu.dma_semaphore, #tpu.memory_space<semaphore_mem>>)
    %dma_wait3A_1220 = arith.constant 1 : i32
    %dma_wait3A_1221 = arith.constant 0 : i32
    %dma_wait3A_1222 = arith.constant 0 : i32
    %dma_wait3A_1223 = tpu.memref_slice %arg6[%dma_wait3A_1220, %dma_wait3A_1221, %dma_wait3A_1222] : memref<3x32x1024xf32, #tpu.memory_space<vmem>> -> memref<1x32x1024xf32, #tpu.memory_space<vmem>>
    %dma_wait3A_1224 = tpu.memref_squeeze %dma_wait3A_1223 : memref<1x32x1024xf32, #tpu.memory_space<vmem>> -> memref<32x1024xf32, #tpu.memory_space<vmem>>
    %dma_wait3A_1225 = arith.constant 0 : i32
    %dma_wait3A_1226 = tpu.memref_slice %arg4[%add3A_1206, %dma_wait3A_1225] : memref<32768x1024xf32, #tpu.memory_space<hbm>> -> memref<32x1024xf32, #tpu.memory_space<hbm>>
    %dma_wait3A_1227 = arith.constant 0 : i32
    %dma_wait3A_1228 = tpu.memref_slice %arg4[%add3A_1206, %dma_wait3A_1227] : memref<32768x1024xf32, #tpu.memory_space<hbm>> -> memref<32x1024xf32, #tpu.memory_space<hbm>>
    %dma_wait3A_1229 = arith.constant 0 : i32
    %dma_wait3A_1230 = arith.constant 0 : i32
    %dma_wait3A_1231 = tpu.memref_slice %arg6[%dma_wait3A_1220, %dma_wait3A_1229, %dma_wait3A_1230] : memref<3x32x1024xf32, #tpu.memory_space<vmem>> -> memref<1x32x1024xf32, #tpu.memory_space<vmem>>
    %dma_wait3A_1232 = tpu.memref_squeeze %dma_wait3A_1231 : memref<1x32x1024xf32, #tpu.memory_space<vmem>> -> memref<32x1024xf32, #tpu.memory_space<vmem>>
    tpu.wait_dma2 semaphore(%arg8 : memref<!tpu.dma_semaphore, #tpu.memory_space<semaphore_mem>>) src(%dma_wait3A_1232 : memref<32x1024xf32, #tpu.memory_space<vmem>>) dst(%dma_wait3A_1228 : memref<32x1024xf32, #tpu.memory_space<hbm>>)
    %dma_start3A_1233 = arith.constant 1 : i32
    %dma_start3A_1234 = arith.constant 0 : i32
    %dma_start3A_1235 = arith.constant 0 : i32
    %dma_start3A_1236 = tpu.memref_slice %arg6[%dma_start3A_1233, %dma_start3A_1234, %dma_start3A_1235] : memref<3x32x1024xf32, #tpu.memory_space<vmem>> -> memref<1x32x1024xf32, #tpu.memory_space<vmem>>
    %dma_start3A_1237 = tpu.memref_squeeze %dma_start3A_1236 : memref<1x32x1024xf32, #tpu.memory_space<vmem>> -> memref<32x1024xf32, #tpu.memory_space<vmem>>
    %dma_start3A_1238 = arith.constant 320 : i32
    %dma_start3A_1239 = tpu.memref_slice %arg5[%dma_start3A_1238] : memref<1024xi32, #tpu.memory_space<vmem>> -> memref<32xi32, #tpu.memory_space<vmem>>
    %dma_start3A_1240 = arith.constant 0 : i32
    %dma_start3A_1241 = arith.constant 0 : i32
    %dma_start3A_1242 = tpu.memref_slice %arg2[%dma_start3A_1240, %dma_start3A_1241] : memref<8192x1024xf32, #tpu.memory_space<hbm>> -> memref<8192x1024xf32, #tpu.memory_space<hbm>>
    tpu.enqueue_indirect_dma source(%dma_start3A_1242 : memref<8192x1024xf32, #tpu.memory_space<hbm>>) target(%dma_start3A_1237 : memref<32x1024xf32, #tpu.memory_space<vmem>>) offsets(%dma_start3A_1239 : memref<32xi32, #tpu.memory_space<vmem>>) semaphore(%arg7 : memref<!tpu.dma_semaphore, #tpu.memory_space<semaphore_mem>>)
    %dma_wait3A_1243 = arith.constant 2 : i32
    %dma_wait3A_1244 = arith.constant 0 : i32
    %dma_wait3A_1245 = arith.constant 0 : i32
    %dma_wait3A_1246 = tpu.memref_slice %arg6[%dma_wait3A_1243, %dma_wait3A_1244, %dma_wait3A_1245] : memref<3x32x1024xf32, #tpu.memory_space<vmem>> -> memref<1x32x1024xf32, #tpu.memory_space<vmem>>
    %dma_wait3A_1247 = tpu.memref_squeeze %dma_wait3A_1246 : memref<1x32x1024xf32, #tpu.memory_space<vmem>> -> memref<32x1024xf32, #tpu.memory_space<vmem>>
    %dma_wait3A_1248 = arith.constant 256 : i32
    %dma_wait3A_1249 = tpu.memref_slice %arg5[%dma_wait3A_1248] : memref<1024xi32, #tpu.memory_space<vmem>> -> memref<32xi32, #tpu.memory_space<vmem>>
    %dma_wait3A_1250 = arith.constant 0 : i32
    %dma_wait3A_1251 = arith.constant 0 : i32
    %dma_wait3A_1252 = tpu.memref_slice %arg2[%dma_wait3A_1250, %dma_wait3A_1251] : memref<8192x1024xf32, #tpu.memory_space<hbm>> -> memref<8192x1024xf32, #tpu.memory_space<hbm>>
    tpu.wait_indirect_dma semaphore(%arg7 : memref<!tpu.dma_semaphore, #tpu.memory_space<semaphore_mem>>) src(%dma_wait3A_1252 : memref<8192x1024xf32, #tpu.memory_space<hbm>>) dst(%dma_wait3A_1247 : memref<32x1024xf32, #tpu.memory_space<vmem>>)
    %add3A_1253 = arith.constant 256 : i32
    %add3A_1254 = arith.addi %mul3A_2, %add3A_1253 : i32
    %dma_start3A_1255 = arith.constant 2 : i32
    %dma_start3A_1256 = arith.constant 0 : i32
    %dma_start3A_1257 = arith.constant 0 : i32
    %dma_start3A_1258 = tpu.memref_slice %arg6[%dma_start3A_1255, %dma_start3A_1256, %dma_start3A_1257] : memref<3x32x1024xf32, #tpu.memory_space<vmem>> -> memref<1x32x1024xf32, #tpu.memory_space<vmem>>
    %dma_start3A_1259 = tpu.memref_squeeze %dma_start3A_1258 : memref<1x32x1024xf32, #tpu.memory_space<vmem>> -> memref<32x1024xf32, #tpu.memory_space<vmem>>
    %dma_start3A_1260 = arith.constant 0 : i32
    %dma_start3A_1261 = tpu.memref_slice %arg4[%add3A_1254, %dma_start3A_1260] : memref<32768x1024xf32, #tpu.memory_space<hbm>> -> memref<32x1024xf32, #tpu.memory_space<hbm>>
    %dma_start3A_1262 = arith.constant 0 : i32
    %dma_start3A_1263 = tpu.memref_slice %arg4[%add3A_1254, %dma_start3A_1262] : memref<32768x1024xf32, #tpu.memory_space<hbm>> -> memref<32x1024xf32, #tpu.memory_space<hbm>>
    %dma_start3A_1264 = arith.constant 0 : i32
    %dma_start3A_1265 = arith.constant 0 : i32
    %dma_start3A_1266 = tpu.memref_slice %arg6[%dma_start3A_1255, %dma_start3A_1264, %dma_start3A_1265] : memref<3x32x1024xf32, #tpu.memory_space<vmem>> -> memref<1x32x1024xf32, #tpu.memory_space<vmem>>
    %dma_start3A_1267 = tpu.memref_squeeze %dma_start3A_1266 : memref<1x32x1024xf32, #tpu.memory_space<vmem>> -> memref<32x1024xf32, #tpu.memory_space<vmem>>
    tpu.enqueue_dma source(%dma_start3A_1267 : memref<32x1024xf32, #tpu.memory_space<vmem>>) target(%dma_start3A_1263 : memref<32x1024xf32, #tpu.memory_space<hbm>>) target_semaphore(%arg8 : memref<!tpu.dma_semaphore, #tpu.memory_space<semaphore_mem>>)
    %dma_wait3A_1268 = arith.constant 2 : i32
    %dma_wait3A_1269 = arith.constant 0 : i32
    %dma_wait3A_1270 = arith.constant 0 : i32
    %dma_wait3A_1271 = tpu.memref_slice %arg6[%dma_wait3A_1268, %dma_wait3A_1269, %dma_wait3A_1270] : memref<3x32x1024xf32, #tpu.memory_space<vmem>> -> memref<1x32x1024xf32, #tpu.memory_space<vmem>>
    %dma_wait3A_1272 = tpu.memref_squeeze %dma_wait3A_1271 : memref<1x32x1024xf32, #tpu.memory_space<vmem>> -> memref<32x1024xf32, #tpu.memory_space<vmem>>
    %dma_wait3A_1273 = arith.constant 0 : i32
    %dma_wait3A_1274 = tpu.memref_slice %arg4[%add3A_1254, %dma_wait3A_1273] : memref<32768x1024xf32, #tpu.memory_space<hbm>> -> memref<32x1024xf32, #tpu.memory_space<hbm>>
    %dma_wait3A_1275 = arith.constant 0 : i32
    %dma_wait3A_1276 = tpu.memref_slice %arg4[%add3A_1254, %dma_wait3A_1275] : memref<32768x1024xf32, #tpu.memory_space<hbm>> -> memref<32x1024xf32, #tpu.memory_space<hbm>>
    %dma_wait3A_1277 = arith.constant 0 : i32
    %dma_wait3A_1278 = arith.constant 0 : i32
    %dma_wait3A_1279 = tpu.memref_slice %arg6[%dma_wait3A_1268, %dma_wait3A_1277, %dma_wait3A_1278] : memref<3x32x1024xf32, #tpu.memory_space<vmem>> -> memref<1x32x1024xf32, #tpu.memory_space<vmem>>
    %dma_wait3A_1280 = tpu.memref_squeeze %dma_wait3A_1279 : memref<1x32x1024xf32, #tpu.memory_space<vmem>> -> memref<32x1024xf32, #tpu.memory_space<vmem>>
    tpu.wait_dma2 semaphore(%arg8 : memref<!tpu.dma_semaphore, #tpu.memory_space<semaphore_mem>>) src(%dma_wait3A_1280 : memref<32x1024xf32, #tpu.memory_space<vmem>>) dst(%dma_wait3A_1276 : memref<32x1024xf32, #tpu.memory_space<hbm>>)
    %dma_start3A_1281 = arith.constant 2 : i32
    %dma_start3A_1282 = arith.constant 0 : i32
    %dma_start3A_1283 = arith.constant 0 : i32
    %dma_start3A_1284 = tpu.memref_slice %arg6[%dma_start3A_1281, %dma_start3A_1282, %dma_start3A_1283] : memref<3x32x1024xf32, #tpu.memory_space<vmem>> -> memref<1x32x1024xf32, #tpu.memory_space<vmem>>
    %dma_start3A_1285 = tpu.memref_squeeze %dma_start3A_1284 : memref<1x32x1024xf32, #tpu.memory_space<vmem>> -> memref<32x1024xf32, #tpu.memory_space<vmem>>
    %dma_start3A_1286 = arith.constant 352 : i32
    %dma_start3A_1287 = tpu.memref_slice %arg5[%dma_start3A_1286] : memref<1024xi32, #tpu.memory_space<vmem>> -> memref<32xi32, #tpu.memory_space<vmem>>
    %dma_start3A_1288 = arith.constant 0 : i32
    %dma_start3A_1289 = arith.constant 0 : i32
    %dma_start3A_1290 = tpu.memref_slice %arg2[%dma_start3A_1288, %dma_start3A_1289] : memref<8192x1024xf32, #tpu.memory_space<hbm>> -> memref<8192x1024xf32, #tpu.memory_space<hbm>>
    tpu.enqueue_indirect_dma source(%dma_start3A_1290 : memref<8192x1024xf32, #tpu.memory_space<hbm>>) target(%dma_start3A_1285 : memref<32x1024xf32, #tpu.memory_space<vmem>>) offsets(%dma_start3A_1287 : memref<32xi32, #tpu.memory_space<vmem>>) semaphore(%arg7 : memref<!tpu.dma_semaphore, #tpu.memory_space<semaphore_mem>>)
    %dma_wait3A_1291 = arith.constant 0 : i32
    %dma_wait3A_1292 = arith.constant 0 : i32
    %dma_wait3A_1293 = arith.constant 0 : i32
    %dma_wait3A_1294 = tpu.memref_slice %arg6[%dma_wait3A_1291, %dma_wait3A_1292, %dma_wait3A_1293] : memref<3x32x1024xf32, #tpu.memory_space<vmem>> -> memref<1x32x1024xf32, #tpu.memory_space<vmem>>
    %dma_wait3A_1295 = tpu.memref_squeeze %dma_wait3A_1294 : memref<1x32x1024xf32, #tpu.memory_space<vmem>> -> memref<32x1024xf32, #tpu.memory_space<vmem>>
    %dma_wait3A_1296 = arith.constant 288 : i32
    %dma_wait3A_1297 = tpu.memref_slice %arg5[%dma_wait3A_1296] : memref<1024xi32, #tpu.memory_space<vmem>> -> memref<32xi32, #tpu.memory_space<vmem>>
    %dma_wait3A_1298 = arith.constant 0 : i32
    %dma_wait3A_1299 = arith.constant 0 : i32
    %dma_wait3A_1300 = tpu.memref_slice %arg2[%dma_wait3A_1298, %dma_wait3A_1299] : memref<8192x1024xf32, #tpu.memory_space<hbm>> -> memref<8192x1024xf32, #tpu.memory_space<hbm>>
    tpu.wait_indirect_dma semaphore(%arg7 : memref<!tpu.dma_semaphore, #tpu.memory_space<semaphore_mem>>) src(%dma_wait3A_1300 : memref<8192x1024xf32, #tpu.memory_space<hbm>>) dst(%dma_wait3A_1295 : memref<32x1024xf32, #tpu.memory_space<vmem>>)
    %add3A_1301 = arith.constant 288 : i32
    %add3A_1302 = arith.addi %mul3A_2, %add3A_1301 : i32
    %dma_start3A_1303 = arith.constant 0 : i32
    %dma_start3A_1304 = arith.constant 0 : i32
    %dma_start3A_1305 = arith.constant 0 : i32
    %dma_start3A_1306 = tpu.memref_slice %arg6[%dma_start3A_1303, %dma_start3A_1304, %dma_start3A_1305] : memref<3x32x1024xf32, #tpu.memory_space<vmem>> -> memref<1x32x1024xf32, #tpu.memory_space<vmem>>
    %dma_start3A_1307 = tpu.memref_squeeze %dma_start3A_1306 : memref<1x32x1024xf32, #tpu.memory_space<vmem>> -> memref<32x1024xf32, #tpu.memory_space<vmem>>
    %dma_start3A_1308 = arith.constant 0 : i32
    %dma_start3A_1309 = tpu.memref_slice %arg4[%add3A_1302, %dma_start3A_1308] : memref<32768x1024xf32, #tpu.memory_space<hbm>> -> memref<32x1024xf32, #tpu.memory_space<hbm>>
    %dma_start3A_1310 = arith.constant 0 : i32
    %dma_start3A_1311 = tpu.memref_slice %arg4[%add3A_1302, %dma_start3A_1310] : memref<32768x1024xf32, #tpu.memory_space<hbm>> -> memref<32x1024xf32, #tpu.memory_space<hbm>>
    %dma_start3A_1312 = arith.constant 0 : i32
    %dma_start3A_1313 = arith.constant 0 : i32
    %dma_start3A_1314 = tpu.memref_slice %arg6[%dma_start3A_1303, %dma_start3A_1312, %dma_start3A_1313] : memref<3x32x1024xf32, #tpu.memory_space<vmem>> -> memref<1x32x1024xf32, #tpu.memory_space<vmem>>
    %dma_start3A_1315 = tpu.memref_squeeze %dma_start3A_1314 : memref<1x32x1024xf32, #tpu.memory_space<vmem>> -> memref<32x1024xf32, #tpu.memory_space<vmem>>
    tpu.enqueue_dma source(%dma_start3A_1315 : memref<32x1024xf32, #tpu.memory_space<vmem>>) target(%dma_start3A_1311 : memref<32x1024xf32, #tpu.memory_space<hbm>>) target_semaphore(%arg8 : memref<!tpu.dma_semaphore, #tpu.memory_space<semaphore_mem>>)
    %dma_wait3A_1316 = arith.constant 0 : i32
    %dma_wait3A_1317 = arith.constant 0 : i32
    %dma_wait3A_1318 = arith.constant 0 : i32
    %dma_wait3A_1319 = tpu.memref_slice %arg6[%dma_wait3A_1316, %dma_wait3A_1317, %dma_wait3A_1318] : memref<3x32x1024xf32, #tpu.memory_space<vmem>> -> memref<1x32x1024xf32, #tpu.memory_space<vmem>>
    %dma_wait3A_1320 = tpu.memref_squeeze %dma_wait3A_1319 : memref<1x32x1024xf32, #tpu.memory_space<vmem>> -> memref<32x1024xf32, #tpu.memory_space<vmem>>
    %dma_wait3A_1321 = arith.constant 0 : i32
    %dma_wait3A_1322 = tpu.memref_slice %arg4[%add3A_1302, %dma_wait3A_1321] : memref<32768x1024xf32, #tpu.memory_space<hbm>> -> memref<32x1024xf32, #tpu.memory_space<hbm>>
    %dma_wait3A_1323 = arith.constant 0 : i32
    %dma_wait3A_1324 = tpu.memref_slice %arg4[%add3A_1302, %dma_wait3A_1323] : memref<32768x1024xf32, #tpu.memory_space<hbm>> -> memref<32x1024xf32, #tpu.memory_space<hbm>>
    %dma_wait3A_1325 = arith.constant 0 : i32
    %dma_wait3A_1326 = arith.constant 0 : i32
    %dma_wait3A_1327 = tpu.memref_slice %arg6[%dma_wait3A_1316, %dma_wait3A_1325, %dma_wait3A_1326] : memref<3x32x1024xf32, #tpu.memory_space<vmem>> -> memref<1x32x1024xf32, #tpu.memory_space<vmem>>
    %dma_wait3A_1328 = tpu.memref_squeeze %dma_wait3A_1327 : memref<1x32x1024xf32, #tpu.memory_space<vmem>> -> memref<32x1024xf32, #tpu.memory_space<vmem>>
    tpu.wait_dma2 semaphore(%arg8 : memref<!tpu.dma_semaphore, #tpu.memory_space<semaphore_mem>>) src(%dma_wait3A_1328 : memref<32x1024xf32, #tpu.memory_space<vmem>>) dst(%dma_wait3A_1324 : memref<32x1024xf32, #tpu.memory_space<hbm>>)
    %dma_start3A_1329 = arith.constant 0 : i32
    %dma_start3A_1330 = arith.constant 0 : i32
    %dma_start3A_1331 = arith.constant 0 : i32
    %dma_start3A_1332 = tpu.memref_slice %arg6[%dma_start3A_1329, %dma_start3A_1330, %dma_start3A_1331] : memref<3x32x1024xf32, #tpu.memory_space<vmem>> -> memref<1x32x1024xf32, #tpu.memory_space<vmem>>
    %dma_start3A_1333 = tpu.memref_squeeze %dma_start3A_1332 : memref<1x32x1024xf32, #tpu.memory_space<vmem>> -> memref<32x1024xf32, #tpu.memory_space<vmem>>
    %dma_start3A_1334 = arith.constant 384 : i32
    %dma_start3A_1335 = tpu.memref_slice %arg5[%dma_start3A_1334] : memref<1024xi32, #tpu.memory_space<vmem>> -> memref<32xi32, #tpu.memory_space<vmem>>
    %dma_start3A_1336 = arith.constant 0 : i32
    %dma_start3A_1337 = arith.constant 0 : i32
    %dma_start3A_1338 = tpu.memref_slice %arg2[%dma_start3A_1336, %dma_start3A_1337] : memref<8192x1024xf32, #tpu.memory_space<hbm>> -> memref<8192x1024xf32, #tpu.memory_space<hbm>>
    tpu.enqueue_indirect_dma source(%dma_start3A_1338 : memref<8192x1024xf32, #tpu.memory_space<hbm>>) target(%dma_start3A_1333 : memref<32x1024xf32, #tpu.memory_space<vmem>>) offsets(%dma_start3A_1335 : memref<32xi32, #tpu.memory_space<vmem>>) semaphore(%arg7 : memref<!tpu.dma_semaphore, #tpu.memory_space<semaphore_mem>>)
    %dma_wait3A_1339 = arith.constant 1 : i32
    %dma_wait3A_1340 = arith.constant 0 : i32
    %dma_wait3A_1341 = arith.constant 0 : i32
    %dma_wait3A_1342 = tpu.memref_slice %arg6[%dma_wait3A_1339, %dma_wait3A_1340, %dma_wait3A_1341] : memref<3x32x1024xf32, #tpu.memory_space<vmem>> -> memref<1x32x1024xf32, #tpu.memory_space<vmem>>
    %dma_wait3A_1343 = tpu.memref_squeeze %dma_wait3A_1342 : memref<1x32x1024xf32, #tpu.memory_space<vmem>> -> memref<32x1024xf32, #tpu.memory_space<vmem>>
    %dma_wait3A_1344 = arith.constant 320 : i32
    %dma_wait3A_1345 = tpu.memref_slice %arg5[%dma_wait3A_1344] : memref<1024xi32, #tpu.memory_space<vmem>> -> memref<32xi32, #tpu.memory_space<vmem>>
    %dma_wait3A_1346 = arith.constant 0 : i32
    %dma_wait3A_1347 = arith.constant 0 : i32
    %dma_wait3A_1348 = tpu.memref_slice %arg2[%dma_wait3A_1346, %dma_wait3A_1347] : memref<8192x1024xf32, #tpu.memory_space<hbm>> -> memref<8192x1024xf32, #tpu.memory_space<hbm>>
    tpu.wait_indirect_dma semaphore(%arg7 : memref<!tpu.dma_semaphore, #tpu.memory_space<semaphore_mem>>) src(%dma_wait3A_1348 : memref<8192x1024xf32, #tpu.memory_space<hbm>>) dst(%dma_wait3A_1343 : memref<32x1024xf32, #tpu.memory_space<vmem>>)
    %add3A_1349 = arith.constant 320 : i32
    %add3A_1350 = arith.addi %mul3A_2, %add3A_1349 : i32
    %dma_start3A_1351 = arith.constant 1 : i32
    %dma_start3A_1352 = arith.constant 0 : i32
    %dma_start3A_1353 = arith.constant 0 : i32
    %dma_start3A_1354 = tpu.memref_slice %arg6[%dma_start3A_1351, %dma_start3A_1352, %dma_start3A_1353] : memref<3x32x1024xf32, #tpu.memory_space<vmem>> -> memref<1x32x1024xf32, #tpu.memory_space<vmem>>
    %dma_start3A_1355 = tpu.memref_squeeze %dma_start3A_1354 : memref<1x32x1024xf32, #tpu.memory_space<vmem>> -> memref<32x1024xf32, #tpu.memory_space<vmem>>
    %dma_start3A_1356 = arith.constant 0 : i32
    %dma_start3A_1357 = tpu.memref_slice %arg4[%add3A_1350, %dma_start3A_1356] : memref<32768x1024xf32, #tpu.memory_space<hbm>> -> memref<32x1024xf32, #tpu.memory_space<hbm>>
    %dma_start3A_1358 = arith.constant 0 : i32
    %dma_start3A_1359 = tpu.memref_slice %arg4[%add3A_1350, %dma_start3A_1358] : memref<32768x1024xf32, #tpu.memory_space<hbm>> -> memref<32x1024xf32, #tpu.memory_space<hbm>>
    %dma_start3A_1360 = arith.constant 0 : i32
    %dma_start3A_1361 = arith.constant 0 : i32
    %dma_start3A_1362 = tpu.memref_slice %arg6[%dma_start3A_1351, %dma_start3A_1360, %dma_start3A_1361] : memref<3x32x1024xf32, #tpu.memory_space<vmem>> -> memref<1x32x1024xf32, #tpu.memory_space<vmem>>
    %dma_start3A_1363 = tpu.memref_squeeze %dma_start3A_1362 : memref<1x32x1024xf32, #tpu.memory_space<vmem>> -> memref<32x1024xf32, #tpu.memory_space<vmem>>
    tpu.enqueue_dma source(%dma_start3A_1363 : memref<32x1024xf32, #tpu.memory_space<vmem>>) target(%dma_start3A_1359 : memref<32x1024xf32, #tpu.memory_space<hbm>>) target_semaphore(%arg8 : memref<!tpu.dma_semaphore, #tpu.memory_space<semaphore_mem>>)
    %dma_wait3A_1364 = arith.constant 1 : i32
    %dma_wait3A_1365 = arith.constant 0 : i32
    %dma_wait3A_1366 = arith.constant 0 : i32
    %dma_wait3A_1367 = tpu.memref_slice %arg6[%dma_wait3A_1364, %dma_wait3A_1365, %dma_wait3A_1366] : memref<3x32x1024xf32, #tpu.memory_space<vmem>> -> memref<1x32x1024xf32, #tpu.memory_space<vmem>>
    %dma_wait3A_1368 = tpu.memref_squeeze %dma_wait3A_1367 : memref<1x32x1024xf32, #tpu.memory_space<vmem>> -> memref<32x1024xf32, #tpu.memory_space<vmem>>
    %dma_wait3A_1369 = arith.constant 0 : i32
    %dma_wait3A_1370 = tpu.memref_slice %arg4[%add3A_1350, %dma_wait3A_1369] : memref<32768x1024xf32, #tpu.memory_space<hbm>> -> memref<32x1024xf32, #tpu.memory_space<hbm>>
    %dma_wait3A_1371 = arith.constant 0 : i32
    %dma_wait3A_1372 = tpu.memref_slice %arg4[%add3A_1350, %dma_wait3A_1371] : memref<32768x1024xf32, #tpu.memory_space<hbm>> -> memref<32x1024xf32, #tpu.memory_space<hbm>>
    %dma_wait3A_1373 = arith.constant 0 : i32
    %dma_wait3A_1374 = arith.constant 0 : i32
    %dma_wait3A_1375 = tpu.memref_slice %arg6[%dma_wait3A_1364, %dma_wait3A_1373, %dma_wait3A_1374] : memref<3x32x1024xf32, #tpu.memory_space<vmem>> -> memref<1x32x1024xf32, #tpu.memory_space<vmem>>
    %dma_wait3A_1376 = tpu.memref_squeeze %dma_wait3A_1375 : memref<1x32x1024xf32, #tpu.memory_space<vmem>> -> memref<32x1024xf32, #tpu.memory_space<vmem>>
    tpu.wait_dma2 semaphore(%arg8 : memref<!tpu.dma_semaphore, #tpu.memory_space<semaphore_mem>>) src(%dma_wait3A_1376 : memref<32x1024xf32, #tpu.memory_space<vmem>>) dst(%dma_wait3A_1372 : memref<32x1024xf32, #tpu.memory_space<hbm>>)
    %dma_start3A_1377 = arith.constant 1 : i32
    %dma_start3A_1378 = arith.constant 0 : i32
    %dma_start3A_1379 = arith.constant 0 : i32
    %dma_start3A_1380 = tpu.memref_slice %arg6[%dma_start3A_1377, %dma_start3A_1378, %dma_start3A_1379] : memref<3x32x1024xf32, #tpu.memory_space<vmem>> -> memref<1x32x1024xf32, #tpu.memory_space<vmem>>
    %dma_start3A_1381 = tpu.memref_squeeze %dma_start3A_1380 : memref<1x32x1024xf32, #tpu.memory_space<vmem>> -> memref<32x1024xf32, #tpu.memory_space<vmem>>
    %dma_start3A_1382 = arith.constant 416 : i32
    %dma_start3A_1383 = tpu.memref_slice %arg5[%dma_start3A_1382] : memref<1024xi32, #tpu.memory_space<vmem>> -> memref<32xi32, #tpu.memory_space<vmem>>
    %dma_start3A_1384 = arith.constant 0 : i32
    %dma_start3A_1385 = arith.constant 0 : i32
    %dma_start3A_1386 = tpu.memref_slice %arg2[%dma_start3A_1384, %dma_start3A_1385] : memref<8192x1024xf32, #tpu.memory_space<hbm>> -> memref<8192x1024xf32, #tpu.memory_space<hbm>>
    tpu.enqueue_indirect_dma source(%dma_start3A_1386 : memref<8192x1024xf32, #tpu.memory_space<hbm>>) target(%dma_start3A_1381 : memref<32x1024xf32, #tpu.memory_space<vmem>>) offsets(%dma_start3A_1383 : memref<32xi32, #tpu.memory_space<vmem>>) semaphore(%arg7 : memref<!tpu.dma_semaphore, #tpu.memory_space<semaphore_mem>>)
    %dma_wait3A_1387 = arith.constant 2 : i32
    %dma_wait3A_1388 = arith.constant 0 : i32
    %dma_wait3A_1389 = arith.constant 0 : i32
    %dma_wait3A_1390 = tpu.memref_slice %arg6[%dma_wait3A_1387, %dma_wait3A_1388, %dma_wait3A_1389] : memref<3x32x1024xf32, #tpu.memory_space<vmem>> -> memref<1x32x1024xf32, #tpu.memory_space<vmem>>
    %dma_wait3A_1391 = tpu.memref_squeeze %dma_wait3A_1390 : memref<1x32x1024xf32, #tpu.memory_space<vmem>> -> memref<32x1024xf32, #tpu.memory_space<vmem>>
    %dma_wait3A_1392 = arith.constant 352 : i32
    %dma_wait3A_1393 = tpu.memref_slice %arg5[%dma_wait3A_1392] : memref<1024xi32, #tpu.memory_space<vmem>> -> memref<32xi32, #tpu.memory_space<vmem>>
    %dma_wait3A_1394 = arith.constant 0 : i32
    %dma_wait3A_1395 = arith.constant 0 : i32
    %dma_wait3A_1396 = tpu.memref_slice %arg2[%dma_wait3A_1394, %dma_wait3A_1395] : memref<8192x1024xf32, #tpu.memory_space<hbm>> -> memref<8192x1024xf32, #tpu.memory_space<hbm>>
    tpu.wait_indirect_dma semaphore(%arg7 : memref<!tpu.dma_semaphore, #tpu.memory_space<semaphore_mem>>) src(%dma_wait3A_1396 : memref<8192x1024xf32, #tpu.memory_space<hbm>>) dst(%dma_wait3A_1391 : memref<32x1024xf32, #tpu.memory_space<vmem>>)
    %add3A_1397 = arith.constant 352 : i32
    %add3A_1398 = arith.addi %mul3A_2, %add3A_1397 : i32
    %dma_start3A_1399 = arith.constant 2 : i32
    %dma_start3A_1400 = arith.constant 0 : i32
    %dma_start3A_1401 = arith.constant 0 : i32
    %dma_start3A_1402 = tpu.memref_slice %arg6[%dma_start3A_1399, %dma_start3A_1400, %dma_start3A_1401] : memref<3x32x1024xf32, #tpu.memory_space<vmem>> -> memref<1x32x1024xf32, #tpu.memory_space<vmem>>
    %dma_start3A_1403 = tpu.memref_squeeze %dma_start3A_1402 : memref<1x32x1024xf32, #tpu.memory_space<vmem>> -> memref<32x1024xf32, #tpu.memory_space<vmem>>
    %dma_start3A_1404 = arith.constant 0 : i32
    %dma_start3A_1405 = tpu.memref_slice %arg4[%add3A_1398, %dma_start3A_1404] : memref<32768x1024xf32, #tpu.memory_space<hbm>> -> memref<32x1024xf32, #tpu.memory_space<hbm>>
    %dma_start3A_1406 = arith.constant 0 : i32
    %dma_start3A_1407 = tpu.memref_slice %arg4[%add3A_1398, %dma_start3A_1406] : memref<32768x1024xf32, #tpu.memory_space<hbm>> -> memref<32x1024xf32, #tpu.memory_space<hbm>>
    %dma_start3A_1408 = arith.constant 0 : i32
    %dma_start3A_1409 = arith.constant 0 : i32
    %dma_start3A_1410 = tpu.memref_slice %arg6[%dma_start3A_1399, %dma_start3A_1408, %dma_start3A_1409] : memref<3x32x1024xf32, #tpu.memory_space<vmem>> -> memref<1x32x1024xf32, #tpu.memory_space<vmem>>
    %dma_start3A_1411 = tpu.memref_squeeze %dma_start3A_1410 : memref<1x32x1024xf32, #tpu.memory_space<vmem>> -> memref<32x1024xf32, #tpu.memory_space<vmem>>
    tpu.enqueue_dma source(%dma_start3A_1411 : memref<32x1024xf32, #tpu.memory_space<vmem>>) target(%dma_start3A_1407 : memref<32x1024xf32, #tpu.memory_space<hbm>>) target_semaphore(%arg8 : memref<!tpu.dma_semaphore, #tpu.memory_space<semaphore_mem>>)
    %dma_wait3A_1412 = arith.constant 2 : i32
    %dma_wait3A_1413 = arith.constant 0 : i32
    %dma_wait3A_1414 = arith.constant 0 : i32
    %dma_wait3A_1415 = tpu.memref_slice %arg6[%dma_wait3A_1412, %dma_wait3A_1413, %dma_wait3A_1414] : memref<3x32x1024xf32, #tpu.memory_space<vmem>> -> memref<1x32x1024xf32, #tpu.memory_space<vmem>>
    %dma_wait3A_1416 = tpu.memref_squeeze %dma_wait3A_1415 : memref<1x32x1024xf32, #tpu.memory_space<vmem>> -> memref<32x1024xf32, #tpu.memory_space<vmem>>
    %dma_wait3A_1417 = arith.constant 0 : i32
    %dma_wait3A_1418 = tpu.memref_slice %arg4[%add3A_1398, %dma_wait3A_1417] : memref<32768x1024xf32, #tpu.memory_space<hbm>> -> memref<32x1024xf32, #tpu.memory_space<hbm>>
    %dma_wait3A_1419 = arith.constant 0 : i32
    %dma_wait3A_1420 = tpu.memref_slice %arg4[%add3A_1398, %dma_wait3A_1419] : memref<32768x1024xf32, #tpu.memory_space<hbm>> -> memref<32x1024xf32, #tpu.memory_space<hbm>>
    %dma_wait3A_1421 = arith.constant 0 : i32
    %dma_wait3A_1422 = arith.constant 0 : i32
    %dma_wait3A_1423 = tpu.memref_slice %arg6[%dma_wait3A_1412, %dma_wait3A_1421, %dma_wait3A_1422] : memref<3x32x1024xf32, #tpu.memory_space<vmem>> -> memref<1x32x1024xf32, #tpu.memory_space<vmem>>
    %dma_wait3A_1424 = tpu.memref_squeeze %dma_wait3A_1423 : memref<1x32x1024xf32, #tpu.memory_space<vmem>> -> memref<32x1024xf32, #tpu.memory_space<vmem>>
    tpu.wait_dma2 semaphore(%arg8 : memref<!tpu.dma_semaphore, #tpu.memory_space<semaphore_mem>>) src(%dma_wait3A_1424 : memref<32x1024xf32, #tpu.memory_space<vmem>>) dst(%dma_wait3A_1420 : memref<32x1024xf32, #tpu.memory_space<hbm>>)
    %dma_start3A_1425 = arith.constant 2 : i32
    %dma_start3A_1426 = arith.constant 0 : i32
    %dma_start3A_1427 = arith.constant 0 : i32
    %dma_start3A_1428 = tpu.memref_slice %arg6[%dma_start3A_1425, %dma_start3A_1426, %dma_start3A_1427] : memref<3x32x1024xf32, #tpu.memory_space<vmem>> -> memref<1x32x1024xf32, #tpu.memory_space<vmem>>
    %dma_start3A_1429 = tpu.memref_squeeze %dma_start3A_1428 : memref<1x32x1024xf32, #tpu.memory_space<vmem>> -> memref<32x1024xf32, #tpu.memory_space<vmem>>
    %dma_start3A_1430 = arith.constant 448 : i32
    %dma_start3A_1431 = tpu.memref_slice %arg5[%dma_start3A_1430] : memref<1024xi32, #tpu.memory_space<vmem>> -> memref<32xi32, #tpu.memory_space<vmem>>
    %dma_start3A_1432 = arith.constant 0 : i32
    %dma_start3A_1433 = arith.constant 0 : i32
    %dma_start3A_1434 = tpu.memref_slice %arg2[%dma_start3A_1432, %dma_start3A_1433] : memref<8192x1024xf32, #tpu.memory_space<hbm>> -> memref<8192x1024xf32, #tpu.memory_space<hbm>>
    tpu.enqueue_indirect_dma source(%dma_start3A_1434 : memref<8192x1024xf32, #tpu.memory_space<hbm>>) target(%dma_start3A_1429 : memref<32x1024xf32, #tpu.memory_space<vmem>>) offsets(%dma_start3A_1431 : memref<32xi32, #tpu.memory_space<vmem>>) semaphore(%arg7 : memref<!tpu.dma_semaphore, #tpu.memory_space<semaphore_mem>>)
    %dma_wait3A_1435 = arith.constant 0 : i32
    %dma_wait3A_1436 = arith.constant 0 : i32
    %dma_wait3A_1437 = arith.constant 0 : i32
    %dma_wait3A_1438 = tpu.memref_slice %arg6[%dma_wait3A_1435, %dma_wait3A_1436, %dma_wait3A_1437] : memref<3x32x1024xf32, #tpu.memory_space<vmem>> -> memref<1x32x1024xf32, #tpu.memory_space<vmem>>
    %dma_wait3A_1439 = tpu.memref_squeeze %dma_wait3A_1438 : memref<1x32x1024xf32, #tpu.memory_space<vmem>> -> memref<32x1024xf32, #tpu.memory_space<vmem>>
    %dma_wait3A_1440 = arith.constant 384 : i32
    %dma_wait3A_1441 = tpu.memref_slice %arg5[%dma_wait3A_1440] : memref<1024xi32, #tpu.memory_space<vmem>> -> memref<32xi32, #tpu.memory_space<vmem>>
    %dma_wait3A_1442 = arith.constant 0 : i32
    %dma_wait3A_1443 = arith.constant 0 : i32
    %dma_wait3A_1444 = tpu.memref_slice %arg2[%dma_wait3A_1442, %dma_wait3A_1443] : memref<8192x1024xf32, #tpu.memory_space<hbm>> -> memref<8192x1024xf32, #tpu.memory_space<hbm>>
    tpu.wait_indirect_dma semaphore(%arg7 : memref<!tpu.dma_semaphore, #tpu.memory_space<semaphore_mem>>) src(%dma_wait3A_1444 : memref<8192x1024xf32, #tpu.memory_space<hbm>>) dst(%dma_wait3A_1439 : memref<32x1024xf32, #tpu.memory_space<vmem>>)
    %add3A_1445 = arith.constant 384 : i32
    %add3A_1446 = arith.addi %mul3A_2, %add3A_1445 : i32
    %dma_start3A_1447 = arith.constant 0 : i32
    %dma_start3A_1448 = arith.constant 0 : i32
    %dma_start3A_1449 = arith.constant 0 : i32
    %dma_start3A_1450 = tpu.memref_slice %arg6[%dma_start3A_1447, %dma_start3A_1448, %dma_start3A_1449] : memref<3x32x1024xf32, #tpu.memory_space<vmem>> -> memref<1x32x1024xf32, #tpu.memory_space<vmem>>
    %dma_start3A_1451 = tpu.memref_squeeze %dma_start3A_1450 : memref<1x32x1024xf32, #tpu.memory_space<vmem>> -> memref<32x1024xf32, #tpu.memory_space<vmem>>
    %dma_start3A_1452 = arith.constant 0 : i32
    %dma_start3A_1453 = tpu.memref_slice %arg4[%add3A_1446, %dma_start3A_1452] : memref<32768x1024xf32, #tpu.memory_space<hbm>> -> memref<32x1024xf32, #tpu.memory_space<hbm>>
    %dma_start3A_1454 = arith.constant 0 : i32
    %dma_start3A_1455 = tpu.memref_slice %arg4[%add3A_1446, %dma_start3A_1454] : memref<32768x1024xf32, #tpu.memory_space<hbm>> -> memref<32x1024xf32, #tpu.memory_space<hbm>>
    %dma_start3A_1456 = arith.constant 0 : i32
    %dma_start3A_1457 = arith.constant 0 : i32
    %dma_start3A_1458 = tpu.memref_slice %arg6[%dma_start3A_1447, %dma_start3A_1456, %dma_start3A_1457] : memref<3x32x1024xf32, #tpu.memory_space<vmem>> -> memref<1x32x1024xf32, #tpu.memory_space<vmem>>
    %dma_start3A_1459 = tpu.memref_squeeze %dma_start3A_1458 : memref<1x32x1024xf32, #tpu.memory_space<vmem>> -> memref<32x1024xf32, #tpu.memory_space<vmem>>
    tpu.enqueue_dma source(%dma_start3A_1459 : memref<32x1024xf32, #tpu.memory_space<vmem>>) target(%dma_start3A_1455 : memref<32x1024xf32, #tpu.memory_space<hbm>>) target_semaphore(%arg8 : memref<!tpu.dma_semaphore, #tpu.memory_space<semaphore_mem>>)
    %dma_wait3A_1460 = arith.constant 0 : i32
    %dma_wait3A_1461 = arith.constant 0 : i32
    %dma_wait3A_1462 = arith.constant 0 : i32
    %dma_wait3A_1463 = tpu.memref_slice %arg6[%dma_wait3A_1460, %dma_wait3A_1461, %dma_wait3A_1462] : memref<3x32x1024xf32, #tpu.memory_space<vmem>> -> memref<1x32x1024xf32, #tpu.memory_space<vmem>>
    %dma_wait3A_1464 = tpu.memref_squeeze %dma_wait3A_1463 : memref<1x32x1024xf32, #tpu.memory_space<vmem>> -> memref<32x1024xf32, #tpu.memory_space<vmem>>
    %dma_wait3A_1465 = arith.constant 0 : i32
    %dma_wait3A_1466 = tpu.memref_slice %arg4[%add3A_1446, %dma_wait3A_1465] : memref<32768x1024xf32, #tpu.memory_space<hbm>> -> memref<32x1024xf32, #tpu.memory_space<hbm>>
    %dma_wait3A_1467 = arith.constant 0 : i32
    %dma_wait3A_1468 = tpu.memref_slice %arg4[%add3A_1446, %dma_wait3A_1467] : memref<32768x1024xf32, #tpu.memory_space<hbm>> -> memref<32x1024xf32, #tpu.memory_space<hbm>>
    %dma_wait3A_1469 = arith.constant 0 : i32
    %dma_wait3A_1470 = arith.constant 0 : i32
    %dma_wait3A_1471 = tpu.memref_slice %arg6[%dma_wait3A_1460, %dma_wait3A_1469, %dma_wait3A_1470] : memref<3x32x1024xf32, #tpu.memory_space<vmem>> -> memref<1x32x1024xf32, #tpu.memory_space<vmem>>
    %dma_wait3A_1472 = tpu.memref_squeeze %dma_wait3A_1471 : memref<1x32x1024xf32, #tpu.memory_space<vmem>> -> memref<32x1024xf32, #tpu.memory_space<vmem>>
    tpu.wait_dma2 semaphore(%arg8 : memref<!tpu.dma_semaphore, #tpu.memory_space<semaphore_mem>>) src(%dma_wait3A_1472 : memref<32x1024xf32, #tpu.memory_space<vmem>>) dst(%dma_wait3A_1468 : memref<32x1024xf32, #tpu.memory_space<hbm>>)
    %dma_start3A_1473 = arith.constant 0 : i32
    %dma_start3A_1474 = arith.constant 0 : i32
    %dma_start3A_1475 = arith.constant 0 : i32
    %dma_start3A_1476 = tpu.memref_slice %arg6[%dma_start3A_1473, %dma_start3A_1474, %dma_start3A_1475] : memref<3x32x1024xf32, #tpu.memory_space<vmem>> -> memref<1x32x1024xf32, #tpu.memory_space<vmem>>
    %dma_start3A_1477 = tpu.memref_squeeze %dma_start3A_1476 : memref<1x32x1024xf32, #tpu.memory_space<vmem>> -> memref<32x1024xf32, #tpu.memory_space<vmem>>
    %dma_start3A_1478 = arith.constant 480 : i32
    %dma_start3A_1479 = tpu.memref_slice %arg5[%dma_start3A_1478] : memref<1024xi32, #tpu.memory_space<vmem>> -> memref<32xi32, #tpu.memory_space<vmem>>
    %dma_start3A_1480 = arith.constant 0 : i32
    %dma_start3A_1481 = arith.constant 0 : i32
    %dma_start3A_1482 = tpu.memref_slice %arg2[%dma_start3A_1480, %dma_start3A_1481] : memref<8192x1024xf32, #tpu.memory_space<hbm>> -> memref<8192x1024xf32, #tpu.memory_space<hbm>>
    tpu.enqueue_indirect_dma source(%dma_start3A_1482 : memref<8192x1024xf32, #tpu.memory_space<hbm>>) target(%dma_start3A_1477 : memref<32x1024xf32, #tpu.memory_space<vmem>>) offsets(%dma_start3A_1479 : memref<32xi32, #tpu.memory_space<vmem>>) semaphore(%arg7 : memref<!tpu.dma_semaphore, #tpu.memory_space<semaphore_mem>>)
    %dma_wait3A_1483 = arith.constant 1 : i32
    %dma_wait3A_1484 = arith.constant 0 : i32
    %dma_wait3A_1485 = arith.constant 0 : i32
    %dma_wait3A_1486 = tpu.memref_slice %arg6[%dma_wait3A_1483, %dma_wait3A_1484, %dma_wait3A_1485] : memref<3x32x1024xf32, #tpu.memory_space<vmem>> -> memref<1x32x1024xf32, #tpu.memory_space<vmem>>
    %dma_wait3A_1487 = tpu.memref_squeeze %dma_wait3A_1486 : memref<1x32x1024xf32, #tpu.memory_space<vmem>> -> memref<32x1024xf32, #tpu.memory_space<vmem>>
    %dma_wait3A_1488 = arith.constant 416 : i32
    %dma_wait3A_1489 = tpu.memref_slice %arg5[%dma_wait3A_1488] : memref<1024xi32, #tpu.memory_space<vmem>> -> memref<32xi32, #tpu.memory_space<vmem>>
    %dma_wait3A_1490 = arith.constant 0 : i32
    %dma_wait3A_1491 = arith.constant 0 : i32
    %dma_wait3A_1492 = tpu.memref_slice %arg2[%dma_wait3A_1490, %dma_wait3A_1491] : memref<8192x1024xf32, #tpu.memory_space<hbm>> -> memref<8192x1024xf32, #tpu.memory_space<hbm>>
    tpu.wait_indirect_dma semaphore(%arg7 : memref<!tpu.dma_semaphore, #tpu.memory_space<semaphore_mem>>) src(%dma_wait3A_1492 : memref<8192x1024xf32, #tpu.memory_space<hbm>>) dst(%dma_wait3A_1487 : memref<32x1024xf32, #tpu.memory_space<vmem>>)
    %add3A_1493 = arith.constant 416 : i32
    %add3A_1494 = arith.addi %mul3A_2, %add3A_1493 : i32
    %dma_start3A_1495 = arith.constant 1 : i32
    %dma_start3A_1496 = arith.constant 0 : i32
    %dma_start3A_1497 = arith.constant 0 : i32
    %dma_start3A_1498 = tpu.memref_slice %arg6[%dma_start3A_1495, %dma_start3A_1496, %dma_start3A_1497] : memref<3x32x1024xf32, #tpu.memory_space<vmem>> -> memref<1x32x1024xf32, #tpu.memory_space<vmem>>
    %dma_start3A_1499 = tpu.memref_squeeze %dma_start3A_1498 : memref<1x32x1024xf32, #tpu.memory_space<vmem>> -> memref<32x1024xf32, #tpu.memory_space<vmem>>
    %dma_start3A_1500 = arith.constant 0 : i32
    %dma_start3A_1501 = tpu.memref_slice %arg4[%add3A_1494, %dma_start3A_1500] : memref<32768x1024xf32, #tpu.memory_space<hbm>> -> memref<32x1024xf32, #tpu.memory_space<hbm>>
    %dma_start3A_1502 = arith.constant 0 : i32
    %dma_start3A_1503 = tpu.memref_slice %arg4[%add3A_1494, %dma_start3A_1502] : memref<32768x1024xf32, #tpu.memory_space<hbm>> -> memref<32x1024xf32, #tpu.memory_space<hbm>>
    %dma_start3A_1504 = arith.constant 0 : i32
    %dma_start3A_1505 = arith.constant 0 : i32
    %dma_start3A_1506 = tpu.memref_slice %arg6[%dma_start3A_1495, %dma_start3A_1504, %dma_start3A_1505] : memref<3x32x1024xf32, #tpu.memory_space<vmem>> -> memref<1x32x1024xf32, #tpu.memory_space<vmem>>
    %dma_start3A_1507 = tpu.memref_squeeze %dma_start3A_1506 : memref<1x32x1024xf32, #tpu.memory_space<vmem>> -> memref<32x1024xf32, #tpu.memory_space<vmem>>
    tpu.enqueue_dma source(%dma_start3A_1507 : memref<32x1024xf32, #tpu.memory_space<vmem>>) target(%dma_start3A_1503 : memref<32x1024xf32, #tpu.memory_space<hbm>>) target_semaphore(%arg8 : memref<!tpu.dma_semaphore, #tpu.memory_space<semaphore_mem>>)
    %dma_wait3A_1508 = arith.constant 1 : i32
    %dma_wait3A_1509 = arith.constant 0 : i32
    %dma_wait3A_1510 = arith.constant 0 : i32
    %dma_wait3A_1511 = tpu.memref_slice %arg6[%dma_wait3A_1508, %dma_wait3A_1509, %dma_wait3A_1510] : memref<3x32x1024xf32, #tpu.memory_space<vmem>> -> memref<1x32x1024xf32, #tpu.memory_space<vmem>>
    %dma_wait3A_1512 = tpu.memref_squeeze %dma_wait3A_1511 : memref<1x32x1024xf32, #tpu.memory_space<vmem>> -> memref<32x1024xf32, #tpu.memory_space<vmem>>
    %dma_wait3A_1513 = arith.constant 0 : i32
    %dma_wait3A_1514 = tpu.memref_slice %arg4[%add3A_1494, %dma_wait3A_1513] : memref<32768x1024xf32, #tpu.memory_space<hbm>> -> memref<32x1024xf32, #tpu.memory_space<hbm>>
    %dma_wait3A_1515 = arith.constant 0 : i32
    %dma_wait3A_1516 = tpu.memref_slice %arg4[%add3A_1494, %dma_wait3A_1515] : memref<32768x1024xf32, #tpu.memory_space<hbm>> -> memref<32x1024xf32, #tpu.memory_space<hbm>>
    %dma_wait3A_1517 = arith.constant 0 : i32
    %dma_wait3A_1518 = arith.constant 0 : i32
    %dma_wait3A_1519 = tpu.memref_slice %arg6[%dma_wait3A_1508, %dma_wait3A_1517, %dma_wait3A_1518] : memref<3x32x1024xf32, #tpu.memory_space<vmem>> -> memref<1x32x1024xf32, #tpu.memory_space<vmem>>
    %dma_wait3A_1520 = tpu.memref_squeeze %dma_wait3A_1519 : memref<1x32x1024xf32, #tpu.memory_space<vmem>> -> memref<32x1024xf32, #tpu.memory_space<vmem>>
    tpu.wait_dma2 semaphore(%arg8 : memref<!tpu.dma_semaphore, #tpu.memory_space<semaphore_mem>>) src(%dma_wait3A_1520 : memref<32x1024xf32, #tpu.memory_space<vmem>>) dst(%dma_wait3A_1516 : memref<32x1024xf32, #tpu.memory_space<hbm>>)
    %dma_start3A_1521 = arith.constant 1 : i32
    %dma_start3A_1522 = arith.constant 0 : i32
    %dma_start3A_1523 = arith.constant 0 : i32
    %dma_start3A_1524 = tpu.memref_slice %arg6[%dma_start3A_1521, %dma_start3A_1522, %dma_start3A_1523] : memref<3x32x1024xf32, #tpu.memory_space<vmem>> -> memref<1x32x1024xf32, #tpu.memory_space<vmem>>
    %dma_start3A_1525 = tpu.memref_squeeze %dma_start3A_1524 : memref<1x32x1024xf32, #tpu.memory_space<vmem>> -> memref<32x1024xf32, #tpu.memory_space<vmem>>
    %dma_start3A_1526 = arith.constant 512 : i32
    %dma_start3A_1527 = tpu.memref_slice %arg5[%dma_start3A_1526] : memref<1024xi32, #tpu.memory_space<vmem>> -> memref<32xi32, #tpu.memory_space<vmem>>
    %dma_start3A_1528 = arith.constant 0 : i32
    %dma_start3A_1529 = arith.constant 0 : i32
    %dma_start3A_1530 = tpu.memref_slice %arg2[%dma_start3A_1528, %dma_start3A_1529] : memref<8192x1024xf32, #tpu.memory_space<hbm>> -> memref<8192x1024xf32, #tpu.memory_space<hbm>>
    tpu.enqueue_indirect_dma source(%dma_start3A_1530 : memref<8192x1024xf32, #tpu.memory_space<hbm>>) target(%dma_start3A_1525 : memref<32x1024xf32, #tpu.memory_space<vmem>>) offsets(%dma_start3A_1527 : memref<32xi32, #tpu.memory_space<vmem>>) semaphore(%arg7 : memref<!tpu.dma_semaphore, #tpu.memory_space<semaphore_mem>>)
    %dma_wait3A_1531 = arith.constant 2 : i32
    %dma_wait3A_1532 = arith.constant 0 : i32
    %dma_wait3A_1533 = arith.constant 0 : i32
    %dma_wait3A_1534 = tpu.memref_slice %arg6[%dma_wait3A_1531, %dma_wait3A_1532, %dma_wait3A_1533] : memref<3x32x1024xf32, #tpu.memory_space<vmem>> -> memref<1x32x1024xf32, #tpu.memory_space<vmem>>
    %dma_wait3A_1535 = tpu.memref_squeeze %dma_wait3A_1534 : memref<1x32x1024xf32, #tpu.memory_space<vmem>> -> memref<32x1024xf32, #tpu.memory_space<vmem>>
    %dma_wait3A_1536 = arith.constant 448 : i32
    %dma_wait3A_1537 = tpu.memref_slice %arg5[%dma_wait3A_1536] : memref<1024xi32, #tpu.memory_space<vmem>> -> memref<32xi32, #tpu.memory_space<vmem>>
    %dma_wait3A_1538 = arith.constant 0 : i32
    %dma_wait3A_1539 = arith.constant 0 : i32
    %dma_wait3A_1540 = tpu.memref_slice %arg2[%dma_wait3A_1538, %dma_wait3A_1539] : memref<8192x1024xf32, #tpu.memory_space<hbm>> -> memref<8192x1024xf32, #tpu.memory_space<hbm>>
    tpu.wait_indirect_dma semaphore(%arg7 : memref<!tpu.dma_semaphore, #tpu.memory_space<semaphore_mem>>) src(%dma_wait3A_1540 : memref<8192x1024xf32, #tpu.memory_space<hbm>>) dst(%dma_wait3A_1535 : memref<32x1024xf32, #tpu.memory_space<vmem>>)
    %add3A_1541 = arith.constant 448 : i32
    %add3A_1542 = arith.addi %mul3A_2, %add3A_1541 : i32
    %dma_start3A_1543 = arith.constant 2 : i32
    %dma_start3A_1544 = arith.constant 0 : i32
    %dma_start3A_1545 = arith.constant 0 : i32
    %dma_start3A_1546 = tpu.memref_slice %arg6[%dma_start3A_1543, %dma_start3A_1544, %dma_start3A_1545] : memref<3x32x1024xf32, #tpu.memory_space<vmem>> -> memref<1x32x1024xf32, #tpu.memory_space<vmem>>
    %dma_start3A_1547 = tpu.memref_squeeze %dma_start3A_1546 : memref<1x32x1024xf32, #tpu.memory_space<vmem>> -> memref<32x1024xf32, #tpu.memory_space<vmem>>
    %dma_start3A_1548 = arith.constant 0 : i32
    %dma_start3A_1549 = tpu.memref_slice %arg4[%add3A_1542, %dma_start3A_1548] : memref<32768x1024xf32, #tpu.memory_space<hbm>> -> memref<32x1024xf32, #tpu.memory_space<hbm>>
    %dma_start3A_1550 = arith.constant 0 : i32
    %dma_start3A_1551 = tpu.memref_slice %arg4[%add3A_1542, %dma_start3A_1550] : memref<32768x1024xf32, #tpu.memory_space<hbm>> -> memref<32x1024xf32, #tpu.memory_space<hbm>>
    %dma_start3A_1552 = arith.constant 0 : i32
    %dma_start3A_1553 = arith.constant 0 : i32
    %dma_start3A_1554 = tpu.memref_slice %arg6[%dma_start3A_1543, %dma_start3A_1552, %dma_start3A_1553] : memref<3x32x1024xf32, #tpu.memory_space<vmem>> -> memref<1x32x1024xf32, #tpu.memory_space<vmem>>
    %dma_start3A_1555 = tpu.memref_squeeze %dma_start3A_1554 : memref<1x32x1024xf32, #tpu.memory_space<vmem>> -> memref<32x1024xf32, #tpu.memory_space<vmem>>
    tpu.enqueue_dma source(%dma_start3A_1555 : memref<32x1024xf32, #tpu.memory_space<vmem>>) target(%dma_start3A_1551 : memref<32x1024xf32, #tpu.memory_space<hbm>>) target_semaphore(%arg8 : memref<!tpu.dma_semaphore, #tpu.memory_space<semaphore_mem>>)
    %dma_wait3A_1556 = arith.constant 2 : i32
    %dma_wait3A_1557 = arith.constant 0 : i32
    %dma_wait3A_1558 = arith.constant 0 : i32
    %dma_wait3A_1559 = tpu.memref_slice %arg6[%dma_wait3A_1556, %dma_wait3A_1557, %dma_wait3A_1558] : memref<3x32x1024xf32, #tpu.memory_space<vmem>> -> memref<1x32x1024xf32, #tpu.memory_space<vmem>>
    %dma_wait3A_1560 = tpu.memref_squeeze %dma_wait3A_1559 : memref<1x32x1024xf32, #tpu.memory_space<vmem>> -> memref<32x1024xf32, #tpu.memory_space<vmem>>
    %dma_wait3A_1561 = arith.constant 0 : i32
    %dma_wait3A_1562 = tpu.memref_slice %arg4[%add3A_1542, %dma_wait3A_1561] : memref<32768x1024xf32, #tpu.memory_space<hbm>> -> memref<32x1024xf32, #tpu.memory_space<hbm>>
    %dma_wait3A_1563 = arith.constant 0 : i32
    %dma_wait3A_1564 = tpu.memref_slice %arg4[%add3A_1542, %dma_wait3A_1563] : memref<32768x1024xf32, #tpu.memory_space<hbm>> -> memref<32x1024xf32, #tpu.memory_space<hbm>>
    %dma_wait3A_1565 = arith.constant 0 : i32
    %dma_wait3A_1566 = arith.constant 0 : i32
    %dma_wait3A_1567 = tpu.memref_slice %arg6[%dma_wait3A_1556, %dma_wait3A_1565, %dma_wait3A_1566] : memref<3x32x1024xf32, #tpu.memory_space<vmem>> -> memref<1x32x1024xf32, #tpu.memory_space<vmem>>
    %dma_wait3A_1568 = tpu.memref_squeeze %dma_wait3A_1567 : memref<1x32x1024xf32, #tpu.memory_space<vmem>> -> memref<32x1024xf32, #tpu.memory_space<vmem>>
    tpu.wait_dma2 semaphore(%arg8 : memref<!tpu.dma_semaphore, #tpu.memory_space<semaphore_mem>>) src(%dma_wait3A_1568 : memref<32x1024xf32, #tpu.memory_space<vmem>>) dst(%dma_wait3A_1564 : memref<32x1024xf32, #tpu.memory_space<hbm>>)
    %dma_start3A_1569 = arith.constant 2 : i32
    %dma_start3A_1570 = arith.constant 0 : i32
    %dma_start3A_1571 = arith.constant 0 : i32
    %dma_start3A_1572 = tpu.memref_slice %arg6[%dma_start3A_1569, %dma_start3A_1570, %dma_start3A_1571] : memref<3x32x1024xf32, #tpu.memory_space<vmem>> -> memref<1x32x1024xf32, #tpu.memory_space<vmem>>
    %dma_start3A_1573 = tpu.memref_squeeze %dma_start3A_1572 : memref<1x32x1024xf32, #tpu.memory_space<vmem>> -> memref<32x1024xf32, #tpu.memory_space<vmem>>
    %dma_start3A_1574 = arith.constant 544 : i32
    %dma_start3A_1575 = tpu.memref_slice %arg5[%dma_start3A_1574] : memref<1024xi32, #tpu.memory_space<vmem>> -> memref<32xi32, #tpu.memory_space<vmem>>
    %dma_start3A_1576 = arith.constant 0 : i32
    %dma_start3A_1577 = arith.constant 0 : i32
    %dma_start3A_1578 = tpu.memref_slice %arg2[%dma_start3A_1576, %dma_start3A_1577] : memref<8192x1024xf32, #tpu.memory_space<hbm>> -> memref<8192x1024xf32, #tpu.memory_space<hbm>>
    tpu.enqueue_indirect_dma source(%dma_start3A_1578 : memref<8192x1024xf32, #tpu.memory_space<hbm>>) target(%dma_start3A_1573 : memref<32x1024xf32, #tpu.memory_space<vmem>>) offsets(%dma_start3A_1575 : memref<32xi32, #tpu.memory_space<vmem>>) semaphore(%arg7 : memref<!tpu.dma_semaphore, #tpu.memory_space<semaphore_mem>>)
    %dma_wait3A_1579 = arith.constant 0 : i32
    %dma_wait3A_1580 = arith.constant 0 : i32
    %dma_wait3A_1581 = arith.constant 0 : i32
    %dma_wait3A_1582 = tpu.memref_slice %arg6[%dma_wait3A_1579, %dma_wait3A_1580, %dma_wait3A_1581] : memref<3x32x1024xf32, #tpu.memory_space<vmem>> -> memref<1x32x1024xf32, #tpu.memory_space<vmem>>
    %dma_wait3A_1583 = tpu.memref_squeeze %dma_wait3A_1582 : memref<1x32x1024xf32, #tpu.memory_space<vmem>> -> memref<32x1024xf32, #tpu.memory_space<vmem>>
    %dma_wait3A_1584 = arith.constant 480 : i32
    %dma_wait3A_1585 = tpu.memref_slice %arg5[%dma_wait3A_1584] : memref<1024xi32, #tpu.memory_space<vmem>> -> memref<32xi32, #tpu.memory_space<vmem>>
    %dma_wait3A_1586 = arith.constant 0 : i32
    %dma_wait3A_1587 = arith.constant 0 : i32
    %dma_wait3A_1588 = tpu.memref_slice %arg2[%dma_wait3A_1586, %dma_wait3A_1587] : memref<8192x1024xf32, #tpu.memory_space<hbm>> -> memref<8192x1024xf32, #tpu.memory_space<hbm>>
    tpu.wait_indirect_dma semaphore(%arg7 : memref<!tpu.dma_semaphore, #tpu.memory_space<semaphore_mem>>) src(%dma_wait3A_1588 : memref<8192x1024xf32, #tpu.memory_space<hbm>>) dst(%dma_wait3A_1583 : memref<32x1024xf32, #tpu.memory_space<vmem>>)
    %add3A_1589 = arith.constant 480 : i32
    %add3A_1590 = arith.addi %mul3A_2, %add3A_1589 : i32
    %dma_start3A_1591 = arith.constant 0 : i32
    %dma_start3A_1592 = arith.constant 0 : i32
    %dma_start3A_1593 = arith.constant 0 : i32
    %dma_start3A_1594 = tpu.memref_slice %arg6[%dma_start3A_1591, %dma_start3A_1592, %dma_start3A_1593] : memref<3x32x1024xf32, #tpu.memory_space<vmem>> -> memref<1x32x1024xf32, #tpu.memory_space<vmem>>
    %dma_start3A_1595 = tpu.memref_squeeze %dma_start3A_1594 : memref<1x32x1024xf32, #tpu.memory_space<vmem>> -> memref<32x1024xf32, #tpu.memory_space<vmem>>
    %dma_start3A_1596 = arith.constant 0 : i32
    %dma_start3A_1597 = tpu.memref_slice %arg4[%add3A_1590, %dma_start3A_1596] : memref<32768x1024xf32, #tpu.memory_space<hbm>> -> memref<32x1024xf32, #tpu.memory_space<hbm>>
    %dma_start3A_1598 = arith.constant 0 : i32
    %dma_start3A_1599 = tpu.memref_slice %arg4[%add3A_1590, %dma_start3A_1598] : memref<32768x1024xf32, #tpu.memory_space<hbm>> -> memref<32x1024xf32, #tpu.memory_space<hbm>>
    %dma_start3A_1600 = arith.constant 0 : i32
    %dma_start3A_1601 = arith.constant 0 : i32
    %dma_start3A_1602 = tpu.memref_slice %arg6[%dma_start3A_1591, %dma_start3A_1600, %dma_start3A_1601] : memref<3x32x1024xf32, #tpu.memory_space<vmem>> -> memref<1x32x1024xf32, #tpu.memory_space<vmem>>
    %dma_start3A_1603 = tpu.memref_squeeze %dma_start3A_1602 : memref<1x32x1024xf32, #tpu.memory_space<vmem>> -> memref<32x1024xf32, #tpu.memory_space<vmem>>
    tpu.enqueue_dma source(%dma_start3A_1603 : memref<32x1024xf32, #tpu.memory_space<vmem>>) target(%dma_start3A_1599 : memref<32x1024xf32, #tpu.memory_space<hbm>>) target_semaphore(%arg8 : memref<!tpu.dma_semaphore, #tpu.memory_space<semaphore_mem>>)
    %dma_wait3A_1604 = arith.constant 0 : i32
    %dma_wait3A_1605 = arith.constant 0 : i32
    %dma_wait3A_1606 = arith.constant 0 : i32
    %dma_wait3A_1607 = tpu.memref_slice %arg6[%dma_wait3A_1604, %dma_wait3A_1605, %dma_wait3A_1606] : memref<3x32x1024xf32, #tpu.memory_space<vmem>> -> memref<1x32x1024xf32, #tpu.memory_space<vmem>>
    %dma_wait3A_1608 = tpu.memref_squeeze %dma_wait3A_1607 : memref<1x32x1024xf32, #tpu.memory_space<vmem>> -> memref<32x1024xf32, #tpu.memory_space<vmem>>
    %dma_wait3A_1609 = arith.constant 0 : i32
    %dma_wait3A_1610 = tpu.memref_slice %arg4[%add3A_1590, %dma_wait3A_1609] : memref<32768x1024xf32, #tpu.memory_space<hbm>> -> memref<32x1024xf32, #tpu.memory_space<hbm>>
    %dma_wait3A_1611 = arith.constant 0 : i32
    %dma_wait3A_1612 = tpu.memref_slice %arg4[%add3A_1590, %dma_wait3A_1611] : memref<32768x1024xf32, #tpu.memory_space<hbm>> -> memref<32x1024xf32, #tpu.memory_space<hbm>>
    %dma_wait3A_1613 = arith.constant 0 : i32
    %dma_wait3A_1614 = arith.constant 0 : i32
    %dma_wait3A_1615 = tpu.memref_slice %arg6[%dma_wait3A_1604, %dma_wait3A_1613, %dma_wait3A_1614] : memref<3x32x1024xf32, #tpu.memory_space<vmem>> -> memref<1x32x1024xf32, #tpu.memory_space<vmem>>
    %dma_wait3A_1616 = tpu.memref_squeeze %dma_wait3A_1615 : memref<1x32x1024xf32, #tpu.memory_space<vmem>> -> memref<32x1024xf32, #tpu.memory_space<vmem>>
    tpu.wait_dma2 semaphore(%arg8 : memref<!tpu.dma_semaphore, #tpu.memory_space<semaphore_mem>>) src(%dma_wait3A_1616 : memref<32x1024xf32, #tpu.memory_space<vmem>>) dst(%dma_wait3A_1612 : memref<32x1024xf32, #tpu.memory_space<hbm>>)
    %dma_start3A_1617 = arith.constant 0 : i32
    %dma_start3A_1618 = arith.constant 0 : i32
    %dma_start3A_1619 = arith.constant 0 : i32
    %dma_start3A_1620 = tpu.memref_slice %arg6[%dma_start3A_1617, %dma_start3A_1618, %dma_start3A_1619] : memref<3x32x1024xf32, #tpu.memory_space<vmem>> -> memref<1x32x1024xf32, #tpu.memory_space<vmem>>
    %dma_start3A_1621 = tpu.memref_squeeze %dma_start3A_1620 : memref<1x32x1024xf32, #tpu.memory_space<vmem>> -> memref<32x1024xf32, #tpu.memory_space<vmem>>
    %dma_start3A_1622 = arith.constant 576 : i32
    %dma_start3A_1623 = tpu.memref_slice %arg5[%dma_start3A_1622] : memref<1024xi32, #tpu.memory_space<vmem>> -> memref<32xi32, #tpu.memory_space<vmem>>
    %dma_start3A_1624 = arith.constant 0 : i32
    %dma_start3A_1625 = arith.constant 0 : i32
    %dma_start3A_1626 = tpu.memref_slice %arg2[%dma_start3A_1624, %dma_start3A_1625] : memref<8192x1024xf32, #tpu.memory_space<hbm>> -> memref<8192x1024xf32, #tpu.memory_space<hbm>>
    tpu.enqueue_indirect_dma source(%dma_start3A_1626 : memref<8192x1024xf32, #tpu.memory_space<hbm>>) target(%dma_start3A_1621 : memref<32x1024xf32, #tpu.memory_space<vmem>>) offsets(%dma_start3A_1623 : memref<32xi32, #tpu.memory_space<vmem>>) semaphore(%arg7 : memref<!tpu.dma_semaphore, #tpu.memory_space<semaphore_mem>>)
    %dma_wait3A_1627 = arith.constant 1 : i32
    %dma_wait3A_1628 = arith.constant 0 : i32
    %dma_wait3A_1629 = arith.constant 0 : i32
    %dma_wait3A_1630 = tpu.memref_slice %arg6[%dma_wait3A_1627, %dma_wait3A_1628, %dma_wait3A_1629] : memref<3x32x1024xf32, #tpu.memory_space<vmem>> -> memref<1x32x1024xf32, #tpu.memory_space<vmem>>
    %dma_wait3A_1631 = tpu.memref_squeeze %dma_wait3A_1630 : memref<1x32x1024xf32, #tpu.memory_space<vmem>> -> memref<32x1024xf32, #tpu.memory_space<vmem>>
    %dma_wait3A_1632 = arith.constant 512 : i32
    %dma_wait3A_1633 = tpu.memref_slice %arg5[%dma_wait3A_1632] : memref<1024xi32, #tpu.memory_space<vmem>> -> memref<32xi32, #tpu.memory_space<vmem>>
    %dma_wait3A_1634 = arith.constant 0 : i32
    %dma_wait3A_1635 = arith.constant 0 : i32
    %dma_wait3A_1636 = tpu.memref_slice %arg2[%dma_wait3A_1634, %dma_wait3A_1635] : memref<8192x1024xf32, #tpu.memory_space<hbm>> -> memref<8192x1024xf32, #tpu.memory_space<hbm>>
    tpu.wait_indirect_dma semaphore(%arg7 : memref<!tpu.dma_semaphore, #tpu.memory_space<semaphore_mem>>) src(%dma_wait3A_1636 : memref<8192x1024xf32, #tpu.memory_space<hbm>>) dst(%dma_wait3A_1631 : memref<32x1024xf32, #tpu.memory_space<vmem>>)
    %add3A_1637 = arith.constant 512 : i32
    %add3A_1638 = arith.addi %mul3A_2, %add3A_1637 : i32
    %dma_start3A_1639 = arith.constant 1 : i32
    %dma_start3A_1640 = arith.constant 0 : i32
    %dma_start3A_1641 = arith.constant 0 : i32
    %dma_start3A_1642 = tpu.memref_slice %arg6[%dma_start3A_1639, %dma_start3A_1640, %dma_start3A_1641] : memref<3x32x1024xf32, #tpu.memory_space<vmem>> -> memref<1x32x1024xf32, #tpu.memory_space<vmem>>
    %dma_start3A_1643 = tpu.memref_squeeze %dma_start3A_1642 : memref<1x32x1024xf32, #tpu.memory_space<vmem>> -> memref<32x1024xf32, #tpu.memory_space<vmem>>
    %dma_start3A_1644 = arith.constant 0 : i32
    %dma_start3A_1645 = tpu.memref_slice %arg4[%add3A_1638, %dma_start3A_1644] : memref<32768x1024xf32, #tpu.memory_space<hbm>> -> memref<32x1024xf32, #tpu.memory_space<hbm>>
    %dma_start3A_1646 = arith.constant 0 : i32
    %dma_start3A_1647 = tpu.memref_slice %arg4[%add3A_1638, %dma_start3A_1646] : memref<32768x1024xf32, #tpu.memory_space<hbm>> -> memref<32x1024xf32, #tpu.memory_space<hbm>>
    %dma_start3A_1648 = arith.constant 0 : i32
    %dma_start3A_1649 = arith.constant 0 : i32
    %dma_start3A_1650 = tpu.memref_slice %arg6[%dma_start3A_1639, %dma_start3A_1648, %dma_start3A_1649] : memref<3x32x1024xf32, #tpu.memory_space<vmem>> -> memref<1x32x1024xf32, #tpu.memory_space<vmem>>
    %dma_start3A_1651 = tpu.memref_squeeze %dma_start3A_1650 : memref<1x32x1024xf32, #tpu.memory_space<vmem>> -> memref<32x1024xf32, #tpu.memory_space<vmem>>
    tpu.enqueue_dma source(%dma_start3A_1651 : memref<32x1024xf32, #tpu.memory_space<vmem>>) target(%dma_start3A_1647 : memref<32x1024xf32, #tpu.memory_space<hbm>>) target_semaphore(%arg8 : memref<!tpu.dma_semaphore, #tpu.memory_space<semaphore_mem>>)
    %dma_wait3A_1652 = arith.constant 1 : i32
    %dma_wait3A_1653 = arith.constant 0 : i32
    %dma_wait3A_1654 = arith.constant 0 : i32
    %dma_wait3A_1655 = tpu.memref_slice %arg6[%dma_wait3A_1652, %dma_wait3A_1653, %dma_wait3A_1654] : memref<3x32x1024xf32, #tpu.memory_space<vmem>> -> memref<1x32x1024xf32, #tpu.memory_space<vmem>>
    %dma_wait3A_1656 = tpu.memref_squeeze %dma_wait3A_1655 : memref<1x32x1024xf32, #tpu.memory_space<vmem>> -> memref<32x1024xf32, #tpu.memory_space<vmem>>
    %dma_wait3A_1657 = arith.constant 0 : i32
    %dma_wait3A_1658 = tpu.memref_slice %arg4[%add3A_1638, %dma_wait3A_1657] : memref<32768x1024xf32, #tpu.memory_space<hbm>> -> memref<32x1024xf32, #tpu.memory_space<hbm>>
    %dma_wait3A_1659 = arith.constant 0 : i32
    %dma_wait3A_1660 = tpu.memref_slice %arg4[%add3A_1638, %dma_wait3A_1659] : memref<32768x1024xf32, #tpu.memory_space<hbm>> -> memref<32x1024xf32, #tpu.memory_space<hbm>>
    %dma_wait3A_1661 = arith.constant 0 : i32
    %dma_wait3A_1662 = arith.constant 0 : i32
    %dma_wait3A_1663 = tpu.memref_slice %arg6[%dma_wait3A_1652, %dma_wait3A_1661, %dma_wait3A_1662] : memref<3x32x1024xf32, #tpu.memory_space<vmem>> -> memref<1x32x1024xf32, #tpu.memory_space<vmem>>
    %dma_wait3A_1664 = tpu.memref_squeeze %dma_wait3A_1663 : memref<1x32x1024xf32, #tpu.memory_space<vmem>> -> memref<32x1024xf32, #tpu.memory_space<vmem>>
    tpu.wait_dma2 semaphore(%arg8 : memref<!tpu.dma_semaphore, #tpu.memory_space<semaphore_mem>>) src(%dma_wait3A_1664 : memref<32x1024xf32, #tpu.memory_space<vmem>>) dst(%dma_wait3A_1660 : memref<32x1024xf32, #tpu.memory_space<hbm>>)
    %dma_start3A_1665 = arith.constant 1 : i32
    %dma_start3A_1666 = arith.constant 0 : i32
    %dma_start3A_1667 = arith.constant 0 : i32
    %dma_start3A_1668 = tpu.memref_slice %arg6[%dma_start3A_1665, %dma_start3A_1666, %dma_start3A_1667] : memref<3x32x1024xf32, #tpu.memory_space<vmem>> -> memref<1x32x1024xf32, #tpu.memory_space<vmem>>
    %dma_start3A_1669 = tpu.memref_squeeze %dma_start3A_1668 : memref<1x32x1024xf32, #tpu.memory_space<vmem>> -> memref<32x1024xf32, #tpu.memory_space<vmem>>
    %dma_start3A_1670 = arith.constant 608 : i32
    %dma_start3A_1671 = tpu.memref_slice %arg5[%dma_start3A_1670] : memref<1024xi32, #tpu.memory_space<vmem>> -> memref<32xi32, #tpu.memory_space<vmem>>
    %dma_start3A_1672 = arith.constant 0 : i32
    %dma_start3A_1673 = arith.constant 0 : i32
    %dma_start3A_1674 = tpu.memref_slice %arg2[%dma_start3A_1672, %dma_start3A_1673] : memref<8192x1024xf32, #tpu.memory_space<hbm>> -> memref<8192x1024xf32, #tpu.memory_space<hbm>>
    tpu.enqueue_indirect_dma source(%dma_start3A_1674 : memref<8192x1024xf32, #tpu.memory_space<hbm>>) target(%dma_start3A_1669 : memref<32x1024xf32, #tpu.memory_space<vmem>>) offsets(%dma_start3A_1671 : memref<32xi32, #tpu.memory_space<vmem>>) semaphore(%arg7 : memref<!tpu.dma_semaphore, #tpu.memory_space<semaphore_mem>>)
    %dma_wait3A_1675 = arith.constant 2 : i32
    %dma_wait3A_1676 = arith.constant 0 : i32
    %dma_wait3A_1677 = arith.constant 0 : i32
    %dma_wait3A_1678 = tpu.memref_slice %arg6[%dma_wait3A_1675, %dma_wait3A_1676, %dma_wait3A_1677] : memref<3x32x1024xf32, #tpu.memory_space<vmem>> -> memref<1x32x1024xf32, #tpu.memory_space<vmem>>
    %dma_wait3A_1679 = tpu.memref_squeeze %dma_wait3A_1678 : memref<1x32x1024xf32, #tpu.memory_space<vmem>> -> memref<32x1024xf32, #tpu.memory_space<vmem>>
    %dma_wait3A_1680 = arith.constant 544 : i32
    %dma_wait3A_1681 = tpu.memref_slice %arg5[%dma_wait3A_1680] : memref<1024xi32, #tpu.memory_space<vmem>> -> memref<32xi32, #tpu.memory_space<vmem>>
    %dma_wait3A_1682 = arith.constant 0 : i32
    %dma_wait3A_1683 = arith.constant 0 : i32
    %dma_wait3A_1684 = tpu.memref_slice %arg2[%dma_wait3A_1682, %dma_wait3A_1683] : memref<8192x1024xf32, #tpu.memory_space<hbm>> -> memref<8192x1024xf32, #tpu.memory_space<hbm>>
    tpu.wait_indirect_dma semaphore(%arg7 : memref<!tpu.dma_semaphore, #tpu.memory_space<semaphore_mem>>) src(%dma_wait3A_1684 : memref<8192x1024xf32, #tpu.memory_space<hbm>>) dst(%dma_wait3A_1679 : memref<32x1024xf32, #tpu.memory_space<vmem>>)
    %add3A_1685 = arith.constant 544 : i32
    %add3A_1686 = arith.addi %mul3A_2, %add3A_1685 : i32
    %dma_start3A_1687 = arith.constant 2 : i32
    %dma_start3A_1688 = arith.constant 0 : i32
    %dma_start3A_1689 = arith.constant 0 : i32
    %dma_start3A_1690 = tpu.memref_slice %arg6[%dma_start3A_1687, %dma_start3A_1688, %dma_start3A_1689] : memref<3x32x1024xf32, #tpu.memory_space<vmem>> -> memref<1x32x1024xf32, #tpu.memory_space<vmem>>
    %dma_start3A_1691 = tpu.memref_squeeze %dma_start3A_1690 : memref<1x32x1024xf32, #tpu.memory_space<vmem>> -> memref<32x1024xf32, #tpu.memory_space<vmem>>
    %dma_start3A_1692 = arith.constant 0 : i32
    %dma_start3A_1693 = tpu.memref_slice %arg4[%add3A_1686, %dma_start3A_1692] : memref<32768x1024xf32, #tpu.memory_space<hbm>> -> memref<32x1024xf32, #tpu.memory_space<hbm>>
    %dma_start3A_1694 = arith.constant 0 : i32
    %dma_start3A_1695 = tpu.memref_slice %arg4[%add3A_1686, %dma_start3A_1694] : memref<32768x1024xf32, #tpu.memory_space<hbm>> -> memref<32x1024xf32, #tpu.memory_space<hbm>>
    %dma_start3A_1696 = arith.constant 0 : i32
    %dma_start3A_1697 = arith.constant 0 : i32
    %dma_start3A_1698 = tpu.memref_slice %arg6[%dma_start3A_1687, %dma_start3A_1696, %dma_start3A_1697] : memref<3x32x1024xf32, #tpu.memory_space<vmem>> -> memref<1x32x1024xf32, #tpu.memory_space<vmem>>
    %dma_start3A_1699 = tpu.memref_squeeze %dma_start3A_1698 : memref<1x32x1024xf32, #tpu.memory_space<vmem>> -> memref<32x1024xf32, #tpu.memory_space<vmem>>
    tpu.enqueue_dma source(%dma_start3A_1699 : memref<32x1024xf32, #tpu.memory_space<vmem>>) target(%dma_start3A_1695 : memref<32x1024xf32, #tpu.memory_space<hbm>>) target_semaphore(%arg8 : memref<!tpu.dma_semaphore, #tpu.memory_space<semaphore_mem>>)
    %dma_wait3A_1700 = arith.constant 2 : i32
    %dma_wait3A_1701 = arith.constant 0 : i32
    %dma_wait3A_1702 = arith.constant 0 : i32
    %dma_wait3A_1703 = tpu.memref_slice %arg6[%dma_wait3A_1700, %dma_wait3A_1701, %dma_wait3A_1702] : memref<3x32x1024xf32, #tpu.memory_space<vmem>> -> memref<1x32x1024xf32, #tpu.memory_space<vmem>>
    %dma_wait3A_1704 = tpu.memref_squeeze %dma_wait3A_1703 : memref<1x32x1024xf32, #tpu.memory_space<vmem>> -> memref<32x1024xf32, #tpu.memory_space<vmem>>
    %dma_wait3A_1705 = arith.constant 0 : i32
    %dma_wait3A_1706 = tpu.memref_slice %arg4[%add3A_1686, %dma_wait3A_1705] : memref<32768x1024xf32, #tpu.memory_space<hbm>> -> memref<32x1024xf32, #tpu.memory_space<hbm>>
    %dma_wait3A_1707 = arith.constant 0 : i32
    %dma_wait3A_1708 = tpu.memref_slice %arg4[%add3A_1686, %dma_wait3A_1707] : memref<32768x1024xf32, #tpu.memory_space<hbm>> -> memref<32x1024xf32, #tpu.memory_space<hbm>>
    %dma_wait3A_1709 = arith.constant 0 : i32
    %dma_wait3A_1710 = arith.constant 0 : i32
    %dma_wait3A_1711 = tpu.memref_slice %arg6[%dma_wait3A_1700, %dma_wait3A_1709, %dma_wait3A_1710] : memref<3x32x1024xf32, #tpu.memory_space<vmem>> -> memref<1x32x1024xf32, #tpu.memory_space<vmem>>
    %dma_wait3A_1712 = tpu.memref_squeeze %dma_wait3A_1711 : memref<1x32x1024xf32, #tpu.memory_space<vmem>> -> memref<32x1024xf32, #tpu.memory_space<vmem>>
    tpu.wait_dma2 semaphore(%arg8 : memref<!tpu.dma_semaphore, #tpu.memory_space<semaphore_mem>>) src(%dma_wait3A_1712 : memref<32x1024xf32, #tpu.memory_space<vmem>>) dst(%dma_wait3A_1708 : memref<32x1024xf32, #tpu.memory_space<hbm>>)
    %dma_start3A_1713 = arith.constant 2 : i32
    %dma_start3A_1714 = arith.constant 0 : i32
    %dma_start3A_1715 = arith.constant 0 : i32
    %dma_start3A_1716 = tpu.memref_slice %arg6[%dma_start3A_1713, %dma_start3A_1714, %dma_start3A_1715] : memref<3x32x1024xf32, #tpu.memory_space<vmem>> -> memref<1x32x1024xf32, #tpu.memory_space<vmem>>
    %dma_start3A_1717 = tpu.memref_squeeze %dma_start3A_1716 : memref<1x32x1024xf32, #tpu.memory_space<vmem>> -> memref<32x1024xf32, #tpu.memory_space<vmem>>
    %dma_start3A_1718 = arith.constant 640 : i32
    %dma_start3A_1719 = tpu.memref_slice %arg5[%dma_start3A_1718] : memref<1024xi32, #tpu.memory_space<vmem>> -> memref<32xi32, #tpu.memory_space<vmem>>
    %dma_start3A_1720 = arith.constant 0 : i32
    %dma_start3A_1721 = arith.constant 0 : i32
    %dma_start3A_1722 = tpu.memref_slice %arg2[%dma_start3A_1720, %dma_start3A_1721] : memref<8192x1024xf32, #tpu.memory_space<hbm>> -> memref<8192x1024xf32, #tpu.memory_space<hbm>>
    tpu.enqueue_indirect_dma source(%dma_start3A_1722 : memref<8192x1024xf32, #tpu.memory_space<hbm>>) target(%dma_start3A_1717 : memref<32x1024xf32, #tpu.memory_space<vmem>>) offsets(%dma_start3A_1719 : memref<32xi32, #tpu.memory_space<vmem>>) semaphore(%arg7 : memref<!tpu.dma_semaphore, #tpu.memory_space<semaphore_mem>>)
    %dma_wait3A_1723 = arith.constant 0 : i32
    %dma_wait3A_1724 = arith.constant 0 : i32
    %dma_wait3A_1725 = arith.constant 0 : i32
    %dma_wait3A_1726 = tpu.memref_slice %arg6[%dma_wait3A_1723, %dma_wait3A_1724, %dma_wait3A_1725] : memref<3x32x1024xf32, #tpu.memory_space<vmem>> -> memref<1x32x1024xf32, #tpu.memory_space<vmem>>
    %dma_wait3A_1727 = tpu.memref_squeeze %dma_wait3A_1726 : memref<1x32x1024xf32, #tpu.memory_space<vmem>> -> memref<32x1024xf32, #tpu.memory_space<vmem>>
    %dma_wait3A_1728 = arith.constant 576 : i32
    %dma_wait3A_1729 = tpu.memref_slice %arg5[%dma_wait3A_1728] : memref<1024xi32, #tpu.memory_space<vmem>> -> memref<32xi32, #tpu.memory_space<vmem>>
    %dma_wait3A_1730 = arith.constant 0 : i32
    %dma_wait3A_1731 = arith.constant 0 : i32
    %dma_wait3A_1732 = tpu.memref_slice %arg2[%dma_wait3A_1730, %dma_wait3A_1731] : memref<8192x1024xf32, #tpu.memory_space<hbm>> -> memref<8192x1024xf32, #tpu.memory_space<hbm>>
    tpu.wait_indirect_dma semaphore(%arg7 : memref<!tpu.dma_semaphore, #tpu.memory_space<semaphore_mem>>) src(%dma_wait3A_1732 : memref<8192x1024xf32, #tpu.memory_space<hbm>>) dst(%dma_wait3A_1727 : memref<32x1024xf32, #tpu.memory_space<vmem>>)
    %add3A_1733 = arith.constant 576 : i32
    %add3A_1734 = arith.addi %mul3A_2, %add3A_1733 : i32
    %dma_start3A_1735 = arith.constant 0 : i32
    %dma_start3A_1736 = arith.constant 0 : i32
    %dma_start3A_1737 = arith.constant 0 : i32
    %dma_start3A_1738 = tpu.memref_slice %arg6[%dma_start3A_1735, %dma_start3A_1736, %dma_start3A_1737] : memref<3x32x1024xf32, #tpu.memory_space<vmem>> -> memref<1x32x1024xf32, #tpu.memory_space<vmem>>
    %dma_start3A_1739 = tpu.memref_squeeze %dma_start3A_1738 : memref<1x32x1024xf32, #tpu.memory_space<vmem>> -> memref<32x1024xf32, #tpu.memory_space<vmem>>
    %dma_start3A_1740 = arith.constant 0 : i32
    %dma_start3A_1741 = tpu.memref_slice %arg4[%add3A_1734, %dma_start3A_1740] : memref<32768x1024xf32, #tpu.memory_space<hbm>> -> memref<32x1024xf32, #tpu.memory_space<hbm>>
    %dma_start3A_1742 = arith.constant 0 : i32
    %dma_start3A_1743 = tpu.memref_slice %arg4[%add3A_1734, %dma_start3A_1742] : memref<32768x1024xf32, #tpu.memory_space<hbm>> -> memref<32x1024xf32, #tpu.memory_space<hbm>>
    %dma_start3A_1744 = arith.constant 0 : i32
    %dma_start3A_1745 = arith.constant 0 : i32
    %dma_start3A_1746 = tpu.memref_slice %arg6[%dma_start3A_1735, %dma_start3A_1744, %dma_start3A_1745] : memref<3x32x1024xf32, #tpu.memory_space<vmem>> -> memref<1x32x1024xf32, #tpu.memory_space<vmem>>
    %dma_start3A_1747 = tpu.memref_squeeze %dma_start3A_1746 : memref<1x32x1024xf32, #tpu.memory_space<vmem>> -> memref<32x1024xf32, #tpu.memory_space<vmem>>
    tpu.enqueue_dma source(%dma_start3A_1747 : memref<32x1024xf32, #tpu.memory_space<vmem>>) target(%dma_start3A_1743 : memref<32x1024xf32, #tpu.memory_space<hbm>>) target_semaphore(%arg8 : memref<!tpu.dma_semaphore, #tpu.memory_space<semaphore_mem>>)
    %dma_wait3A_1748 = arith.constant 0 : i32
    %dma_wait3A_1749 = arith.constant 0 : i32
    %dma_wait3A_1750 = arith.constant 0 : i32
    %dma_wait3A_1751 = tpu.memref_slice %arg6[%dma_wait3A_1748, %dma_wait3A_1749, %dma_wait3A_1750] : memref<3x32x1024xf32, #tpu.memory_space<vmem>> -> memref<1x32x1024xf32, #tpu.memory_space<vmem>>
    %dma_wait3A_1752 = tpu.memref_squeeze %dma_wait3A_1751 : memref<1x32x1024xf32, #tpu.memory_space<vmem>> -> memref<32x1024xf32, #tpu.memory_space<vmem>>
    %dma_wait3A_1753 = arith.constant 0 : i32
    %dma_wait3A_1754 = tpu.memref_slice %arg4[%add3A_1734, %dma_wait3A_1753] : memref<32768x1024xf32, #tpu.memory_space<hbm>> -> memref<32x1024xf32, #tpu.memory_space<hbm>>
    %dma_wait3A_1755 = arith.constant 0 : i32
    %dma_wait3A_1756 = tpu.memref_slice %arg4[%add3A_1734, %dma_wait3A_1755] : memref<32768x1024xf32, #tpu.memory_space<hbm>> -> memref<32x1024xf32, #tpu.memory_space<hbm>>
    %dma_wait3A_1757 = arith.constant 0 : i32
    %dma_wait3A_1758 = arith.constant 0 : i32
    %dma_wait3A_1759 = tpu.memref_slice %arg6[%dma_wait3A_1748, %dma_wait3A_1757, %dma_wait3A_1758] : memref<3x32x1024xf32, #tpu.memory_space<vmem>> -> memref<1x32x1024xf32, #tpu.memory_space<vmem>>
    %dma_wait3A_1760 = tpu.memref_squeeze %dma_wait3A_1759 : memref<1x32x1024xf32, #tpu.memory_space<vmem>> -> memref<32x1024xf32, #tpu.memory_space<vmem>>
    tpu.wait_dma2 semaphore(%arg8 : memref<!tpu.dma_semaphore, #tpu.memory_space<semaphore_mem>>) src(%dma_wait3A_1760 : memref<32x1024xf32, #tpu.memory_space<vmem>>) dst(%dma_wait3A_1756 : memref<32x1024xf32, #tpu.memory_space<hbm>>)
    %dma_start3A_1761 = arith.constant 0 : i32
    %dma_start3A_1762 = arith.constant 0 : i32
    %dma_start3A_1763 = arith.constant 0 : i32
    %dma_start3A_1764 = tpu.memref_slice %arg6[%dma_start3A_1761, %dma_start3A_1762, %dma_start3A_1763] : memref<3x32x1024xf32, #tpu.memory_space<vmem>> -> memref<1x32x1024xf32, #tpu.memory_space<vmem>>
    %dma_start3A_1765 = tpu.memref_squeeze %dma_start3A_1764 : memref<1x32x1024xf32, #tpu.memory_space<vmem>> -> memref<32x1024xf32, #tpu.memory_space<vmem>>
    %dma_start3A_1766 = arith.constant 672 : i32
    %dma_start3A_1767 = tpu.memref_slice %arg5[%dma_start3A_1766] : memref<1024xi32, #tpu.memory_space<vmem>> -> memref<32xi32, #tpu.memory_space<vmem>>
    %dma_start3A_1768 = arith.constant 0 : i32
    %dma_start3A_1769 = arith.constant 0 : i32
    %dma_start3A_1770 = tpu.memref_slice %arg2[%dma_start3A_1768, %dma_start3A_1769] : memref<8192x1024xf32, #tpu.memory_space<hbm>> -> memref<8192x1024xf32, #tpu.memory_space<hbm>>
    tpu.enqueue_indirect_dma source(%dma_start3A_1770 : memref<8192x1024xf32, #tpu.memory_space<hbm>>) target(%dma_start3A_1765 : memref<32x1024xf32, #tpu.memory_space<vmem>>) offsets(%dma_start3A_1767 : memref<32xi32, #tpu.memory_space<vmem>>) semaphore(%arg7 : memref<!tpu.dma_semaphore, #tpu.memory_space<semaphore_mem>>)
    %dma_wait3A_1771 = arith.constant 1 : i32
    %dma_wait3A_1772 = arith.constant 0 : i32
    %dma_wait3A_1773 = arith.constant 0 : i32
    %dma_wait3A_1774 = tpu.memref_slice %arg6[%dma_wait3A_1771, %dma_wait3A_1772, %dma_wait3A_1773] : memref<3x32x1024xf32, #tpu.memory_space<vmem>> -> memref<1x32x1024xf32, #tpu.memory_space<vmem>>
    %dma_wait3A_1775 = tpu.memref_squeeze %dma_wait3A_1774 : memref<1x32x1024xf32, #tpu.memory_space<vmem>> -> memref<32x1024xf32, #tpu.memory_space<vmem>>
    %dma_wait3A_1776 = arith.constant 608 : i32
    %dma_wait3A_1777 = tpu.memref_slice %arg5[%dma_wait3A_1776] : memref<1024xi32, #tpu.memory_space<vmem>> -> memref<32xi32, #tpu.memory_space<vmem>>
    %dma_wait3A_1778 = arith.constant 0 : i32
    %dma_wait3A_1779 = arith.constant 0 : i32
    %dma_wait3A_1780 = tpu.memref_slice %arg2[%dma_wait3A_1778, %dma_wait3A_1779] : memref<8192x1024xf32, #tpu.memory_space<hbm>> -> memref<8192x1024xf32, #tpu.memory_space<hbm>>
    tpu.wait_indirect_dma semaphore(%arg7 : memref<!tpu.dma_semaphore, #tpu.memory_space<semaphore_mem>>) src(%dma_wait3A_1780 : memref<8192x1024xf32, #tpu.memory_space<hbm>>) dst(%dma_wait3A_1775 : memref<32x1024xf32, #tpu.memory_space<vmem>>)
    %add3A_1781 = arith.constant 608 : i32
    %add3A_1782 = arith.addi %mul3A_2, %add3A_1781 : i32
    %dma_start3A_1783 = arith.constant 1 : i32
    %dma_start3A_1784 = arith.constant 0 : i32
    %dma_start3A_1785 = arith.constant 0 : i32
    %dma_start3A_1786 = tpu.memref_slice %arg6[%dma_start3A_1783, %dma_start3A_1784, %dma_start3A_1785] : memref<3x32x1024xf32, #tpu.memory_space<vmem>> -> memref<1x32x1024xf32, #tpu.memory_space<vmem>>
    %dma_start3A_1787 = tpu.memref_squeeze %dma_start3A_1786 : memref<1x32x1024xf32, #tpu.memory_space<vmem>> -> memref<32x1024xf32, #tpu.memory_space<vmem>>
    %dma_start3A_1788 = arith.constant 0 : i32
    %dma_start3A_1789 = tpu.memref_slice %arg4[%add3A_1782, %dma_start3A_1788] : memref<32768x1024xf32, #tpu.memory_space<hbm>> -> memref<32x1024xf32, #tpu.memory_space<hbm>>
    %dma_start3A_1790 = arith.constant 0 : i32
    %dma_start3A_1791 = tpu.memref_slice %arg4[%add3A_1782, %dma_start3A_1790] : memref<32768x1024xf32, #tpu.memory_space<hbm>> -> memref<32x1024xf32, #tpu.memory_space<hbm>>
    %dma_start3A_1792 = arith.constant 0 : i32
    %dma_start3A_1793 = arith.constant 0 : i32
    %dma_start3A_1794 = tpu.memref_slice %arg6[%dma_start3A_1783, %dma_start3A_1792, %dma_start3A_1793] : memref<3x32x1024xf32, #tpu.memory_space<vmem>> -> memref<1x32x1024xf32, #tpu.memory_space<vmem>>
    %dma_start3A_1795 = tpu.memref_squeeze %dma_start3A_1794 : memref<1x32x1024xf32, #tpu.memory_space<vmem>> -> memref<32x1024xf32, #tpu.memory_space<vmem>>
    tpu.enqueue_dma source(%dma_start3A_1795 : memref<32x1024xf32, #tpu.memory_space<vmem>>) target(%dma_start3A_1791 : memref<32x1024xf32, #tpu.memory_space<hbm>>) target_semaphore(%arg8 : memref<!tpu.dma_semaphore, #tpu.memory_space<semaphore_mem>>)
    %dma_wait3A_1796 = arith.constant 1 : i32
    %dma_wait3A_1797 = arith.constant 0 : i32
    %dma_wait3A_1798 = arith.constant 0 : i32
    %dma_wait3A_1799 = tpu.memref_slice %arg6[%dma_wait3A_1796, %dma_wait3A_1797, %dma_wait3A_1798] : memref<3x32x1024xf32, #tpu.memory_space<vmem>> -> memref<1x32x1024xf32, #tpu.memory_space<vmem>>
    %dma_wait3A_1800 = tpu.memref_squeeze %dma_wait3A_1799 : memref<1x32x1024xf32, #tpu.memory_space<vmem>> -> memref<32x1024xf32, #tpu.memory_space<vmem>>
    %dma_wait3A_1801 = arith.constant 0 : i32
    %dma_wait3A_1802 = tpu.memref_slice %arg4[%add3A_1782, %dma_wait3A_1801] : memref<32768x1024xf32, #tpu.memory_space<hbm>> -> memref<32x1024xf32, #tpu.memory_space<hbm>>
    %dma_wait3A_1803 = arith.constant 0 : i32
    %dma_wait3A_1804 = tpu.memref_slice %arg4[%add3A_1782, %dma_wait3A_1803] : memref<32768x1024xf32, #tpu.memory_space<hbm>> -> memref<32x1024xf32, #tpu.memory_space<hbm>>
    %dma_wait3A_1805 = arith.constant 0 : i32
    %dma_wait3A_1806 = arith.constant 0 : i32
    %dma_wait3A_1807 = tpu.memref_slice %arg6[%dma_wait3A_1796, %dma_wait3A_1805, %dma_wait3A_1806] : memref<3x32x1024xf32, #tpu.memory_space<vmem>> -> memref<1x32x1024xf32, #tpu.memory_space<vmem>>
    %dma_wait3A_1808 = tpu.memref_squeeze %dma_wait3A_1807 : memref<1x32x1024xf32, #tpu.memory_space<vmem>> -> memref<32x1024xf32, #tpu.memory_space<vmem>>
    tpu.wait_dma2 semaphore(%arg8 : memref<!tpu.dma_semaphore, #tpu.memory_space<semaphore_mem>>) src(%dma_wait3A_1808 : memref<32x1024xf32, #tpu.memory_space<vmem>>) dst(%dma_wait3A_1804 : memref<32x1024xf32, #tpu.memory_space<hbm>>)
    %dma_start3A_1809 = arith.constant 1 : i32
    %dma_start3A_1810 = arith.constant 0 : i32
    %dma_start3A_1811 = arith.constant 0 : i32
    %dma_start3A_1812 = tpu.memref_slice %arg6[%dma_start3A_1809, %dma_start3A_1810, %dma_start3A_1811] : memref<3x32x1024xf32, #tpu.memory_space<vmem>> -> memref<1x32x1024xf32, #tpu.memory_space<vmem>>
    %dma_start3A_1813 = tpu.memref_squeeze %dma_start3A_1812 : memref<1x32x1024xf32, #tpu.memory_space<vmem>> -> memref<32x1024xf32, #tpu.memory_space<vmem>>
    %dma_start3A_1814 = arith.constant 704 : i32
    %dma_start3A_1815 = tpu.memref_slice %arg5[%dma_start3A_1814] : memref<1024xi32, #tpu.memory_space<vmem>> -> memref<32xi32, #tpu.memory_space<vmem>>
    %dma_start3A_1816 = arith.constant 0 : i32
    %dma_start3A_1817 = arith.constant 0 : i32
    %dma_start3A_1818 = tpu.memref_slice %arg2[%dma_start3A_1816, %dma_start3A_1817] : memref<8192x1024xf32, #tpu.memory_space<hbm>> -> memref<8192x1024xf32, #tpu.memory_space<hbm>>
    tpu.enqueue_indirect_dma source(%dma_start3A_1818 : memref<8192x1024xf32, #tpu.memory_space<hbm>>) target(%dma_start3A_1813 : memref<32x1024xf32, #tpu.memory_space<vmem>>) offsets(%dma_start3A_1815 : memref<32xi32, #tpu.memory_space<vmem>>) semaphore(%arg7 : memref<!tpu.dma_semaphore, #tpu.memory_space<semaphore_mem>>)
    %dma_wait3A_1819 = arith.constant 2 : i32
    %dma_wait3A_1820 = arith.constant 0 : i32
    %dma_wait3A_1821 = arith.constant 0 : i32
    %dma_wait3A_1822 = tpu.memref_slice %arg6[%dma_wait3A_1819, %dma_wait3A_1820, %dma_wait3A_1821] : memref<3x32x1024xf32, #tpu.memory_space<vmem>> -> memref<1x32x1024xf32, #tpu.memory_space<vmem>>
    %dma_wait3A_1823 = tpu.memref_squeeze %dma_wait3A_1822 : memref<1x32x1024xf32, #tpu.memory_space<vmem>> -> memref<32x1024xf32, #tpu.memory_space<vmem>>
    %dma_wait3A_1824 = arith.constant 640 : i32
    %dma_wait3A_1825 = tpu.memref_slice %arg5[%dma_wait3A_1824] : memref<1024xi32, #tpu.memory_space<vmem>> -> memref<32xi32, #tpu.memory_space<vmem>>
    %dma_wait3A_1826 = arith.constant 0 : i32
    %dma_wait3A_1827 = arith.constant 0 : i32
    %dma_wait3A_1828 = tpu.memref_slice %arg2[%dma_wait3A_1826, %dma_wait3A_1827] : memref<8192x1024xf32, #tpu.memory_space<hbm>> -> memref<8192x1024xf32, #tpu.memory_space<hbm>>
    tpu.wait_indirect_dma semaphore(%arg7 : memref<!tpu.dma_semaphore, #tpu.memory_space<semaphore_mem>>) src(%dma_wait3A_1828 : memref<8192x1024xf32, #tpu.memory_space<hbm>>) dst(%dma_wait3A_1823 : memref<32x1024xf32, #tpu.memory_space<vmem>>)
    %add3A_1829 = arith.constant 640 : i32
    %add3A_1830 = arith.addi %mul3A_2, %add3A_1829 : i32
    %dma_start3A_1831 = arith.constant 2 : i32
    %dma_start3A_1832 = arith.constant 0 : i32
    %dma_start3A_1833 = arith.constant 0 : i32
    %dma_start3A_1834 = tpu.memref_slice %arg6[%dma_start3A_1831, %dma_start3A_1832, %dma_start3A_1833] : memref<3x32x1024xf32, #tpu.memory_space<vmem>> -> memref<1x32x1024xf32, #tpu.memory_space<vmem>>
    %dma_start3A_1835 = tpu.memref_squeeze %dma_start3A_1834 : memref<1x32x1024xf32, #tpu.memory_space<vmem>> -> memref<32x1024xf32, #tpu.memory_space<vmem>>
    %dma_start3A_1836 = arith.constant 0 : i32
    %dma_start3A_1837 = tpu.memref_slice %arg4[%add3A_1830, %dma_start3A_1836] : memref<32768x1024xf32, #tpu.memory_space<hbm>> -> memref<32x1024xf32, #tpu.memory_space<hbm>>
    %dma_start3A_1838 = arith.constant 0 : i32
    %dma_start3A_1839 = tpu.memref_slice %arg4[%add3A_1830, %dma_start3A_1838] : memref<32768x1024xf32, #tpu.memory_space<hbm>> -> memref<32x1024xf32, #tpu.memory_space<hbm>>
    %dma_start3A_1840 = arith.constant 0 : i32
    %dma_start3A_1841 = arith.constant 0 : i32
    %dma_start3A_1842 = tpu.memref_slice %arg6[%dma_start3A_1831, %dma_start3A_1840, %dma_start3A_1841] : memref<3x32x1024xf32, #tpu.memory_space<vmem>> -> memref<1x32x1024xf32, #tpu.memory_space<vmem>>
    %dma_start3A_1843 = tpu.memref_squeeze %dma_start3A_1842 : memref<1x32x1024xf32, #tpu.memory_space<vmem>> -> memref<32x1024xf32, #tpu.memory_space<vmem>>
    tpu.enqueue_dma source(%dma_start3A_1843 : memref<32x1024xf32, #tpu.memory_space<vmem>>) target(%dma_start3A_1839 : memref<32x1024xf32, #tpu.memory_space<hbm>>) target_semaphore(%arg8 : memref<!tpu.dma_semaphore, #tpu.memory_space<semaphore_mem>>)
    %dma_wait3A_1844 = arith.constant 2 : i32
    %dma_wait3A_1845 = arith.constant 0 : i32
    %dma_wait3A_1846 = arith.constant 0 : i32
    %dma_wait3A_1847 = tpu.memref_slice %arg6[%dma_wait3A_1844, %dma_wait3A_1845, %dma_wait3A_1846] : memref<3x32x1024xf32, #tpu.memory_space<vmem>> -> memref<1x32x1024xf32, #tpu.memory_space<vmem>>
    %dma_wait3A_1848 = tpu.memref_squeeze %dma_wait3A_1847 : memref<1x32x1024xf32, #tpu.memory_space<vmem>> -> memref<32x1024xf32, #tpu.memory_space<vmem>>
    %dma_wait3A_1849 = arith.constant 0 : i32
    %dma_wait3A_1850 = tpu.memref_slice %arg4[%add3A_1830, %dma_wait3A_1849] : memref<32768x1024xf32, #tpu.memory_space<hbm>> -> memref<32x1024xf32, #tpu.memory_space<hbm>>
    %dma_wait3A_1851 = arith.constant 0 : i32
    %dma_wait3A_1852 = tpu.memref_slice %arg4[%add3A_1830, %dma_wait3A_1851] : memref<32768x1024xf32, #tpu.memory_space<hbm>> -> memref<32x1024xf32, #tpu.memory_space<hbm>>
    %dma_wait3A_1853 = arith.constant 0 : i32
    %dma_wait3A_1854 = arith.constant 0 : i32
    %dma_wait3A_1855 = tpu.memref_slice %arg6[%dma_wait3A_1844, %dma_wait3A_1853, %dma_wait3A_1854] : memref<3x32x1024xf32, #tpu.memory_space<vmem>> -> memref<1x32x1024xf32, #tpu.memory_space<vmem>>
    %dma_wait3A_1856 = tpu.memref_squeeze %dma_wait3A_1855 : memref<1x32x1024xf32, #tpu.memory_space<vmem>> -> memref<32x1024xf32, #tpu.memory_space<vmem>>
    tpu.wait_dma2 semaphore(%arg8 : memref<!tpu.dma_semaphore, #tpu.memory_space<semaphore_mem>>) src(%dma_wait3A_1856 : memref<32x1024xf32, #tpu.memory_space<vmem>>) dst(%dma_wait3A_1852 : memref<32x1024xf32, #tpu.memory_space<hbm>>)
    %dma_start3A_1857 = arith.constant 2 : i32
    %dma_start3A_1858 = arith.constant 0 : i32
    %dma_start3A_1859 = arith.constant 0 : i32
    %dma_start3A_1860 = tpu.memref_slice %arg6[%dma_start3A_1857, %dma_start3A_1858, %dma_start3A_1859] : memref<3x32x1024xf32, #tpu.memory_space<vmem>> -> memref<1x32x1024xf32, #tpu.memory_space<vmem>>
    %dma_start3A_1861 = tpu.memref_squeeze %dma_start3A_1860 : memref<1x32x1024xf32, #tpu.memory_space<vmem>> -> memref<32x1024xf32, #tpu.memory_space<vmem>>
    %dma_start3A_1862 = arith.constant 736 : i32
    %dma_start3A_1863 = tpu.memref_slice %arg5[%dma_start3A_1862] : memref<1024xi32, #tpu.memory_space<vmem>> -> memref<32xi32, #tpu.memory_space<vmem>>
    %dma_start3A_1864 = arith.constant 0 : i32
    %dma_start3A_1865 = arith.constant 0 : i32
    %dma_start3A_1866 = tpu.memref_slice %arg2[%dma_start3A_1864, %dma_start3A_1865] : memref<8192x1024xf32, #tpu.memory_space<hbm>> -> memref<8192x1024xf32, #tpu.memory_space<hbm>>
    tpu.enqueue_indirect_dma source(%dma_start3A_1866 : memref<8192x1024xf32, #tpu.memory_space<hbm>>) target(%dma_start3A_1861 : memref<32x1024xf32, #tpu.memory_space<vmem>>) offsets(%dma_start3A_1863 : memref<32xi32, #tpu.memory_space<vmem>>) semaphore(%arg7 : memref<!tpu.dma_semaphore, #tpu.memory_space<semaphore_mem>>)
    %dma_wait3A_1867 = arith.constant 0 : i32
    %dma_wait3A_1868 = arith.constant 0 : i32
    %dma_wait3A_1869 = arith.constant 0 : i32
    %dma_wait3A_1870 = tpu.memref_slice %arg6[%dma_wait3A_1867, %dma_wait3A_1868, %dma_wait3A_1869] : memref<3x32x1024xf32, #tpu.memory_space<vmem>> -> memref<1x32x1024xf32, #tpu.memory_space<vmem>>
    %dma_wait3A_1871 = tpu.memref_squeeze %dma_wait3A_1870 : memref<1x32x1024xf32, #tpu.memory_space<vmem>> -> memref<32x1024xf32, #tpu.memory_space<vmem>>
    %dma_wait3A_1872 = arith.constant 672 : i32
    %dma_wait3A_1873 = tpu.memref_slice %arg5[%dma_wait3A_1872] : memref<1024xi32, #tpu.memory_space<vmem>> -> memref<32xi32, #tpu.memory_space<vmem>>
    %dma_wait3A_1874 = arith.constant 0 : i32
    %dma_wait3A_1875 = arith.constant 0 : i32
    %dma_wait3A_1876 = tpu.memref_slice %arg2[%dma_wait3A_1874, %dma_wait3A_1875] : memref<8192x1024xf32, #tpu.memory_space<hbm>> -> memref<8192x1024xf32, #tpu.memory_space<hbm>>
    tpu.wait_indirect_dma semaphore(%arg7 : memref<!tpu.dma_semaphore, #tpu.memory_space<semaphore_mem>>) src(%dma_wait3A_1876 : memref<8192x1024xf32, #tpu.memory_space<hbm>>) dst(%dma_wait3A_1871 : memref<32x1024xf32, #tpu.memory_space<vmem>>)
    %add3A_1877 = arith.constant 672 : i32
    %add3A_1878 = arith.addi %mul3A_2, %add3A_1877 : i32
    %dma_start3A_1879 = arith.constant 0 : i32
    %dma_start3A_1880 = arith.constant 0 : i32
    %dma_start3A_1881 = arith.constant 0 : i32
    %dma_start3A_1882 = tpu.memref_slice %arg6[%dma_start3A_1879, %dma_start3A_1880, %dma_start3A_1881] : memref<3x32x1024xf32, #tpu.memory_space<vmem>> -> memref<1x32x1024xf32, #tpu.memory_space<vmem>>
    %dma_start3A_1883 = tpu.memref_squeeze %dma_start3A_1882 : memref<1x32x1024xf32, #tpu.memory_space<vmem>> -> memref<32x1024xf32, #tpu.memory_space<vmem>>
    %dma_start3A_1884 = arith.constant 0 : i32
    %dma_start3A_1885 = tpu.memref_slice %arg4[%add3A_1878, %dma_start3A_1884] : memref<32768x1024xf32, #tpu.memory_space<hbm>> -> memref<32x1024xf32, #tpu.memory_space<hbm>>
    %dma_start3A_1886 = arith.constant 0 : i32
    %dma_start3A_1887 = tpu.memref_slice %arg4[%add3A_1878, %dma_start3A_1886] : memref<32768x1024xf32, #tpu.memory_space<hbm>> -> memref<32x1024xf32, #tpu.memory_space<hbm>>
    %dma_start3A_1888 = arith.constant 0 : i32
    %dma_start3A_1889 = arith.constant 0 : i32
    %dma_start3A_1890 = tpu.memref_slice %arg6[%dma_start3A_1879, %dma_start3A_1888, %dma_start3A_1889] : memref<3x32x1024xf32, #tpu.memory_space<vmem>> -> memref<1x32x1024xf32, #tpu.memory_space<vmem>>
    %dma_start3A_1891 = tpu.memref_squeeze %dma_start3A_1890 : memref<1x32x1024xf32, #tpu.memory_space<vmem>> -> memref<32x1024xf32, #tpu.memory_space<vmem>>
    tpu.enqueue_dma source(%dma_start3A_1891 : memref<32x1024xf32, #tpu.memory_space<vmem>>) target(%dma_start3A_1887 : memref<32x1024xf32, #tpu.memory_space<hbm>>) target_semaphore(%arg8 : memref<!tpu.dma_semaphore, #tpu.memory_space<semaphore_mem>>)
    %dma_wait3A_1892 = arith.constant 0 : i32
    %dma_wait3A_1893 = arith.constant 0 : i32
    %dma_wait3A_1894 = arith.constant 0 : i32
    %dma_wait3A_1895 = tpu.memref_slice %arg6[%dma_wait3A_1892, %dma_wait3A_1893, %dma_wait3A_1894] : memref<3x32x1024xf32, #tpu.memory_space<vmem>> -> memref<1x32x1024xf32, #tpu.memory_space<vmem>>
    %dma_wait3A_1896 = tpu.memref_squeeze %dma_wait3A_1895 : memref<1x32x1024xf32, #tpu.memory_space<vmem>> -> memref<32x1024xf32, #tpu.memory_space<vmem>>
    %dma_wait3A_1897 = arith.constant 0 : i32
    %dma_wait3A_1898 = tpu.memref_slice %arg4[%add3A_1878, %dma_wait3A_1897] : memref<32768x1024xf32, #tpu.memory_space<hbm>> -> memref<32x1024xf32, #tpu.memory_space<hbm>>
    %dma_wait3A_1899 = arith.constant 0 : i32
    %dma_wait3A_1900 = tpu.memref_slice %arg4[%add3A_1878, %dma_wait3A_1899] : memref<32768x1024xf32, #tpu.memory_space<hbm>> -> memref<32x1024xf32, #tpu.memory_space<hbm>>
    %dma_wait3A_1901 = arith.constant 0 : i32
    %dma_wait3A_1902 = arith.constant 0 : i32
    %dma_wait3A_1903 = tpu.memref_slice %arg6[%dma_wait3A_1892, %dma_wait3A_1901, %dma_wait3A_1902] : memref<3x32x1024xf32, #tpu.memory_space<vmem>> -> memref<1x32x1024xf32, #tpu.memory_space<vmem>>
    %dma_wait3A_1904 = tpu.memref_squeeze %dma_wait3A_1903 : memref<1x32x1024xf32, #tpu.memory_space<vmem>> -> memref<32x1024xf32, #tpu.memory_space<vmem>>
    tpu.wait_dma2 semaphore(%arg8 : memref<!tpu.dma_semaphore, #tpu.memory_space<semaphore_mem>>) src(%dma_wait3A_1904 : memref<32x1024xf32, #tpu.memory_space<vmem>>) dst(%dma_wait3A_1900 : memref<32x1024xf32, #tpu.memory_space<hbm>>)
    %dma_start3A_1905 = arith.constant 0 : i32
    %dma_start3A_1906 = arith.constant 0 : i32
    %dma_start3A_1907 = arith.constant 0 : i32
    %dma_start3A_1908 = tpu.memref_slice %arg6[%dma_start3A_1905, %dma_start3A_1906, %dma_start3A_1907] : memref<3x32x1024xf32, #tpu.memory_space<vmem>> -> memref<1x32x1024xf32, #tpu.memory_space<vmem>>
    %dma_start3A_1909 = tpu.memref_squeeze %dma_start3A_1908 : memref<1x32x1024xf32, #tpu.memory_space<vmem>> -> memref<32x1024xf32, #tpu.memory_space<vmem>>
    %dma_start3A_1910 = arith.constant 768 : i32
    %dma_start3A_1911 = tpu.memref_slice %arg5[%dma_start3A_1910] : memref<1024xi32, #tpu.memory_space<vmem>> -> memref<32xi32, #tpu.memory_space<vmem>>
    %dma_start3A_1912 = arith.constant 0 : i32
    %dma_start3A_1913 = arith.constant 0 : i32
    %dma_start3A_1914 = tpu.memref_slice %arg2[%dma_start3A_1912, %dma_start3A_1913] : memref<8192x1024xf32, #tpu.memory_space<hbm>> -> memref<8192x1024xf32, #tpu.memory_space<hbm>>
    tpu.enqueue_indirect_dma source(%dma_start3A_1914 : memref<8192x1024xf32, #tpu.memory_space<hbm>>) target(%dma_start3A_1909 : memref<32x1024xf32, #tpu.memory_space<vmem>>) offsets(%dma_start3A_1911 : memref<32xi32, #tpu.memory_space<vmem>>) semaphore(%arg7 : memref<!tpu.dma_semaphore, #tpu.memory_space<semaphore_mem>>)
    %dma_wait3A_1915 = arith.constant 1 : i32
    %dma_wait3A_1916 = arith.constant 0 : i32
    %dma_wait3A_1917 = arith.constant 0 : i32
    %dma_wait3A_1918 = tpu.memref_slice %arg6[%dma_wait3A_1915, %dma_wait3A_1916, %dma_wait3A_1917] : memref<3x32x1024xf32, #tpu.memory_space<vmem>> -> memref<1x32x1024xf32, #tpu.memory_space<vmem>>
    %dma_wait3A_1919 = tpu.memref_squeeze %dma_wait3A_1918 : memref<1x32x1024xf32, #tpu.memory_space<vmem>> -> memref<32x1024xf32, #tpu.memory_space<vmem>>
    %dma_wait3A_1920 = arith.constant 704 : i32
    %dma_wait3A_1921 = tpu.memref_slice %arg5[%dma_wait3A_1920] : memref<1024xi32, #tpu.memory_space<vmem>> -> memref<32xi32, #tpu.memory_space<vmem>>
    %dma_wait3A_1922 = arith.constant 0 : i32
    %dma_wait3A_1923 = arith.constant 0 : i32
    %dma_wait3A_1924 = tpu.memref_slice %arg2[%dma_wait3A_1922, %dma_wait3A_1923] : memref<8192x1024xf32, #tpu.memory_space<hbm>> -> memref<8192x1024xf32, #tpu.memory_space<hbm>>
    tpu.wait_indirect_dma semaphore(%arg7 : memref<!tpu.dma_semaphore, #tpu.memory_space<semaphore_mem>>) src(%dma_wait3A_1924 : memref<8192x1024xf32, #tpu.memory_space<hbm>>) dst(%dma_wait3A_1919 : memref<32x1024xf32, #tpu.memory_space<vmem>>)
    %add3A_1925 = arith.constant 704 : i32
    %add3A_1926 = arith.addi %mul3A_2, %add3A_1925 : i32
    %dma_start3A_1927 = arith.constant 1 : i32
    %dma_start3A_1928 = arith.constant 0 : i32
    %dma_start3A_1929 = arith.constant 0 : i32
    %dma_start3A_1930 = tpu.memref_slice %arg6[%dma_start3A_1927, %dma_start3A_1928, %dma_start3A_1929] : memref<3x32x1024xf32, #tpu.memory_space<vmem>> -> memref<1x32x1024xf32, #tpu.memory_space<vmem>>
    %dma_start3A_1931 = tpu.memref_squeeze %dma_start3A_1930 : memref<1x32x1024xf32, #tpu.memory_space<vmem>> -> memref<32x1024xf32, #tpu.memory_space<vmem>>
    %dma_start3A_1932 = arith.constant 0 : i32
    %dma_start3A_1933 = tpu.memref_slice %arg4[%add3A_1926, %dma_start3A_1932] : memref<32768x1024xf32, #tpu.memory_space<hbm>> -> memref<32x1024xf32, #tpu.memory_space<hbm>>
    %dma_start3A_1934 = arith.constant 0 : i32
    %dma_start3A_1935 = tpu.memref_slice %arg4[%add3A_1926, %dma_start3A_1934] : memref<32768x1024xf32, #tpu.memory_space<hbm>> -> memref<32x1024xf32, #tpu.memory_space<hbm>>
    %dma_start3A_1936 = arith.constant 0 : i32
    %dma_start3A_1937 = arith.constant 0 : i32
    %dma_start3A_1938 = tpu.memref_slice %arg6[%dma_start3A_1927, %dma_start3A_1936, %dma_start3A_1937] : memref<3x32x1024xf32, #tpu.memory_space<vmem>> -> memref<1x32x1024xf32, #tpu.memory_space<vmem>>
    %dma_start3A_1939 = tpu.memref_squeeze %dma_start3A_1938 : memref<1x32x1024xf32, #tpu.memory_space<vmem>> -> memref<32x1024xf32, #tpu.memory_space<vmem>>
    tpu.enqueue_dma source(%dma_start3A_1939 : memref<32x1024xf32, #tpu.memory_space<vmem>>) target(%dma_start3A_1935 : memref<32x1024xf32, #tpu.memory_space<hbm>>) target_semaphore(%arg8 : memref<!tpu.dma_semaphore, #tpu.memory_space<semaphore_mem>>)
    %dma_wait3A_1940 = arith.constant 1 : i32
    %dma_wait3A_1941 = arith.constant 0 : i32
    %dma_wait3A_1942 = arith.constant 0 : i32
    %dma_wait3A_1943 = tpu.memref_slice %arg6[%dma_wait3A_1940, %dma_wait3A_1941, %dma_wait3A_1942] : memref<3x32x1024xf32, #tpu.memory_space<vmem>> -> memref<1x32x1024xf32, #tpu.memory_space<vmem>>
    %dma_wait3A_1944 = tpu.memref_squeeze %dma_wait3A_1943 : memref<1x32x1024xf32, #tpu.memory_space<vmem>> -> memref<32x1024xf32, #tpu.memory_space<vmem>>
    %dma_wait3A_1945 = arith.constant 0 : i32
    %dma_wait3A_1946 = tpu.memref_slice %arg4[%add3A_1926, %dma_wait3A_1945] : memref<32768x1024xf32, #tpu.memory_space<hbm>> -> memref<32x1024xf32, #tpu.memory_space<hbm>>
    %dma_wait3A_1947 = arith.constant 0 : i32
    %dma_wait3A_1948 = tpu.memref_slice %arg4[%add3A_1926, %dma_wait3A_1947] : memref<32768x1024xf32, #tpu.memory_space<hbm>> -> memref<32x1024xf32, #tpu.memory_space<hbm>>
    %dma_wait3A_1949 = arith.constant 0 : i32
    %dma_wait3A_1950 = arith.constant 0 : i32
    %dma_wait3A_1951 = tpu.memref_slice %arg6[%dma_wait3A_1940, %dma_wait3A_1949, %dma_wait3A_1950] : memref<3x32x1024xf32, #tpu.memory_space<vmem>> -> memref<1x32x1024xf32, #tpu.memory_space<vmem>>
    %dma_wait3A_1952 = tpu.memref_squeeze %dma_wait3A_1951 : memref<1x32x1024xf32, #tpu.memory_space<vmem>> -> memref<32x1024xf32, #tpu.memory_space<vmem>>
    tpu.wait_dma2 semaphore(%arg8 : memref<!tpu.dma_semaphore, #tpu.memory_space<semaphore_mem>>) src(%dma_wait3A_1952 : memref<32x1024xf32, #tpu.memory_space<vmem>>) dst(%dma_wait3A_1948 : memref<32x1024xf32, #tpu.memory_space<hbm>>)
    %dma_start3A_1953 = arith.constant 1 : i32
    %dma_start3A_1954 = arith.constant 0 : i32
    %dma_start3A_1955 = arith.constant 0 : i32
    %dma_start3A_1956 = tpu.memref_slice %arg6[%dma_start3A_1953, %dma_start3A_1954, %dma_start3A_1955] : memref<3x32x1024xf32, #tpu.memory_space<vmem>> -> memref<1x32x1024xf32, #tpu.memory_space<vmem>>
    %dma_start3A_1957 = tpu.memref_squeeze %dma_start3A_1956 : memref<1x32x1024xf32, #tpu.memory_space<vmem>> -> memref<32x1024xf32, #tpu.memory_space<vmem>>
    %dma_start3A_1958 = arith.constant 800 : i32
    %dma_start3A_1959 = tpu.memref_slice %arg5[%dma_start3A_1958] : memref<1024xi32, #tpu.memory_space<vmem>> -> memref<32xi32, #tpu.memory_space<vmem>>
    %dma_start3A_1960 = arith.constant 0 : i32
    %dma_start3A_1961 = arith.constant 0 : i32
    %dma_start3A_1962 = tpu.memref_slice %arg2[%dma_start3A_1960, %dma_start3A_1961] : memref<8192x1024xf32, #tpu.memory_space<hbm>> -> memref<8192x1024xf32, #tpu.memory_space<hbm>>
    tpu.enqueue_indirect_dma source(%dma_start3A_1962 : memref<8192x1024xf32, #tpu.memory_space<hbm>>) target(%dma_start3A_1957 : memref<32x1024xf32, #tpu.memory_space<vmem>>) offsets(%dma_start3A_1959 : memref<32xi32, #tpu.memory_space<vmem>>) semaphore(%arg7 : memref<!tpu.dma_semaphore, #tpu.memory_space<semaphore_mem>>)
    %dma_wait3A_1963 = arith.constant 2 : i32
    %dma_wait3A_1964 = arith.constant 0 : i32
    %dma_wait3A_1965 = arith.constant 0 : i32
    %dma_wait3A_1966 = tpu.memref_slice %arg6[%dma_wait3A_1963, %dma_wait3A_1964, %dma_wait3A_1965] : memref<3x32x1024xf32, #tpu.memory_space<vmem>> -> memref<1x32x1024xf32, #tpu.memory_space<vmem>>
    %dma_wait3A_1967 = tpu.memref_squeeze %dma_wait3A_1966 : memref<1x32x1024xf32, #tpu.memory_space<vmem>> -> memref<32x1024xf32, #tpu.memory_space<vmem>>
    %dma_wait3A_1968 = arith.constant 736 : i32
    %dma_wait3A_1969 = tpu.memref_slice %arg5[%dma_wait3A_1968] : memref<1024xi32, #tpu.memory_space<vmem>> -> memref<32xi32, #tpu.memory_space<vmem>>
    %dma_wait3A_1970 = arith.constant 0 : i32
    %dma_wait3A_1971 = arith.constant 0 : i32
    %dma_wait3A_1972 = tpu.memref_slice %arg2[%dma_wait3A_1970, %dma_wait3A_1971] : memref<8192x1024xf32, #tpu.memory_space<hbm>> -> memref<8192x1024xf32, #tpu.memory_space<hbm>>
    tpu.wait_indirect_dma semaphore(%arg7 : memref<!tpu.dma_semaphore, #tpu.memory_space<semaphore_mem>>) src(%dma_wait3A_1972 : memref<8192x1024xf32, #tpu.memory_space<hbm>>) dst(%dma_wait3A_1967 : memref<32x1024xf32, #tpu.memory_space<vmem>>)
    %add3A_1973 = arith.constant 736 : i32
    %add3A_1974 = arith.addi %mul3A_2, %add3A_1973 : i32
    %dma_start3A_1975 = arith.constant 2 : i32
    %dma_start3A_1976 = arith.constant 0 : i32
    %dma_start3A_1977 = arith.constant 0 : i32
    %dma_start3A_1978 = tpu.memref_slice %arg6[%dma_start3A_1975, %dma_start3A_1976, %dma_start3A_1977] : memref<3x32x1024xf32, #tpu.memory_space<vmem>> -> memref<1x32x1024xf32, #tpu.memory_space<vmem>>
    %dma_start3A_1979 = tpu.memref_squeeze %dma_start3A_1978 : memref<1x32x1024xf32, #tpu.memory_space<vmem>> -> memref<32x1024xf32, #tpu.memory_space<vmem>>
    %dma_start3A_1980 = arith.constant 0 : i32
    %dma_start3A_1981 = tpu.memref_slice %arg4[%add3A_1974, %dma_start3A_1980] : memref<32768x1024xf32, #tpu.memory_space<hbm>> -> memref<32x1024xf32, #tpu.memory_space<hbm>>
    %dma_start3A_1982 = arith.constant 0 : i32
    %dma_start3A_1983 = tpu.memref_slice %arg4[%add3A_1974, %dma_start3A_1982] : memref<32768x1024xf32, #tpu.memory_space<hbm>> -> memref<32x1024xf32, #tpu.memory_space<hbm>>
    %dma_start3A_1984 = arith.constant 0 : i32
    %dma_start3A_1985 = arith.constant 0 : i32
    %dma_start3A_1986 = tpu.memref_slice %arg6[%dma_start3A_1975, %dma_start3A_1984, %dma_start3A_1985] : memref<3x32x1024xf32, #tpu.memory_space<vmem>> -> memref<1x32x1024xf32, #tpu.memory_space<vmem>>
    %dma_start3A_1987 = tpu.memref_squeeze %dma_start3A_1986 : memref<1x32x1024xf32, #tpu.memory_space<vmem>> -> memref<32x1024xf32, #tpu.memory_space<vmem>>
    tpu.enqueue_dma source(%dma_start3A_1987 : memref<32x1024xf32, #tpu.memory_space<vmem>>) target(%dma_start3A_1983 : memref<32x1024xf32, #tpu.memory_space<hbm>>) target_semaphore(%arg8 : memref<!tpu.dma_semaphore, #tpu.memory_space<semaphore_mem>>)
    %dma_wait3A_1988 = arith.constant 2 : i32
    %dma_wait3A_1989 = arith.constant 0 : i32
    %dma_wait3A_1990 = arith.constant 0 : i32
    %dma_wait3A_1991 = tpu.memref_slice %arg6[%dma_wait3A_1988, %dma_wait3A_1989, %dma_wait3A_1990] : memref<3x32x1024xf32, #tpu.memory_space<vmem>> -> memref<1x32x1024xf32, #tpu.memory_space<vmem>>
    %dma_wait3A_1992 = tpu.memref_squeeze %dma_wait3A_1991 : memref<1x32x1024xf32, #tpu.memory_space<vmem>> -> memref<32x1024xf32, #tpu.memory_space<vmem>>
    %dma_wait3A_1993 = arith.constant 0 : i32
    %dma_wait3A_1994 = tpu.memref_slice %arg4[%add3A_1974, %dma_wait3A_1993] : memref<32768x1024xf32, #tpu.memory_space<hbm>> -> memref<32x1024xf32, #tpu.memory_space<hbm>>
    %dma_wait3A_1995 = arith.constant 0 : i32
    %dma_wait3A_1996 = tpu.memref_slice %arg4[%add3A_1974, %dma_wait3A_1995] : memref<32768x1024xf32, #tpu.memory_space<hbm>> -> memref<32x1024xf32, #tpu.memory_space<hbm>>
    %dma_wait3A_1997 = arith.constant 0 : i32
    %dma_wait3A_1998 = arith.constant 0 : i32
    %dma_wait3A_1999 = tpu.memref_slice %arg6[%dma_wait3A_1988, %dma_wait3A_1997, %dma_wait3A_1998] : memref<3x32x1024xf32, #tpu.memory_space<vmem>> -> memref<1x32x1024xf32, #tpu.memory_space<vmem>>
    %dma_wait3A_2000 = tpu.memref_squeeze %dma_wait3A_1999 : memref<1x32x1024xf32, #tpu.memory_space<vmem>> -> memref<32x1024xf32, #tpu.memory_space<vmem>>
    tpu.wait_dma2 semaphore(%arg8 : memref<!tpu.dma_semaphore, #tpu.memory_space<semaphore_mem>>) src(%dma_wait3A_2000 : memref<32x1024xf32, #tpu.memory_space<vmem>>) dst(%dma_wait3A_1996 : memref<32x1024xf32, #tpu.memory_space<hbm>>)
    %dma_start3A_2001 = arith.constant 2 : i32
    %dma_start3A_2002 = arith.constant 0 : i32
    %dma_start3A_2003 = arith.constant 0 : i32
    %dma_start3A_2004 = tpu.memref_slice %arg6[%dma_start3A_2001, %dma_start3A_2002, %dma_start3A_2003] : memref<3x32x1024xf32, #tpu.memory_space<vmem>> -> memref<1x32x1024xf32, #tpu.memory_space<vmem>>
    %dma_start3A_2005 = tpu.memref_squeeze %dma_start3A_2004 : memref<1x32x1024xf32, #tpu.memory_space<vmem>> -> memref<32x1024xf32, #tpu.memory_space<vmem>>
    %dma_start3A_2006 = arith.constant 832 : i32
    %dma_start3A_2007 = tpu.memref_slice %arg5[%dma_start3A_2006] : memref<1024xi32, #tpu.memory_space<vmem>> -> memref<32xi32, #tpu.memory_space<vmem>>
    %dma_start3A_2008 = arith.constant 0 : i32
    %dma_start3A_2009 = arith.constant 0 : i32
    %dma_start3A_2010 = tpu.memref_slice %arg2[%dma_start3A_2008, %dma_start3A_2009] : memref<8192x1024xf32, #tpu.memory_space<hbm>> -> memref<8192x1024xf32, #tpu.memory_space<hbm>>
    tpu.enqueue_indirect_dma source(%dma_start3A_2010 : memref<8192x1024xf32, #tpu.memory_space<hbm>>) target(%dma_start3A_2005 : memref<32x1024xf32, #tpu.memory_space<vmem>>) offsets(%dma_start3A_2007 : memref<32xi32, #tpu.memory_space<vmem>>) semaphore(%arg7 : memref<!tpu.dma_semaphore, #tpu.memory_space<semaphore_mem>>)
    %dma_wait3A_2011 = arith.constant 0 : i32
    %dma_wait3A_2012 = arith.constant 0 : i32
    %dma_wait3A_2013 = arith.constant 0 : i32
    %dma_wait3A_2014 = tpu.memref_slice %arg6[%dma_wait3A_2011, %dma_wait3A_2012, %dma_wait3A_2013] : memref<3x32x1024xf32, #tpu.memory_space<vmem>> -> memref<1x32x1024xf32, #tpu.memory_space<vmem>>
    %dma_wait3A_2015 = tpu.memref_squeeze %dma_wait3A_2014 : memref<1x32x1024xf32, #tpu.memory_space<vmem>> -> memref<32x1024xf32, #tpu.memory_space<vmem>>
    %dma_wait3A_2016 = arith.constant 768 : i32
    %dma_wait3A_2017 = tpu.memref_slice %arg5[%dma_wait3A_2016] : memref<1024xi32, #tpu.memory_space<vmem>> -> memref<32xi32, #tpu.memory_space<vmem>>
    %dma_wait3A_2018 = arith.constant 0 : i32
    %dma_wait3A_2019 = arith.constant 0 : i32
    %dma_wait3A_2020 = tpu.memref_slice %arg2[%dma_wait3A_2018, %dma_wait3A_2019] : memref<8192x1024xf32, #tpu.memory_space<hbm>> -> memref<8192x1024xf32, #tpu.memory_space<hbm>>
    tpu.wait_indirect_dma semaphore(%arg7 : memref<!tpu.dma_semaphore, #tpu.memory_space<semaphore_mem>>) src(%dma_wait3A_2020 : memref<8192x1024xf32, #tpu.memory_space<hbm>>) dst(%dma_wait3A_2015 : memref<32x1024xf32, #tpu.memory_space<vmem>>)
    %add3A_2021 = arith.constant 768 : i32
    %add3A_2022 = arith.addi %mul3A_2, %add3A_2021 : i32
    %dma_start3A_2023 = arith.constant 0 : i32
    %dma_start3A_2024 = arith.constant 0 : i32
    %dma_start3A_2025 = arith.constant 0 : i32
    %dma_start3A_2026 = tpu.memref_slice %arg6[%dma_start3A_2023, %dma_start3A_2024, %dma_start3A_2025] : memref<3x32x1024xf32, #tpu.memory_space<vmem>> -> memref<1x32x1024xf32, #tpu.memory_space<vmem>>
    %dma_start3A_2027 = tpu.memref_squeeze %dma_start3A_2026 : memref<1x32x1024xf32, #tpu.memory_space<vmem>> -> memref<32x1024xf32, #tpu.memory_space<vmem>>
    %dma_start3A_2028 = arith.constant 0 : i32
    %dma_start3A_2029 = tpu.memref_slice %arg4[%add3A_2022, %dma_start3A_2028] : memref<32768x1024xf32, #tpu.memory_space<hbm>> -> memref<32x1024xf32, #tpu.memory_space<hbm>>
    %dma_start3A_2030 = arith.constant 0 : i32
    %dma_start3A_2031 = tpu.memref_slice %arg4[%add3A_2022, %dma_start3A_2030] : memref<32768x1024xf32, #tpu.memory_space<hbm>> -> memref<32x1024xf32, #tpu.memory_space<hbm>>
    %dma_start3A_2032 = arith.constant 0 : i32
    %dma_start3A_2033 = arith.constant 0 : i32
    %dma_start3A_2034 = tpu.memref_slice %arg6[%dma_start3A_2023, %dma_start3A_2032, %dma_start3A_2033] : memref<3x32x1024xf32, #tpu.memory_space<vmem>> -> memref<1x32x1024xf32, #tpu.memory_space<vmem>>
    %dma_start3A_2035 = tpu.memref_squeeze %dma_start3A_2034 : memref<1x32x1024xf32, #tpu.memory_space<vmem>> -> memref<32x1024xf32, #tpu.memory_space<vmem>>
    tpu.enqueue_dma source(%dma_start3A_2035 : memref<32x1024xf32, #tpu.memory_space<vmem>>) target(%dma_start3A_2031 : memref<32x1024xf32, #tpu.memory_space<hbm>>) target_semaphore(%arg8 : memref<!tpu.dma_semaphore, #tpu.memory_space<semaphore_mem>>)
    %dma_wait3A_2036 = arith.constant 0 : i32
    %dma_wait3A_2037 = arith.constant 0 : i32
    %dma_wait3A_2038 = arith.constant 0 : i32
    %dma_wait3A_2039 = tpu.memref_slice %arg6[%dma_wait3A_2036, %dma_wait3A_2037, %dma_wait3A_2038] : memref<3x32x1024xf32, #tpu.memory_space<vmem>> -> memref<1x32x1024xf32, #tpu.memory_space<vmem>>
    %dma_wait3A_2040 = tpu.memref_squeeze %dma_wait3A_2039 : memref<1x32x1024xf32, #tpu.memory_space<vmem>> -> memref<32x1024xf32, #tpu.memory_space<vmem>>
    %dma_wait3A_2041 = arith.constant 0 : i32
    %dma_wait3A_2042 = tpu.memref_slice %arg4[%add3A_2022, %dma_wait3A_2041] : memref<32768x1024xf32, #tpu.memory_space<hbm>> -> memref<32x1024xf32, #tpu.memory_space<hbm>>
    %dma_wait3A_2043 = arith.constant 0 : i32
    %dma_wait3A_2044 = tpu.memref_slice %arg4[%add3A_2022, %dma_wait3A_2043] : memref<32768x1024xf32, #tpu.memory_space<hbm>> -> memref<32x1024xf32, #tpu.memory_space<hbm>>
    %dma_wait3A_2045 = arith.constant 0 : i32
    %dma_wait3A_2046 = arith.constant 0 : i32
    %dma_wait3A_2047 = tpu.memref_slice %arg6[%dma_wait3A_2036, %dma_wait3A_2045, %dma_wait3A_2046] : memref<3x32x1024xf32, #tpu.memory_space<vmem>> -> memref<1x32x1024xf32, #tpu.memory_space<vmem>>
    %dma_wait3A_2048 = tpu.memref_squeeze %dma_wait3A_2047 : memref<1x32x1024xf32, #tpu.memory_space<vmem>> -> memref<32x1024xf32, #tpu.memory_space<vmem>>
    tpu.wait_dma2 semaphore(%arg8 : memref<!tpu.dma_semaphore, #tpu.memory_space<semaphore_mem>>) src(%dma_wait3A_2048 : memref<32x1024xf32, #tpu.memory_space<vmem>>) dst(%dma_wait3A_2044 : memref<32x1024xf32, #tpu.memory_space<hbm>>)
    %dma_start3A_2049 = arith.constant 0 : i32
    %dma_start3A_2050 = arith.constant 0 : i32
    %dma_start3A_2051 = arith.constant 0 : i32
    %dma_start3A_2052 = tpu.memref_slice %arg6[%dma_start3A_2049, %dma_start3A_2050, %dma_start3A_2051] : memref<3x32x1024xf32, #tpu.memory_space<vmem>> -> memref<1x32x1024xf32, #tpu.memory_space<vmem>>
    %dma_start3A_2053 = tpu.memref_squeeze %dma_start3A_2052 : memref<1x32x1024xf32, #tpu.memory_space<vmem>> -> memref<32x1024xf32, #tpu.memory_space<vmem>>
    %dma_start3A_2054 = arith.constant 864 : i32
    %dma_start3A_2055 = tpu.memref_slice %arg5[%dma_start3A_2054] : memref<1024xi32, #tpu.memory_space<vmem>> -> memref<32xi32, #tpu.memory_space<vmem>>
    %dma_start3A_2056 = arith.constant 0 : i32
    %dma_start3A_2057 = arith.constant 0 : i32
    %dma_start3A_2058 = tpu.memref_slice %arg2[%dma_start3A_2056, %dma_start3A_2057] : memref<8192x1024xf32, #tpu.memory_space<hbm>> -> memref<8192x1024xf32, #tpu.memory_space<hbm>>
    tpu.enqueue_indirect_dma source(%dma_start3A_2058 : memref<8192x1024xf32, #tpu.memory_space<hbm>>) target(%dma_start3A_2053 : memref<32x1024xf32, #tpu.memory_space<vmem>>) offsets(%dma_start3A_2055 : memref<32xi32, #tpu.memory_space<vmem>>) semaphore(%arg7 : memref<!tpu.dma_semaphore, #tpu.memory_space<semaphore_mem>>)
    %dma_wait3A_2059 = arith.constant 1 : i32
    %dma_wait3A_2060 = arith.constant 0 : i32
    %dma_wait3A_2061 = arith.constant 0 : i32
    %dma_wait3A_2062 = tpu.memref_slice %arg6[%dma_wait3A_2059, %dma_wait3A_2060, %dma_wait3A_2061] : memref<3x32x1024xf32, #tpu.memory_space<vmem>> -> memref<1x32x1024xf32, #tpu.memory_space<vmem>>
    %dma_wait3A_2063 = tpu.memref_squeeze %dma_wait3A_2062 : memref<1x32x1024xf32, #tpu.memory_space<vmem>> -> memref<32x1024xf32, #tpu.memory_space<vmem>>
    %dma_wait3A_2064 = arith.constant 800 : i32
    %dma_wait3A_2065 = tpu.memref_slice %arg5[%dma_wait3A_2064] : memref<1024xi32, #tpu.memory_space<vmem>> -> memref<32xi32, #tpu.memory_space<vmem>>
    %dma_wait3A_2066 = arith.constant 0 : i32
    %dma_wait3A_2067 = arith.constant 0 : i32
    %dma_wait3A_2068 = tpu.memref_slice %arg2[%dma_wait3A_2066, %dma_wait3A_2067] : memref<8192x1024xf32, #tpu.memory_space<hbm>> -> memref<8192x1024xf32, #tpu.memory_space<hbm>>
    tpu.wait_indirect_dma semaphore(%arg7 : memref<!tpu.dma_semaphore, #tpu.memory_space<semaphore_mem>>) src(%dma_wait3A_2068 : memref<8192x1024xf32, #tpu.memory_space<hbm>>) dst(%dma_wait3A_2063 : memref<32x1024xf32, #tpu.memory_space<vmem>>)
    %add3A_2069 = arith.constant 800 : i32
    %add3A_2070 = arith.addi %mul3A_2, %add3A_2069 : i32
    %dma_start3A_2071 = arith.constant 1 : i32
    %dma_start3A_2072 = arith.constant 0 : i32
    %dma_start3A_2073 = arith.constant 0 : i32
    %dma_start3A_2074 = tpu.memref_slice %arg6[%dma_start3A_2071, %dma_start3A_2072, %dma_start3A_2073] : memref<3x32x1024xf32, #tpu.memory_space<vmem>> -> memref<1x32x1024xf32, #tpu.memory_space<vmem>>
    %dma_start3A_2075 = tpu.memref_squeeze %dma_start3A_2074 : memref<1x32x1024xf32, #tpu.memory_space<vmem>> -> memref<32x1024xf32, #tpu.memory_space<vmem>>
    %dma_start3A_2076 = arith.constant 0 : i32
    %dma_start3A_2077 = tpu.memref_slice %arg4[%add3A_2070, %dma_start3A_2076] : memref<32768x1024xf32, #tpu.memory_space<hbm>> -> memref<32x1024xf32, #tpu.memory_space<hbm>>
    %dma_start3A_2078 = arith.constant 0 : i32
    %dma_start3A_2079 = tpu.memref_slice %arg4[%add3A_2070, %dma_start3A_2078] : memref<32768x1024xf32, #tpu.memory_space<hbm>> -> memref<32x1024xf32, #tpu.memory_space<hbm>>
    %dma_start3A_2080 = arith.constant 0 : i32
    %dma_start3A_2081 = arith.constant 0 : i32
    %dma_start3A_2082 = tpu.memref_slice %arg6[%dma_start3A_2071, %dma_start3A_2080, %dma_start3A_2081] : memref<3x32x1024xf32, #tpu.memory_space<vmem>> -> memref<1x32x1024xf32, #tpu.memory_space<vmem>>
    %dma_start3A_2083 = tpu.memref_squeeze %dma_start3A_2082 : memref<1x32x1024xf32, #tpu.memory_space<vmem>> -> memref<32x1024xf32, #tpu.memory_space<vmem>>
    tpu.enqueue_dma source(%dma_start3A_2083 : memref<32x1024xf32, #tpu.memory_space<vmem>>) target(%dma_start3A_2079 : memref<32x1024xf32, #tpu.memory_space<hbm>>) target_semaphore(%arg8 : memref<!tpu.dma_semaphore, #tpu.memory_space<semaphore_mem>>)
    %dma_wait3A_2084 = arith.constant 1 : i32
    %dma_wait3A_2085 = arith.constant 0 : i32
    %dma_wait3A_2086 = arith.constant 0 : i32
    %dma_wait3A_2087 = tpu.memref_slice %arg6[%dma_wait3A_2084, %dma_wait3A_2085, %dma_wait3A_2086] : memref<3x32x1024xf32, #tpu.memory_space<vmem>> -> memref<1x32x1024xf32, #tpu.memory_space<vmem>>
    %dma_wait3A_2088 = tpu.memref_squeeze %dma_wait3A_2087 : memref<1x32x1024xf32, #tpu.memory_space<vmem>> -> memref<32x1024xf32, #tpu.memory_space<vmem>>
    %dma_wait3A_2089 = arith.constant 0 : i32
    %dma_wait3A_2090 = tpu.memref_slice %arg4[%add3A_2070, %dma_wait3A_2089] : memref<32768x1024xf32, #tpu.memory_space<hbm>> -> memref<32x1024xf32, #tpu.memory_space<hbm>>
    %dma_wait3A_2091 = arith.constant 0 : i32
    %dma_wait3A_2092 = tpu.memref_slice %arg4[%add3A_2070, %dma_wait3A_2091] : memref<32768x1024xf32, #tpu.memory_space<hbm>> -> memref<32x1024xf32, #tpu.memory_space<hbm>>
    %dma_wait3A_2093 = arith.constant 0 : i32
    %dma_wait3A_2094 = arith.constant 0 : i32
    %dma_wait3A_2095 = tpu.memref_slice %arg6[%dma_wait3A_2084, %dma_wait3A_2093, %dma_wait3A_2094] : memref<3x32x1024xf32, #tpu.memory_space<vmem>> -> memref<1x32x1024xf32, #tpu.memory_space<vmem>>
    %dma_wait3A_2096 = tpu.memref_squeeze %dma_wait3A_2095 : memref<1x32x1024xf32, #tpu.memory_space<vmem>> -> memref<32x1024xf32, #tpu.memory_space<vmem>>
    tpu.wait_dma2 semaphore(%arg8 : memref<!tpu.dma_semaphore, #tpu.memory_space<semaphore_mem>>) src(%dma_wait3A_2096 : memref<32x1024xf32, #tpu.memory_space<vmem>>) dst(%dma_wait3A_2092 : memref<32x1024xf32, #tpu.memory_space<hbm>>)
    %dma_start3A_2097 = arith.constant 1 : i32
    %dma_start3A_2098 = arith.constant 0 : i32
    %dma_start3A_2099 = arith.constant 0 : i32
    %dma_start3A_2100 = tpu.memref_slice %arg6[%dma_start3A_2097, %dma_start3A_2098, %dma_start3A_2099] : memref<3x32x1024xf32, #tpu.memory_space<vmem>> -> memref<1x32x1024xf32, #tpu.memory_space<vmem>>
    %dma_start3A_2101 = tpu.memref_squeeze %dma_start3A_2100 : memref<1x32x1024xf32, #tpu.memory_space<vmem>> -> memref<32x1024xf32, #tpu.memory_space<vmem>>
    %dma_start3A_2102 = arith.constant 896 : i32
    %dma_start3A_2103 = tpu.memref_slice %arg5[%dma_start3A_2102] : memref<1024xi32, #tpu.memory_space<vmem>> -> memref<32xi32, #tpu.memory_space<vmem>>
    %dma_start3A_2104 = arith.constant 0 : i32
    %dma_start3A_2105 = arith.constant 0 : i32
    %dma_start3A_2106 = tpu.memref_slice %arg2[%dma_start3A_2104, %dma_start3A_2105] : memref<8192x1024xf32, #tpu.memory_space<hbm>> -> memref<8192x1024xf32, #tpu.memory_space<hbm>>
    tpu.enqueue_indirect_dma source(%dma_start3A_2106 : memref<8192x1024xf32, #tpu.memory_space<hbm>>) target(%dma_start3A_2101 : memref<32x1024xf32, #tpu.memory_space<vmem>>) offsets(%dma_start3A_2103 : memref<32xi32, #tpu.memory_space<vmem>>) semaphore(%arg7 : memref<!tpu.dma_semaphore, #tpu.memory_space<semaphore_mem>>)
    %dma_wait3A_2107 = arith.constant 2 : i32
    %dma_wait3A_2108 = arith.constant 0 : i32
    %dma_wait3A_2109 = arith.constant 0 : i32
    %dma_wait3A_2110 = tpu.memref_slice %arg6[%dma_wait3A_2107, %dma_wait3A_2108, %dma_wait3A_2109] : memref<3x32x1024xf32, #tpu.memory_space<vmem>> -> memref<1x32x1024xf32, #tpu.memory_space<vmem>>
    %dma_wait3A_2111 = tpu.memref_squeeze %dma_wait3A_2110 : memref<1x32x1024xf32, #tpu.memory_space<vmem>> -> memref<32x1024xf32, #tpu.memory_space<vmem>>
    %dma_wait3A_2112 = arith.constant 832 : i32
    %dma_wait3A_2113 = tpu.memref_slice %arg5[%dma_wait3A_2112] : memref<1024xi32, #tpu.memory_space<vmem>> -> memref<32xi32, #tpu.memory_space<vmem>>
    %dma_wait3A_2114 = arith.constant 0 : i32
    %dma_wait3A_2115 = arith.constant 0 : i32
    %dma_wait3A_2116 = tpu.memref_slice %arg2[%dma_wait3A_2114, %dma_wait3A_2115] : memref<8192x1024xf32, #tpu.memory_space<hbm>> -> memref<8192x1024xf32, #tpu.memory_space<hbm>>
    tpu.wait_indirect_dma semaphore(%arg7 : memref<!tpu.dma_semaphore, #tpu.memory_space<semaphore_mem>>) src(%dma_wait3A_2116 : memref<8192x1024xf32, #tpu.memory_space<hbm>>) dst(%dma_wait3A_2111 : memref<32x1024xf32, #tpu.memory_space<vmem>>)
    %add3A_2117 = arith.constant 832 : i32
    %add3A_2118 = arith.addi %mul3A_2, %add3A_2117 : i32
    %dma_start3A_2119 = arith.constant 2 : i32
    %dma_start3A_2120 = arith.constant 0 : i32
    %dma_start3A_2121 = arith.constant 0 : i32
    %dma_start3A_2122 = tpu.memref_slice %arg6[%dma_start3A_2119, %dma_start3A_2120, %dma_start3A_2121] : memref<3x32x1024xf32, #tpu.memory_space<vmem>> -> memref<1x32x1024xf32, #tpu.memory_space<vmem>>
    %dma_start3A_2123 = tpu.memref_squeeze %dma_start3A_2122 : memref<1x32x1024xf32, #tpu.memory_space<vmem>> -> memref<32x1024xf32, #tpu.memory_space<vmem>>
    %dma_start3A_2124 = arith.constant 0 : i32
    %dma_start3A_2125 = tpu.memref_slice %arg4[%add3A_2118, %dma_start3A_2124] : memref<32768x1024xf32, #tpu.memory_space<hbm>> -> memref<32x1024xf32, #tpu.memory_space<hbm>>
    %dma_start3A_2126 = arith.constant 0 : i32
    %dma_start3A_2127 = tpu.memref_slice %arg4[%add3A_2118, %dma_start3A_2126] : memref<32768x1024xf32, #tpu.memory_space<hbm>> -> memref<32x1024xf32, #tpu.memory_space<hbm>>
    %dma_start3A_2128 = arith.constant 0 : i32
    %dma_start3A_2129 = arith.constant 0 : i32
    %dma_start3A_2130 = tpu.memref_slice %arg6[%dma_start3A_2119, %dma_start3A_2128, %dma_start3A_2129] : memref<3x32x1024xf32, #tpu.memory_space<vmem>> -> memref<1x32x1024xf32, #tpu.memory_space<vmem>>
    %dma_start3A_2131 = tpu.memref_squeeze %dma_start3A_2130 : memref<1x32x1024xf32, #tpu.memory_space<vmem>> -> memref<32x1024xf32, #tpu.memory_space<vmem>>
    tpu.enqueue_dma source(%dma_start3A_2131 : memref<32x1024xf32, #tpu.memory_space<vmem>>) target(%dma_start3A_2127 : memref<32x1024xf32, #tpu.memory_space<hbm>>) target_semaphore(%arg8 : memref<!tpu.dma_semaphore, #tpu.memory_space<semaphore_mem>>)
    %dma_wait3A_2132 = arith.constant 2 : i32
    %dma_wait3A_2133 = arith.constant 0 : i32
    %dma_wait3A_2134 = arith.constant 0 : i32
    %dma_wait3A_2135 = tpu.memref_slice %arg6[%dma_wait3A_2132, %dma_wait3A_2133, %dma_wait3A_2134] : memref<3x32x1024xf32, #tpu.memory_space<vmem>> -> memref<1x32x1024xf32, #tpu.memory_space<vmem>>
    %dma_wait3A_2136 = tpu.memref_squeeze %dma_wait3A_2135 : memref<1x32x1024xf32, #tpu.memory_space<vmem>> -> memref<32x1024xf32, #tpu.memory_space<vmem>>
    %dma_wait3A_2137 = arith.constant 0 : i32
    %dma_wait3A_2138 = tpu.memref_slice %arg4[%add3A_2118, %dma_wait3A_2137] : memref<32768x1024xf32, #tpu.memory_space<hbm>> -> memref<32x1024xf32, #tpu.memory_space<hbm>>
    %dma_wait3A_2139 = arith.constant 0 : i32
    %dma_wait3A_2140 = tpu.memref_slice %arg4[%add3A_2118, %dma_wait3A_2139] : memref<32768x1024xf32, #tpu.memory_space<hbm>> -> memref<32x1024xf32, #tpu.memory_space<hbm>>
    %dma_wait3A_2141 = arith.constant 0 : i32
    %dma_wait3A_2142 = arith.constant 0 : i32
    %dma_wait3A_2143 = tpu.memref_slice %arg6[%dma_wait3A_2132, %dma_wait3A_2141, %dma_wait3A_2142] : memref<3x32x1024xf32, #tpu.memory_space<vmem>> -> memref<1x32x1024xf32, #tpu.memory_space<vmem>>
    %dma_wait3A_2144 = tpu.memref_squeeze %dma_wait3A_2143 : memref<1x32x1024xf32, #tpu.memory_space<vmem>> -> memref<32x1024xf32, #tpu.memory_space<vmem>>
    tpu.wait_dma2 semaphore(%arg8 : memref<!tpu.dma_semaphore, #tpu.memory_space<semaphore_mem>>) src(%dma_wait3A_2144 : memref<32x1024xf32, #tpu.memory_space<vmem>>) dst(%dma_wait3A_2140 : memref<32x1024xf32, #tpu.memory_space<hbm>>)
    %dma_start3A_2145 = arith.constant 2 : i32
    %dma_start3A_2146 = arith.constant 0 : i32
    %dma_start3A_2147 = arith.constant 0 : i32
    %dma_start3A_2148 = tpu.memref_slice %arg6[%dma_start3A_2145, %dma_start3A_2146, %dma_start3A_2147] : memref<3x32x1024xf32, #tpu.memory_space<vmem>> -> memref<1x32x1024xf32, #tpu.memory_space<vmem>>
    %dma_start3A_2149 = tpu.memref_squeeze %dma_start3A_2148 : memref<1x32x1024xf32, #tpu.memory_space<vmem>> -> memref<32x1024xf32, #tpu.memory_space<vmem>>
    %dma_start3A_2150 = arith.constant 928 : i32
    %dma_start3A_2151 = tpu.memref_slice %arg5[%dma_start3A_2150] : memref<1024xi32, #tpu.memory_space<vmem>> -> memref<32xi32, #tpu.memory_space<vmem>>
    %dma_start3A_2152 = arith.constant 0 : i32
    %dma_start3A_2153 = arith.constant 0 : i32
    %dma_start3A_2154 = tpu.memref_slice %arg2[%dma_start3A_2152, %dma_start3A_2153] : memref<8192x1024xf32, #tpu.memory_space<hbm>> -> memref<8192x1024xf32, #tpu.memory_space<hbm>>
    tpu.enqueue_indirect_dma source(%dma_start3A_2154 : memref<8192x1024xf32, #tpu.memory_space<hbm>>) target(%dma_start3A_2149 : memref<32x1024xf32, #tpu.memory_space<vmem>>) offsets(%dma_start3A_2151 : memref<32xi32, #tpu.memory_space<vmem>>) semaphore(%arg7 : memref<!tpu.dma_semaphore, #tpu.memory_space<semaphore_mem>>)
    %dma_wait3A_2155 = arith.constant 0 : i32
    %dma_wait3A_2156 = arith.constant 0 : i32
    %dma_wait3A_2157 = arith.constant 0 : i32
    %dma_wait3A_2158 = tpu.memref_slice %arg6[%dma_wait3A_2155, %dma_wait3A_2156, %dma_wait3A_2157] : memref<3x32x1024xf32, #tpu.memory_space<vmem>> -> memref<1x32x1024xf32, #tpu.memory_space<vmem>>
    %dma_wait3A_2159 = tpu.memref_squeeze %dma_wait3A_2158 : memref<1x32x1024xf32, #tpu.memory_space<vmem>> -> memref<32x1024xf32, #tpu.memory_space<vmem>>
    %dma_wait3A_2160 = arith.constant 864 : i32
    %dma_wait3A_2161 = tpu.memref_slice %arg5[%dma_wait3A_2160] : memref<1024xi32, #tpu.memory_space<vmem>> -> memref<32xi32, #tpu.memory_space<vmem>>
    %dma_wait3A_2162 = arith.constant 0 : i32
    %dma_wait3A_2163 = arith.constant 0 : i32
    %dma_wait3A_2164 = tpu.memref_slice %arg2[%dma_wait3A_2162, %dma_wait3A_2163] : memref<8192x1024xf32, #tpu.memory_space<hbm>> -> memref<8192x1024xf32, #tpu.memory_space<hbm>>
    tpu.wait_indirect_dma semaphore(%arg7 : memref<!tpu.dma_semaphore, #tpu.memory_space<semaphore_mem>>) src(%dma_wait3A_2164 : memref<8192x1024xf32, #tpu.memory_space<hbm>>) dst(%dma_wait3A_2159 : memref<32x1024xf32, #tpu.memory_space<vmem>>)
    %add3A_2165 = arith.constant 864 : i32
    %add3A_2166 = arith.addi %mul3A_2, %add3A_2165 : i32
    %dma_start3A_2167 = arith.constant 0 : i32
    %dma_start3A_2168 = arith.constant 0 : i32
    %dma_start3A_2169 = arith.constant 0 : i32
    %dma_start3A_2170 = tpu.memref_slice %arg6[%dma_start3A_2167, %dma_start3A_2168, %dma_start3A_2169] : memref<3x32x1024xf32, #tpu.memory_space<vmem>> -> memref<1x32x1024xf32, #tpu.memory_space<vmem>>
    %dma_start3A_2171 = tpu.memref_squeeze %dma_start3A_2170 : memref<1x32x1024xf32, #tpu.memory_space<vmem>> -> memref<32x1024xf32, #tpu.memory_space<vmem>>
    %dma_start3A_2172 = arith.constant 0 : i32
    %dma_start3A_2173 = tpu.memref_slice %arg4[%add3A_2166, %dma_start3A_2172] : memref<32768x1024xf32, #tpu.memory_space<hbm>> -> memref<32x1024xf32, #tpu.memory_space<hbm>>
    %dma_start3A_2174 = arith.constant 0 : i32
    %dma_start3A_2175 = tpu.memref_slice %arg4[%add3A_2166, %dma_start3A_2174] : memref<32768x1024xf32, #tpu.memory_space<hbm>> -> memref<32x1024xf32, #tpu.memory_space<hbm>>
    %dma_start3A_2176 = arith.constant 0 : i32
    %dma_start3A_2177 = arith.constant 0 : i32
    %dma_start3A_2178 = tpu.memref_slice %arg6[%dma_start3A_2167, %dma_start3A_2176, %dma_start3A_2177] : memref<3x32x1024xf32, #tpu.memory_space<vmem>> -> memref<1x32x1024xf32, #tpu.memory_space<vmem>>
    %dma_start3A_2179 = tpu.memref_squeeze %dma_start3A_2178 : memref<1x32x1024xf32, #tpu.memory_space<vmem>> -> memref<32x1024xf32, #tpu.memory_space<vmem>>
    tpu.enqueue_dma source(%dma_start3A_2179 : memref<32x1024xf32, #tpu.memory_space<vmem>>) target(%dma_start3A_2175 : memref<32x1024xf32, #tpu.memory_space<hbm>>) target_semaphore(%arg8 : memref<!tpu.dma_semaphore, #tpu.memory_space<semaphore_mem>>)
    %dma_wait3A_2180 = arith.constant 0 : i32
    %dma_wait3A_2181 = arith.constant 0 : i32
    %dma_wait3A_2182 = arith.constant 0 : i32
    %dma_wait3A_2183 = tpu.memref_slice %arg6[%dma_wait3A_2180, %dma_wait3A_2181, %dma_wait3A_2182] : memref<3x32x1024xf32, #tpu.memory_space<vmem>> -> memref<1x32x1024xf32, #tpu.memory_space<vmem>>
    %dma_wait3A_2184 = tpu.memref_squeeze %dma_wait3A_2183 : memref<1x32x1024xf32, #tpu.memory_space<vmem>> -> memref<32x1024xf32, #tpu.memory_space<vmem>>
    %dma_wait3A_2185 = arith.constant 0 : i32
    %dma_wait3A_2186 = tpu.memref_slice %arg4[%add3A_2166, %dma_wait3A_2185] : memref<32768x1024xf32, #tpu.memory_space<hbm>> -> memref<32x1024xf32, #tpu.memory_space<hbm>>
    %dma_wait3A_2187 = arith.constant 0 : i32
    %dma_wait3A_2188 = tpu.memref_slice %arg4[%add3A_2166, %dma_wait3A_2187] : memref<32768x1024xf32, #tpu.memory_space<hbm>> -> memref<32x1024xf32, #tpu.memory_space<hbm>>
    %dma_wait3A_2189 = arith.constant 0 : i32
    %dma_wait3A_2190 = arith.constant 0 : i32
    %dma_wait3A_2191 = tpu.memref_slice %arg6[%dma_wait3A_2180, %dma_wait3A_2189, %dma_wait3A_2190] : memref<3x32x1024xf32, #tpu.memory_space<vmem>> -> memref<1x32x1024xf32, #tpu.memory_space<vmem>>
    %dma_wait3A_2192 = tpu.memref_squeeze %dma_wait3A_2191 : memref<1x32x1024xf32, #tpu.memory_space<vmem>> -> memref<32x1024xf32, #tpu.memory_space<vmem>>
    tpu.wait_dma2 semaphore(%arg8 : memref<!tpu.dma_semaphore, #tpu.memory_space<semaphore_mem>>) src(%dma_wait3A_2192 : memref<32x1024xf32, #tpu.memory_space<vmem>>) dst(%dma_wait3A_2188 : memref<32x1024xf32, #tpu.memory_space<hbm>>)
    %dma_start3A_2193 = arith.constant 0 : i32
    %dma_start3A_2194 = arith.constant 0 : i32
    %dma_start3A_2195 = arith.constant 0 : i32
    %dma_start3A_2196 = tpu.memref_slice %arg6[%dma_start3A_2193, %dma_start3A_2194, %dma_start3A_2195] : memref<3x32x1024xf32, #tpu.memory_space<vmem>> -> memref<1x32x1024xf32, #tpu.memory_space<vmem>>
    %dma_start3A_2197 = tpu.memref_squeeze %dma_start3A_2196 : memref<1x32x1024xf32, #tpu.memory_space<vmem>> -> memref<32x1024xf32, #tpu.memory_space<vmem>>
    %dma_start3A_2198 = arith.constant 960 : i32
    %dma_start3A_2199 = tpu.memref_slice %arg5[%dma_start3A_2198] : memref<1024xi32, #tpu.memory_space<vmem>> -> memref<32xi32, #tpu.memory_space<vmem>>
    %dma_start3A_2200 = arith.constant 0 : i32
    %dma_start3A_2201 = arith.constant 0 : i32
    %dma_start3A_2202 = tpu.memref_slice %arg2[%dma_start3A_2200, %dma_start3A_2201] : memref<8192x1024xf32, #tpu.memory_space<hbm>> -> memref<8192x1024xf32, #tpu.memory_space<hbm>>
    tpu.enqueue_indirect_dma source(%dma_start3A_2202 : memref<8192x1024xf32, #tpu.memory_space<hbm>>) target(%dma_start3A_2197 : memref<32x1024xf32, #tpu.memory_space<vmem>>) offsets(%dma_start3A_2199 : memref<32xi32, #tpu.memory_space<vmem>>) semaphore(%arg7 : memref<!tpu.dma_semaphore, #tpu.memory_space<semaphore_mem>>)
    %dma_wait3A_2203 = arith.constant 1 : i32
    %dma_wait3A_2204 = arith.constant 0 : i32
    %dma_wait3A_2205 = arith.constant 0 : i32
    %dma_wait3A_2206 = tpu.memref_slice %arg6[%dma_wait3A_2203, %dma_wait3A_2204, %dma_wait3A_2205] : memref<3x32x1024xf32, #tpu.memory_space<vmem>> -> memref<1x32x1024xf32, #tpu.memory_space<vmem>>
    %dma_wait3A_2207 = tpu.memref_squeeze %dma_wait3A_2206 : memref<1x32x1024xf32, #tpu.memory_space<vmem>> -> memref<32x1024xf32, #tpu.memory_space<vmem>>
    %dma_wait3A_2208 = arith.constant 896 : i32
    %dma_wait3A_2209 = tpu.memref_slice %arg5[%dma_wait3A_2208] : memref<1024xi32, #tpu.memory_space<vmem>> -> memref<32xi32, #tpu.memory_space<vmem>>
    %dma_wait3A_2210 = arith.constant 0 : i32
    %dma_wait3A_2211 = arith.constant 0 : i32
    %dma_wait3A_2212 = tpu.memref_slice %arg2[%dma_wait3A_2210, %dma_wait3A_2211] : memref<8192x1024xf32, #tpu.memory_space<hbm>> -> memref<8192x1024xf32, #tpu.memory_space<hbm>>
    tpu.wait_indirect_dma semaphore(%arg7 : memref<!tpu.dma_semaphore, #tpu.memory_space<semaphore_mem>>) src(%dma_wait3A_2212 : memref<8192x1024xf32, #tpu.memory_space<hbm>>) dst(%dma_wait3A_2207 : memref<32x1024xf32, #tpu.memory_space<vmem>>)
    %add3A_2213 = arith.constant 896 : i32
    %add3A_2214 = arith.addi %mul3A_2, %add3A_2213 : i32
    %dma_start3A_2215 = arith.constant 1 : i32
    %dma_start3A_2216 = arith.constant 0 : i32
    %dma_start3A_2217 = arith.constant 0 : i32
    %dma_start3A_2218 = tpu.memref_slice %arg6[%dma_start3A_2215, %dma_start3A_2216, %dma_start3A_2217] : memref<3x32x1024xf32, #tpu.memory_space<vmem>> -> memref<1x32x1024xf32, #tpu.memory_space<vmem>>
    %dma_start3A_2219 = tpu.memref_squeeze %dma_start3A_2218 : memref<1x32x1024xf32, #tpu.memory_space<vmem>> -> memref<32x1024xf32, #tpu.memory_space<vmem>>
    %dma_start3A_2220 = arith.constant 0 : i32
    %dma_start3A_2221 = tpu.memref_slice %arg4[%add3A_2214, %dma_start3A_2220] : memref<32768x1024xf32, #tpu.memory_space<hbm>> -> memref<32x1024xf32, #tpu.memory_space<hbm>>
    %dma_start3A_2222 = arith.constant 0 : i32
    %dma_start3A_2223 = tpu.memref_slice %arg4[%add3A_2214, %dma_start3A_2222] : memref<32768x1024xf32, #tpu.memory_space<hbm>> -> memref<32x1024xf32, #tpu.memory_space<hbm>>
    %dma_start3A_2224 = arith.constant 0 : i32
    %dma_start3A_2225 = arith.constant 0 : i32
    %dma_start3A_2226 = tpu.memref_slice %arg6[%dma_start3A_2215, %dma_start3A_2224, %dma_start3A_2225] : memref<3x32x1024xf32, #tpu.memory_space<vmem>> -> memref<1x32x1024xf32, #tpu.memory_space<vmem>>
    %dma_start3A_2227 = tpu.memref_squeeze %dma_start3A_2226 : memref<1x32x1024xf32, #tpu.memory_space<vmem>> -> memref<32x1024xf32, #tpu.memory_space<vmem>>
    tpu.enqueue_dma source(%dma_start3A_2227 : memref<32x1024xf32, #tpu.memory_space<vmem>>) target(%dma_start3A_2223 : memref<32x1024xf32, #tpu.memory_space<hbm>>) target_semaphore(%arg8 : memref<!tpu.dma_semaphore, #tpu.memory_space<semaphore_mem>>)
    %dma_wait3A_2228 = arith.constant 1 : i32
    %dma_wait3A_2229 = arith.constant 0 : i32
    %dma_wait3A_2230 = arith.constant 0 : i32
    %dma_wait3A_2231 = tpu.memref_slice %arg6[%dma_wait3A_2228, %dma_wait3A_2229, %dma_wait3A_2230] : memref<3x32x1024xf32, #tpu.memory_space<vmem>> -> memref<1x32x1024xf32, #tpu.memory_space<vmem>>
    %dma_wait3A_2232 = tpu.memref_squeeze %dma_wait3A_2231 : memref<1x32x1024xf32, #tpu.memory_space<vmem>> -> memref<32x1024xf32, #tpu.memory_space<vmem>>
    %dma_wait3A_2233 = arith.constant 0 : i32
    %dma_wait3A_2234 = tpu.memref_slice %arg4[%add3A_2214, %dma_wait3A_2233] : memref<32768x1024xf32, #tpu.memory_space<hbm>> -> memref<32x1024xf32, #tpu.memory_space<hbm>>
    %dma_wait3A_2235 = arith.constant 0 : i32
    %dma_wait3A_2236 = tpu.memref_slice %arg4[%add3A_2214, %dma_wait3A_2235] : memref<32768x1024xf32, #tpu.memory_space<hbm>> -> memref<32x1024xf32, #tpu.memory_space<hbm>>
    %dma_wait3A_2237 = arith.constant 0 : i32
    %dma_wait3A_2238 = arith.constant 0 : i32
    %dma_wait3A_2239 = tpu.memref_slice %arg6[%dma_wait3A_2228, %dma_wait3A_2237, %dma_wait3A_2238] : memref<3x32x1024xf32, #tpu.memory_space<vmem>> -> memref<1x32x1024xf32, #tpu.memory_space<vmem>>
    %dma_wait3A_2240 = tpu.memref_squeeze %dma_wait3A_2239 : memref<1x32x1024xf32, #tpu.memory_space<vmem>> -> memref<32x1024xf32, #tpu.memory_space<vmem>>
    tpu.wait_dma2 semaphore(%arg8 : memref<!tpu.dma_semaphore, #tpu.memory_space<semaphore_mem>>) src(%dma_wait3A_2240 : memref<32x1024xf32, #tpu.memory_space<vmem>>) dst(%dma_wait3A_2236 : memref<32x1024xf32, #tpu.memory_space<hbm>>)
    %dma_start3A_2241 = arith.constant 1 : i32
    %dma_start3A_2242 = arith.constant 0 : i32
    %dma_start3A_2243 = arith.constant 0 : i32
    %dma_start3A_2244 = tpu.memref_slice %arg6[%dma_start3A_2241, %dma_start3A_2242, %dma_start3A_2243] : memref<3x32x1024xf32, #tpu.memory_space<vmem>> -> memref<1x32x1024xf32, #tpu.memory_space<vmem>>
    %dma_start3A_2245 = tpu.memref_squeeze %dma_start3A_2244 : memref<1x32x1024xf32, #tpu.memory_space<vmem>> -> memref<32x1024xf32, #tpu.memory_space<vmem>>
    %dma_start3A_2246 = arith.constant 992 : i32
    %dma_start3A_2247 = tpu.memref_slice %arg5[%dma_start3A_2246] : memref<1024xi32, #tpu.memory_space<vmem>> -> memref<32xi32, #tpu.memory_space<vmem>>
    %dma_start3A_2248 = arith.constant 0 : i32
    %dma_start3A_2249 = arith.constant 0 : i32
    %dma_start3A_2250 = tpu.memref_slice %arg2[%dma_start3A_2248, %dma_start3A_2249] : memref<8192x1024xf32, #tpu.memory_space<hbm>> -> memref<8192x1024xf32, #tpu.memory_space<hbm>>
    tpu.enqueue_indirect_dma source(%dma_start3A_2250 : memref<8192x1024xf32, #tpu.memory_space<hbm>>) target(%dma_start3A_2245 : memref<32x1024xf32, #tpu.memory_space<vmem>>) offsets(%dma_start3A_2247 : memref<32xi32, #tpu.memory_space<vmem>>) semaphore(%arg7 : memref<!tpu.dma_semaphore, #tpu.memory_space<semaphore_mem>>)
    %dma_wait3A_2251 = arith.constant 2 : i32
    %dma_wait3A_2252 = arith.constant 0 : i32
    %dma_wait3A_2253 = arith.constant 0 : i32
    %dma_wait3A_2254 = tpu.memref_slice %arg6[%dma_wait3A_2251, %dma_wait3A_2252, %dma_wait3A_2253] : memref<3x32x1024xf32, #tpu.memory_space<vmem>> -> memref<1x32x1024xf32, #tpu.memory_space<vmem>>
    %dma_wait3A_2255 = tpu.memref_squeeze %dma_wait3A_2254 : memref<1x32x1024xf32, #tpu.memory_space<vmem>> -> memref<32x1024xf32, #tpu.memory_space<vmem>>
    %dma_wait3A_2256 = arith.constant 928 : i32
    %dma_wait3A_2257 = tpu.memref_slice %arg5[%dma_wait3A_2256] : memref<1024xi32, #tpu.memory_space<vmem>> -> memref<32xi32, #tpu.memory_space<vmem>>
    %dma_wait3A_2258 = arith.constant 0 : i32
    %dma_wait3A_2259 = arith.constant 0 : i32
    %dma_wait3A_2260 = tpu.memref_slice %arg2[%dma_wait3A_2258, %dma_wait3A_2259] : memref<8192x1024xf32, #tpu.memory_space<hbm>> -> memref<8192x1024xf32, #tpu.memory_space<hbm>>
    tpu.wait_indirect_dma semaphore(%arg7 : memref<!tpu.dma_semaphore, #tpu.memory_space<semaphore_mem>>) src(%dma_wait3A_2260 : memref<8192x1024xf32, #tpu.memory_space<hbm>>) dst(%dma_wait3A_2255 : memref<32x1024xf32, #tpu.memory_space<vmem>>)
    %add3A_2261 = arith.constant 928 : i32
    %add3A_2262 = arith.addi %mul3A_2, %add3A_2261 : i32
    %dma_start3A_2263 = arith.constant 2 : i32
    %dma_start3A_2264 = arith.constant 0 : i32
    %dma_start3A_2265 = arith.constant 0 : i32
    %dma_start3A_2266 = tpu.memref_slice %arg6[%dma_start3A_2263, %dma_start3A_2264, %dma_start3A_2265] : memref<3x32x1024xf32, #tpu.memory_space<vmem>> -> memref<1x32x1024xf32, #tpu.memory_space<vmem>>
    %dma_start3A_2267 = tpu.memref_squeeze %dma_start3A_2266 : memref<1x32x1024xf32, #tpu.memory_space<vmem>> -> memref<32x1024xf32, #tpu.memory_space<vmem>>
    %dma_start3A_2268 = arith.constant 0 : i32
    %dma_start3A_2269 = tpu.memref_slice %arg4[%add3A_2262, %dma_start3A_2268] : memref<32768x1024xf32, #tpu.memory_space<hbm>> -> memref<32x1024xf32, #tpu.memory_space<hbm>>
    %dma_start3A_2270 = arith.constant 0 : i32
    %dma_start3A_2271 = tpu.memref_slice %arg4[%add3A_2262, %dma_start3A_2270] : memref<32768x1024xf32, #tpu.memory_space<hbm>> -> memref<32x1024xf32, #tpu.memory_space<hbm>>
    %dma_start3A_2272 = arith.constant 0 : i32
    %dma_start3A_2273 = arith.constant 0 : i32
    %dma_start3A_2274 = tpu.memref_slice %arg6[%dma_start3A_2263, %dma_start3A_2272, %dma_start3A_2273] : memref<3x32x1024xf32, #tpu.memory_space<vmem>> -> memref<1x32x1024xf32, #tpu.memory_space<vmem>>
    %dma_start3A_2275 = tpu.memref_squeeze %dma_start3A_2274 : memref<1x32x1024xf32, #tpu.memory_space<vmem>> -> memref<32x1024xf32, #tpu.memory_space<vmem>>
    tpu.enqueue_dma source(%dma_start3A_2275 : memref<32x1024xf32, #tpu.memory_space<vmem>>) target(%dma_start3A_2271 : memref<32x1024xf32, #tpu.memory_space<hbm>>) target_semaphore(%arg8 : memref<!tpu.dma_semaphore, #tpu.memory_space<semaphore_mem>>)
    %dma_wait3A_2276 = arith.constant 0 : i32
    %dma_wait3A_2277 = arith.constant 0 : i32
    %dma_wait3A_2278 = arith.constant 0 : i32
    %dma_wait3A_2279 = tpu.memref_slice %arg6[%dma_wait3A_2276, %dma_wait3A_2277, %dma_wait3A_2278] : memref<3x32x1024xf32, #tpu.memory_space<vmem>> -> memref<1x32x1024xf32, #tpu.memory_space<vmem>>
    %dma_wait3A_2280 = tpu.memref_squeeze %dma_wait3A_2279 : memref<1x32x1024xf32, #tpu.memory_space<vmem>> -> memref<32x1024xf32, #tpu.memory_space<vmem>>
    %dma_wait3A_2281 = arith.constant 960 : i32
    %dma_wait3A_2282 = tpu.memref_slice %arg5[%dma_wait3A_2281] : memref<1024xi32, #tpu.memory_space<vmem>> -> memref<32xi32, #tpu.memory_space<vmem>>
    %dma_wait3A_2283 = arith.constant 0 : i32
    %dma_wait3A_2284 = arith.constant 0 : i32
    %dma_wait3A_2285 = tpu.memref_slice %arg2[%dma_wait3A_2283, %dma_wait3A_2284] : memref<8192x1024xf32, #tpu.memory_space<hbm>> -> memref<8192x1024xf32, #tpu.memory_space<hbm>>
    tpu.wait_indirect_dma semaphore(%arg7 : memref<!tpu.dma_semaphore, #tpu.memory_space<semaphore_mem>>) src(%dma_wait3A_2285 : memref<8192x1024xf32, #tpu.memory_space<hbm>>) dst(%dma_wait3A_2280 : memref<32x1024xf32, #tpu.memory_space<vmem>>)
    %add3A_2286 = arith.constant 960 : i32
    %add3A_2287 = arith.addi %mul3A_2, %add3A_2286 : i32
    %dma_start3A_2288 = arith.constant 0 : i32
    %dma_start3A_2289 = arith.constant 0 : i32
    %dma_start3A_2290 = arith.constant 0 : i32
    %dma_start3A_2291 = tpu.memref_slice %arg6[%dma_start3A_2288, %dma_start3A_2289, %dma_start3A_2290] : memref<3x32x1024xf32, #tpu.memory_space<vmem>> -> memref<1x32x1024xf32, #tpu.memory_space<vmem>>
    %dma_start3A_2292 = tpu.memref_squeeze %dma_start3A_2291 : memref<1x32x1024xf32, #tpu.memory_space<vmem>> -> memref<32x1024xf32, #tpu.memory_space<vmem>>
    %dma_start3A_2293 = arith.constant 0 : i32
    %dma_start3A_2294 = tpu.memref_slice %arg4[%add3A_2287, %dma_start3A_2293] : memref<32768x1024xf32, #tpu.memory_space<hbm>> -> memref<32x1024xf32, #tpu.memory_space<hbm>>
    %dma_start3A_2295 = arith.constant 0 : i32
    %dma_start3A_2296 = tpu.memref_slice %arg4[%add3A_2287, %dma_start3A_2295] : memref<32768x1024xf32, #tpu.memory_space<hbm>> -> memref<32x1024xf32, #tpu.memory_space<hbm>>
    %dma_start3A_2297 = arith.constant 0 : i32
    %dma_start3A_2298 = arith.constant 0 : i32
    %dma_start3A_2299 = tpu.memref_slice %arg6[%dma_start3A_2288, %dma_start3A_2297, %dma_start3A_2298] : memref<3x32x1024xf32, #tpu.memory_space<vmem>> -> memref<1x32x1024xf32, #tpu.memory_space<vmem>>
    %dma_start3A_2300 = tpu.memref_squeeze %dma_start3A_2299 : memref<1x32x1024xf32, #tpu.memory_space<vmem>> -> memref<32x1024xf32, #tpu.memory_space<vmem>>
    tpu.enqueue_dma source(%dma_start3A_2300 : memref<32x1024xf32, #tpu.memory_space<vmem>>) target(%dma_start3A_2296 : memref<32x1024xf32, #tpu.memory_space<hbm>>) target_semaphore(%arg8 : memref<!tpu.dma_semaphore, #tpu.memory_space<semaphore_mem>>)
    %dma_wait3A_2301 = arith.constant 1 : i32
    %dma_wait3A_2302 = arith.constant 0 : i32
    %dma_wait3A_2303 = arith.constant 0 : i32
    %dma_wait3A_2304 = tpu.memref_slice %arg6[%dma_wait3A_2301, %dma_wait3A_2302, %dma_wait3A_2303] : memref<3x32x1024xf32, #tpu.memory_space<vmem>> -> memref<1x32x1024xf32, #tpu.memory_space<vmem>>
    %dma_wait3A_2305 = tpu.memref_squeeze %dma_wait3A_2304 : memref<1x32x1024xf32, #tpu.memory_space<vmem>> -> memref<32x1024xf32, #tpu.memory_space<vmem>>
    %dma_wait3A_2306 = arith.constant 992 : i32
    %dma_wait3A_2307 = tpu.memref_slice %arg5[%dma_wait3A_2306] : memref<1024xi32, #tpu.memory_space<vmem>> -> memref<32xi32, #tpu.memory_space<vmem>>
    %dma_wait3A_2308 = arith.constant 0 : i32
    %dma_wait3A_2309 = arith.constant 0 : i32
    %dma_wait3A_2310 = tpu.memref_slice %arg2[%dma_wait3A_2308, %dma_wait3A_2309] : memref<8192x1024xf32, #tpu.memory_space<hbm>> -> memref<8192x1024xf32, #tpu.memory_space<hbm>>
    tpu.wait_indirect_dma semaphore(%arg7 : memref<!tpu.dma_semaphore, #tpu.memory_space<semaphore_mem>>) src(%dma_wait3A_2310 : memref<8192x1024xf32, #tpu.memory_space<hbm>>) dst(%dma_wait3A_2305 : memref<32x1024xf32, #tpu.memory_space<vmem>>)
    %add3A_2311 = arith.constant 992 : i32
    %add3A_2312 = arith.addi %mul3A_2, %add3A_2311 : i32
    %dma_start3A_2313 = arith.constant 1 : i32
    %dma_start3A_2314 = arith.constant 0 : i32
    %dma_start3A_2315 = arith.constant 0 : i32
    %dma_start3A_2316 = tpu.memref_slice %arg6[%dma_start3A_2313, %dma_start3A_2314, %dma_start3A_2315] : memref<3x32x1024xf32, #tpu.memory_space<vmem>> -> memref<1x32x1024xf32, #tpu.memory_space<vmem>>
    %dma_start3A_2317 = tpu.memref_squeeze %dma_start3A_2316 : memref<1x32x1024xf32, #tpu.memory_space<vmem>> -> memref<32x1024xf32, #tpu.memory_space<vmem>>
    %dma_start3A_2318 = arith.constant 0 : i32
    %dma_start3A_2319 = tpu.memref_slice %arg4[%add3A_2312, %dma_start3A_2318] : memref<32768x1024xf32, #tpu.memory_space<hbm>> -> memref<32x1024xf32, #tpu.memory_space<hbm>>
    %dma_start3A_2320 = arith.constant 0 : i32
    %dma_start3A_2321 = tpu.memref_slice %arg4[%add3A_2312, %dma_start3A_2320] : memref<32768x1024xf32, #tpu.memory_space<hbm>> -> memref<32x1024xf32, #tpu.memory_space<hbm>>
    %dma_start3A_2322 = arith.constant 0 : i32
    %dma_start3A_2323 = arith.constant 0 : i32
    %dma_start3A_2324 = tpu.memref_slice %arg6[%dma_start3A_2313, %dma_start3A_2322, %dma_start3A_2323] : memref<3x32x1024xf32, #tpu.memory_space<vmem>> -> memref<1x32x1024xf32, #tpu.memory_space<vmem>>
    %dma_start3A_2325 = tpu.memref_squeeze %dma_start3A_2324 : memref<1x32x1024xf32, #tpu.memory_space<vmem>> -> memref<32x1024xf32, #tpu.memory_space<vmem>>
    tpu.enqueue_dma source(%dma_start3A_2325 : memref<32x1024xf32, #tpu.memory_space<vmem>>) target(%dma_start3A_2321 : memref<32x1024xf32, #tpu.memory_space<hbm>>) target_semaphore(%arg8 : memref<!tpu.dma_semaphore, #tpu.memory_space<semaphore_mem>>)
    %dma_wait3A_2326 = arith.constant 2 : i32
    %dma_wait3A_2327 = arith.constant 0 : i32
    %dma_wait3A_2328 = arith.constant 0 : i32
    %dma_wait3A_2329 = tpu.memref_slice %arg6[%dma_wait3A_2326, %dma_wait3A_2327, %dma_wait3A_2328] : memref<3x32x1024xf32, #tpu.memory_space<vmem>> -> memref<1x32x1024xf32, #tpu.memory_space<vmem>>
    %dma_wait3A_2330 = tpu.memref_squeeze %dma_wait3A_2329 : memref<1x32x1024xf32, #tpu.memory_space<vmem>> -> memref<32x1024xf32, #tpu.memory_space<vmem>>
    %dma_wait3A_2331 = arith.constant 0 : i32
    %dma_wait3A_2332 = tpu.memref_slice %arg4[%add3A_2262, %dma_wait3A_2331] : memref<32768x1024xf32, #tpu.memory_space<hbm>> -> memref<32x1024xf32, #tpu.memory_space<hbm>>
    %dma_wait3A_2333 = arith.constant 0 : i32
    %dma_wait3A_2334 = tpu.memref_slice %arg4[%add3A_2262, %dma_wait3A_2333] : memref<32768x1024xf32, #tpu.memory_space<hbm>> -> memref<32x1024xf32, #tpu.memory_space<hbm>>
    %dma_wait3A_2335 = arith.constant 0 : i32
    %dma_wait3A_2336 = arith.constant 0 : i32
    %dma_wait3A_2337 = tpu.memref_slice %arg6[%dma_wait3A_2326, %dma_wait3A_2335, %dma_wait3A_2336] : memref<3x32x1024xf32, #tpu.memory_space<vmem>> -> memref<1x32x1024xf32, #tpu.memory_space<vmem>>
    %dma_wait3A_2338 = tpu.memref_squeeze %dma_wait3A_2337 : memref<1x32x1024xf32, #tpu.memory_space<vmem>> -> memref<32x1024xf32, #tpu.memory_space<vmem>>
    tpu.wait_dma2 semaphore(%arg8 : memref<!tpu.dma_semaphore, #tpu.memory_space<semaphore_mem>>) src(%dma_wait3A_2338 : memref<32x1024xf32, #tpu.memory_space<vmem>>) dst(%dma_wait3A_2334 : memref<32x1024xf32, #tpu.memory_space<hbm>>)
    %dma_wait3A_2339 = arith.constant 0 : i32
    %dma_wait3A_2340 = arith.constant 0 : i32
    %dma_wait3A_2341 = arith.constant 0 : i32
    %dma_wait3A_2342 = tpu.memref_slice %arg6[%dma_wait3A_2339, %dma_wait3A_2340, %dma_wait3A_2341] : memref<3x32x1024xf32, #tpu.memory_space<vmem>> -> memref<1x32x1024xf32, #tpu.memory_space<vmem>>
    %dma_wait3A_2343 = tpu.memref_squeeze %dma_wait3A_2342 : memref<1x32x1024xf32, #tpu.memory_space<vmem>> -> memref<32x1024xf32, #tpu.memory_space<vmem>>
    %dma_wait3A_2344 = arith.constant 0 : i32
    %dma_wait3A_2345 = tpu.memref_slice %arg4[%add3A_2287, %dma_wait3A_2344] : memref<32768x1024xf32, #tpu.memory_space<hbm>> -> memref<32x1024xf32, #tpu.memory_space<hbm>>
    %dma_wait3A_2346 = arith.constant 0 : i32
    %dma_wait3A_2347 = tpu.memref_slice %arg4[%add3A_2287, %dma_wait3A_2346] : memref<32768x1024xf32, #tpu.memory_space<hbm>> -> memref<32x1024xf32, #tpu.memory_space<hbm>>
    %dma_wait3A_2348 = arith.constant 0 : i32
    %dma_wait3A_2349 = arith.constant 0 : i32
    %dma_wait3A_2350 = tpu.memref_slice %arg6[%dma_wait3A_2339, %dma_wait3A_2348, %dma_wait3A_2349] : memref<3x32x1024xf32, #tpu.memory_space<vmem>> -> memref<1x32x1024xf32, #tpu.memory_space<vmem>>
    %dma_wait3A_2351 = tpu.memref_squeeze %dma_wait3A_2350 : memref<1x32x1024xf32, #tpu.memory_space<vmem>> -> memref<32x1024xf32, #tpu.memory_space<vmem>>
    tpu.wait_dma2 semaphore(%arg8 : memref<!tpu.dma_semaphore, #tpu.memory_space<semaphore_mem>>) src(%dma_wait3A_2351 : memref<32x1024xf32, #tpu.memory_space<vmem>>) dst(%dma_wait3A_2347 : memref<32x1024xf32, #tpu.memory_space<hbm>>)
    %dma_wait3A_2352 = arith.constant 1 : i32
    %dma_wait3A_2353 = arith.constant 0 : i32
    %dma_wait3A_2354 = arith.constant 0 : i32
    %dma_wait3A_2355 = tpu.memref_slice %arg6[%dma_wait3A_2352, %dma_wait3A_2353, %dma_wait3A_2354] : memref<3x32x1024xf32, #tpu.memory_space<vmem>> -> memref<1x32x1024xf32, #tpu.memory_space<vmem>>
    %dma_wait3A_2356 = tpu.memref_squeeze %dma_wait3A_2355 : memref<1x32x1024xf32, #tpu.memory_space<vmem>> -> memref<32x1024xf32, #tpu.memory_space<vmem>>
    %dma_wait3A_2357 = arith.constant 0 : i32
    %dma_wait3A_2358 = tpu.memref_slice %arg4[%add3A_2312, %dma_wait3A_2357] : memref<32768x1024xf32, #tpu.memory_space<hbm>> -> memref<32x1024xf32, #tpu.memory_space<hbm>>
    %dma_wait3A_2359 = arith.constant 0 : i32
    %dma_wait3A_2360 = tpu.memref_slice %arg4[%add3A_2312, %dma_wait3A_2359] : memref<32768x1024xf32, #tpu.memory_space<hbm>> -> memref<32x1024xf32, #tpu.memory_space<hbm>>
    %dma_wait3A_2361 = arith.constant 0 : i32
    %dma_wait3A_2362 = arith.constant 0 : i32
    %dma_wait3A_2363 = tpu.memref_slice %arg6[%dma_wait3A_2352, %dma_wait3A_2361, %dma_wait3A_2362] : memref<3x32x1024xf32, #tpu.memory_space<vmem>> -> memref<1x32x1024xf32, #tpu.memory_space<vmem>>
    %dma_wait3A_2364 = tpu.memref_squeeze %dma_wait3A_2363 : memref<1x32x1024xf32, #tpu.memory_space<vmem>> -> memref<32x1024xf32, #tpu.memory_space<vmem>>
    tpu.wait_dma2 semaphore(%arg8 : memref<!tpu.dma_semaphore, #tpu.memory_space<semaphore_mem>>) src(%dma_wait3A_2364 : memref<32x1024xf32, #tpu.memory_space<vmem>>) dst(%dma_wait3A_2360 : memref<32x1024xf32, #tpu.memory_space<hbm>>)
    return
  }
}

</mosaic_0001>

<sc_bundles>
// kernel: kernel.3.cloned.1.call-start
scs
__scs_entry_jumppad:
0x0: {  	(pc) =	sbr.rel $0x88, $3  }
0x1: {  	(tag) =	ssettag $0x0;
	lr =	simm.s32 $0x1  }
0x2: {  	[smem:$0x3F9F] =	sst lr;
	_ =	strace $0xD0000000  }
0x3: {  	_ = 	snop  }
0x4: {  	_ = 	snop  }
0x5: {  	_ = 	snop  }
0x6: {  	_ = 	snop  }
0x7: {  	_ = 	snop  }
__scs_overlays_trampoline_lowered:
0x8: {  	[smem:$0x3FAE] =	sst s0  }
0x9: {  	[smem:$0x3FAF] =	sst s1  }
0xa: {  	[smem:$0x3FB0] =	sst s2  }
0xb: {  	[smem:$0x3FB1] =	sst s3  }
0xc: {  	[smem:$0x3FB2] =	sst s4  }
0xd: {  	[smem:$0x3FB3] =	sst s5  }
0xe: {  	[smem:$0x3FB4] =	sst s6  }
0xf: {  	[smem:$0x3FB5] =	sst s7  }
0x10: {  	[smem:$0x3FB6] =	sst s8  }
0x11: {  	[smem:$0x3FB7] =	sst s9;
	s0 =	simm.s32 @!p0 $0x0  }
0x12: {  	s1 =	sld [smem:$0x3F9D];
	s0 =	simm.s32 @p0 $0x1  }
0x13: {  	[smem:$0x3FB8] =	sst s0;
	s0 =	simm.s32 @!p1 $0x0  }
0x14: {  	s2 =	sld [smem:$0x3F9C];
	s0 =	simm.s32 @p1 $0x1  }
0x15: {  	[smem:$0x3FB9] =	sst s0;
	s0 =	simm.s32 @!p2 $0x0  }
0x16: {  	s3 =	sld [smem:$0x3FDB];
	s0 =	simm.s32 @p2 $0x1  }
0x17: {  	s4 =	simm.s32 $0x1BF5;
	[smem:$0x3FBB] =	sst s0  }
0x18: {  	s0 =	sld [smem:$0x3F9E];
	_ =	swait.ge [sflag:s4], $0x0  }
0x19: {  	s7 =	sld [smem:$0x3F9F]  }
0x1a: {  	s8 =	sadd.s32 $0xFFFFE003, lr  }
0x1b: {  	s9 =	sadd.s32 $0xFFFFFEF7, lr;
	s5 =	simm.s32 $0xFFFFFFFF;
	p2 =	slt.u32 s8, $0xFFFFF086  }
0x1c: {  	p1 =	slt.u32 s9, $0xF7A;
	s5 =	simm.s32 @!p2 $0x0  }
0x1d: {  	s5 =	simm.s32 @p1 $0x1;
	p0 =	seq.s32 s7, s2  }
0x1e: {  	s7 =	smul.u32 @!p0 $0xF7A, s2;
	p2 =	seq.s32 @!p0 s5, $0x0  }
0x1f: {  	s9 =	smul.u32 $0xF7A, s1;
	s8 =	simm.s32 @!p0 $0x1BF5;
	p2 =	por !p2, p0  }
0x20: {  	[sflag:s8] =	ssyncset.s32 @!p0 $0xFFFFF086;
	s6 =	sadd.s32 @!p0 s3, s7;
	s7 =	simm.s32 @!p0 $0x108  }
0x21: {  	s3 =	sadd.s32 s3, s9;
	s6 =	sadd.s32 @!p0 $0x88, s6;
	s7 =	simm.s32 @p2 $0x1082  }
0x22: {  	[simem:s7], [sflag:s8] =	dma.local @!p0 [hbm:s6], $0xF7A  }
0x23: {  	s9 =	sor.u32 $0xD0000000, s2;
	s6 =	simm.s32 $0x108;
	_ =	swait.ge @!p0 [sflag:s8], $0x0  }
0x24: {  	s3 =	sadd.s32 $0x88, s3;
	s6 =	simm.s32 @!p1 $0x1082;
	[sflag:s4] =	ssyncset.s32 $0xFFFFF086  }
0x25: {  	[simem:s6], [sflag:s4] =	dma.local [hbm:s3], $0xF7A  }
0x26: {  	[smem:$0x3F9F] =	sst s1;
	(tag) =	ssettag s2;
	_ =	strace s9  }
0x27: {  	s1 =	sld [smem:$0x3FAF]  }
0x28: {  	s2 =	sld [smem:$0x3FB0]  }
0x29: {  	s4 =	sld [smem:$0x3FB2]  }
0x2a: {  	p0 =	seq.s32 s5, $0x0;
	s5 =	sld [smem:$0x3FB3]  }
0x2b: {  	s6 =	sld [smem:$0x3FB4]  }
0x2c: {  	s7 =	sld [smem:$0x3FB5]  }
0x2d: {  	s3 =	simm.s32 $0x108;
	s8 =	sld [smem:$0x3FB6]  }
0x2e: {  	s3 =	simm.s32 @!p0 $0x1082;
	s9 =	sld [smem:$0x3FB7]  }
0x2f: {  	lr =	sadd.s32 s0, s3;
	s0 =	sld [smem:$0x3FAE]  }
0x30: {  	s3 =	sld [smem:$0x3FB1]  }
0x31: {  	[smem:$0x3FBA] =	sst s10  }
0x32: {  	s10 =	sld [smem:$0x3FB8];
	_ =	sdelay $0x3  }
0x33: {  	p0 =	seq.s32 s10, $0x1;
	s10 =	sld [smem:$0x3FBA];
	_ =	sdelay $0x3  }
0x34: {  	[smem:$0x3FBA] =	sst s10  }
0x35: {  	s10 =	sld [smem:$0x3FB9];
	_ =	sdelay $0x3  }
0x36: {  	p1 =	seq.s32 s10, $0x1;
	s10 =	sld [smem:$0x3FBA];
	_ =	sdelay $0x3  }
0x37: {  	[smem:$0x3FBA] =	sst s10  }
0x38: {  	s10 =	sld [smem:$0x3FBB]  }
0x39: {  	_ = 	snop;
	(pc) =	sbr.ind lr, $3  }
0x3a: {  	_ = 	snop  }
0x3b: {  	_ = 	snop  }
0x3c: {  	p2 =	seq.s32 s10, $0x1;
	s10 =	sld [smem:$0x3FBA]  }
0x3d: {  	_ =	shalt  }
0x3e: {  	_ =	shalt  }
0x3f: {  	_ =	shalt  }
0x40: {  	_ =	shalt  }
0x41: {  	_ =	shalt  }
0x42: {  	_ =	shalt  }
0x43: {  	_ =	shalt  }
0x44: {  	_ =	shalt  }
0x45: {  	_ =	shalt  }
0x46: {  	_ =	shalt  }
0x47: {  	_ =	shalt  }
0x48: {  	_ =	shalt  }
0x49: {  	_ =	shalt  }
0x4a: {  	_ =	shalt  }
0x4b: {  	_ =	shalt  }
0x4c: {  	_ =	shalt  }
0x4d: {  	_ =	shalt  }
0x4e: {  	_ =	shalt  }
0x4f: {  	_ =	shalt  }
0x50: {  	_ =	shalt  }
0x51: {  	_ =	shalt  }
0x52: {  	_ =	shalt  }
0x53: {  	_ =	shalt  }
0x54: {  	_ =	shalt  }
0x55: {  	_ =	shalt  }
0x56: {  	_ =	shalt  }
0x57: {  	_ =	shalt  }
0x58: {  	_ =	shalt  }
0x59: {  	_ =	shalt  }
0x5a: {  	_ =	shalt  }
0x5b: {  	_ =	shalt  }
0x5c: {  	_ =	shalt  }
0x5d: {  	_ =	shalt  }
0x5e: {  	_ =	shalt  }
0x5f: {  	_ =	shalt  }
0x60: {  	_ =	shalt  }
0x61: {  	_ =	shalt  }
0x62: {  	_ =	shalt  }
0x63: {  	_ =	shalt  }
0x64: {  	_ =	shalt  }
0x65: {  	_ =	shalt  }
0x66: {  	_ =	shalt  }
0x67: {  	_ =	shalt  }
0x68: {  	_ =	shalt  }
0x69: {  	_ =	shalt  }
0x6a: {  	_ =	shalt  }
0x6b: {  	_ =	shalt  }
0x6c: {  	_ =	shalt  }
0x6d: {  	_ =	shalt  }
0x6e: {  	_ =	shalt  }
0x6f: {  	_ =	shalt  }
0x70: {  	_ =	shalt  }
0x71: {  	_ =	shalt  }
0x72: {  	_ =	shalt  }
0x73: {  	_ =	shalt  }
0x74: {  	_ =	shalt  }
0x75: {  	_ =	shalt  }
0x76: {  	_ =	shalt  }
0x77: {  	_ =	shalt  }
0x78: {  	_ =	shalt  }
0x79: {  	_ =	shalt  }
0x7a: {  	_ =	shalt  }
0x7b: {  	_ =	shalt  }
0x7c: {  	_ =	shalt  }
0x7d: {  	_ =	shalt  }
0x7e: {  	_ =	shalt  }
0x7f: {  	_ =	shalt  }
0x80: {  	_ =	shalt  }
0x81: {  	_ =	shalt  }
0x82: {  	_ =	shalt  }
0x83: {  	_ =	shalt  }
0x84: {  	_ =	shalt  }
0x85: {  	_ =	shalt  }
0x86: {  	_ =	shalt  }
0x87: {  	_ =	shalt  }
.Lfunc_end0:
.L_simem_size_0:
called_computation_lowered:
.L_overlay_start_0:
0x88: {  	s2 =	sld [smem:$0x3FD9]  }
0x89: {  	s3 =	sld [smem:$0x3FFE];
	_ =	sdelay $0x1  }
0x8a: {  	s1 =	srdreg.scid  }
0x8b: {  	s0 =	sand.u32 $0x1, s1  }
0x8c: {  	s17 =	sshll.u32 s0, $0xA;
	s2 =	sadd.s32 s3, s2  }
0x8d: {  	s2 =	sadd.s32 s2, s17  }
0x8e: {  	[smem:$0x3FC6] =	sst s2  }
0x8f: {  	_ = 	snop  }
0x90: {  	s2 =	sld [smem:$0x3FC8]  }
0x91: {  	s18 =	sld [smem:$0x3FD0];
	(tm) =	ssettm $0x1  }
0x92: {  	s4 =	sld [smem:$0x3FFB];
	_ =	sdelay $0x3  }
0x93: {  	_ =	strace s4  }
0x94: {  	s4 =	sld [smem:$0x3FFC];
	_ =	sdelay $0x3  }
0x95: {  	_ =	strace s4  }
0x96: {  	s4 =	sld [smem:$0x3FFD];
	_ =	sdelay $0x3  }
0x97: {  	_ =	strace s4  }
0x98: {  	_ =	strace $0x8FFFFFFF  }
0x99: {  	s19 =	sld [smem:$0x3FDB];
	_ =	sdelay $0x1  }
0x9a: {  	s5 =	simm.s32 $_scs_section_size  }
0x9b: {  	s6 =	simm.s32 $_size__tile_overlayer_lowered;
	s7 =	simm.s32 $_tile_overlayer_lowered  }
0x9c: {  	s22 =	simm.s32 $0x1BFF;
	s21 =	sshll.u32 s7, $0x1;
	s4 =	sadd.s32 s5, s19  }
0x9d: {  	s8 =	simm.s32 $0x0;
	s20 =	sshll.u32 s6, $0x1;
	s6 =	sadd.s32 s21, s4  }
0x9e: {  	[timem:s8], [sflag:s22] =	dma.local [hbm:s6], s20  }
0x9f: {  	_ =	swait.ge [sflag:s22], s20  }
0xa0: {  	s5 =	ssub.s32 $0x0, s20;
	[sflag:s22] =	ssyncset.done $0x0  }
0xa1: {  	[sflag:s22] =	ssyncadd.s32 s5;
	_ =	sdelay $0x1  }
0xa2: {  	s23 =	simm.s32 $0x1B8B  }
0xa3: {  	_ =	swait.ge [sflag:s23], $0x1  }
0xa4: {  	[sflag:s23] =	ssyncset.done $0x0  }
0xa5: {  	s25 =	simm.s32 $0x1B8E;
	s24 =	sld [smem:$0x3FFE];
	[sflag:s23] =	ssyncadd.s32 $0xFFFFFFFF  }
0xa6: {  	s26 =	simm.s32 $execute0_lowered;
	[smem:$0x3FD2] =	sst s25  }
0xa7: {  	s6 =	sshll.u32 s26, $0x1;
	_ =	strace $0x80000046;
	[dreg:$0x1] =	wrdreg $0xFFFFFFFF  }
0xa8: {  	s28 =	simm.s32 $_size_execute0_lowered;
	s4 =	sadd.s32 s4, s6;
	[dreg:$0x0] =	wrdreg $0x0  }
0xa9: {  	s6 =	sshll.u32 s28, $0x1;
	[dreg:$0x2] =	wrdreg s4  }
0xaa: {  	[dreg:$0x3] =	wrdreg s6  }
0xab: {  	[dreg:$0x4] =	wrdreg $0xC0  }
0xac: {  	_ =	task [dreg:s8], $0x5FFFF  }
0xad: {  	[dreg:$0x1] =	wrdreg $0xFFFFFFFF  }
0xae: {  	[dreg:$0x0] =	wrdreg $0x60  }
0xaf: {  	[dreg:$0x2] =	wrdreg s2  }
0xb0: {  	[dreg:$0x3] =	wrdreg s24  }
0xb1: {  	[dreg:$0x4] =	wrdreg s18  }
0xb2: {  	[dreg:$0x5] =	wrdreg $0x9  }
0xb3: {  	_ =	task.clear_ibuf [dreg:s8], $0x6FFFF;
	_ =	strace $0x90000046  }
0xb4: {  	s29 =	simm.s32 $0x9;
	_ =	strace $0x80000048  }
0xb5: {  	_ =	swait.ge [sflag:s29], $0x1  }
0xb6: {  	[sflag:s29] =	ssyncadd.s32 $0xFFFFFFFF  }
0xb7: {  	_ =	strace $0x90000048  }
0xb8: {  	_ =	sfence  }
0xb9: {  	s30 =	sld [smem:$0x0];
	_ =	sdelay $0x2  }
0xba: {  	s31 =	sshll.u32 s1, $0xD;
	s1 =	sshrl.u32 s1, $0x2  }
0xbb: {  	s3 =	sand.u32 $0x4000, s31;
	s1 =	sadd.s32 s1, s30  }
0xbc: {  	s0 =	sor.u32 s3, s0;
	s1 =	sshll.u32 s1, $0x11  }
0xbd: {  	s0 =	sor.u32 s1, s0  }
0xbe: {  	s0 =	sadd.s32 $0x8F2B, s0  }
0xbf: {  	[sflag:s0] =	ssyncadd.remote.s32 $0x1  }
0xc0: {  	_ =	sfence.sel $0xFFFF  }
0xc1: {  	[dreg:$0x0] =	wrdreg $0xFFFFFFFF;
	(pc) =	sbr.abs _section_cstart, $3  }
0xc2: {  	[dreg:$0x1] =	wrdreg $0xFFFFFFFF  }
0xc3: {  	_ =	task.clear_ibuf [dreg:s8], $0x2FFFF;
	_ =	strace $0x9FFFFFFF  }
0xc4: {  	(tm) =	ssettm $0x7FFFFFFF  }
0xc5: {  	_ =	shalt  }
tec
execute0_lowered:
.L_overlay_start_1:
0x0: {  	(tag) =	ssettag $0x1  }
0x1: {  	s0 =	srdreg.scid  }
0x2: {  	s1 =	rddreg [dreg:$0x0];
	s3 =	stileid.u32;
	s0 =	sand.u32 $0x1, s0  }
0x3: {  	s2 =	rddreg [dreg:$0x1];
	s3 =	sshll.u32 s3, $0xB;
	s4 =	sshll.u32 s0, $0xA  }
0x4: {  	s5 =	rddreg [dreg:$0x2];
	s4 =	sor.u32 s4, s3  }
0x5: {  	s3 =	simm.s32 $0x0;
	s6 =	sshrl.u32 s4, $0x3;
	s4 =	sshll.u32 s4, $0x7  }
0x6: {  	[smem:$0x7FF] =	sst s3;
	s2 =	sadd.s32 s6, s2;
	s7 =	sadd.s32 s5, s4  }
0x7: {  	_ =	strace $0x80000047;
	s2 =	sadd.s32 $0x400, s2;
	[smem:$0x7FC] =	sst s7  }
0x8: {  	s21 =	sadd.s32 $0x1000, s7;
	[dreg:$0x4] =	wrdreg s2  }
0x9: {  	s22 =	sadd.s32 $0x2000, s7;
	[dreg:$0x5] =	wrdreg s21  }
0xa: {  	s23 =	sadd.s32 $0x3000, s7;
	[dreg:$0x6] =	wrdreg s22  }
0xb: {  	s24 =	sadd.s32 $0x4000, s7;
	[dreg:$0x7] =	wrdreg s23  }
0xc: {  	s25 =	sadd.s32 $0x5000, s7;
	[dreg:$0x8] =	wrdreg s24  }
0xd: {  	s26 =	sadd.s32 $0x6000, s7;
	[dreg:$0x9] =	wrdreg s25  }
0xe: {  	s30 =	sadd.s32 $0x7000, s7;
	[dreg:$0xa] =	wrdreg s26  }
0xf: {  	s31 =	sadd.s32 $0x8000, s7;
	[dreg:$0xb] =	wrdreg s30  }
0x10: {  	s4 =	sadd.s32 $0x9000, s7;
	[dreg:$0xc] =	wrdreg s31  }
0x11: {  	s5 =	sadd.s32 $0xA000, s7;
	[dreg:$0xd] =	wrdreg s4  }
0x12: {  	s6 =	sadd.s32 $0xB000, s7;
	[dreg:$0xe] =	wrdreg s5  }
0x13: {  	s8 =	sadd.s32 $0xC000, s7;
	[dreg:$0xf] =	wrdreg s6  }
0x14: {  	s9 =	sadd.s32 $0xD000, s7;
	[dreg:$0x10] =	wrdreg s8  }
0x15: {  	s10 =	sadd.s32 $0xE000, s7;
	[dreg:$0x11] =	wrdreg s9  }
0x16: {  	s11 =	sadd.s32 $0xF000, s7;
	[dreg:$0x12] =	wrdreg s10  }
0x17: {  	s12 =	sadd.s32 $0x10000, s7;
	[dreg:$0x13] =	wrdreg s11  }
0x18: {  	s13 =	sadd.s32 $0x11000, s7;
	[dreg:$0x14] =	wrdreg s12  }
0x19: {  	s14 =	sadd.s32 $0x12000, s7;
	[dreg:$0x15] =	wrdreg s13  }
0x1a: {  	s15 =	sadd.s32 $0x13000, s7;
	[dreg:$0x16] =	wrdreg s14  }
0x1b: {  	s16 =	sadd.s32 $0x14000, s7;
	[dreg:$0x17] =	wrdreg s15  }
0x1c: {  	s17 =	sadd.s32 $0x15000, s7;
	[dreg:$0x18] =	wrdreg s16  }
0x1d: {  	s28 =	simm.s32 $0x400;
	s18 =	sadd.s32 $0x16000, s7;
	[dreg:$0x19] =	wrdreg s17  }
0x1e: {  	s29 =	simm.s32 $0x10400;
	s19 =	sadd.s32 $0x17000, s7;
	[dreg:$0x1a] =	wrdreg s18  }
0x1f: {  	s0 =	ssub.s32 $0x2, s0;
	s20 =	sadd.s32 $0x18000, s7;
	[dreg:$0x1b] =	wrdreg s19  }
0x20: {  	[dreg:$0x1c] =	wrdreg s20;
	s21 =	sadd.s32 $0x19000, s7;
	s22 =	sadd.s32 $0x1A000, s7  }
0x21: {  	s23 =	sadd.s32 $0x1B000, s7;
	s24 =	sshrl.u32 s0, $0x1;
	[dreg:$0x1d] =	wrdreg s21  }
0x22: {  	s25 =	sadd.s32 $0x1C000, s7;
	s26 =	sadd.s32 $0x1D000, s7;
	[dreg:$0x1e] =	wrdreg s22  }
0x23: {  	s5 =	sadd.s32 $0x100, s1;
	s30 =	sadd.s32 $0x1E000, s7;
	[dreg:$0x1f] =	wrdreg s23  }
0x24: {  	s6 =	sadd.s32 $0x200, s1;
	s31 =	sadd.s32 $0x1F000, s7;
	[smem:$0x7F9] =	sst s25  }
0x25: {  	v2 =	vlaneseq.u32;
	s7 =	sadd.s32 $0x300, s1;
	s19 =	simm.s32 $0x1;
	[smem:$0x7FA] =	sst s26  }
0x26: {  	vm0 =	vmmov $0xffff;
	v1 =	vshrl.u32 v2, $0x3;
	s20 =	simm.s32 $0x2;
	s0 =	ssub.s32 s0, s24;
	[smem:$0x7FB] =	sst s30  }
0x27: {  	v0 =	vand.u32 $0x7, v2;
	v2 =	vor.u32 $0x8, v2;
	v1 =	vmul.u32 $0x8, v1;
	[smem:$0x7FD] =	sst s31;
	s26 =	simm.s32 $0x8400;
	s0 =	smax.u32 s0, $0x1  }
.LBB2_1:
0x28: {  	[smem:$0x7F8] =	sst s0  }
0x29: {  	s21 =	rddreg [dreg:$0x4];
	s4 =	simm.s32 $0x3  }
0x2a: {  	[tilespmem:s3], [sflag:$0x3] =	stream.linear.gather [hbm4b:s21+s3], $0x400, $0x38;
	[tilespmem:$0x18400] =	vst v63  }
0x2b: {  	_ =	swait.ge [sflag:s4], $0x400  }
0x2c: {  	[sflag:s4] =	ssyncset.done $0x0  }
0x2d: {  	[sflag:s4] =	ssyncadd.s32 $0xFFFFFC00  }
0x2e: {  	v3 =	vld [tilespmem:$0x0]  }
0x2f: {  	v4 =	vld [tilespmem:$0x10]  }
0x30: {  	v5 =	vld [tilespmem:$0x20]  }
0x31: {  	v6 =	vld [tilespmem:$0x30]  }
0x32: {  	v7 =	vld [tilespmem:$0x40]  }
0x33: {  	v8 =	vld [tilespmem:$0x50];
	vm1 =	vgt.s32 v3, $0x0  }
0x34: {  	v9 =	vld [tilespmem:$0x60];
	v3 =	vnsel vm1, $0x0, v3;
	vm1 =	vgt.s32 v4, $0x0  }
0x35: {  	v10 =	vld [tilespmem:$0x70];
	v3 =	vmin.u32 v3, $0x1FFF;
	v4 =	vnsel vm1, $0x0, v4;
	vm1 =	vgt.s32 v5, $0x0  }
0x36: {  	v11 =	vld [tilespmem:$0x80];
	v4 =	vmin.u32 v4, $0x1FFF;
	v5 =	vnsel vm1, $0x0, v5;
	vm1 =	vgt.s32 v6, $0x0  }
0x37: {  	v12 =	vld [tilespmem:$0x90];
	v5 =	vmin.u32 v5, $0x1FFF;
	v6 =	vnsel vm1, $0x0, v6;
	vm1 =	vgt.s32 v7, $0x0  }
0x38: {  	v33 =	vld [tilespmem:$0xA0];
	[tilespmem:$0x0] =	vst v3;
	v31 =	vmin.u32 v6, $0x1FFF;
	v32 =	vnsel vm1, $0x0, v7;
	vm1 =	vgt.s32 v8, $0x0  }
0x39: {  	v36 =	vld [tilespmem:$0xB0];
	[tilespmem:$0x10] =	vst v4;
	v34 =	vmin.u32 v32, $0x1FFF;
	v35 =	vnsel vm1, $0x0, v8;
	vm1 =	vgt.s32 v9, $0x0  }
0x3a: {  	v39 =	vld [tilespmem:$0xC0];
	[tilespmem:$0x20] =	vst v5;
	v37 =	vmin.u32 v35, $0x1FFF;
	v38 =	vnsel vm1, $0x0, v9;
	vm1 =	vgt.s32 v10, $0x0  }
0x3b: {  	v42 =	vld [tilespmem:$0xD0];
	[tilespmem:$0x30] =	vst v31;
	v40 =	vmin.u32 v38, $0x1FFF;
	v41 =	vnsel vm1, $0x0, v10;
	vm1 =	vgt.s32 v11, $0x0  }
0x3c: {  	v45 =	vld [tilespmem:$0xE0];
	[tilespmem:$0x40] =	vst v34;
	v43 =	vmin.u32 v41, $0x1FFF;
	v44 =	vnsel vm1, $0x0, v11;
	vm1 =	vgt.s32 v12, $0x0  }
0x3d: {  	v48 =	vld [tilespmem:$0xF0];
	[tilespmem:$0x50] =	vst v37;
	v46 =	vmin.u32 v44, $0x1FFF;
	v47 =	vnsel vm1, $0x0, v12;
	vm1 =	vgt.s32 v33, $0x0  }
0x3e: {  	v51 =	vld [tilespmem:$0x100];
	[tilespmem:$0x60] =	vst v40;
	v49 =	vmin.u32 v47, $0x1FFF;
	v50 =	vnsel vm1, $0x0, v33;
	vm1 =	vgt.s32 v36, $0x0  }
0x3f: {  	v54 =	vld [tilespmem:$0x110];
	[tilespmem:$0x70] =	vst v43;
	v52 =	vmin.u32 v50, $0x1FFF;
	v53 =	vnsel vm1, $0x0, v36;
	vm1 =	vgt.s32 v39, $0x0  }
0x40: {  	v57 =	vld [tilespmem:$0x120];
	[tilespmem:$0x80] =	vst v46;
	v55 =	vmin.u32 v53, $0x1FFF;
	v56 =	vnsel vm1, $0x0, v39;
	vm1 =	vgt.s32 v42, $0x0  }
0x41: {  	v60 =	vld [tilespmem:$0x130];
	[tilespmem:$0x90] =	vst v49;
	v58 =	vmin.u32 v56, $0x1FFF;
	v59 =	vnsel vm1, $0x0, v42;
	vm1 =	vgt.s32 v45, $0x0  }
0x42: {  	v63 =	vld [tilespmem:$0x140];
	[tilespmem:$0xA0] =	vst v52;
	v61 =	vmin.u32 v59, $0x1FFF;
	v62 =	vnsel vm1, $0x0, v45;
	vm1 =	vgt.s32 v48, $0x0  }
0x43: {  	v18 =	vld [tilespmem:$0x150];
	[tilespmem:$0xB0] =	vst v55;
	v16 =	vmin.u32 v62, $0x1FFF;
	v17 =	vnsel vm1, $0x0, v48;
	vm1 =	vgt.s32 v51, $0x0  }
0x44: {  	v21 =	vld [tilespmem:$0x160];
	[tilespmem:$0xC0] =	vst v58;
	v19 =	vmin.u32 v17, $0x1FFF;
	v20 =	vnsel vm1, $0x0, v51;
	vm1 =	vgt.s32 v54, $0x0  }
0x45: {  	v24 =	vld [tilespmem:$0x170];
	[tilespmem:$0xD0] =	vst v61;
	v22 =	vmin.u32 v20, $0x1FFF;
	v23 =	vnsel vm1, $0x0, v54;
	vm1 =	vgt.s32 v57, $0x0  }
0x46: {  	v27 =	vld [tilespmem:$0x180];
	[tilespmem:$0xE0] =	vst v16;
	v25 =	vmin.u32 v23, $0x1FFF;
	v26 =	vnsel vm1, $0x0, v57;
	vm1 =	vgt.s32 v60, $0x0  }
0x47: {  	v30 =	vld [tilespmem:$0x190];
	[tilespmem:$0xF0] =	vst v19;
	v28 =	vmin.u32 v26, $0x1FFF;
	v29 =	vnsel vm1, $0x0, v60;
	vm1 =	vgt.s32 v63, $0x0  }
0x48: {  	v33 =	vld [tilespmem:$0x1A0];
	[tilespmem:$0x100] =	vst v22;
	v31 =	vmin.u32 v29, $0x1FFF;
	v32 =	vnsel vm1, $0x0, v63;
	vm1 =	vgt.s32 v18, $0x0  }
0x49: {  	v36 =	vld [tilespmem:$0x1B0];
	[tilespmem:$0x110] =	vst v25;
	v34 =	vmin.u32 v32, $0x1FFF;
	v35 =	vnsel vm1, $0x0, v18;
	vm1 =	vgt.s32 v21, $0x0  }
0x4a: {  	v39 =	vld [tilespmem:$0x1C0];
	[tilespmem:$0x120] =	vst v28;
	v37 =	vmin.u32 v35, $0x1FFF;
	v38 =	vnsel vm1, $0x0, v21;
	vm1 =	vgt.s32 v24, $0x0  }
0x4b: {  	v42 =	vld [tilespmem:$0x1D0];
	[tilespmem:$0x130] =	vst v31;
	v40 =	vmin.u32 v38, $0x1FFF;
	v41 =	vnsel vm1, $0x0, v24;
	vm1 =	vgt.s32 v27, $0x0  }
0x4c: {  	v45 =	vld [tilespmem:$0x1E0];
	[tilespmem:$0x140] =	vst v34;
	v43 =	vmin.u32 v41, $0x1FFF;
	v44 =	vnsel vm1, $0x0, v27;
	vm1 =	vgt.s32 v30, $0x0  }
0x4d: {  	v48 =	vld [tilespmem:$0x1F0];
	[tilespmem:$0x150] =	vst v37;
	v46 =	vmin.u32 v44, $0x1FFF;
	v47 =	vnsel vm1, $0x0, v30;
	vm1 =	vgt.s32 v33, $0x0  }
0x4e: {  	v51 =	vld [tilespmem:$0x200];
	[tilespmem:$0x160] =	vst v40;
	v49 =	vmin.u32 v47, $0x1FFF;
	v50 =	vnsel vm1, $0x0, v33;
	vm1 =	vgt.s32 v36, $0x0  }
0x4f: {  	v54 =	vld [tilespmem:$0x210];
	[tilespmem:$0x170] =	vst v43;
	v52 =	vmin.u32 v50, $0x1FFF;
	v53 =	vnsel vm1, $0x0, v36;
	vm1 =	vgt.s32 v39, $0x0  }
0x50: {  	v57 =	vld [tilespmem:$0x220];
	[tilespmem:$0x180] =	vst v46;
	v55 =	vmin.u32 v53, $0x1FFF;
	v56 =	vnsel vm1, $0x0, v39;
	vm1 =	vgt.s32 v42, $0x0  }
0x51: {  	v60 =	vld [tilespmem:$0x230];
	[tilespmem:$0x190] =	vst v49;
	v58 =	vmin.u32 v56, $0x1FFF;
	v59 =	vnsel vm1, $0x0, v42;
	vm1 =	vgt.s32 v45, $0x0  }
0x52: {  	v63 =	vld [tilespmem:$0x240];
	[tilespmem:$0x1A0] =	vst v52;
	v61 =	vmin.u32 v59, $0x1FFF;
	v62 =	vnsel vm1, $0x0, v45;
	vm1 =	vgt.s32 v48, $0x0  }
0x53: {  	v18 =	vld [tilespmem:$0x250];
	[tilespmem:$0x1B0] =	vst v55;
	v16 =	vmin.u32 v62, $0x1FFF;
	v17 =	vnsel vm1, $0x0, v48;
	vm1 =	vgt.s32 v51, $0x0  }
0x54: {  	v21 =	vld [tilespmem:$0x260];
	[tilespmem:$0x1C0] =	vst v58;
	v19 =	vmin.u32 v17, $0x1FFF;
	v20 =	vnsel vm1, $0x0, v51;
	vm1 =	vgt.s32 v54, $0x0  }
0x55: {  	v24 =	vld [tilespmem:$0x270];
	[tilespmem:$0x1D0] =	vst v61;
	v22 =	vmin.u32 v20, $0x1FFF;
	v23 =	vnsel vm1, $0x0, v54;
	vm1 =	vgt.s32 v57, $0x0  }
0x56: {  	v27 =	vld [tilespmem:$0x280];
	[tilespmem:$0x1E0] =	vst v16;
	v25 =	vmin.u32 v23, $0x1FFF;
	v26 =	vnsel vm1, $0x0, v57;
	vm1 =	vgt.s32 v60, $0x0  }
0x57: {  	v30 =	vld [tilespmem:$0x290];
	[tilespmem:$0x1F0] =	vst v19;
	v28 =	vmin.u32 v26, $0x1FFF;
	v29 =	vnsel vm1, $0x0, v60;
	vm1 =	vgt.s32 v63, $0x0  }
0x58: {  	v33 =	vld [tilespmem:$0x2A0];
	[tilespmem:$0x200] =	vst v22;
	v31 =	vmin.u32 v29, $0x1FFF;
	v32 =	vnsel vm1, $0x0, v63;
	vm1 =	vgt.s32 v18, $0x0  }
0x59: {  	[tilespmem:$0x210] =	vst v25;
	v34 =	vmin.u32 v32, $0x1FFF;
	v35 =	vnsel vm1, $0x0, v18;
	vm1 =	vgt.s32 v21, $0x0  }
0x5a: {  	v36 =	vld [tilespmem:$0x2B0];
	[tilespmem:$0x220] =	vst v28;
	v37 =	vmin.u32 v35, $0x1FFF;
	v38 =	vnsel vm1, $0x0, v21;
	vm1 =	vgt.s32 v24, $0x0  }
0x5b: {  	v39 =	vld [tilespmem:$0x2C0];
	[tilespmem:$0x230] =	vst v31;
	v40 =	vmin.u32 v38, $0x1FFF;
	v41 =	vnsel vm1, $0x0, v24;
	vm1 =	vgt.s32 v27, $0x0  }
0x5c: {  	v42 =	vld [tilespmem:$0x2D0];
	[tilespmem:$0x240] =	vst v34;
	v43 =	vmin.u32 v41, $0x1FFF;
	v44 =	vnsel vm1, $0x0, v27;
	vm1 =	vgt.s32 v30, $0x0  }
0x5d: {  	v45 =	vld [tilespmem:$0x2E0];
	[tilespmem:$0x250] =	vst v37;
	v46 =	vmin.u32 v44, $0x1FFF;
	v47 =	vnsel vm1, $0x0, v30;
	vm1 =	vgt.s32 v33, $0x0  }
0x5e: {  	v48 =	vld [tilespmem:$0x2F0];
	[tilespmem:$0x260] =	vst v40;
	v44 =	vshll.u32 v3, $0x3;
	v3 =	vand.u32 $0x7, v3;
	v49 =	vmin.u32 v47, $0x1FFF  }
0x5f: {  	v51 =	vld [tilespmem:$0x300];
	[tilespmem:$0x270] =	vst v43;
	v50 =	vnsel vm1, $0x0, v33;
	vm1 =	vgt.s32 v36, $0x0;
	v12 =	vand.u32 $0xFFC0, v44  }
0x60: {  	v54 =	vld [tilespmem:$0x310];
	[tilespmem:$0x280] =	vst v46;
	v52 =	vmin.u32 v50, $0x1FFF;
	v53 =	vnsel vm1, $0x0, v36;
	vm1 =	vgt.s32 v39, $0x0  }
0x61: {  	[tilespmem:$0x290] =	vst v49;
	v3 =	vor.u32 v3, v12;
	v56 =	vnsel vm1, $0x0, v39;
	vm1 =	vgt.s32 v42, $0x0  }
0x62: {  	v57 =	vld [tilespmem:$0x320];
	v55 =	vmin.u32 v53, $0x1FFF;
	[tilespmem:$0x2A0] =	vst v52;
	v59 =	vnsel vm1, $0x0, v42;
	vm1 =	vgt.s32 v45, $0x0  }
0x63: {  	v60 =	vld [tilespmem:$0x330];
	v58 =	vmin.u32 v56, $0x1FFF;
	[tilespmem:$0x2B0] =	vst v55;
	v62 =	vnsel vm1, $0x0, v45;
	vm1 =	vgt.s32 v48, $0x0  }
0x64: {  	v63 =	vld [tilespmem:$0x340];
	v61 =	vmin.u32 v59, $0x1FFF;
	[tilespmem:$0x2C0] =	vst v58;
	v16 =	vnsel vm1, $0x0, v48;
	vm1 =	vgt.s32 v51, $0x0  }
0x65: {  	v17 =	vld [tilespmem:$0x350];
	v15 =	vmin.u32 v62, $0x1FFF;
	[tilespmem:$0x2D0] =	vst v61;
	v19 =	vnsel vm1, $0x0, v51;
	vm1 =	vgt.s32 v54, $0x0  }
0x66: {  	v20 =	vld [tilespmem:$0x360];
	v18 =	vmin.u32 v16, $0x1FFF;
	[tilespmem:$0x2E0] =	vst v15;
	v51 =	vperm.xlane v3, v0;
	v22 =	vnsel vm1, $0x0, v54  }
0x67: {  	v23 =	vld [tilespmem:$0x370];
	v21 =	vmin.u32 v19, $0x1FFF;
	vm1 =	vgt.s32 v57, $0x0;
	[tilespmem:$0x2F0] =	vst v18;
	v24 =	vmin.u32 v22, $0x1FFF  }
0x68: {  	v26 =	vld [tilespmem:$0x380];
	v25 =	vnsel vm1, $0x0, v57;
	vm1 =	vgt.s32 v60, $0x0;
	[tilespmem:$0x300] =	vst v21;
	v54 =	vadd.s32 v1, v51  }
0x69: {  	v29 =	vld [tilespmem:$0x390];
	v27 =	vmin.u32 v25, $0x1FFF;
	v28 =	vnsel vm1, $0x0, v60;
	vm1 =	vgt.s32 v63, $0x0;
	[tilespmem:$0x310] =	vst v24  }
0x6a: {  	v32 =	vld [tilespmem:$0x3A0];
	v6 =	vmin.u32 v28, $0x1FFF;
	v7 =	vnsel vm1, $0x0, v63;
	vm1 =	vgt.s32 v17, $0x0;
	[tilespmem:$0x320] =	vst v27  }
0x6b: {  	v35 =	vld [tilespmem:$0x3B0];
	v30 =	vmin.u32 v7, $0x1FFF;
	v31 =	vnsel vm1, $0x0, v17;
	vm1 =	vgt.s32 v20, $0x0;
	[tilespmem:$0x330] =	vst v6  }
0x6c: {  	v38 =	vld [tilespmem:$0x3C0];
	v33 =	vmin.u32 v31, $0x1FFF;
	v34 =	vnsel vm1, $0x0, v20;
	vm1 =	vgt.s32 v23, $0x0;
	[tilespmem:$0x340] =	vst v30  }
0x6d: {  	v43 =	vld [tilespmem:$0x3D0];
	v36 =	vmin.u32 v34, $0x1FFF;
	v37 =	vnsel vm1, $0x0, v23;
	vm1 =	vgt.s32 v26, $0x0;
	[tilespmem:$0x350] =	vst v33  }
0x6e: {  	v45 =	vld [tilespmem:$0x3E0];
	v39 =	vmin.u32 v37, $0x1FFF;
	v40 =	vnsel vm1, $0x0, v26;
	vm1 =	vgt.s32 v29, $0x0;
	[tilespmem:$0x360] =	vst v36  }
0x6f: {  	v47 =	vld [tilespmem:$0x3F0];
	v41 =	vmin.u32 v40, $0x1FFF;
	v42 =	vnsel vm1, $0x0, v29;
	vm1 =	vgt.s32 v32, $0x0;
	[tilespmem:$0x370] =	vst v39  }
0x70: {  	v46 =	vnsel vm1, $0x0, v32;
	vm1 =	vgt.s32 v35, $0x0;
	[tilespmem:$0x380] =	vst v41;
	v48 =	vmin.u32 v42, $0x1FFF  }
0x71: {  	v49 =	vnsel vm1, $0x0, v35;
	vm1 =	vgt.s32 v38, $0x0;
	[tilespmem:$0x390] =	vst v48;
	v4 =	vmin.u32 v46, $0x1FFF  }
0x72: {  	v50 =	vnsel vm1, $0x0, v38;
	[tilespmem:$0x3A0] =	vst v4;
	v52 =	vmin.u32 v49, $0x1FFF;
	vm1 =	vgt.s32 v43, $0x0  }
0x73: {  	v5 =	vmin.u32 v50, $0x1FFF;
	[tilespmem:$0x3B0] =	vst v52;
	v53 =	vnsel vm1, $0x0, v43;
	vm1 =	vgt.s32 v45, $0x0  }
0x74: {  	[tilespmem:$0x3C0] =	vst v5;
	v4 =	vmin.u32 v53, $0x1FFF;
	v55 =	vnsel vm1, $0x0, v45;
	vm1 =	vgt.s32 v47, $0x0  }
0x75: {  	[tilespmem:$0x3D0] =	vst v4;
	v56 =	vnsel vm1, $0x0, v47;
	v5 =	vmin.u32 v55, $0x1FFF  }
0x76: {  	[tilespmem:$0x3E0] =	vst v5;
	v4 =	vmin.u32 v56, $0x1FFF  }
0x77: {  	[tilespmem:$0x3F0] =	vst v4  }
0x78: {  	[tilespmem:s28], [sflag:$0x1] =	stream.indirect_vreg.gather [hbm4b:s1+s3], $0x80, v54, vm0, $0xb8;
	[tilespmem:$0x18400] =	vst v63  }
0x79: {  	s8 =	simm.s32 $0xC00;
	v3 =	vperm.xlane v3, v2  }
0x7a: {  	[tilespmem:s8], [sflag:$0x1] =	stream.indirect_vreg.gather [hbm4b:s5+s3], $0x80, v54, vm0, $0xb8;
	[tilespmem:$0x18400] =	vst v63  }
0x7b: {  	s9 =	simm.s32 $0x1400;
	v3 =	vadd.s32 v1, v3  }
0x7c: {  	[tilespmem:s9], [sflag:$0x1] =	stream.indirect_vreg.gather [hbm4b:s6+s3], $0x80, v54, vm0, $0xb8;
	[tilespmem:$0x18400] =	vst v63  }
0x7d: {  	s10 =	simm.s32 $0x1C00  }
0x7e: {  	[tilespmem:s10], [sflag:$0x1] =	stream.indirect_vreg.gather [hbm4b:s7+s3], $0x80, v54, vm0, $0xb8;
	[tilespmem:$0x18400] =	vst v63  }
0x7f: {  	s11 =	simm.s32 $0x2400  }
0x80: {  	[tilespmem:s11], [sflag:$0x1] =	stream.indirect_vreg.gather [hbm4b:s1+s3], $0x80, v3, vm0, $0xb8;
	[tilespmem:$0x18400] =	vst v63  }
0x81: {  	s12 =	simm.s32 $0x2C00  }
0x82: {  	[tilespmem:s12], [sflag:$0x1] =	stream.indirect_vreg.gather [hbm4b:s5+s3], $0x80, v3, vm0, $0xb8;
	[tilespmem:$0x18400] =	vst v63  }
0x83: {  	s13 =	simm.s32 $0x3400  }
0x84: {  	[tilespmem:s13], [sflag:$0x1] =	stream.indirect_vreg.gather [hbm4b:s6+s3], $0x80, v3, vm0, $0xb8;
	[tilespmem:$0x18400] =	vst v63  }
0x85: {  	s14 =	simm.s32 $0x3C00  }
0x86: {  	[tilespmem:s14], [sflag:$0x1] =	stream.indirect_vreg.gather [hbm4b:s7+s3], $0x80, v3, vm0, $0xb8;
	[tilespmem:$0x18400] =	vst v63  }
0x87: {  	v3 =	vld [tilespmem:$0x10];
	_ =	sdelay $0x4  }
0x88: {  	v57 =	vshll.u32 v3, $0x3  }
0x89: {  	v3 =	vand.u32 $0x7, v3;
	v4 =	vand.u32 $0xFFFFFFC0, v57  }
0x8a: {  	v3 =	vor.u32 v3, v4  }
0x8b: {  	v4 =	vperm.xlane v3, v0;
	_ =	sdelay $0x1  }
0x8c: {  	v4 =	vadd.s32 v1, v4;
	_ =	sdelay $0x3  }
0x8d: {  	s15 =	simm.s32 $0x4400  }
0x8e: {  	[tilespmem:s15], [sflag:$0x1] =	stream.indirect_vreg.gather [hbm4b:s1+s3], $0x80, v4, vm0, $0xb8;
	[tilespmem:$0x18400] =	vst v63  }
0x8f: {  	s16 =	simm.s32 $0x4C00;
	v3 =	vperm.xlane v3, v2  }
0x90: {  	[tilespmem:s16], [sflag:$0x1] =	stream.indirect_vreg.gather [hbm4b:s5+s3], $0x80, v4, vm0, $0xb8;
	[tilespmem:$0x18400] =	vst v63  }
0x91: {  	s17 =	simm.s32 $0x5400;
	v3 =	vadd.s32 v1, v3  }
0x92: {  	[tilespmem:s17], [sflag:$0x1] =	stream.indirect_vreg.gather [hbm4b:s6+s3], $0x80, v4, vm0, $0xb8;
	[tilespmem:$0x18400] =	vst v63  }
0x93: {  	s18 =	simm.s32 $0x5C00  }
0x94: {  	[tilespmem:s18], [sflag:$0x1] =	stream.indirect_vreg.gather [hbm4b:s7+s3], $0x80, v4, vm0, $0xb8;
	[tilespmem:$0x18400] =	vst v63  }
0x95: {  	s21 =	simm.s32 $0x6400  }
0x96: {  	[tilespmem:s21], [sflag:$0x1] =	stream.indirect_vreg.gather [hbm4b:s1+s3], $0x80, v3, vm0, $0xb8;
	[tilespmem:$0x18400] =	vst v63  }
0x97: {  	s22 =	simm.s32 $0x6C00  }
0x98: {  	[tilespmem:s22], [sflag:$0x1] =	stream.indirect_vreg.gather [hbm4b:s5+s3], $0x80, v3, vm0, $0xb8;
	[tilespmem:$0x18400] =	vst v63  }
0x99: {  	s23 =	simm.s32 $0x7400  }
0x9a: {  	[tilespmem:s23], [sflag:$0x1] =	stream.indirect_vreg.gather [hbm4b:s6+s3], $0x80, v3, vm0, $0xb8;
	[tilespmem:$0x18400] =	vst v63  }
0x9b: {  	s24 =	simm.s32 $0x7C00  }
0x9c: {  	[tilespmem:s24], [sflag:$0x1] =	stream.indirect_vreg.gather [hbm4b:s7+s3], $0x80, v3, vm0, $0xb8;
	[tilespmem:$0x18400] =	vst v63  }
0x9d: {  	v3 =	vld [tilespmem:$0x20];
	_ =	sdelay $0x4  }
0x9e: {  	v58 =	vshll.u32 v3, $0x3  }
0x9f: {  	v3 =	vand.u32 $0x7, v3;
	v4 =	vand.u32 $0xFFFFFFC0, v58  }
0xa0: {  	v3 =	vor.u32 v3, v4  }
0xa1: {  	v4 =	vperm.xlane v3, v0;
	_ =	sdelay $0x1  }
0xa2: {  	v4 =	vadd.s32 v1, v4;
	_ =	sdelay $0x4  }
0xa3: {  	[tilespmem:s26], [sflag:$0x1] =	stream.indirect_vreg.gather [hbm4b:s1+s3], $0x80, v4, vm0, $0xb8;
	[tilespmem:$0x18400] =	vst v63  }
0xa4: {  	s25 =	simm.s32 $0x8C00;
	v3 =	vperm.xlane v3, v2  }
0xa5: {  	[tilespmem:s25], [sflag:$0x1] =	stream.indirect_vreg.gather [hbm4b:s5+s3], $0x80, v4, vm0, $0xb8;
	[tilespmem:$0x18400] =	vst v63  }
0xa6: {  	s12 =	simm.s32 $0x9400;
	v3 =	vadd.s32 v1, v3  }
0xa7: {  	[tilespmem:s12], [sflag:$0x1] =	stream.indirect_vreg.gather [hbm4b:s6+s3], $0x80, v4, vm0, $0xb8;
	[tilespmem:$0x18400] =	vst v63  }
0xa8: {  	s14 =	simm.s32 $0x9C00  }
0xa9: {  	[tilespmem:s14], [sflag:$0x1] =	stream.indirect_vreg.gather [hbm4b:s7+s3], $0x80, v4, vm0, $0xb8;
	[tilespmem:$0x18400] =	vst v63  }
0xaa: {  	s15 =	simm.s32 $0xA400  }
0xab: {  	[tilespmem:s15], [sflag:$0x1] =	stream.indirect_vreg.gather [hbm4b:s1+s3], $0x80, v3, vm0, $0xb8;
	[tilespmem:$0x18400] =	vst v63  }
0xac: {  	s16 =	simm.s32 $0xAC00  }
0xad: {  	[tilespmem:s16], [sflag:$0x1] =	stream.indirect_vreg.gather [hbm4b:s5+s3], $0x80, v3, vm0, $0xb8;
	[tilespmem:$0x18400] =	vst v63  }
0xae: {  	s17 =	simm.s32 $0xB400  }
0xaf: {  	[tilespmem:s17], [sflag:$0x1] =	stream.indirect_vreg.gather [hbm4b:s6+s3], $0x80, v3, vm0, $0xb8;
	[tilespmem:$0x18400] =	vst v63  }
0xb0: {  	s18 =	simm.s32 $0xBC00  }
0xb1: {  	[tilespmem:s18], [sflag:$0x1] =	stream.indirect_vreg.gather [hbm4b:s7+s3], $0x80, v3, vm0, $0xb8;
	[tilespmem:$0x18400] =	vst v63  }
0xb2: {  	v3 =	vld [tilespmem:$0x30];
	_ =	sdelay $0x4  }
0xb3: {  	v59 =	vshll.u32 v3, $0x3  }
0xb4: {  	v3 =	vand.u32 $0x7, v3;
	v4 =	vand.u32 $0xFFFFFFC0, v59  }
0xb5: {  	v3 =	vor.u32 v3, v4  }
0xb6: {  	v4 =	vperm.xlane v3, v0;
	_ =	sdelay $0x1  }
0xb7: {  	v4 =	vadd.s32 v1, v4;
	_ =	sdelay $0x3  }
0xb8: {  	s21 =	simm.s32 $0xC400  }
0xb9: {  	[tilespmem:s21], [sflag:$0x1] =	stream.indirect_vreg.gather [hbm4b:s1+s3], $0x80, v4, vm0, $0xb8;
	[tilespmem:$0x18400] =	vst v63  }
0xba: {  	s22 =	simm.s32 $0xCC00;
	v3 =	vperm.xlane v3, v2  }
0xbb: {  	[tilespmem:s22], [sflag:$0x1] =	stream.indirect_vreg.gather [hbm4b:s5+s3], $0x80, v4, vm0, $0xb8;
	[tilespmem:$0x18400] =	vst v63  }
0xbc: {  	s23 =	simm.s32 $0xD400;
	v3 =	vadd.s32 v1, v3  }
0xbd: {  	[tilespmem:s23], [sflag:$0x1] =	stream.indirect_vreg.gather [hbm4b:s6+s3], $0x80, v4, vm0, $0xb8;
	[tilespmem:$0x18400] =	vst v63  }
0xbe: {  	s24 =	simm.s32 $0xDC00  }
0xbf: {  	[tilespmem:s24], [sflag:$0x1] =	stream.indirect_vreg.gather [hbm4b:s7+s3], $0x80, v4, vm0, $0xb8;
	[tilespmem:$0x18400] =	vst v63  }
0xc0: {  	s25 =	simm.s32 $0xE400  }
0xc1: {  	[tilespmem:s25], [sflag:$0x1] =	stream.indirect_vreg.gather [hbm4b:s1+s3], $0x80, v3, vm0, $0xb8;
	[tilespmem:$0x18400] =	vst v63  }
0xc2: {  	s12 =	simm.s32 $0xEC00  }
0xc3: {  	[tilespmem:s12], [sflag:$0x1] =	stream.indirect_vreg.gather [hbm4b:s5+s3], $0x80, v3, vm0, $0xb8;
	[tilespmem:$0x18400] =	vst v63  }
0xc4: {  	s18 =	simm.s32 $0xF400  }
0xc5: {  	[tilespmem:s18], [sflag:$0x1] =	stream.indirect_vreg.gather [hbm4b:s6+s3], $0x80, v3, vm0, $0xb8;
	[tilespmem:$0x18400] =	vst v63  }
0xc6: {  	s21 =	simm.s32 $0xFC00  }
0xc7: {  	[tilespmem:s21], [sflag:$0x1] =	stream.indirect_vreg.gather [hbm4b:s7+s3], $0x80, v3, vm0, $0xb8;
	[tilespmem:$0x18400] =	vst v63  }
0xc8: {  	v3 =	vld [tilespmem:$0x40];
	_ =	sdelay $0x4  }
0xc9: {  	v60 =	vshll.u32 v3, $0x3  }
0xca: {  	v3 =	vand.u32 $0x7, v3;
	v4 =	vand.u32 $0xFFFFFFC0, v60  }
0xcb: {  	v3 =	vor.u32 v3, v4  }
0xcc: {  	v4 =	vperm.xlane v3, v0;
	_ =	sdelay $0x1  }
0xcd: {  	v4 =	vadd.s32 v1, v4;
	_ =	sdelay $0x4  }
0xce: {  	[tilespmem:s29], [sflag:$0x1] =	stream.indirect_vreg.gather [hbm4b:s1+s3], $0x80, v4, vm0, $0xb8;
	[tilespmem:$0x18400] =	vst v63  }
0xcf: {  	s22 =	simm.s32 $0x10C00;
	v3 =	vperm.xlane v3, v2  }
0xd0: {  	[tilespmem:s22], [sflag:$0x1] =	stream.indirect_vreg.gather [hbm4b:s5+s3], $0x80, v4, vm0, $0xb8;
	[tilespmem:$0x18400] =	vst v63  }
0xd1: {  	s23 =	simm.s32 $0x11400;
	v3 =	vadd.s32 v1, v3  }
0xd2: {  	[tilespmem:s23], [sflag:$0x1] =	stream.indirect_vreg.gather [hbm4b:s6+s3], $0x80, v4, vm0, $0xb8;
	[tilespmem:$0x18400] =	vst v63  }
0xd3: {  	s24 =	simm.s32 $0x11C00  }
0xd4: {  	[tilespmem:s24], [sflag:$0x1] =	stream.indirect_vreg.gather [hbm4b:s7+s3], $0x80, v4, vm0, $0xb8;
	[tilespmem:$0x18400] =	vst v63  }
0xd5: {  	s25 =	simm.s32 $0x12400  }
0xd6: {  	[tilespmem:s25], [sflag:$0x1] =	stream.indirect_vreg.gather [hbm4b:s1+s3], $0x80, v3, vm0, $0xb8;
	[tilespmem:$0x18400] =	vst v63  }
0xd7: {  	s12 =	simm.s32 $0x12C00  }
0xd8: {  	[tilespmem:s12], [sflag:$0x1] =	stream.indirect_vreg.gather [hbm4b:s5+s3], $0x80, v3, vm0, $0xb8;
	[tilespmem:$0x18400] =	vst v63  }
0xd9: {  	s21 =	simm.s32 $0x13400  }
0xda: {  	[tilespmem:s21], [sflag:$0x1] =	stream.indirect_vreg.gather [hbm4b:s6+s3], $0x80, v3, vm0, $0xb8;
	[tilespmem:$0x18400] =	vst v63  }
0xdb: {  	s23 =	simm.s32 $0x13C00  }
0xdc: {  	[tilespmem:s23], [sflag:$0x1] =	stream.indirect_vreg.gather [hbm4b:s7+s3], $0x80, v3, vm0, $0xb8;
	[tilespmem:$0x18400] =	vst v63  }
0xdd: {  	v3 =	vld [tilespmem:$0x50];
	_ =	sdelay $0x4  }
0xde: {  	v61 =	vshll.u32 v3, $0x3  }
0xdf: {  	v3 =	vand.u32 $0x7, v3;
	v4 =	vand.u32 $0xFFFFFFC0, v61  }
0xe0: {  	v3 =	vor.u32 v3, v4  }
0xe1: {  	v4 =	vperm.xlane v3, v0;
	_ =	sdelay $0x1  }
0xe2: {  	v4 =	vadd.s32 v1, v4;
	_ =	sdelay $0x3  }
0xe3: {  	s24 =	simm.s32 $0x14400  }
0xe4: {  	[tilespmem:s24], [sflag:$0x1] =	stream.indirect_vreg.gather [hbm4b:s1+s3], $0x80, v4, vm0, $0xb8;
	[tilespmem:$0x18400] =	vst v63  }
0xe5: {  	s25 =	simm.s32 $0x14C00;
	v3 =	vperm.xlane v3, v2  }
0xe6: {  	[tilespmem:s25], [sflag:$0x1] =	stream.indirect_vreg.gather [hbm4b:s5+s3], $0x80, v4, vm0, $0xb8;
	[tilespmem:$0x18400] =	vst v63  }
0xe7: {  	s12 =	simm.s32 $0x15400;
	v3 =	vadd.s32 v1, v3  }
0xe8: {  	[tilespmem:s12], [sflag:$0x1] =	stream.indirect_vreg.gather [hbm4b:s6+s3], $0x80, v4, vm0, $0xb8;
	[tilespmem:$0x18400] =	vst v63  }
0xe9: {  	s21 =	simm.s32 $0x15C00  }
0xea: {  	[tilespmem:s21], [sflag:$0x1] =	stream.indirect_vreg.gather [hbm4b:s7+s3], $0x80, v4, vm0, $0xb8;
	[tilespmem:$0x18400] =	vst v63  }
0xeb: {  	s12 =	simm.s32 $0x16400  }
0xec: {  	[tilespmem:s12], [sflag:$0x1] =	stream.indirect_vreg.gather [hbm4b:s1+s3], $0x80, v3, vm0, $0xb8;
	[tilespmem:$0x18400] =	vst v63  }
0xed: {  	s21 =	simm.s32 $0x16C00  }
0xee: {  	[tilespmem:s21], [sflag:$0x1] =	stream.indirect_vreg.gather [hbm4b:s5+s3], $0x80, v3, vm0, $0xb8;
	[tilespmem:$0x18400] =	vst v63  }
0xef: {  	s12 =	simm.s32 $0x17400  }
0xf0: {  	[tilespmem:s12], [sflag:$0x1] =	stream.indirect_vreg.gather [hbm4b:s6+s3], $0x80, v3, vm0, $0xb8;
	[tilespmem:$0x18400] =	vst v63  }
0xf1: {  	s21 =	simm.s32 $0x17C00  }
0xf2: {  	[tilespmem:s21], [sflag:$0x1] =	stream.indirect_vreg.gather [hbm4b:s7+s3], $0x80, v3, vm0, $0xb8;
	[tilespmem:$0x18400] =	vst v63  }
0xf3: {  	_ =	swait.ge [sflag:s19], $0x8000  }
0xf4: {  	s0 =	sld [smem:$0x7FC]  }
0xf5: {  	[sflag:s19] =	ssyncset.done $0x0  }
0xf6: {  	[sflag:s19] =	ssyncadd.s32 $0xFFFF8000  }
0xf7: {  	[hbm4b:s0+s3] =	stream.linear.scatter [tilespmem:s28], [sflag:$0x2], $0x8000, $0x38;
	[tilespmem:$0x18400] =	vst v63  }
0xf8: {  	_ =	swait.ge [sflag:s20], $0x8000  }
0xf9: {  	[sflag:s20] =	ssyncset.done $0x0  }
0xfa: {  	[sflag:s20] =	ssyncadd.s32 $0xFFFF8000  }
0xfb: {  	v3 =	vld [tilespmem:$0x60];
	_ =	sdelay $0x4  }
0xfc: {  	v62 =	vshll.u32 v3, $0x3  }
0xfd: {  	v3 =	vand.u32 $0x7, v3;
	v4 =	vand.u32 $0xFFFFFFC0, v62  }
0xfe: {  	v3 =	vor.u32 v3, v4  }
0xff: {  	v4 =	vperm.xlane v3, v0;
	_ =	sdelay $0x1  }
0x100: {  	v4 =	vadd.s32 v1, v4;
	_ =	sdelay $0x4  }
0x101: {  	[tilespmem:s28], [sflag:$0x1] =	stream.indirect_vreg.gather [hbm4b:s1+s3], $0x80, v4, vm0, $0xb8;
	[tilespmem:$0x18400] =	vst v63  }
0x102: {  	s12 =	simm.s32 $0xC00;
	v3 =	vperm.xlane v3, v2  }
0x103: {  	[tilespmem:s12], [sflag:$0x1] =	stream.indirect_vreg.gather [hbm4b:s5+s3], $0x80, v4, vm0, $0xb8;
	[tilespmem:$0x18400] =	vst v63  }
0x104: {  	s4 =	simm.s32 $0x1400;
	v3 =	vadd.s32 v1, v3  }
0x105: {  	[tilespmem:s4], [sflag:$0x1] =	stream.indirect_vreg.gather [hbm4b:s6+s3], $0x80, v4, vm0, $0xb8;
	[tilespmem:$0x18400] =	vst v63  }
0x106: {  	s8 =	simm.s32 $0x1C00  }
0x107: {  	[tilespmem:s8], [sflag:$0x1] =	stream.indirect_vreg.gather [hbm4b:s7+s3], $0x80, v4, vm0, $0xb8;
	[tilespmem:$0x18400] =	vst v63  }
0x108: {  	s10 =	simm.s32 $0x2400  }
0x109: {  	[tilespmem:s10], [sflag:$0x1] =	stream.indirect_vreg.gather [hbm4b:s1+s3], $0x80, v3, vm0, $0xb8;
	[tilespmem:$0x18400] =	vst v63  }
0x10a: {  	s11 =	simm.s32 $0x2C00  }
0x10b: {  	[tilespmem:s11], [sflag:$0x1] =	stream.indirect_vreg.gather [hbm4b:s5+s3], $0x80, v3, vm0, $0xb8;
	[tilespmem:$0x18400] =	vst v63  }
0x10c: {  	s30 =	simm.s32 $0x3400  }
0x10d: {  	[tilespmem:s30], [sflag:$0x1] =	stream.indirect_vreg.gather [hbm4b:s6+s3], $0x80, v3, vm0, $0xb8;
	[tilespmem:$0x18400] =	vst v63  }
0x10e: {  	s4 =	simm.s32 $0x3C00  }
0x10f: {  	[tilespmem:s4], [sflag:$0x1] =	stream.indirect_vreg.gather [hbm4b:s7+s3], $0x80, v3, vm0, $0xb8;
	[tilespmem:$0x18400] =	vst v63  }
0x110: {  	v3 =	vld [tilespmem:$0x70];
	_ =	sdelay $0x4  }
0x111: {  	v63 =	vshll.u32 v3, $0x3  }
0x112: {  	v3 =	vand.u32 $0x7, v3;
	v4 =	vand.u32 $0xFFFFFFC0, v63  }
0x113: {  	v3 =	vor.u32 v3, v4  }
0x114: {  	v4 =	vperm.xlane v3, v0;
	_ =	sdelay $0x1  }
0x115: {  	v4 =	vadd.s32 v1, v4;
	_ =	sdelay $0x3  }
0x116: {  	s10 =	simm.s32 $0x4400  }
0x117: {  	[tilespmem:s10], [sflag:$0x1] =	stream.indirect_vreg.gather [hbm4b:s1+s3], $0x80, v4, vm0, $0xb8;
	[tilespmem:$0x18400] =	vst v63  }
0x118: {  	s11 =	simm.s32 $0x4C00;
	v3 =	vperm.xlane v3, v2  }
0x119: {  	[tilespmem:s11], [sflag:$0x1] =	stream.indirect_vreg.gather [hbm4b:s5+s3], $0x80, v4, vm0, $0xb8;
	[tilespmem:$0x18400] =	vst v63  }
0x11a: {  	s31 =	simm.s32 $0x5400;
	v3 =	vadd.s32 v1, v3  }
0x11b: {  	[tilespmem:s31], [sflag:$0x1] =	stream.indirect_vreg.gather [hbm4b:s6+s3], $0x80, v4, vm0, $0xb8;
	[tilespmem:$0x18400] =	vst v63  }
0x11c: {  	s0 =	simm.s32 $0x5C00  }
0x11d: {  	[tilespmem:s0], [sflag:$0x1] =	stream.indirect_vreg.gather [hbm4b:s7+s3], $0x80, v4, vm0, $0xb8;
	[tilespmem:$0x18400] =	vst v63  }
0x11e: {  	s2 =	simm.s32 $0x6400  }
0x11f: {  	[tilespmem:s2], [sflag:$0x1] =	stream.indirect_vreg.gather [hbm4b:s1+s3], $0x80, v3, vm0, $0xb8;
	[tilespmem:$0x18400] =	vst v63  }
0x120: {  	s2 =	simm.s32 $0x6C00  }
0x121: {  	[tilespmem:s2], [sflag:$0x1] =	stream.indirect_vreg.gather [hbm4b:s5+s3], $0x80, v3, vm0, $0xb8;
	[tilespmem:$0x18400] =	vst v63  }
0x122: {  	s9 =	simm.s32 $0x7400  }
0x123: {  	[tilespmem:s9], [sflag:$0x1] =	stream.indirect_vreg.gather [hbm4b:s6+s3], $0x80, v3, vm0, $0xb8;
	[tilespmem:$0x18400] =	vst v63  }
0x124: {  	s8 =	simm.s32 $0x7C00  }
0x125: {  	[tilespmem:s8], [sflag:$0x1] =	stream.indirect_vreg.gather [hbm4b:s7+s3], $0x80, v3, vm0, $0xb8;
	[tilespmem:$0x18400] =	vst v63  }
0x126: {  	_ =	swait.ge [sflag:s19], $0x8000  }
0x127: {  	[sflag:s19] =	ssyncset.done $0x0  }
0x128: {  	s9 =	rddreg [dreg:$0x5];
	[sflag:s19] =	ssyncadd.s32 $0xFFFF8000  }
0x129: {  	[hbm4b:s9+s3] =	stream.linear.scatter [tilespmem:s26], [sflag:$0x2], $0x8000, $0x38;
	[tilespmem:$0x18400] =	vst v63  }
0x12a: {  	_ =	swait.ge [sflag:s20], $0x8000  }
0x12b: {  	[sflag:s20] =	ssyncset.done $0x0  }
0x12c: {  	[sflag:s20] =	ssyncadd.s32 $0xFFFF8000  }
0x12d: {  	v3 =	vld [tilespmem:$0x80];
	_ =	sdelay $0x4  }
0x12e: {  	v8 =	vshll.u32 v3, $0x3  }
0x12f: {  	v3 =	vand.u32 $0x7, v3;
	v4 =	vand.u32 $0xFFFFFFC0, v8  }
0x130: {  	v3 =	vor.u32 v3, v4  }
0x131: {  	v4 =	vperm.xlane v3, v0;
	_ =	sdelay $0x1  }
0x132: {  	v4 =	vadd.s32 v1, v4;
	_ =	sdelay $0x4  }
0x133: {  	[tilespmem:s26], [sflag:$0x1] =	stream.indirect_vreg.gather [hbm4b:s1+s3], $0x80, v4, vm0, $0xb8;
	[tilespmem:$0x18400] =	vst v63  }
0x134: {  	s13 =	simm.s32 $0x8C00;
	v3 =	vperm.xlane v3, v2  }
0x135: {  	[tilespmem:s13], [sflag:$0x1] =	stream.indirect_vreg.gather [hbm4b:s5+s3], $0x80, v4, vm0, $0xb8;
	[tilespmem:$0x18400] =	vst v63  }
0x136: {  	s9 =	simm.s32 $0x9400;
	v3 =	vadd.s32 v1, v3  }
0x137: {  	[tilespmem:s9], [sflag:$0x1] =	stream.indirect_vreg.gather [hbm4b:s6+s3], $0x80, v4, vm0, $0xb8;
	[tilespmem:$0x18400] =	vst v63  }
0x138: {  	s21 =	simm.s32 $0x9C00  }
0x139: {  	[tilespmem:s21], [sflag:$0x1] =	stream.indirect_vreg.gather [hbm4b:s7+s3], $0x80, v4, vm0, $0xb8;
	[tilespmem:$0x18400] =	vst v63  }
0x13a: {  	s31 =	simm.s32 $0xA400  }
0x13b: {  	[tilespmem:s31], [sflag:$0x1] =	stream.indirect_vreg.gather [hbm4b:s1+s3], $0x80, v3, vm0, $0xb8;
	[tilespmem:$0x18400] =	vst v63  }
0x13c: {  	s21 =	simm.s32 $0xAC00  }
0x13d: {  	[tilespmem:s21], [sflag:$0x1] =	stream.indirect_vreg.gather [hbm4b:s5+s3], $0x80, v3, vm0, $0xb8;
	[tilespmem:$0x18400] =	vst v63  }
0x13e: {  	s31 =	simm.s32 $0xB400  }
0x13f: {  	[tilespmem:s31], [sflag:$0x1] =	stream.indirect_vreg.gather [hbm4b:s6+s3], $0x80, v3, vm0, $0xb8;
	[tilespmem:$0x18400] =	vst v63  }
0x140: {  	s14 =	simm.s32 $0xBC00  }
0x141: {  	[tilespmem:s14], [sflag:$0x1] =	stream.indirect_vreg.gather [hbm4b:s7+s3], $0x80, v3, vm0, $0xb8;
	[tilespmem:$0x18400] =	vst v63  }
0x142: {  	v3 =	vld [tilespmem:$0x90];
	_ =	sdelay $0x4  }
0x143: {  	v9 =	vshll.u32 v3, $0x3  }
0x144: {  	v3 =	vand.u32 $0x7, v3;
	v4 =	vand.u32 $0xFFFFFFC0, v9  }
0x145: {  	v3 =	vor.u32 v3, v4  }
0x146: {  	v4 =	vperm.xlane v3, v0;
	_ =	sdelay $0x1  }
0x147: {  	v4 =	vadd.s32 v1, v4;
	_ =	sdelay $0x3  }
0x148: {  	s15 =	simm.s32 $0xC400  }
0x149: {  	[tilespmem:s15], [sflag:$0x1] =	stream.indirect_vreg.gather [hbm4b:s1+s3], $0x80, v4, vm0, $0xb8;
	[tilespmem:$0x18400] =	vst v63  }
0x14a: {  	s17 =	simm.s32 $0xCC00;
	v3 =	vperm.xlane v3, v2  }
0x14b: {  	[tilespmem:s17], [sflag:$0x1] =	stream.indirect_vreg.gather [hbm4b:s5+s3], $0x80, v4, vm0, $0xb8;
	[tilespmem:$0x18400] =	vst v63  }
0x14c: {  	s16 =	simm.s32 $0xD400;
	v3 =	vadd.s32 v1, v3  }
0x14d: {  	[tilespmem:s16], [sflag:$0x1] =	stream.indirect_vreg.gather [hbm4b:s6+s3], $0x80, v4, vm0, $0xb8;
	[tilespmem:$0x18400] =	vst v63  }
0x14e: {  	s14 =	simm.s32 $0xDC00  }
0x14f: {  	[tilespmem:s14], [sflag:$0x1] =	stream.indirect_vreg.gather [hbm4b:s7+s3], $0x80, v4, vm0, $0xb8;
	[tilespmem:$0x18400] =	vst v63  }
0x150: {  	s15 =	simm.s32 $0xE400  }
0x151: {  	[tilespmem:s15], [sflag:$0x1] =	stream.indirect_vreg.gather [hbm4b:s1+s3], $0x80, v3, vm0, $0xb8;
	[tilespmem:$0x18400] =	vst v63  }
0x152: {  	s16 =	simm.s32 $0xEC00  }
0x153: {  	[tilespmem:s16], [sflag:$0x1] =	stream.indirect_vreg.gather [hbm4b:s5+s3], $0x80, v3, vm0, $0xb8;
	[tilespmem:$0x18400] =	vst v63  }
0x154: {  	s17 =	simm.s32 $0xF400  }
0x155: {  	[tilespmem:s17], [sflag:$0x1] =	stream.indirect_vreg.gather [hbm4b:s6+s3], $0x80, v3, vm0, $0xb8;
	[tilespmem:$0x18400] =	vst v63  }
0x156: {  	s18 =	simm.s32 $0xFC00  }
0x157: {  	[tilespmem:s18], [sflag:$0x1] =	stream.indirect_vreg.gather [hbm4b:s7+s3], $0x80, v3, vm0, $0xb8;
	[tilespmem:$0x18400] =	vst v63  }
0x158: {  	_ =	swait.ge [sflag:s19], $0x8000  }
0x159: {  	[sflag:s19] =	ssyncset.done $0x0  }
0x15a: {  	s18 =	rddreg [dreg:$0x6];
	[sflag:s19] =	ssyncadd.s32 $0xFFFF8000  }
0x15b: {  	[hbm4b:s18+s3] =	stream.linear.scatter [tilespmem:s29], [sflag:$0x2], $0x8000, $0x38;
	[tilespmem:$0x18400] =	vst v63  }
0x15c: {  	_ =	swait.ge [sflag:s20], $0x8000  }
0x15d: {  	[sflag:s20] =	ssyncset.done $0x0  }
0x15e: {  	[sflag:s20] =	ssyncadd.s32 $0xFFFF8000  }
0x15f: {  	v3 =	vld [tilespmem:$0xA0];
	_ =	sdelay $0x4  }
0x160: {  	v10 =	vshll.u32 v3, $0x3  }
0x161: {  	v3 =	vand.u32 $0x7, v3;
	v4 =	vand.u32 $0xFFFFFFC0, v10  }
0x162: {  	v3 =	vor.u32 v3, v4  }
0x163: {  	v4 =	vperm.xlane v3, v0;
	_ =	sdelay $0x1  }
0x164: {  	v4 =	vadd.s32 v1, v4;
	_ =	sdelay $0x4  }
0x165: {  	[tilespmem:s29], [sflag:$0x1] =	stream.indirect_vreg.gather [hbm4b:s1+s3], $0x80, v4, vm0, $0xb8;
	[tilespmem:$0x18400] =	vst v63  }
0x166: {  	s22 =	simm.s32 $0x10C00;
	v3 =	vperm.xlane v3, v2  }
0x167: {  	[tilespmem:s22], [sflag:$0x1] =	stream.indirect_vreg.gather [hbm4b:s5+s3], $0x80, v4, vm0, $0xb8;
	[tilespmem:$0x18400] =	vst v63  }
0x168: {  	s13 =	simm.s32 $0x11400;
	v3 =	vadd.s32 v1, v3  }
0x169: {  	[tilespmem:s13], [sflag:$0x1] =	stream.indirect_vreg.gather [hbm4b:s6+s3], $0x80, v4, vm0, $0xb8;
	[tilespmem:$0x18400] =	vst v63  }
0x16a: {  	s14 =	simm.s32 $0x11C00  }
0x16b: {  	[tilespmem:s14], [sflag:$0x1] =	stream.indirect_vreg.gather [hbm4b:s7+s3], $0x80, v4, vm0, $0xb8;
	[tilespmem:$0x18400] =	vst v63  }
0x16c: {  	s15 =	simm.s32 $0x12400  }
0x16d: {  	[tilespmem:s15], [sflag:$0x1] =	stream.indirect_vreg.gather [hbm4b:s1+s3], $0x80, v3, vm0, $0xb8;
	[tilespmem:$0x18400] =	vst v63  }
0x16e: {  	s16 =	simm.s32 $0x12C00  }
0x16f: {  	[tilespmem:s16], [sflag:$0x1] =	stream.indirect_vreg.gather [hbm4b:s5+s3], $0x80, v3, vm0, $0xb8;
	[tilespmem:$0x18400] =	vst v63  }
0x170: {  	s17 =	simm.s32 $0x13400  }
0x171: {  	[tilespmem:s17], [sflag:$0x1] =	stream.indirect_vreg.gather [hbm4b:s6+s3], $0x80, v3, vm0, $0xb8;
	[tilespmem:$0x18400] =	vst v63  }
0x172: {  	s23 =	simm.s32 $0x13C00  }
0x173: {  	[tilespmem:s23], [sflag:$0x1] =	stream.indirect_vreg.gather [hbm4b:s7+s3], $0x80, v3, vm0, $0xb8;
	[tilespmem:$0x18400] =	vst v63  }
0x174: {  	v3 =	vld [tilespmem:$0xB0];
	_ =	sdelay $0x4  }
0x175: {  	v11 =	vshll.u32 v3, $0x3  }
0x176: {  	v3 =	vand.u32 $0x7, v3;
	v4 =	vand.u32 $0xFFFFFFC0, v11  }
0x177: {  	v3 =	vor.u32 v3, v4  }
0x178: {  	v4 =	vperm.xlane v3, v0;
	_ =	sdelay $0x1  }
0x179: {  	v4 =	vadd.s32 v1, v4;
	_ =	sdelay $0x3  }
0x17a: {  	s24 =	simm.s32 $0x14400  }
0x17b: {  	[tilespmem:s24], [sflag:$0x1] =	stream.indirect_vreg.gather [hbm4b:s1+s3], $0x80, v4, vm0, $0xb8;
	[tilespmem:$0x18400] =	vst v63  }
0x17c: {  	s25 =	simm.s32 $0x14C00;
	v3 =	vperm.xlane v3, v2  }
0x17d: {  	[tilespmem:s25], [sflag:$0x1] =	stream.indirect_vreg.gather [hbm4b:s5+s3], $0x80, v4, vm0, $0xb8;
	[tilespmem:$0x18400] =	vst v63  }
0x17e: {  	s18 =	simm.s32 $0x15400;
	v3 =	vadd.s32 v1, v3  }
0x17f: {  	[tilespmem:s18], [sflag:$0x1] =	stream.indirect_vreg.gather [hbm4b:s6+s3], $0x80, v4, vm0, $0xb8;
	[tilespmem:$0x18400] =	vst v63  }
0x180: {  	s22 =	simm.s32 $0x15C00  }
0x181: {  	[tilespmem:s22], [sflag:$0x1] =	stream.indirect_vreg.gather [hbm4b:s7+s3], $0x80, v4, vm0, $0xb8;
	[tilespmem:$0x18400] =	vst v63  }
0x182: {  	s23 =	simm.s32 $0x16400  }
0x183: {  	[tilespmem:s23], [sflag:$0x1] =	stream.indirect_vreg.gather [hbm4b:s1+s3], $0x80, v3, vm0, $0xb8;
	[tilespmem:$0x18400] =	vst v63  }
0x184: {  	s24 =	simm.s32 $0x16C00  }
0x185: {  	[tilespmem:s24], [sflag:$0x1] =	stream.indirect_vreg.gather [hbm4b:s5+s3], $0x80, v3, vm0, $0xb8;
	[tilespmem:$0x18400] =	vst v63  }
0x186: {  	s25 =	simm.s32 $0x17400  }
0x187: {  	[tilespmem:s25], [sflag:$0x1] =	stream.indirect_vreg.gather [hbm4b:s6+s3], $0x80, v3, vm0, $0xb8;
	[tilespmem:$0x18400] =	vst v63  }
0x188: {  	s21 =	simm.s32 $0x17C00  }
0x189: {  	[tilespmem:s21], [sflag:$0x1] =	stream.indirect_vreg.gather [hbm4b:s7+s3], $0x80, v3, vm0, $0xb8;
	[tilespmem:$0x18400] =	vst v63  }
0x18a: {  	_ =	swait.ge [sflag:s19], $0x8000  }
0x18b: {  	[sflag:s19] =	ssyncset.done $0x0  }
0x18c: {  	s21 =	rddreg [dreg:$0x7];
	[sflag:s19] =	ssyncadd.s32 $0xFFFF8000  }
0x18d: {  	[hbm4b:s21+s3] =	stream.linear.scatter [tilespmem:s28], [sflag:$0x2], $0x8000, $0x38;
	[tilespmem:$0x18400] =	vst v63  }
0x18e: {  	_ =	swait.ge [sflag:s20], $0x8000  }
0x18f: {  	[sflag:s20] =	ssyncset.done $0x0  }
0x190: {  	[sflag:s20] =	ssyncadd.s32 $0xFFFF8000  }
0x191: {  	v3 =	vld [tilespmem:$0xC0];
	_ =	sdelay $0x4  }
0x192: {  	v12 =	vshll.u32 v3, $0x3  }
0x193: {  	v3 =	vand.u32 $0x7, v3;
	v4 =	vand.u32 $0xFFFFFFC0, v12  }
0x194: {  	v3 =	vor.u32 v3, v4  }
0x195: {  	v4 =	vperm.xlane v3, v0;
	_ =	sdelay $0x1  }
0x196: {  	v4 =	vadd.s32 v1, v4;
	_ =	sdelay $0x4  }
0x197: {  	[tilespmem:s28], [sflag:$0x1] =	stream.indirect_vreg.gather [hbm4b:s1+s3], $0x80, v4, vm0, $0xb8;
	[tilespmem:$0x18400] =	vst v63  }
0x198: {  	v3 =	vperm.xlane v3, v2  }
0x199: {  	[tilespmem:s12], [sflag:$0x1] =	stream.indirect_vreg.gather [hbm4b:s5+s3], $0x80, v4, vm0, $0xb8;
	[tilespmem:$0x18400] =	vst v63  }
0x19a: {  	s21 =	simm.s32 $0x1400;
	v3 =	vadd.s32 v1, v3  }
0x19b: {  	[tilespmem:s21], [sflag:$0x1] =	stream.indirect_vreg.gather [hbm4b:s6+s3], $0x80, v4, vm0, $0xb8;
	[tilespmem:$0x18400] =	vst v63  }
0x19c: {  	s21 =	simm.s32 $0x1C00  }
0x19d: {  	[tilespmem:s21], [sflag:$0x1] =	stream.indirect_vreg.gather [hbm4b:s7+s3], $0x80, v4, vm0, $0xb8;
	[tilespmem:$0x18400] =	vst v63  }
0x19e: {  	s21 =	simm.s32 $0x2400  }
0x19f: {  	[tilespmem:s21], [sflag:$0x1] =	stream.indirect_vreg.gather [hbm4b:s1+s3], $0x80, v3, vm0, $0xb8;
	[tilespmem:$0x18400] =	vst v63  }
0x1a0: {  	s21 =	simm.s32 $0x2C00  }
0x1a1: {  	[tilespmem:s21], [sflag:$0x1] =	stream.indirect_vreg.gather [hbm4b:s5+s3], $0x80, v3, vm0, $0xb8;
	[tilespmem:$0x18400] =	vst v63  }
0x1a2: {  	s21 =	simm.s32 $0x3400  }
0x1a3: {  	[tilespmem:s21], [sflag:$0x1] =	stream.indirect_vreg.gather [hbm4b:s6+s3], $0x80, v3, vm0, $0xb8;
	[tilespmem:$0x18400] =	vst v63  }
0x1a4: {  	_ = 	snop  }
0x1a5: {  	[tilespmem:s4], [sflag:$0x1] =	stream.indirect_vreg.gather [hbm4b:s7+s3], $0x80, v3, vm0, $0xb8;
	[tilespmem:$0x18400] =	vst v63  }
0x1a6: {  	v3 =	vld [tilespmem:$0xD0];
	_ =	sdelay $0x4  }
0x1a7: {  	v13 =	vshll.u32 v3, $0x3  }
0x1a8: {  	v3 =	vand.u32 $0x7, v3;
	v4 =	vand.u32 $0xFFFFFFC0, v13  }
0x1a9: {  	v3 =	vor.u32 v3, v4  }
0x1aa: {  	v4 =	vperm.xlane v3, v0;
	_ =	sdelay $0x1  }
0x1ab: {  	v4 =	vadd.s32 v1, v4;
	_ =	sdelay $0x4  }
0x1ac: {  	[tilespmem:s10], [sflag:$0x1] =	stream.indirect_vreg.gather [hbm4b:s1+s3], $0x80, v4, vm0, $0xb8;
	[tilespmem:$0x18400] =	vst v63  }
0x1ad: {  	v3 =	vperm.xlane v3, v2  }
0x1ae: {  	[tilespmem:s11], [sflag:$0x1] =	stream.indirect_vreg.gather [hbm4b:s5+s3], $0x80, v4, vm0, $0xb8;
	[tilespmem:$0x18400] =	vst v63  }
0x1af: {  	s21 =	simm.s32 $0x5400;
	v3 =	vadd.s32 v1, v3  }
0x1b0: {  	[tilespmem:s21], [sflag:$0x1] =	stream.indirect_vreg.gather [hbm4b:s6+s3], $0x80, v4, vm0, $0xb8;
	[tilespmem:$0x18400] =	vst v63  }
0x1b1: {  	_ = 	snop  }
0x1b2: {  	[tilespmem:s0], [sflag:$0x1] =	stream.indirect_vreg.gather [hbm4b:s7+s3], $0x80, v4, vm0, $0xb8;
	[tilespmem:$0x18400] =	vst v63  }
0x1b3: {  	s21 =	simm.s32 $0x6400  }
0x1b4: {  	[tilespmem:s21], [sflag:$0x1] =	stream.indirect_vreg.gather [hbm4b:s1+s3], $0x80, v3, vm0, $0xb8;
	[tilespmem:$0x18400] =	vst v63  }
0x1b5: {  	_ = 	snop  }
0x1b6: {  	[tilespmem:s2], [sflag:$0x1] =	stream.indirect_vreg.gather [hbm4b:s5+s3], $0x80, v3, vm0, $0xb8;
	[tilespmem:$0x18400] =	vst v63  }
0x1b7: {  	s21 =	simm.s32 $0x7400  }
0x1b8: {  	[tilespmem:s21], [sflag:$0x1] =	stream.indirect_vreg.gather [hbm4b:s6+s3], $0x80, v3, vm0, $0xb8;
	[tilespmem:$0x18400] =	vst v63  }
0x1b9: {  	_ = 	snop  }
0x1ba: {  	[tilespmem:s8], [sflag:$0x1] =	stream.indirect_vreg.gather [hbm4b:s7+s3], $0x80, v3, vm0, $0xb8;
	[tilespmem:$0x18400] =	vst v63  }
0x1bb: {  	_ =	swait.ge [sflag:s19], $0x8000  }
0x1bc: {  	[sflag:s19] =	ssyncset.done $0x0  }
0x1bd: {  	s0 =	rddreg [dreg:$0x8];
	[sflag:s19] =	ssyncadd.s32 $0xFFFF8000  }
0x1be: {  	[hbm4b:s0+s3] =	stream.linear.scatter [tilespmem:s26], [sflag:$0x2], $0x8000, $0x38;
	[tilespmem:$0x18400] =	vst v63  }
0x1bf: {  	_ =	swait.ge [sflag:s20], $0x8000  }
0x1c0: {  	[sflag:s20] =	ssyncset.done $0x0  }
0x1c1: {  	[sflag:s20] =	ssyncadd.s32 $0xFFFF8000  }
0x1c2: {  	v3 =	vld [tilespmem:$0xE0];
	_ =	sdelay $0x4  }
0x1c3: {  	v14 =	vshll.u32 v3, $0x3  }
0x1c4: {  	v3 =	vand.u32 $0x7, v3;
	v4 =	vand.u32 $0xFFFFFFC0, v14  }
0x1c5: {  	v3 =	vor.u32 v3, v4  }
0x1c6: {  	v4 =	vperm.xlane v3, v0;
	_ =	sdelay $0x1  }
0x1c7: {  	v4 =	vadd.s32 v1, v4;
	_ =	sdelay $0x4  }
0x1c8: {  	[tilespmem:s26], [sflag:$0x1] =	stream.indirect_vreg.gather [hbm4b:s1+s3], $0x80, v4, vm0, $0xb8;
	[tilespmem:$0x18400] =	vst v63  }
0x1c9: {  	s30 =	simm.s32 $0x8C00;
	v3 =	vperm.xlane v3, v2  }
0x1ca: {  	[tilespmem:s30], [sflag:$0x1] =	stream.indirect_vreg.gather [hbm4b:s5+s3], $0x80, v4, vm0, $0xb8;
	[tilespmem:$0x18400] =	vst v63  }
0x1cb: {  	v3 =	vadd.s32 v1, v3  }
0x1cc: {  	[tilespmem:s9], [sflag:$0x1] =	stream.indirect_vreg.gather [hbm4b:s6+s3], $0x80, v4, vm0, $0xb8;
	[tilespmem:$0x18400] =	vst v63  }
0x1cd: {  	s21 =	simm.s32 $0x9C00  }
0x1ce: {  	[tilespmem:s21], [sflag:$0x1] =	stream.indirect_vreg.gather [hbm4b:s7+s3], $0x80, v4, vm0, $0xb8;
	[tilespmem:$0x18400] =	vst v63  }
0x1cf: {  	s30 =	simm.s32 $0xA400  }
0x1d0: {  	[tilespmem:s30], [sflag:$0x1] =	stream.indirect_vreg.gather [hbm4b:s1+s3], $0x80, v3, vm0, $0xb8;
	[tilespmem:$0x18400] =	vst v63  }
0x1d1: {  	s30 =	simm.s32 $0xAC00  }
0x1d2: {  	[tilespmem:s30], [sflag:$0x1] =	stream.indirect_vreg.gather [hbm4b:s5+s3], $0x80, v3, vm0, $0xb8;
	[tilespmem:$0x18400] =	vst v63  }
0x1d3: {  	s21 =	simm.s32 $0xB400  }
0x1d4: {  	[tilespmem:s21], [sflag:$0x1] =	stream.indirect_vreg.gather [hbm4b:s6+s3], $0x80, v3, vm0, $0xb8;
	[tilespmem:$0x18400] =	vst v63  }
0x1d5: {  	s31 =	simm.s32 $0xBC00  }
0x1d6: {  	[tilespmem:s31], [sflag:$0x1] =	stream.indirect_vreg.gather [hbm4b:s7+s3], $0x80, v3, vm0, $0xb8;
	[tilespmem:$0x18400] =	vst v63  }
0x1d7: {  	v3 =	vld [tilespmem:$0xF0];
	_ =	sdelay $0x4  }
0x1d8: {  	v15 =	vshll.u32 v3, $0x3  }
0x1d9: {  	v3 =	vand.u32 $0x7, v3;
	v4 =	vand.u32 $0xFFFFFFC0, v15  }
0x1da: {  	v3 =	vor.u32 v3, v4  }
0x1db: {  	v4 =	vperm.xlane v3, v0;
	_ =	sdelay $0x1  }
0x1dc: {  	v4 =	vadd.s32 v1, v4;
	_ =	sdelay $0x3  }
0x1dd: {  	s31 =	simm.s32 $0xC400  }
0x1de: {  	[tilespmem:s31], [sflag:$0x1] =	stream.indirect_vreg.gather [hbm4b:s1+s3], $0x80, v4, vm0, $0xb8;
	[tilespmem:$0x18400] =	vst v63  }
0x1df: {  	v3 =	vperm.xlane v3, v2;
	s31 =	simm.s32 $0xCC00  }
0x1e0: {  	[tilespmem:s31], [sflag:$0x1] =	stream.indirect_vreg.gather [hbm4b:s5+s3], $0x80, v4, vm0, $0xb8;
	[tilespmem:$0x18400] =	vst v63  }
0x1e1: {  	v3 =	vadd.s32 v1, v3;
	s31 =	simm.s32 $0xD400  }
0x1e2: {  	[tilespmem:s31], [sflag:$0x1] =	stream.indirect_vreg.gather [hbm4b:s6+s3], $0x80, v4, vm0, $0xb8;
	[tilespmem:$0x18400] =	vst v63  }
0x1e3: {  	s21 =	simm.s32 $0xDC00  }
0x1e4: {  	[tilespmem:s21], [sflag:$0x1] =	stream.indirect_vreg.gather [hbm4b:s7+s3], $0x80, v4, vm0, $0xb8;
	[tilespmem:$0x18400] =	vst v63  }
0x1e5: {  	s21 =	simm.s32 $0xE400  }
0x1e6: {  	[tilespmem:s21], [sflag:$0x1] =	stream.indirect_vreg.gather [hbm4b:s1+s3], $0x80, v3, vm0, $0xb8;
	[tilespmem:$0x18400] =	vst v63  }
0x1e7: {  	s21 =	simm.s32 $0xEC00  }
0x1e8: {  	[tilespmem:s21], [sflag:$0x1] =	stream.indirect_vreg.gather [hbm4b:s5+s3], $0x80, v3, vm0, $0xb8;
	[tilespmem:$0x18400] =	vst v63  }
0x1e9: {  	s21 =	simm.s32 $0xF400  }
0x1ea: {  	[tilespmem:s21], [sflag:$0x1] =	stream.indirect_vreg.gather [hbm4b:s6+s3], $0x80, v3, vm0, $0xb8;
	[tilespmem:$0x18400] =	vst v63  }
0x1eb: {  	s21 =	simm.s32 $0xFC00  }
0x1ec: {  	[tilespmem:s21], [sflag:$0x1] =	stream.indirect_vreg.gather [hbm4b:s7+s3], $0x80, v3, vm0, $0xb8;
	[tilespmem:$0x18400] =	vst v63  }
0x1ed: {  	_ =	swait.ge [sflag:s19], $0x8000  }
0x1ee: {  	[sflag:s19] =	ssyncset.done $0x0  }
0x1ef: {  	s21 =	rddreg [dreg:$0x9];
	[sflag:s19] =	ssyncadd.s32 $0xFFFF8000  }
0x1f0: {  	[hbm4b:s21+s3] =	stream.linear.scatter [tilespmem:s29], [sflag:$0x2], $0x8000, $0x38;
	[tilespmem:$0x18400] =	vst v63  }
0x1f1: {  	_ =	swait.ge [sflag:s20], $0x8000  }
0x1f2: {  	[sflag:s20] =	ssyncset.done $0x0  }
0x1f3: {  	[sflag:s20] =	ssyncadd.s32 $0xFFFF8000  }
0x1f4: {  	v3 =	vld [tilespmem:$0x100];
	_ =	sdelay $0x4  }
0x1f5: {  	v16 =	vshll.u32 v3, $0x3  }
0x1f6: {  	v3 =	vand.u32 $0x7, v3;
	v4 =	vand.u32 $0xFFFFFFC0, v16  }
0x1f7: {  	v3 =	vor.u32 v3, v4  }
0x1f8: {  	v4 =	vperm.xlane v3, v0;
	_ =	sdelay $0x1  }
0x1f9: {  	v4 =	vadd.s32 v1, v4;
	_ =	sdelay $0x4  }
0x1fa: {  	[tilespmem:s29], [sflag:$0x1] =	stream.indirect_vreg.gather [hbm4b:s1+s3], $0x80, v4, vm0, $0xb8;
	[tilespmem:$0x18400] =	vst v63  }
0x1fb: {  	s21 =	simm.s32 $0x10C00;
	v3 =	vperm.xlane v3, v2  }
0x1fc: {  	[tilespmem:s21], [sflag:$0x1] =	stream.indirect_vreg.gather [hbm4b:s5+s3], $0x80, v4, vm0, $0xb8;
	[tilespmem:$0x18400] =	vst v63  }
0x1fd: {  	v3 =	vadd.s32 v1, v3  }
0x1fe: {  	[tilespmem:s13], [sflag:$0x1] =	stream.indirect_vreg.gather [hbm4b:s6+s3], $0x80, v4, vm0, $0xb8;
	[tilespmem:$0x18400] =	vst v63  }
0x1ff: {  	_ = 	snop  }
0x200: {  	[tilespmem:s14], [sflag:$0x1] =	stream.indirect_vreg.gather [hbm4b:s7+s3], $0x80, v4, vm0, $0xb8;
	[tilespmem:$0x18400] =	vst v63  }
0x201: {  	_ = 	snop  }
0x202: {  	[tilespmem:s15], [sflag:$0x1] =	stream.indirect_vreg.gather [hbm4b:s1+s3], $0x80, v3, vm0, $0xb8;
	[tilespmem:$0x18400] =	vst v63  }
0x203: {  	_ = 	snop  }
0x204: {  	[tilespmem:s16], [sflag:$0x1] =	stream.indirect_vreg.gather [hbm4b:s5+s3], $0x80, v3, vm0, $0xb8;
	[tilespmem:$0x18400] =	vst v63  }
0x205: {  	_ = 	snop  }
0x206: {  	[tilespmem:s17], [sflag:$0x1] =	stream.indirect_vreg.gather [hbm4b:s6+s3], $0x80, v3, vm0, $0xb8;
	[tilespmem:$0x18400] =	vst v63  }
0x207: {  	s21 =	simm.s32 $0x13C00  }
0x208: {  	[tilespmem:s21], [sflag:$0x1] =	stream.indirect_vreg.gather [hbm4b:s7+s3], $0x80, v3, vm0, $0xb8;
	[tilespmem:$0x18400] =	vst v63  }
0x209: {  	v3 =	vld [tilespmem:$0x110];
	_ =	sdelay $0x4  }
0x20a: {  	v17 =	vshll.u32 v3, $0x3  }
0x20b: {  	v3 =	vand.u32 $0x7, v3;
	v4 =	vand.u32 $0xFFFFFFC0, v17  }
0x20c: {  	v3 =	vor.u32 v3, v4  }
0x20d: {  	v4 =	vperm.xlane v3, v0;
	_ =	sdelay $0x1  }
0x20e: {  	v4 =	vadd.s32 v1, v4;
	_ =	sdelay $0x3  }
0x20f: {  	s21 =	simm.s32 $0x14400  }
0x210: {  	[tilespmem:s21], [sflag:$0x1] =	stream.indirect_vreg.gather [hbm4b:s1+s3], $0x80, v4, vm0, $0xb8;
	[tilespmem:$0x18400] =	vst v63  }
0x211: {  	v3 =	vperm.xlane v3, v2;
	s21 =	simm.s32 $0x14C00  }
0x212: {  	[tilespmem:s21], [sflag:$0x1] =	stream.indirect_vreg.gather [hbm4b:s5+s3], $0x80, v4, vm0, $0xb8;
	[tilespmem:$0x18400] =	vst v63  }
0x213: {  	v3 =	vadd.s32 v1, v3  }
0x214: {  	[tilespmem:s18], [sflag:$0x1] =	stream.indirect_vreg.gather [hbm4b:s6+s3], $0x80, v4, vm0, $0xb8;
	[tilespmem:$0x18400] =	vst v63  }
0x215: {  	_ = 	snop  }
0x216: {  	[tilespmem:s22], [sflag:$0x1] =	stream.indirect_vreg.gather [hbm4b:s7+s3], $0x80, v4, vm0, $0xb8;
	[tilespmem:$0x18400] =	vst v63  }
0x217: {  	_ = 	snop  }
0x218: {  	[tilespmem:s23], [sflag:$0x1] =	stream.indirect_vreg.gather [hbm4b:s1+s3], $0x80, v3, vm0, $0xb8;
	[tilespmem:$0x18400] =	vst v63  }
0x219: {  	_ = 	snop  }
0x21a: {  	[tilespmem:s24], [sflag:$0x1] =	stream.indirect_vreg.gather [hbm4b:s5+s3], $0x80, v3, vm0, $0xb8;
	[tilespmem:$0x18400] =	vst v63  }
0x21b: {  	_ = 	snop  }
0x21c: {  	[tilespmem:s25], [sflag:$0x1] =	stream.indirect_vreg.gather [hbm4b:s6+s3], $0x80, v3, vm0, $0xb8;
	[tilespmem:$0x18400] =	vst v63  }
0x21d: {  	s21 =	simm.s32 $0x17C00  }
0x21e: {  	[tilespmem:s21], [sflag:$0x1] =	stream.indirect_vreg.gather [hbm4b:s7+s3], $0x80, v3, vm0, $0xb8;
	[tilespmem:$0x18400] =	vst v63  }
0x21f: {  	_ =	swait.ge [sflag:s19], $0x8000  }
0x220: {  	[sflag:s19] =	ssyncset.done $0x0  }
0x221: {  	s21 =	rddreg [dreg:$0xa];
	[sflag:s19] =	ssyncadd.s32 $0xFFFF8000  }
0x222: {  	[hbm4b:s21+s3] =	stream.linear.scatter [tilespmem:s28], [sflag:$0x2], $0x8000, $0x38;
	[tilespmem:$0x18400] =	vst v63  }
0x223: {  	_ =	swait.ge [sflag:s20], $0x8000  }
0x224: {  	[sflag:s20] =	ssyncset.done $0x0  }
0x225: {  	[sflag:s20] =	ssyncadd.s32 $0xFFFF8000  }
0x226: {  	v3 =	vld [tilespmem:$0x120];
	_ =	sdelay $0x4  }
0x227: {  	v18 =	vshll.u32 v3, $0x3  }
0x228: {  	v3 =	vand.u32 $0x7, v3;
	v4 =	vand.u32 $0xFFFFFFC0, v18  }
0x229: {  	v3 =	vor.u32 v3, v4  }
0x22a: {  	v4 =	vperm.xlane v3, v0;
	_ =	sdelay $0x1  }
0x22b: {  	v4 =	vadd.s32 v1, v4;
	_ =	sdelay $0x4  }
0x22c: {  	[tilespmem:s28], [sflag:$0x1] =	stream.indirect_vreg.gather [hbm4b:s1+s3], $0x80, v4, vm0, $0xb8;
	[tilespmem:$0x18400] =	vst v63  }
0x22d: {  	s21 =	simm.s32 $0xC00;
	v3 =	vperm.xlane v3, v2  }
0x22e: {  	[tilespmem:s21], [sflag:$0x1] =	stream.indirect_vreg.gather [hbm4b:s5+s3], $0x80, v4, vm0, $0xb8;
	[tilespmem:$0x18400] =	vst v63  }
0x22f: {  	v3 =	vadd.s32 v1, v3;
	s21 =	simm.s32 $0x1400  }
0x230: {  	[tilespmem:s21], [sflag:$0x1] =	stream.indirect_vreg.gather [hbm4b:s6+s3], $0x80, v4, vm0, $0xb8;
	[tilespmem:$0x18400] =	vst v63  }
0x231: {  	s21 =	simm.s32 $0x1C00  }
0x232: {  	[tilespmem:s21], [sflag:$0x1] =	stream.indirect_vreg.gather [hbm4b:s7+s3], $0x80, v4, vm0, $0xb8;
	[tilespmem:$0x18400] =	vst v63  }
0x233: {  	s21 =	simm.s32 $0x2400  }
0x234: {  	[tilespmem:s21], [sflag:$0x1] =	stream.indirect_vreg.gather [hbm4b:s1+s3], $0x80, v3, vm0, $0xb8;
	[tilespmem:$0x18400] =	vst v63  }
0x235: {  	s21 =	simm.s32 $0x2C00  }
0x236: {  	[tilespmem:s21], [sflag:$0x1] =	stream.indirect_vreg.gather [hbm4b:s5+s3], $0x80, v3, vm0, $0xb8;
	[tilespmem:$0x18400] =	vst v63  }
0x237: {  	s21 =	simm.s32 $0x3400  }
0x238: {  	[tilespmem:s21], [sflag:$0x1] =	stream.indirect_vreg.gather [hbm4b:s6+s3], $0x80, v3, vm0, $0xb8;
	[tilespmem:$0x18400] =	vst v63  }
0x239: {  	s12 =	simm.s32 $0x3C00  }
0x23a: {  	[tilespmem:s12], [sflag:$0x1] =	stream.indirect_vreg.gather [hbm4b:s7+s3], $0x80, v3, vm0, $0xb8;
	[tilespmem:$0x18400] =	vst v63  }
0x23b: {  	v3 =	vld [tilespmem:$0x130];
	_ =	sdelay $0x4  }
0x23c: {  	v19 =	vshll.u32 v3, $0x3  }
0x23d: {  	v3 =	vand.u32 $0x7, v3;
	v4 =	vand.u32 $0xFFFFFFC0, v19  }
0x23e: {  	v3 =	vor.u32 v3, v4  }
0x23f: {  	v4 =	vperm.xlane v3, v0;
	_ =	sdelay $0x1  }
0x240: {  	v4 =	vadd.s32 v1, v4;
	_ =	sdelay $0x3  }
0x241: {  	s10 =	simm.s32 $0x4400  }
0x242: {  	[tilespmem:s10], [sflag:$0x1] =	stream.indirect_vreg.gather [hbm4b:s1+s3], $0x80, v4, vm0, $0xb8;
	[tilespmem:$0x18400] =	vst v63  }
0x243: {  	s11 =	simm.s32 $0x4C00;
	v3 =	vperm.xlane v3, v2  }
0x244: {  	[tilespmem:s11], [sflag:$0x1] =	stream.indirect_vreg.gather [hbm4b:s5+s3], $0x80, v4, vm0, $0xb8;
	[tilespmem:$0x18400] =	vst v63  }
0x245: {  	s21 =	simm.s32 $0x5400;
	v3 =	vadd.s32 v1, v3  }
0x246: {  	[tilespmem:s21], [sflag:$0x1] =	stream.indirect_vreg.gather [hbm4b:s6+s3], $0x80, v4, vm0, $0xb8;
	[tilespmem:$0x18400] =	vst v63  }
0x247: {  	s4 =	simm.s32 $0x5C00  }
0x248: {  	[tilespmem:s4], [sflag:$0x1] =	stream.indirect_vreg.gather [hbm4b:s7+s3], $0x80, v4, vm0, $0xb8;
	[tilespmem:$0x18400] =	vst v63  }
0x249: {  	s21 =	simm.s32 $0x6400  }
0x24a: {  	[tilespmem:s21], [sflag:$0x1] =	stream.indirect_vreg.gather [hbm4b:s1+s3], $0x80, v3, vm0, $0xb8;
	[tilespmem:$0x18400] =	vst v63  }
0x24b: {  	s2 =	simm.s32 $0x6C00  }
0x24c: {  	[tilespmem:s2], [sflag:$0x1] =	stream.indirect_vreg.gather [hbm4b:s5+s3], $0x80, v3, vm0, $0xb8;
	[tilespmem:$0x18400] =	vst v63  }
0x24d: {  	s21 =	simm.s32 $0x7400  }
0x24e: {  	[tilespmem:s21], [sflag:$0x1] =	stream.indirect_vreg.gather [hbm4b:s6+s3], $0x80, v3, vm0, $0xb8;
	[tilespmem:$0x18400] =	vst v63  }
0x24f: {  	s8 =	simm.s32 $0x7C00  }
0x250: {  	[tilespmem:s8], [sflag:$0x1] =	stream.indirect_vreg.gather [hbm4b:s7+s3], $0x80, v3, vm0, $0xb8;
	[tilespmem:$0x18400] =	vst v63  }
0x251: {  	_ =	swait.ge [sflag:s19], $0x8000  }
0x252: {  	[sflag:s19] =	ssyncset.done $0x0  }
0x253: {  	s21 =	rddreg [dreg:$0xb];
	[sflag:s19] =	ssyncadd.s32 $0xFFFF8000  }
0x254: {  	[hbm4b:s21+s3] =	stream.linear.scatter [tilespmem:s26], [sflag:$0x2], $0x8000, $0x38;
	[tilespmem:$0x18400] =	vst v63  }
0x255: {  	_ =	swait.ge [sflag:s20], $0x8000  }
0x256: {  	[sflag:s20] =	ssyncset.done $0x0  }
0x257: {  	[sflag:s20] =	ssyncadd.s32 $0xFFFF8000  }
0x258: {  	v3 =	vld [tilespmem:$0x140];
	_ =	sdelay $0x4  }
0x259: {  	v20 =	vshll.u32 v3, $0x3  }
0x25a: {  	v3 =	vand.u32 $0x7, v3;
	v4 =	vand.u32 $0xFFFFFFC0, v20  }
0x25b: {  	v3 =	vor.u32 v3, v4  }
0x25c: {  	v4 =	vperm.xlane v3, v0;
	_ =	sdelay $0x1  }
0x25d: {  	v4 =	vadd.s32 v1, v4;
	_ =	sdelay $0x4  }
0x25e: {  	[tilespmem:s26], [sflag:$0x1] =	stream.indirect_vreg.gather [hbm4b:s1+s3], $0x80, v4, vm0, $0xb8;
	[tilespmem:$0x18400] =	vst v63  }
0x25f: {  	s21 =	simm.s32 $0x8C00;
	v3 =	vperm.xlane v3, v2  }
0x260: {  	[tilespmem:s21], [sflag:$0x1] =	stream.indirect_vreg.gather [hbm4b:s5+s3], $0x80, v4, vm0, $0xb8;
	[tilespmem:$0x18400] =	vst v63  }
0x261: {  	s0 =	simm.s32 $0x9400;
	v3 =	vadd.s32 v1, v3  }
0x262: {  	[tilespmem:s0], [sflag:$0x1] =	stream.indirect_vreg.gather [hbm4b:s6+s3], $0x80, v4, vm0, $0xb8;
	[tilespmem:$0x18400] =	vst v63  }
0x263: {  	s9 =	simm.s32 $0x9C00  }
0x264: {  	[tilespmem:s9], [sflag:$0x1] =	stream.indirect_vreg.gather [hbm4b:s7+s3], $0x80, v4, vm0, $0xb8;
	[tilespmem:$0x18400] =	vst v63  }
0x265: {  	s21 =	simm.s32 $0xA400  }
0x266: {  	[tilespmem:s21], [sflag:$0x1] =	stream.indirect_vreg.gather [hbm4b:s1+s3], $0x80, v3, vm0, $0xb8;
	[tilespmem:$0x18400] =	vst v63  }
0x267: {  	s30 =	simm.s32 $0xAC00  }
0x268: {  	[tilespmem:s30], [sflag:$0x1] =	stream.indirect_vreg.gather [hbm4b:s5+s3], $0x80, v3, vm0, $0xb8;
	[tilespmem:$0x18400] =	vst v63  }
0x269: {  	s21 =	simm.s32 $0xB400  }
0x26a: {  	[tilespmem:s21], [sflag:$0x1] =	stream.indirect_vreg.gather [hbm4b:s6+s3], $0x80, v3, vm0, $0xb8;
	[tilespmem:$0x18400] =	vst v63  }
0x26b: {  	s21 =	simm.s32 $0xBC00  }
0x26c: {  	[tilespmem:s21], [sflag:$0x1] =	stream.indirect_vreg.gather [hbm4b:s7+s3], $0x80, v3, vm0, $0xb8;
	[tilespmem:$0x18400] =	vst v63  }
0x26d: {  	v3 =	vld [tilespmem:$0x150];
	_ =	sdelay $0x4  }
0x26e: {  	v21 =	vshll.u32 v3, $0x3  }
0x26f: {  	v3 =	vand.u32 $0x7, v3;
	v4 =	vand.u32 $0xFFFFFFC0, v21  }
0x270: {  	v3 =	vor.u32 v3, v4  }
0x271: {  	v4 =	vperm.xlane v3, v0;
	_ =	sdelay $0x1  }
0x272: {  	v4 =	vadd.s32 v1, v4;
	_ =	sdelay $0x3  }
0x273: {  	s21 =	simm.s32 $0xC400  }
0x274: {  	[tilespmem:s21], [sflag:$0x1] =	stream.indirect_vreg.gather [hbm4b:s1+s3], $0x80, v4, vm0, $0xb8;
	[tilespmem:$0x18400] =	vst v63  }
0x275: {  	v3 =	vperm.xlane v3, v2;
	s21 =	simm.s32 $0xCC00  }
0x276: {  	[tilespmem:s21], [sflag:$0x1] =	stream.indirect_vreg.gather [hbm4b:s5+s3], $0x80, v4, vm0, $0xb8;
	[tilespmem:$0x18400] =	vst v63  }
0x277: {  	s31 =	simm.s32 $0xD400;
	v3 =	vadd.s32 v1, v3  }
0x278: {  	[tilespmem:s31], [sflag:$0x1] =	stream.indirect_vreg.gather [hbm4b:s6+s3], $0x80, v4, vm0, $0xb8;
	[tilespmem:$0x18400] =	vst v63  }
0x279: {  	s21 =	simm.s32 $0xDC00  }
0x27a: {  	[tilespmem:s21], [sflag:$0x1] =	stream.indirect_vreg.gather [hbm4b:s7+s3], $0x80, v4, vm0, $0xb8;
	[tilespmem:$0x18400] =	vst v63  }
0x27b: {  	s21 =	simm.s32 $0xE400  }
0x27c: {  	[tilespmem:s21], [sflag:$0x1] =	stream.indirect_vreg.gather [hbm4b:s1+s3], $0x80, v3, vm0, $0xb8;
	[tilespmem:$0x18400] =	vst v63  }
0x27d: {  	s21 =	simm.s32 $0xEC00  }
0x27e: {  	[tilespmem:s21], [sflag:$0x1] =	stream.indirect_vreg.gather [hbm4b:s5+s3], $0x80, v3, vm0, $0xb8;
	[tilespmem:$0x18400] =	vst v63  }
0x27f: {  	s21 =	simm.s32 $0xF400  }
0x280: {  	[tilespmem:s21], [sflag:$0x1] =	stream.indirect_vreg.gather [hbm4b:s6+s3], $0x80, v3, vm0, $0xb8;
	[tilespmem:$0x18400] =	vst v63  }
0x281: {  	s21 =	simm.s32 $0xFC00  }
0x282: {  	[tilespmem:s21], [sflag:$0x1] =	stream.indirect_vreg.gather [hbm4b:s7+s3], $0x80, v3, vm0, $0xb8;
	[tilespmem:$0x18400] =	vst v63  }
0x283: {  	_ =	swait.ge [sflag:s19], $0x8000  }
0x284: {  	[sflag:s19] =	ssyncset.done $0x0  }
0x285: {  	s21 =	rddreg [dreg:$0xc];
	[sflag:s19] =	ssyncadd.s32 $0xFFFF8000  }
0x286: {  	[hbm4b:s21+s3] =	stream.linear.scatter [tilespmem:s29], [sflag:$0x2], $0x8000, $0x38;
	[tilespmem:$0x18400] =	vst v63  }
0x287: {  	_ =	swait.ge [sflag:s20], $0x8000  }
0x288: {  	[sflag:s20] =	ssyncset.done $0x0  }
0x289: {  	[sflag:s20] =	ssyncadd.s32 $0xFFFF8000  }
0x28a: {  	v3 =	vld [tilespmem:$0x160];
	_ =	sdelay $0x4  }
0x28b: {  	v22 =	vshll.u32 v3, $0x3  }
0x28c: {  	v3 =	vand.u32 $0x7, v3;
	v4 =	vand.u32 $0xFFFFFFC0, v22  }
0x28d: {  	v3 =	vor.u32 v3, v4  }
0x28e: {  	v4 =	vperm.xlane v3, v0;
	_ =	sdelay $0x1  }
0x28f: {  	v4 =	vadd.s32 v1, v4;
	_ =	sdelay $0x4  }
0x290: {  	[tilespmem:s29], [sflag:$0x1] =	stream.indirect_vreg.gather [hbm4b:s1+s3], $0x80, v4, vm0, $0xb8;
	[tilespmem:$0x18400] =	vst v63  }
0x291: {  	s21 =	simm.s32 $0x10C00;
	v3 =	vperm.xlane v3, v2  }
0x292: {  	[tilespmem:s21], [sflag:$0x1] =	stream.indirect_vreg.gather [hbm4b:s5+s3], $0x80, v4, vm0, $0xb8;
	[tilespmem:$0x18400] =	vst v63  }
0x293: {  	s13 =	simm.s32 $0x11400;
	v3 =	vadd.s32 v1, v3  }
0x294: {  	[tilespmem:s13], [sflag:$0x1] =	stream.indirect_vreg.gather [hbm4b:s6+s3], $0x80, v4, vm0, $0xb8;
	[tilespmem:$0x18400] =	vst v63  }
0x295: {  	s14 =	simm.s32 $0x11C00  }
0x296: {  	[tilespmem:s14], [sflag:$0x1] =	stream.indirect_vreg.gather [hbm4b:s7+s3], $0x80, v4, vm0, $0xb8;
	[tilespmem:$0x18400] =	vst v63  }
0x297: {  	s15 =	simm.s32 $0x12400  }
0x298: {  	[tilespmem:s15], [sflag:$0x1] =	stream.indirect_vreg.gather [hbm4b:s1+s3], $0x80, v3, vm0, $0xb8;
	[tilespmem:$0x18400] =	vst v63  }
0x299: {  	s16 =	simm.s32 $0x12C00  }
0x29a: {  	[tilespmem:s16], [sflag:$0x1] =	stream.indirect_vreg.gather [hbm4b:s5+s3], $0x80, v3, vm0, $0xb8;
	[tilespmem:$0x18400] =	vst v63  }
0x29b: {  	s17 =	simm.s32 $0x13400  }
0x29c: {  	[tilespmem:s17], [sflag:$0x1] =	stream.indirect_vreg.gather [hbm4b:s6+s3], $0x80, v3, vm0, $0xb8;
	[tilespmem:$0x18400] =	vst v63  }
0x29d: {  	s21 =	simm.s32 $0x13C00  }
0x29e: {  	[tilespmem:s21], [sflag:$0x1] =	stream.indirect_vreg.gather [hbm4b:s7+s3], $0x80, v3, vm0, $0xb8;
	[tilespmem:$0x18400] =	vst v63  }
0x29f: {  	v3 =	vld [tilespmem:$0x170];
	_ =	sdelay $0x4  }
0x2a0: {  	v23 =	vshll.u32 v3, $0x3  }
0x2a1: {  	v3 =	vand.u32 $0x7, v3;
	v4 =	vand.u32 $0xFFFFFFC0, v23  }
0x2a2: {  	v3 =	vor.u32 v3, v4  }
0x2a3: {  	v4 =	vperm.xlane v3, v0;
	_ =	sdelay $0x1  }
0x2a4: {  	v4 =	vadd.s32 v1, v4;
	_ =	sdelay $0x3  }
0x2a5: {  	s21 =	simm.s32 $0x14400  }
0x2a6: {  	[tilespmem:s21], [sflag:$0x1] =	stream.indirect_vreg.gather [hbm4b:s1+s3], $0x80, v4, vm0, $0xb8;
	[tilespmem:$0x18400] =	vst v63  }
0x2a7: {  	v3 =	vperm.xlane v3, v2;
	s21 =	simm.s32 $0x14C00  }
0x2a8: {  	[tilespmem:s21], [sflag:$0x1] =	stream.indirect_vreg.gather [hbm4b:s5+s3], $0x80, v4, vm0, $0xb8;
	[tilespmem:$0x18400] =	vst v63  }
0x2a9: {  	s18 =	simm.s32 $0x15400;
	v3 =	vadd.s32 v1, v3  }
0x2aa: {  	[tilespmem:s18], [sflag:$0x1] =	stream.indirect_vreg.gather [hbm4b:s6+s3], $0x80, v4, vm0, $0xb8;
	[tilespmem:$0x18400] =	vst v63  }
0x2ab: {  	s22 =	simm.s32 $0x15C00  }
0x2ac: {  	[tilespmem:s22], [sflag:$0x1] =	stream.indirect_vreg.gather [hbm4b:s7+s3], $0x80, v4, vm0, $0xb8;
	[tilespmem:$0x18400] =	vst v63  }
0x2ad: {  	s23 =	simm.s32 $0x16400  }
0x2ae: {  	[tilespmem:s23], [sflag:$0x1] =	stream.indirect_vreg.gather [hbm4b:s1+s3], $0x80, v3, vm0, $0xb8;
	[tilespmem:$0x18400] =	vst v63  }
0x2af: {  	s24 =	simm.s32 $0x16C00  }
0x2b0: {  	[tilespmem:s24], [sflag:$0x1] =	stream.indirect_vreg.gather [hbm4b:s5+s3], $0x80, v3, vm0, $0xb8;
	[tilespmem:$0x18400] =	vst v63  }
0x2b1: {  	s25 =	simm.s32 $0x17400  }
0x2b2: {  	[tilespmem:s25], [sflag:$0x1] =	stream.indirect_vreg.gather [hbm4b:s6+s3], $0x80, v3, vm0, $0xb8;
	[tilespmem:$0x18400] =	vst v63  }
0x2b3: {  	s21 =	simm.s32 $0x17C00  }
0x2b4: {  	[tilespmem:s21], [sflag:$0x1] =	stream.indirect_vreg.gather [hbm4b:s7+s3], $0x80, v3, vm0, $0xb8;
	[tilespmem:$0x18400] =	vst v63  }
0x2b5: {  	_ =	swait.ge [sflag:s19], $0x8000  }
0x2b6: {  	[sflag:s19] =	ssyncset.done $0x0  }
0x2b7: {  	s21 =	rddreg [dreg:$0xd];
	[sflag:s19] =	ssyncadd.s32 $0xFFFF8000  }
0x2b8: {  	[hbm4b:s21+s3] =	stream.linear.scatter [tilespmem:s28], [sflag:$0x2], $0x8000, $0x38;
	[tilespmem:$0x18400] =	vst v63  }
0x2b9: {  	_ =	swait.ge [sflag:s20], $0x8000  }
0x2ba: {  	[sflag:s20] =	ssyncset.done $0x0  }
0x2bb: {  	[sflag:s20] =	ssyncadd.s32 $0xFFFF8000  }
0x2bc: {  	v3 =	vld [tilespmem:$0x180];
	_ =	sdelay $0x4  }
0x2bd: {  	v24 =	vshll.u32 v3, $0x3  }
0x2be: {  	v3 =	vand.u32 $0x7, v3;
	v4 =	vand.u32 $0xFFFFFFC0, v24  }
0x2bf: {  	v3 =	vor.u32 v3, v4  }
0x2c0: {  	v4 =	vperm.xlane v3, v0;
	_ =	sdelay $0x1  }
0x2c1: {  	v4 =	vadd.s32 v1, v4;
	_ =	sdelay $0x4  }
0x2c2: {  	[tilespmem:s28], [sflag:$0x1] =	stream.indirect_vreg.gather [hbm4b:s1+s3], $0x80, v4, vm0, $0xb8;
	[tilespmem:$0x18400] =	vst v63  }
0x2c3: {  	s21 =	simm.s32 $0xC00;
	v3 =	vperm.xlane v3, v2  }
0x2c4: {  	[tilespmem:s21], [sflag:$0x1] =	stream.indirect_vreg.gather [hbm4b:s5+s3], $0x80, v4, vm0, $0xb8;
	[tilespmem:$0x18400] =	vst v63  }
0x2c5: {  	v3 =	vadd.s32 v1, v3;
	s21 =	simm.s32 $0x1400  }
0x2c6: {  	[tilespmem:s21], [sflag:$0x1] =	stream.indirect_vreg.gather [hbm4b:s6+s3], $0x80, v4, vm0, $0xb8;
	[tilespmem:$0x18400] =	vst v63  }
0x2c7: {  	s21 =	simm.s32 $0x1C00  }
0x2c8: {  	[tilespmem:s21], [sflag:$0x1] =	stream.indirect_vreg.gather [hbm4b:s7+s3], $0x80, v4, vm0, $0xb8;
	[tilespmem:$0x18400] =	vst v63  }
0x2c9: {  	s21 =	simm.s32 $0x2400  }
0x2ca: {  	[tilespmem:s21], [sflag:$0x1] =	stream.indirect_vreg.gather [hbm4b:s1+s3], $0x80, v3, vm0, $0xb8;
	[tilespmem:$0x18400] =	vst v63  }
0x2cb: {  	s21 =	simm.s32 $0x2C00  }
0x2cc: {  	[tilespmem:s21], [sflag:$0x1] =	stream.indirect_vreg.gather [hbm4b:s5+s3], $0x80, v3, vm0, $0xb8;
	[tilespmem:$0x18400] =	vst v63  }
0x2cd: {  	s21 =	simm.s32 $0x3400  }
0x2ce: {  	[tilespmem:s21], [sflag:$0x1] =	stream.indirect_vreg.gather [hbm4b:s6+s3], $0x80, v3, vm0, $0xb8;
	[tilespmem:$0x18400] =	vst v63  }
0x2cf: {  	s12 =	simm.s32 $0x3C00  }
0x2d0: {  	[tilespmem:s12], [sflag:$0x1] =	stream.indirect_vreg.gather [hbm4b:s7+s3], $0x80, v3, vm0, $0xb8;
	[tilespmem:$0x18400] =	vst v63  }
0x2d1: {  	v3 =	vld [tilespmem:$0x190];
	_ =	sdelay $0x4  }
0x2d2: {  	v25 =	vshll.u32 v3, $0x3  }
0x2d3: {  	v3 =	vand.u32 $0x7, v3;
	v4 =	vand.u32 $0xFFFFFFC0, v25  }
0x2d4: {  	v3 =	vor.u32 v3, v4  }
0x2d5: {  	v4 =	vperm.xlane v3, v0;
	_ =	sdelay $0x1  }
0x2d6: {  	v4 =	vadd.s32 v1, v4;
	_ =	sdelay $0x3  }
0x2d7: {  	s10 =	simm.s32 $0x4400  }
0x2d8: {  	[tilespmem:s10], [sflag:$0x1] =	stream.indirect_vreg.gather [hbm4b:s1+s3], $0x80, v4, vm0, $0xb8;
	[tilespmem:$0x18400] =	vst v63  }
0x2d9: {  	s11 =	simm.s32 $0x4C00;
	v3 =	vperm.xlane v3, v2  }
0x2da: {  	[tilespmem:s11], [sflag:$0x1] =	stream.indirect_vreg.gather [hbm4b:s5+s3], $0x80, v4, vm0, $0xb8;
	[tilespmem:$0x18400] =	vst v63  }
0x2db: {  	s21 =	simm.s32 $0x5400;
	v3 =	vadd.s32 v1, v3  }
0x2dc: {  	[tilespmem:s21], [sflag:$0x1] =	stream.indirect_vreg.gather [hbm4b:s6+s3], $0x80, v4, vm0, $0xb8;
	[tilespmem:$0x18400] =	vst v63  }
0x2dd: {  	s4 =	simm.s32 $0x5C00  }
0x2de: {  	[tilespmem:s4], [sflag:$0x1] =	stream.indirect_vreg.gather [hbm4b:s7+s3], $0x80, v4, vm0, $0xb8;
	[tilespmem:$0x18400] =	vst v63  }
0x2df: {  	s21 =	simm.s32 $0x6400  }
0x2e0: {  	[tilespmem:s21], [sflag:$0x1] =	stream.indirect_vreg.gather [hbm4b:s1+s3], $0x80, v3, vm0, $0xb8;
	[tilespmem:$0x18400] =	vst v63  }
0x2e1: {  	s2 =	simm.s32 $0x6C00  }
0x2e2: {  	[tilespmem:s2], [sflag:$0x1] =	stream.indirect_vreg.gather [hbm4b:s5+s3], $0x80, v3, vm0, $0xb8;
	[tilespmem:$0x18400] =	vst v63  }
0x2e3: {  	s21 =	simm.s32 $0x7400  }
0x2e4: {  	[tilespmem:s21], [sflag:$0x1] =	stream.indirect_vreg.gather [hbm4b:s6+s3], $0x80, v3, vm0, $0xb8;
	[tilespmem:$0x18400] =	vst v63  }
0x2e5: {  	s8 =	simm.s32 $0x7C00  }
0x2e6: {  	[tilespmem:s8], [sflag:$0x1] =	stream.indirect_vreg.gather [hbm4b:s7+s3], $0x80, v3, vm0, $0xb8;
	[tilespmem:$0x18400] =	vst v63  }
0x2e7: {  	_ =	swait.ge [sflag:s19], $0x8000  }
0x2e8: {  	[sflag:s19] =	ssyncset.done $0x0  }
0x2e9: {  	s21 =	rddreg [dreg:$0xe];
	[sflag:s19] =	ssyncadd.s32 $0xFFFF8000  }
0x2ea: {  	[hbm4b:s21+s3] =	stream.linear.scatter [tilespmem:s26], [sflag:$0x2], $0x8000, $0x38;
	[tilespmem:$0x18400] =	vst v63  }
0x2eb: {  	_ =	swait.ge [sflag:s20], $0x8000  }
0x2ec: {  	[sflag:s20] =	ssyncset.done $0x0  }
0x2ed: {  	[sflag:s20] =	ssyncadd.s32 $0xFFFF8000  }
0x2ee: {  	v3 =	vld [tilespmem:$0x1A0];
	_ =	sdelay $0x4  }
0x2ef: {  	v26 =	vshll.u32 v3, $0x3  }
0x2f0: {  	v3 =	vand.u32 $0x7, v3;
	v4 =	vand.u32 $0xFFFFFFC0, v26  }
0x2f1: {  	v3 =	vor.u32 v3, v4  }
0x2f2: {  	v4 =	vperm.xlane v3, v0;
	_ =	sdelay $0x1  }
0x2f3: {  	v4 =	vadd.s32 v1, v4;
	_ =	sdelay $0x4  }
0x2f4: {  	[tilespmem:s26], [sflag:$0x1] =	stream.indirect_vreg.gather [hbm4b:s1+s3], $0x80, v4, vm0, $0xb8;
	[tilespmem:$0x18400] =	vst v63  }
0x2f5: {  	s21 =	simm.s32 $0x8C00;
	v3 =	vperm.xlane v3, v2  }
0x2f6: {  	[tilespmem:s21], [sflag:$0x1] =	stream.indirect_vreg.gather [hbm4b:s5+s3], $0x80, v4, vm0, $0xb8;
	[tilespmem:$0x18400] =	vst v63  }
0x2f7: {  	s0 =	simm.s32 $0x9400;
	v3 =	vadd.s32 v1, v3  }
0x2f8: {  	[tilespmem:s0], [sflag:$0x1] =	stream.indirect_vreg.gather [hbm4b:s6+s3], $0x80, v4, vm0, $0xb8;
	[tilespmem:$0x18400] =	vst v63  }
0x2f9: {  	s9 =	simm.s32 $0x9C00  }
0x2fa: {  	[tilespmem:s9], [sflag:$0x1] =	stream.indirect_vreg.gather [hbm4b:s7+s3], $0x80, v4, vm0, $0xb8;
	[tilespmem:$0x18400] =	vst v63  }
0x2fb: {  	s21 =	simm.s32 $0xA400  }
0x2fc: {  	[tilespmem:s21], [sflag:$0x1] =	stream.indirect_vreg.gather [hbm4b:s1+s3], $0x80, v3, vm0, $0xb8;
	[tilespmem:$0x18400] =	vst v63  }
0x2fd: {  	s30 =	simm.s32 $0xAC00  }
0x2fe: {  	[tilespmem:s30], [sflag:$0x1] =	stream.indirect_vreg.gather [hbm4b:s5+s3], $0x80, v3, vm0, $0xb8;
	[tilespmem:$0x18400] =	vst v63  }
0x2ff: {  	s21 =	simm.s32 $0xB400  }
0x300: {  	[tilespmem:s21], [sflag:$0x1] =	stream.indirect_vreg.gather [hbm4b:s6+s3], $0x80, v3, vm0, $0xb8;
	[tilespmem:$0x18400] =	vst v63  }
0x301: {  	s21 =	simm.s32 $0xBC00  }
0x302: {  	[tilespmem:s21], [sflag:$0x1] =	stream.indirect_vreg.gather [hbm4b:s7+s3], $0x80, v3, vm0, $0xb8;
	[tilespmem:$0x18400] =	vst v63  }
0x303: {  	v3 =	vld [tilespmem:$0x1B0];
	_ =	sdelay $0x4  }
0x304: {  	v27 =	vshll.u32 v3, $0x3  }
0x305: {  	v3 =	vand.u32 $0x7, v3;
	v4 =	vand.u32 $0xFFFFFFC0, v27  }
0x306: {  	v3 =	vor.u32 v3, v4  }
0x307: {  	v4 =	vperm.xlane v3, v0;
	_ =	sdelay $0x1  }
0x308: {  	v4 =	vadd.s32 v1, v4;
	_ =	sdelay $0x3  }
0x309: {  	s21 =	simm.s32 $0xC400  }
0x30a: {  	[tilespmem:s21], [sflag:$0x1] =	stream.indirect_vreg.gather [hbm4b:s1+s3], $0x80, v4, vm0, $0xb8;
	[tilespmem:$0x18400] =	vst v63  }
0x30b: {  	v3 =	vperm.xlane v3, v2;
	s21 =	simm.s32 $0xCC00  }
0x30c: {  	[tilespmem:s21], [sflag:$0x1] =	stream.indirect_vreg.gather [hbm4b:s5+s3], $0x80, v4, vm0, $0xb8;
	[tilespmem:$0x18400] =	vst v63  }
0x30d: {  	s31 =	simm.s32 $0xD400;
	v3 =	vadd.s32 v1, v3  }
0x30e: {  	[tilespmem:s31], [sflag:$0x1] =	stream.indirect_vreg.gather [hbm4b:s6+s3], $0x80, v4, vm0, $0xb8;
	[tilespmem:$0x18400] =	vst v63  }
0x30f: {  	s21 =	simm.s32 $0xDC00  }
0x310: {  	[tilespmem:s21], [sflag:$0x1] =	stream.indirect_vreg.gather [hbm4b:s7+s3], $0x80, v4, vm0, $0xb8;
	[tilespmem:$0x18400] =	vst v63  }
0x311: {  	s21 =	simm.s32 $0xE400  }
0x312: {  	[tilespmem:s21], [sflag:$0x1] =	stream.indirect_vreg.gather [hbm4b:s1+s3], $0x80, v3, vm0, $0xb8;
	[tilespmem:$0x18400] =	vst v63  }
0x313: {  	s21 =	simm.s32 $0xEC00  }
0x314: {  	[tilespmem:s21], [sflag:$0x1] =	stream.indirect_vreg.gather [hbm4b:s5+s3], $0x80, v3, vm0, $0xb8;
	[tilespmem:$0x18400] =	vst v63  }
0x315: {  	s21 =	simm.s32 $0xF400  }
0x316: {  	[tilespmem:s21], [sflag:$0x1] =	stream.indirect_vreg.gather [hbm4b:s6+s3], $0x80, v3, vm0, $0xb8;
	[tilespmem:$0x18400] =	vst v63  }
0x317: {  	s21 =	simm.s32 $0xFC00  }
0x318: {  	[tilespmem:s21], [sflag:$0x1] =	stream.indirect_vreg.gather [hbm4b:s7+s3], $0x80, v3, vm0, $0xb8;
	[tilespmem:$0x18400] =	vst v63  }
0x319: {  	_ =	swait.ge [sflag:s19], $0x8000  }
0x31a: {  	[sflag:s19] =	ssyncset.done $0x0  }
0x31b: {  	s21 =	rddreg [dreg:$0xf];
	[sflag:s19] =	ssyncadd.s32 $0xFFFF8000  }
0x31c: {  	[hbm4b:s21+s3] =	stream.linear.scatter [tilespmem:s29], [sflag:$0x2], $0x8000, $0x38;
	[tilespmem:$0x18400] =	vst v63  }
0x31d: {  	_ =	swait.ge [sflag:s20], $0x8000  }
0x31e: {  	[sflag:s20] =	ssyncset.done $0x0  }
0x31f: {  	[sflag:s20] =	ssyncadd.s32 $0xFFFF8000  }
0x320: {  	v3 =	vld [tilespmem:$0x1C0];
	_ =	sdelay $0x4  }
0x321: {  	v28 =	vshll.u32 v3, $0x3  }
0x322: {  	v3 =	vand.u32 $0x7, v3;
	v4 =	vand.u32 $0xFFFFFFC0, v28  }
0x323: {  	v3 =	vor.u32 v3, v4  }
0x324: {  	v4 =	vperm.xlane v3, v0;
	_ =	sdelay $0x1  }
0x325: {  	v4 =	vadd.s32 v1, v4;
	_ =	sdelay $0x4  }
0x326: {  	[tilespmem:s29], [sflag:$0x1] =	stream.indirect_vreg.gather [hbm4b:s1+s3], $0x80, v4, vm0, $0xb8;
	[tilespmem:$0x18400] =	vst v63  }
0x327: {  	s21 =	simm.s32 $0x10C00;
	v3 =	vperm.xlane v3, v2  }
0x328: {  	[tilespmem:s21], [sflag:$0x1] =	stream.indirect_vreg.gather [hbm4b:s5+s3], $0x80, v4, vm0, $0xb8;
	[tilespmem:$0x18400] =	vst v63  }
0x329: {  	s13 =	simm.s32 $0x11400;
	v3 =	vadd.s32 v1, v3  }
0x32a: {  	[tilespmem:s13], [sflag:$0x1] =	stream.indirect_vreg.gather [hbm4b:s6+s3], $0x80, v4, vm0, $0xb8;
	[tilespmem:$0x18400] =	vst v63  }
0x32b: {  	s14 =	simm.s32 $0x11C00  }
0x32c: {  	[tilespmem:s14], [sflag:$0x1] =	stream.indirect_vreg.gather [hbm4b:s7+s3], $0x80, v4, vm0, $0xb8;
	[tilespmem:$0x18400] =	vst v63  }
0x32d: {  	s15 =	simm.s32 $0x12400  }
0x32e: {  	[tilespmem:s15], [sflag:$0x1] =	stream.indirect_vreg.gather [hbm4b:s1+s3], $0x80, v3, vm0, $0xb8;
	[tilespmem:$0x18400] =	vst v63  }
0x32f: {  	s16 =	simm.s32 $0x12C00  }
0x330: {  	[tilespmem:s16], [sflag:$0x1] =	stream.indirect_vreg.gather [hbm4b:s5+s3], $0x80, v3, vm0, $0xb8;
	[tilespmem:$0x18400] =	vst v63  }
0x331: {  	s17 =	simm.s32 $0x13400  }
0x332: {  	[tilespmem:s17], [sflag:$0x1] =	stream.indirect_vreg.gather [hbm4b:s6+s3], $0x80, v3, vm0, $0xb8;
	[tilespmem:$0x18400] =	vst v63  }
0x333: {  	s21 =	simm.s32 $0x13C00  }
0x334: {  	[tilespmem:s21], [sflag:$0x1] =	stream.indirect_vreg.gather [hbm4b:s7+s3], $0x80, v3, vm0, $0xb8;
	[tilespmem:$0x18400] =	vst v63  }
0x335: {  	v3 =	vld [tilespmem:$0x1D0];
	_ =	sdelay $0x4  }
0x336: {  	v29 =	vshll.u32 v3, $0x3  }
0x337: {  	v3 =	vand.u32 $0x7, v3;
	v4 =	vand.u32 $0xFFFFFFC0, v29  }
0x338: {  	v3 =	vor.u32 v3, v4  }
0x339: {  	v4 =	vperm.xlane v3, v0;
	_ =	sdelay $0x1  }
0x33a: {  	v4 =	vadd.s32 v1, v4;
	_ =	sdelay $0x3  }
0x33b: {  	s21 =	simm.s32 $0x14400  }
0x33c: {  	[tilespmem:s21], [sflag:$0x1] =	stream.indirect_vreg.gather [hbm4b:s1+s3], $0x80, v4, vm0, $0xb8;
	[tilespmem:$0x18400] =	vst v63  }
0x33d: {  	v3 =	vperm.xlane v3, v2;
	s21 =	simm.s32 $0x14C00  }
0x33e: {  	[tilespmem:s21], [sflag:$0x1] =	stream.indirect_vreg.gather [hbm4b:s5+s3], $0x80, v4, vm0, $0xb8;
	[tilespmem:$0x18400] =	vst v63  }
0x33f: {  	s18 =	simm.s32 $0x15400;
	v3 =	vadd.s32 v1, v3  }
0x340: {  	[tilespmem:s18], [sflag:$0x1] =	stream.indirect_vreg.gather [hbm4b:s6+s3], $0x80, v4, vm0, $0xb8;
	[tilespmem:$0x18400] =	vst v63  }
0x341: {  	s22 =	simm.s32 $0x15C00  }
0x342: {  	[tilespmem:s22], [sflag:$0x1] =	stream.indirect_vreg.gather [hbm4b:s7+s3], $0x80, v4, vm0, $0xb8;
	[tilespmem:$0x18400] =	vst v63  }
0x343: {  	s23 =	simm.s32 $0x16400  }
0x344: {  	[tilespmem:s23], [sflag:$0x1] =	stream.indirect_vreg.gather [hbm4b:s1+s3], $0x80, v3, vm0, $0xb8;
	[tilespmem:$0x18400] =	vst v63  }
0x345: {  	s24 =	simm.s32 $0x16C00  }
0x346: {  	[tilespmem:s24], [sflag:$0x1] =	stream.indirect_vreg.gather [hbm4b:s5+s3], $0x80, v3, vm0, $0xb8;
	[tilespmem:$0x18400] =	vst v63  }
0x347: {  	s25 =	simm.s32 $0x17400  }
0x348: {  	[tilespmem:s25], [sflag:$0x1] =	stream.indirect_vreg.gather [hbm4b:s6+s3], $0x80, v3, vm0, $0xb8;
	[tilespmem:$0x18400] =	vst v63  }
0x349: {  	s21 =	simm.s32 $0x17C00  }
0x34a: {  	[tilespmem:s21], [sflag:$0x1] =	stream.indirect_vreg.gather [hbm4b:s7+s3], $0x80, v3, vm0, $0xb8;
	[tilespmem:$0x18400] =	vst v63  }
0x34b: {  	_ =	swait.ge [sflag:s19], $0x8000  }
0x34c: {  	[sflag:s19] =	ssyncset.done $0x0  }
0x34d: {  	s21 =	rddreg [dreg:$0x10];
	[sflag:s19] =	ssyncadd.s32 $0xFFFF8000  }
0x34e: {  	[hbm4b:s21+s3] =	stream.linear.scatter [tilespmem:s28], [sflag:$0x2], $0x8000, $0x38;
	[tilespmem:$0x18400] =	vst v63  }
0x34f: {  	_ =	swait.ge [sflag:s20], $0x8000  }
0x350: {  	[sflag:s20] =	ssyncset.done $0x0  }
0x351: {  	[sflag:s20] =	ssyncadd.s32 $0xFFFF8000  }
0x352: {  	v3 =	vld [tilespmem:$0x1E0];
	_ =	sdelay $0x4  }
0x353: {  	v30 =	vshll.u32 v3, $0x3  }
0x354: {  	v3 =	vand.u32 $0x7, v3;
	v4 =	vand.u32 $0xFFFFFFC0, v30  }
0x355: {  	v3 =	vor.u32 v3, v4  }
0x356: {  	v4 =	vperm.xlane v3, v0;
	_ =	sdelay $0x1  }
0x357: {  	v4 =	vadd.s32 v1, v4;
	_ =	sdelay $0x4  }
0x358: {  	[tilespmem:s28], [sflag:$0x1] =	stream.indirect_vreg.gather [hbm4b:s1+s3], $0x80, v4, vm0, $0xb8;
	[tilespmem:$0x18400] =	vst v63  }
0x359: {  	s21 =	simm.s32 $0xC00;
	v3 =	vperm.xlane v3, v2  }
0x35a: {  	[tilespmem:s21], [sflag:$0x1] =	stream.indirect_vreg.gather [hbm4b:s5+s3], $0x80, v4, vm0, $0xb8;
	[tilespmem:$0x18400] =	vst v63  }
0x35b: {  	v3 =	vadd.s32 v1, v3;
	s21 =	simm.s32 $0x1400  }
0x35c: {  	[tilespmem:s21], [sflag:$0x1] =	stream.indirect_vreg.gather [hbm4b:s6+s3], $0x80, v4, vm0, $0xb8;
	[tilespmem:$0x18400] =	vst v63  }
0x35d: {  	s21 =	simm.s32 $0x1C00  }
0x35e: {  	[tilespmem:s21], [sflag:$0x1] =	stream.indirect_vreg.gather [hbm4b:s7+s3], $0x80, v4, vm0, $0xb8;
	[tilespmem:$0x18400] =	vst v63  }
0x35f: {  	s21 =	simm.s32 $0x2400  }
0x360: {  	[tilespmem:s21], [sflag:$0x1] =	stream.indirect_vreg.gather [hbm4b:s1+s3], $0x80, v3, vm0, $0xb8;
	[tilespmem:$0x18400] =	vst v63  }
0x361: {  	s21 =	simm.s32 $0x2C00  }
0x362: {  	[tilespmem:s21], [sflag:$0x1] =	stream.indirect_vreg.gather [hbm4b:s5+s3], $0x80, v3, vm0, $0xb8;
	[tilespmem:$0x18400] =	vst v63  }
0x363: {  	s21 =	simm.s32 $0x3400  }
0x364: {  	[tilespmem:s21], [sflag:$0x1] =	stream.indirect_vreg.gather [hbm4b:s6+s3], $0x80, v3, vm0, $0xb8;
	[tilespmem:$0x18400] =	vst v63  }
0x365: {  	s12 =	simm.s32 $0x3C00  }
0x366: {  	[tilespmem:s12], [sflag:$0x1] =	stream.indirect_vreg.gather [hbm4b:s7+s3], $0x80, v3, vm0, $0xb8;
	[tilespmem:$0x18400] =	vst v63  }
0x367: {  	v3 =	vld [tilespmem:$0x1F0];
	_ =	sdelay $0x4  }
0x368: {  	v31 =	vshll.u32 v3, $0x3  }
0x369: {  	v3 =	vand.u32 $0x7, v3;
	v4 =	vand.u32 $0xFFFFFFC0, v31  }
0x36a: {  	v3 =	vor.u32 v3, v4  }
0x36b: {  	v4 =	vperm.xlane v3, v0;
	_ =	sdelay $0x1  }
0x36c: {  	v4 =	vadd.s32 v1, v4;
	_ =	sdelay $0x3  }
0x36d: {  	s10 =	simm.s32 $0x4400  }
0x36e: {  	[tilespmem:s10], [sflag:$0x1] =	stream.indirect_vreg.gather [hbm4b:s1+s3], $0x80, v4, vm0, $0xb8;
	[tilespmem:$0x18400] =	vst v63  }
0x36f: {  	s11 =	simm.s32 $0x4C00;
	v3 =	vperm.xlane v3, v2  }
0x370: {  	[tilespmem:s11], [sflag:$0x1] =	stream.indirect_vreg.gather [hbm4b:s5+s3], $0x80, v4, vm0, $0xb8;
	[tilespmem:$0x18400] =	vst v63  }
0x371: {  	s21 =	simm.s32 $0x5400;
	v3 =	vadd.s32 v1, v3  }
0x372: {  	[tilespmem:s21], [sflag:$0x1] =	stream.indirect_vreg.gather [hbm4b:s6+s3], $0x80, v4, vm0, $0xb8;
	[tilespmem:$0x18400] =	vst v63  }
0x373: {  	s4 =	simm.s32 $0x5C00  }
0x374: {  	[tilespmem:s4], [sflag:$0x1] =	stream.indirect_vreg.gather [hbm4b:s7+s3], $0x80, v4, vm0, $0xb8;
	[tilespmem:$0x18400] =	vst v63  }
0x375: {  	s21 =	simm.s32 $0x6400  }
0x376: {  	[tilespmem:s21], [sflag:$0x1] =	stream.indirect_vreg.gather [hbm4b:s1+s3], $0x80, v3, vm0, $0xb8;
	[tilespmem:$0x18400] =	vst v63  }
0x377: {  	s2 =	simm.s32 $0x6C00  }
0x378: {  	[tilespmem:s2], [sflag:$0x1] =	stream.indirect_vreg.gather [hbm4b:s5+s3], $0x80, v3, vm0, $0xb8;
	[tilespmem:$0x18400] =	vst v63  }
0x379: {  	s21 =	simm.s32 $0x7400  }
0x37a: {  	[tilespmem:s21], [sflag:$0x1] =	stream.indirect_vreg.gather [hbm4b:s6+s3], $0x80, v3, vm0, $0xb8;
	[tilespmem:$0x18400] =	vst v63  }
0x37b: {  	s8 =	simm.s32 $0x7C00  }
0x37c: {  	[tilespmem:s8], [sflag:$0x1] =	stream.indirect_vreg.gather [hbm4b:s7+s3], $0x80, v3, vm0, $0xb8;
	[tilespmem:$0x18400] =	vst v63  }
0x37d: {  	_ =	swait.ge [sflag:s19], $0x8000  }
0x37e: {  	[sflag:s19] =	ssyncset.done $0x0  }
0x37f: {  	s21 =	rddreg [dreg:$0x11];
	[sflag:s19] =	ssyncadd.s32 $0xFFFF8000  }
0x380: {  	[hbm4b:s21+s3] =	stream.linear.scatter [tilespmem:s26], [sflag:$0x2], $0x8000, $0x38;
	[tilespmem:$0x18400] =	vst v63  }
0x381: {  	_ =	swait.ge [sflag:s20], $0x8000  }
0x382: {  	[sflag:s20] =	ssyncset.done $0x0  }
0x383: {  	[sflag:s20] =	ssyncadd.s32 $0xFFFF8000  }
0x384: {  	v3 =	vld [tilespmem:$0x200];
	_ =	sdelay $0x4  }
0x385: {  	v32 =	vshll.u32 v3, $0x3  }
0x386: {  	v3 =	vand.u32 $0x7, v3;
	v4 =	vand.u32 $0xFFFFFFC0, v32  }
0x387: {  	v3 =	vor.u32 v3, v4  }
0x388: {  	v4 =	vperm.xlane v3, v0;
	_ =	sdelay $0x1  }
0x389: {  	v4 =	vadd.s32 v1, v4;
	_ =	sdelay $0x4  }
0x38a: {  	[tilespmem:s26], [sflag:$0x1] =	stream.indirect_vreg.gather [hbm4b:s1+s3], $0x80, v4, vm0, $0xb8;
	[tilespmem:$0x18400] =	vst v63  }
0x38b: {  	s21 =	simm.s32 $0x8C00;
	v3 =	vperm.xlane v3, v2  }
0x38c: {  	[tilespmem:s21], [sflag:$0x1] =	stream.indirect_vreg.gather [hbm4b:s5+s3], $0x80, v4, vm0, $0xb8;
	[tilespmem:$0x18400] =	vst v63  }
0x38d: {  	s0 =	simm.s32 $0x9400;
	v3 =	vadd.s32 v1, v3  }
0x38e: {  	[tilespmem:s0], [sflag:$0x1] =	stream.indirect_vreg.gather [hbm4b:s6+s3], $0x80, v4, vm0, $0xb8;
	[tilespmem:$0x18400] =	vst v63  }
0x38f: {  	s9 =	simm.s32 $0x9C00  }
0x390: {  	[tilespmem:s9], [sflag:$0x1] =	stream.indirect_vreg.gather [hbm4b:s7+s3], $0x80, v4, vm0, $0xb8;
	[tilespmem:$0x18400] =	vst v63  }
0x391: {  	s21 =	simm.s32 $0xA400  }
0x392: {  	[tilespmem:s21], [sflag:$0x1] =	stream.indirect_vreg.gather [hbm4b:s1+s3], $0x80, v3, vm0, $0xb8;
	[tilespmem:$0x18400] =	vst v63  }
0x393: {  	s30 =	simm.s32 $0xAC00  }
0x394: {  	[tilespmem:s30], [sflag:$0x1] =	stream.indirect_vreg.gather [hbm4b:s5+s3], $0x80, v3, vm0, $0xb8;
	[tilespmem:$0x18400] =	vst v63  }
0x395: {  	s21 =	simm.s32 $0xB400  }
0x396: {  	[tilespmem:s21], [sflag:$0x1] =	stream.indirect_vreg.gather [hbm4b:s6+s3], $0x80, v3, vm0, $0xb8;
	[tilespmem:$0x18400] =	vst v63  }
0x397: {  	s21 =	simm.s32 $0xBC00  }
0x398: {  	[tilespmem:s21], [sflag:$0x1] =	stream.indirect_vreg.gather [hbm4b:s7+s3], $0x80, v3, vm0, $0xb8;
	[tilespmem:$0x18400] =	vst v63  }
0x399: {  	v3 =	vld [tilespmem:$0x210];
	_ =	sdelay $0x4  }
0x39a: {  	v33 =	vshll.u32 v3, $0x3  }
0x39b: {  	v3 =	vand.u32 $0x7, v3;
	v4 =	vand.u32 $0xFFFFFFC0, v33  }
0x39c: {  	v3 =	vor.u32 v3, v4  }
0x39d: {  	v4 =	vperm.xlane v3, v0;
	_ =	sdelay $0x1  }
0x39e: {  	v4 =	vadd.s32 v1, v4;
	_ =	sdelay $0x3  }
0x39f: {  	s21 =	simm.s32 $0xC400  }
0x3a0: {  	[tilespmem:s21], [sflag:$0x1] =	stream.indirect_vreg.gather [hbm4b:s1+s3], $0x80, v4, vm0, $0xb8;
	[tilespmem:$0x18400] =	vst v63  }
0x3a1: {  	v3 =	vperm.xlane v3, v2;
	s21 =	simm.s32 $0xCC00  }
0x3a2: {  	[tilespmem:s21], [sflag:$0x1] =	stream.indirect_vreg.gather [hbm4b:s5+s3], $0x80, v4, vm0, $0xb8;
	[tilespmem:$0x18400] =	vst v63  }
0x3a3: {  	s31 =	simm.s32 $0xD400;
	v3 =	vadd.s32 v1, v3  }
0x3a4: {  	[tilespmem:s31], [sflag:$0x1] =	stream.indirect_vreg.gather [hbm4b:s6+s3], $0x80, v4, vm0, $0xb8;
	[tilespmem:$0x18400] =	vst v63  }
0x3a5: {  	s21 =	simm.s32 $0xDC00  }
0x3a6: {  	[tilespmem:s21], [sflag:$0x1] =	stream.indirect_vreg.gather [hbm4b:s7+s3], $0x80, v4, vm0, $0xb8;
	[tilespmem:$0x18400] =	vst v63  }
0x3a7: {  	s21 =	simm.s32 $0xE400  }
0x3a8: {  	[tilespmem:s21], [sflag:$0x1] =	stream.indirect_vreg.gather [hbm4b:s1+s3], $0x80, v3, vm0, $0xb8;
	[tilespmem:$0x18400] =	vst v63  }
0x3a9: {  	s21 =	simm.s32 $0xEC00  }
0x3aa: {  	[tilespmem:s21], [sflag:$0x1] =	stream.indirect_vreg.gather [hbm4b:s5+s3], $0x80, v3, vm0, $0xb8;
	[tilespmem:$0x18400] =	vst v63  }
0x3ab: {  	s21 =	simm.s32 $0xF400  }
0x3ac: {  	[tilespmem:s21], [sflag:$0x1] =	stream.indirect_vreg.gather [hbm4b:s6+s3], $0x80, v3, vm0, $0xb8;
	[tilespmem:$0x18400] =	vst v63  }
0x3ad: {  	s21 =	simm.s32 $0xFC00  }
0x3ae: {  	[tilespmem:s21], [sflag:$0x1] =	stream.indirect_vreg.gather [hbm4b:s7+s3], $0x80, v3, vm0, $0xb8;
	[tilespmem:$0x18400] =	vst v63  }
0x3af: {  	_ =	swait.ge [sflag:s19], $0x8000  }
0x3b0: {  	[sflag:s19] =	ssyncset.done $0x0  }
0x3b1: {  	s21 =	rddreg [dreg:$0x12];
	[sflag:s19] =	ssyncadd.s32 $0xFFFF8000  }
0x3b2: {  	[hbm4b:s21+s3] =	stream.linear.scatter [tilespmem:s29], [sflag:$0x2], $0x8000, $0x38;
	[tilespmem:$0x18400] =	vst v63  }
0x3b3: {  	_ =	swait.ge [sflag:s20], $0x8000  }
0x3b4: {  	[sflag:s20] =	ssyncset.done $0x0  }
0x3b5: {  	[sflag:s20] =	ssyncadd.s32 $0xFFFF8000  }
0x3b6: {  	v3 =	vld [tilespmem:$0x220];
	_ =	sdelay $0x4  }
0x3b7: {  	v34 =	vshll.u32 v3, $0x3  }
0x3b8: {  	v3 =	vand.u32 $0x7, v3;
	v4 =	vand.u32 $0xFFFFFFC0, v34  }
0x3b9: {  	v3 =	vor.u32 v3, v4  }
0x3ba: {  	v4 =	vperm.xlane v3, v0;
	_ =	sdelay $0x1  }
0x3bb: {  	v4 =	vadd.s32 v1, v4;
	_ =	sdelay $0x4  }
0x3bc: {  	[tilespmem:s29], [sflag:$0x1] =	stream.indirect_vreg.gather [hbm4b:s1+s3], $0x80, v4, vm0, $0xb8;
	[tilespmem:$0x18400] =	vst v63  }
0x3bd: {  	s21 =	simm.s32 $0x10C00;
	v3 =	vperm.xlane v3, v2  }
0x3be: {  	[tilespmem:s21], [sflag:$0x1] =	stream.indirect_vreg.gather [hbm4b:s5+s3], $0x80, v4, vm0, $0xb8;
	[tilespmem:$0x18400] =	vst v63  }
0x3bf: {  	s13 =	simm.s32 $0x11400;
	v3 =	vadd.s32 v1, v3  }
0x3c0: {  	[tilespmem:s13], [sflag:$0x1] =	stream.indirect_vreg.gather [hbm4b:s6+s3], $0x80, v4, vm0, $0xb8;
	[tilespmem:$0x18400] =	vst v63  }
0x3c1: {  	s14 =	simm.s32 $0x11C00  }
0x3c2: {  	[tilespmem:s14], [sflag:$0x1] =	stream.indirect_vreg.gather [hbm4b:s7+s3], $0x80, v4, vm0, $0xb8;
	[tilespmem:$0x18400] =	vst v63  }
0x3c3: {  	s15 =	simm.s32 $0x12400  }
0x3c4: {  	[tilespmem:s15], [sflag:$0x1] =	stream.indirect_vreg.gather [hbm4b:s1+s3], $0x80, v3, vm0, $0xb8;
	[tilespmem:$0x18400] =	vst v63  }
0x3c5: {  	s16 =	simm.s32 $0x12C00  }
0x3c6: {  	[tilespmem:s16], [sflag:$0x1] =	stream.indirect_vreg.gather [hbm4b:s5+s3], $0x80, v3, vm0, $0xb8;
	[tilespmem:$0x18400] =	vst v63  }
0x3c7: {  	s17 =	simm.s32 $0x13400  }
0x3c8: {  	[tilespmem:s17], [sflag:$0x1] =	stream.indirect_vreg.gather [hbm4b:s6+s3], $0x80, v3, vm0, $0xb8;
	[tilespmem:$0x18400] =	vst v63  }
0x3c9: {  	s21 =	simm.s32 $0x13C00  }
0x3ca: {  	[tilespmem:s21], [sflag:$0x1] =	stream.indirect_vreg.gather [hbm4b:s7+s3], $0x80, v3, vm0, $0xb8;
	[tilespmem:$0x18400] =	vst v63  }
0x3cb: {  	v3 =	vld [tilespmem:$0x230];
	_ =	sdelay $0x4  }
0x3cc: {  	v35 =	vshll.u32 v3, $0x3  }
0x3cd: {  	v3 =	vand.u32 $0x7, v3;
	v4 =	vand.u32 $0xFFFFFFC0, v35  }
0x3ce: {  	v3 =	vor.u32 v3, v4  }
0x3cf: {  	v4 =	vperm.xlane v3, v0;
	_ =	sdelay $0x1  }
0x3d0: {  	v4 =	vadd.s32 v1, v4;
	_ =	sdelay $0x3  }
0x3d1: {  	s21 =	simm.s32 $0x14400  }
0x3d2: {  	[tilespmem:s21], [sflag:$0x1] =	stream.indirect_vreg.gather [hbm4b:s1+s3], $0x80, v4, vm0, $0xb8;
	[tilespmem:$0x18400] =	vst v63  }
0x3d3: {  	v3 =	vperm.xlane v3, v2;
	s21 =	simm.s32 $0x14C00  }
0x3d4: {  	[tilespmem:s21], [sflag:$0x1] =	stream.indirect_vreg.gather [hbm4b:s5+s3], $0x80, v4, vm0, $0xb8;
	[tilespmem:$0x18400] =	vst v63  }
0x3d5: {  	s18 =	simm.s32 $0x15400;
	v3 =	vadd.s32 v1, v3  }
0x3d6: {  	[tilespmem:s18], [sflag:$0x1] =	stream.indirect_vreg.gather [hbm4b:s6+s3], $0x80, v4, vm0, $0xb8;
	[tilespmem:$0x18400] =	vst v63  }
0x3d7: {  	s22 =	simm.s32 $0x15C00  }
0x3d8: {  	[tilespmem:s22], [sflag:$0x1] =	stream.indirect_vreg.gather [hbm4b:s7+s3], $0x80, v4, vm0, $0xb8;
	[tilespmem:$0x18400] =	vst v63  }
0x3d9: {  	s23 =	simm.s32 $0x16400  }
0x3da: {  	[tilespmem:s23], [sflag:$0x1] =	stream.indirect_vreg.gather [hbm4b:s1+s3], $0x80, v3, vm0, $0xb8;
	[tilespmem:$0x18400] =	vst v63  }
0x3db: {  	s24 =	simm.s32 $0x16C00  }
0x3dc: {  	[tilespmem:s24], [sflag:$0x1] =	stream.indirect_vreg.gather [hbm4b:s5+s3], $0x80, v3, vm0, $0xb8;
	[tilespmem:$0x18400] =	vst v63  }
0x3dd: {  	s25 =	simm.s32 $0x17400  }
0x3de: {  	[tilespmem:s25], [sflag:$0x1] =	stream.indirect_vreg.gather [hbm4b:s6+s3], $0x80, v3, vm0, $0xb8;
	[tilespmem:$0x18400] =	vst v63  }
0x3df: {  	s21 =	simm.s32 $0x17C00  }
0x3e0: {  	[tilespmem:s21], [sflag:$0x1] =	stream.indirect_vreg.gather [hbm4b:s7+s3], $0x80, v3, vm0, $0xb8;
	[tilespmem:$0x18400] =	vst v63  }
0x3e1: {  	_ =	swait.ge [sflag:s19], $0x8000  }
0x3e2: {  	[sflag:s19] =	ssyncset.done $0x0  }
0x3e3: {  	s21 =	rddreg [dreg:$0x13];
	[sflag:s19] =	ssyncadd.s32 $0xFFFF8000  }
0x3e4: {  	[hbm4b:s21+s3] =	stream.linear.scatter [tilespmem:s28], [sflag:$0x2], $0x8000, $0x38;
	[tilespmem:$0x18400] =	vst v63  }
0x3e5: {  	_ =	swait.ge [sflag:s20], $0x8000  }
0x3e6: {  	[sflag:s20] =	ssyncset.done $0x0  }
0x3e7: {  	[sflag:s20] =	ssyncadd.s32 $0xFFFF8000  }
0x3e8: {  	v3 =	vld [tilespmem:$0x240];
	_ =	sdelay $0x4  }
0x3e9: {  	v36 =	vshll.u32 v3, $0x3  }
0x3ea: {  	v3 =	vand.u32 $0x7, v3;
	v4 =	vand.u32 $0xFFFFFFC0, v36  }
0x3eb: {  	v3 =	vor.u32 v3, v4  }
0x3ec: {  	v4 =	vperm.xlane v3, v0;
	_ =	sdelay $0x1  }
0x3ed: {  	v4 =	vadd.s32 v1, v4;
	_ =	sdelay $0x4  }
0x3ee: {  	[tilespmem:s28], [sflag:$0x1] =	stream.indirect_vreg.gather [hbm4b:s1+s3], $0x80, v4, vm0, $0xb8;
	[tilespmem:$0x18400] =	vst v63  }
0x3ef: {  	s21 =	simm.s32 $0xC00;
	v3 =	vperm.xlane v3, v2  }
0x3f0: {  	[tilespmem:s21], [sflag:$0x1] =	stream.indirect_vreg.gather [hbm4b:s5+s3], $0x80, v4, vm0, $0xb8;
	[tilespmem:$0x18400] =	vst v63  }
0x3f1: {  	v3 =	vadd.s32 v1, v3;
	s21 =	simm.s32 $0x1400  }
0x3f2: {  	[tilespmem:s21], [sflag:$0x1] =	stream.indirect_vreg.gather [hbm4b:s6+s3], $0x80, v4, vm0, $0xb8;
	[tilespmem:$0x18400] =	vst v63  }
0x3f3: {  	s21 =	simm.s32 $0x1C00  }
0x3f4: {  	[tilespmem:s21], [sflag:$0x1] =	stream.indirect_vreg.gather [hbm4b:s7+s3], $0x80, v4, vm0, $0xb8;
	[tilespmem:$0x18400] =	vst v63  }
0x3f5: {  	s21 =	simm.s32 $0x2400  }
0x3f6: {  	[tilespmem:s21], [sflag:$0x1] =	stream.indirect_vreg.gather [hbm4b:s1+s3], $0x80, v3, vm0, $0xb8;
	[tilespmem:$0x18400] =	vst v63  }
0x3f7: {  	s21 =	simm.s32 $0x2C00  }
0x3f8: {  	[tilespmem:s21], [sflag:$0x1] =	stream.indirect_vreg.gather [hbm4b:s5+s3], $0x80, v3, vm0, $0xb8;
	[tilespmem:$0x18400] =	vst v63  }
0x3f9: {  	s21 =	simm.s32 $0x3400  }
0x3fa: {  	[tilespmem:s21], [sflag:$0x1] =	stream.indirect_vreg.gather [hbm4b:s6+s3], $0x80, v3, vm0, $0xb8;
	[tilespmem:$0x18400] =	vst v63  }
0x3fb: {  	s12 =	simm.s32 $0x3C00  }
0x3fc: {  	[tilespmem:s12], [sflag:$0x1] =	stream.indirect_vreg.gather [hbm4b:s7+s3], $0x80, v3, vm0, $0xb8;
	[tilespmem:$0x18400] =	vst v63  }
0x3fd: {  	v3 =	vld [tilespmem:$0x250];
	_ =	sdelay $0x4  }
0x3fe: {  	v37 =	vshll.u32 v3, $0x3  }
0x3ff: {  	v3 =	vand.u32 $0x7, v3;
	v4 =	vand.u32 $0xFFFFFFC0, v37  }
0x400: {  	v3 =	vor.u32 v3, v4  }
0x401: {  	v4 =	vperm.xlane v3, v0;
	_ =	sdelay $0x1  }
0x402: {  	v4 =	vadd.s32 v1, v4;
	_ =	sdelay $0x3  }
0x403: {  	s10 =	simm.s32 $0x4400  }
0x404: {  	[tilespmem:s10], [sflag:$0x1] =	stream.indirect_vreg.gather [hbm4b:s1+s3], $0x80, v4, vm0, $0xb8;
	[tilespmem:$0x18400] =	vst v63  }
0x405: {  	s11 =	simm.s32 $0x4C00;
	v3 =	vperm.xlane v3, v2  }
0x406: {  	[tilespmem:s11], [sflag:$0x1] =	stream.indirect_vreg.gather [hbm4b:s5+s3], $0x80, v4, vm0, $0xb8;
	[tilespmem:$0x18400] =	vst v63  }
0x407: {  	s21 =	simm.s32 $0x5400;
	v3 =	vadd.s32 v1, v3  }
0x408: {  	[tilespmem:s21], [sflag:$0x1] =	stream.indirect_vreg.gather [hbm4b:s6+s3], $0x80, v4, vm0, $0xb8;
	[tilespmem:$0x18400] =	vst v63  }
0x409: {  	s4 =	simm.s32 $0x5C00  }
0x40a: {  	[tilespmem:s4], [sflag:$0x1] =	stream.indirect_vreg.gather [hbm4b:s7+s3], $0x80, v4, vm0, $0xb8;
	[tilespmem:$0x18400] =	vst v63  }
0x40b: {  	s21 =	simm.s32 $0x6400  }
0x40c: {  	[tilespmem:s21], [sflag:$0x1] =	stream.indirect_vreg.gather [hbm4b:s1+s3], $0x80, v3, vm0, $0xb8;
	[tilespmem:$0x18400] =	vst v63  }
0x40d: {  	s2 =	simm.s32 $0x6C00  }
0x40e: {  	[tilespmem:s2], [sflag:$0x1] =	stream.indirect_vreg.gather [hbm4b:s5+s3], $0x80, v3, vm0, $0xb8;
	[tilespmem:$0x18400] =	vst v63  }
0x40f: {  	s21 =	simm.s32 $0x7400  }
0x410: {  	[tilespmem:s21], [sflag:$0x1] =	stream.indirect_vreg.gather [hbm4b:s6+s3], $0x80, v3, vm0, $0xb8;
	[tilespmem:$0x18400] =	vst v63  }
0x411: {  	s8 =	simm.s32 $0x7C00  }
0x412: {  	[tilespmem:s8], [sflag:$0x1] =	stream.indirect_vreg.gather [hbm4b:s7+s3], $0x80, v3, vm0, $0xb8;
	[tilespmem:$0x18400] =	vst v63  }
0x413: {  	_ =	swait.ge [sflag:s19], $0x8000  }
0x414: {  	[sflag:s19] =	ssyncset.done $0x0  }
0x415: {  	s21 =	rddreg [dreg:$0x14];
	[sflag:s19] =	ssyncadd.s32 $0xFFFF8000  }
0x416: {  	[hbm4b:s21+s3] =	stream.linear.scatter [tilespmem:s26], [sflag:$0x2], $0x8000, $0x38;
	[tilespmem:$0x18400] =	vst v63  }
0x417: {  	_ =	swait.ge [sflag:s20], $0x8000  }
0x418: {  	[sflag:s20] =	ssyncset.done $0x0  }
0x419: {  	[sflag:s20] =	ssyncadd.s32 $0xFFFF8000  }
0x41a: {  	v3 =	vld [tilespmem:$0x260];
	_ =	sdelay $0x4  }
0x41b: {  	v38 =	vshll.u32 v3, $0x3  }
0x41c: {  	v3 =	vand.u32 $0x7, v3;
	v4 =	vand.u32 $0xFFFFFFC0, v38  }
0x41d: {  	v3 =	vor.u32 v3, v4  }
0x41e: {  	v4 =	vperm.xlane v3, v0;
	_ =	sdelay $0x1  }
0x41f: {  	v4 =	vadd.s32 v1, v4;
	_ =	sdelay $0x4  }
0x420: {  	[tilespmem:s26], [sflag:$0x1] =	stream.indirect_vreg.gather [hbm4b:s1+s3], $0x80, v4, vm0, $0xb8;
	[tilespmem:$0x18400] =	vst v63  }
0x421: {  	s21 =	simm.s32 $0x8C00;
	v3 =	vperm.xlane v3, v2  }
0x422: {  	[tilespmem:s21], [sflag:$0x1] =	stream.indirect_vreg.gather [hbm4b:s5+s3], $0x80, v4, vm0, $0xb8;
	[tilespmem:$0x18400] =	vst v63  }
0x423: {  	s0 =	simm.s32 $0x9400;
	v3 =	vadd.s32 v1, v3  }
0x424: {  	[tilespmem:s0], [sflag:$0x1] =	stream.indirect_vreg.gather [hbm4b:s6+s3], $0x80, v4, vm0, $0xb8;
	[tilespmem:$0x18400] =	vst v63  }
0x425: {  	s9 =	simm.s32 $0x9C00  }
0x426: {  	[tilespmem:s9], [sflag:$0x1] =	stream.indirect_vreg.gather [hbm4b:s7+s3], $0x80, v4, vm0, $0xb8;
	[tilespmem:$0x18400] =	vst v63  }
0x427: {  	s21 =	simm.s32 $0xA400  }
0x428: {  	[tilespmem:s21], [sflag:$0x1] =	stream.indirect_vreg.gather [hbm4b:s1+s3], $0x80, v3, vm0, $0xb8;
	[tilespmem:$0x18400] =	vst v63  }
0x429: {  	s30 =	simm.s32 $0xAC00  }
0x42a: {  	[tilespmem:s30], [sflag:$0x1] =	stream.indirect_vreg.gather [hbm4b:s5+s3], $0x80, v3, vm0, $0xb8;
	[tilespmem:$0x18400] =	vst v63  }
0x42b: {  	s21 =	simm.s32 $0xB400  }
0x42c: {  	[tilespmem:s21], [sflag:$0x1] =	stream.indirect_vreg.gather [hbm4b:s6+s3], $0x80, v3, vm0, $0xb8;
	[tilespmem:$0x18400] =	vst v63  }
0x42d: {  	s21 =	simm.s32 $0xBC00  }
0x42e: {  	[tilespmem:s21], [sflag:$0x1] =	stream.indirect_vreg.gather [hbm4b:s7+s3], $0x80, v3, vm0, $0xb8;
	[tilespmem:$0x18400] =	vst v63  }
0x42f: {  	v3 =	vld [tilespmem:$0x270];
	_ =	sdelay $0x4  }
0x430: {  	v39 =	vshll.u32 v3, $0x3  }
0x431: {  	v3 =	vand.u32 $0x7, v3;
	v4 =	vand.u32 $0xFFFFFFC0, v39  }
0x432: {  	v3 =	vor.u32 v3, v4  }
0x433: {  	v4 =	vperm.xlane v3, v0;
	_ =	sdelay $0x1  }
0x434: {  	v4 =	vadd.s32 v1, v4;
	_ =	sdelay $0x3  }
0x435: {  	s21 =	simm.s32 $0xC400  }
0x436: {  	[tilespmem:s21], [sflag:$0x1] =	stream.indirect_vreg.gather [hbm4b:s1+s3], $0x80, v4, vm0, $0xb8;
	[tilespmem:$0x18400] =	vst v63  }
0x437: {  	v3 =	vperm.xlane v3, v2;
	s21 =	simm.s32 $0xCC00  }
0x438: {  	[tilespmem:s21], [sflag:$0x1] =	stream.indirect_vreg.gather [hbm4b:s5+s3], $0x80, v4, vm0, $0xb8;
	[tilespmem:$0x18400] =	vst v63  }
0x439: {  	s31 =	simm.s32 $0xD400;
	v3 =	vadd.s32 v1, v3  }
0x43a: {  	[tilespmem:s31], [sflag:$0x1] =	stream.indirect_vreg.gather [hbm4b:s6+s3], $0x80, v4, vm0, $0xb8;
	[tilespmem:$0x18400] =	vst v63  }
0x43b: {  	s21 =	simm.s32 $0xDC00  }
0x43c: {  	[tilespmem:s21], [sflag:$0x1] =	stream.indirect_vreg.gather [hbm4b:s7+s3], $0x80, v4, vm0, $0xb8;
	[tilespmem:$0x18400] =	vst v63  }
0x43d: {  	s21 =	simm.s32 $0xE400  }
0x43e: {  	[tilespmem:s21], [sflag:$0x1] =	stream.indirect_vreg.gather [hbm4b:s1+s3], $0x80, v3, vm0, $0xb8;
	[tilespmem:$0x18400] =	vst v63  }
0x43f: {  	s21 =	simm.s32 $0xEC00  }
0x440: {  	[tilespmem:s21], [sflag:$0x1] =	stream.indirect_vreg.gather [hbm4b:s5+s3], $0x80, v3, vm0, $0xb8;
	[tilespmem:$0x18400] =	vst v63  }
0x441: {  	s21 =	simm.s32 $0xF400  }
0x442: {  	[tilespmem:s21], [sflag:$0x1] =	stream.indirect_vreg.gather [hbm4b:s6+s3], $0x80, v3, vm0, $0xb8;
	[tilespmem:$0x18400] =	vst v63  }
0x443: {  	s21 =	simm.s32 $0xFC00  }
0x444: {  	[tilespmem:s21], [sflag:$0x1] =	stream.indirect_vreg.gather [hbm4b:s7+s3], $0x80, v3, vm0, $0xb8;
	[tilespmem:$0x18400] =	vst v63  }
0x445: {  	_ =	swait.ge [sflag:s19], $0x8000  }
0x446: {  	[sflag:s19] =	ssyncset.done $0x0  }
0x447: {  	s21 =	rddreg [dreg:$0x15];
	[sflag:s19] =	ssyncadd.s32 $0xFFFF8000  }
0x448: {  	[hbm4b:s21+s3] =	stream.linear.scatter [tilespmem:s29], [sflag:$0x2], $0x8000, $0x38;
	[tilespmem:$0x18400] =	vst v63  }
0x449: {  	_ =	swait.ge [sflag:s20], $0x8000  }
0x44a: {  	[sflag:s20] =	ssyncset.done $0x0  }
0x44b: {  	[sflag:s20] =	ssyncadd.s32 $0xFFFF8000  }
0x44c: {  	v3 =	vld [tilespmem:$0x280];
	_ =	sdelay $0x4  }
0x44d: {  	v40 =	vshll.u32 v3, $0x3  }
0x44e: {  	v3 =	vand.u32 $0x7, v3;
	v4 =	vand.u32 $0xFFFFFFC0, v40  }
0x44f: {  	v3 =	vor.u32 v3, v4  }
0x450: {  	v4 =	vperm.xlane v3, v0;
	_ =	sdelay $0x1  }
0x451: {  	v4 =	vadd.s32 v1, v4;
	_ =	sdelay $0x4  }
0x452: {  	[tilespmem:s29], [sflag:$0x1] =	stream.indirect_vreg.gather [hbm4b:s1+s3], $0x80, v4, vm0, $0xb8;
	[tilespmem:$0x18400] =	vst v63  }
0x453: {  	s21 =	simm.s32 $0x10C00;
	v3 =	vperm.xlane v3, v2  }
0x454: {  	[tilespmem:s21], [sflag:$0x1] =	stream.indirect_vreg.gather [hbm4b:s5+s3], $0x80, v4, vm0, $0xb8;
	[tilespmem:$0x18400] =	vst v63  }
0x455: {  	s13 =	simm.s32 $0x11400;
	v3 =	vadd.s32 v1, v3  }
0x456: {  	[tilespmem:s13], [sflag:$0x1] =	stream.indirect_vreg.gather [hbm4b:s6+s3], $0x80, v4, vm0, $0xb8;
	[tilespmem:$0x18400] =	vst v63  }
0x457: {  	s14 =	simm.s32 $0x11C00  }
0x458: {  	[tilespmem:s14], [sflag:$0x1] =	stream.indirect_vreg.gather [hbm4b:s7+s3], $0x80, v4, vm0, $0xb8;
	[tilespmem:$0x18400] =	vst v63  }
0x459: {  	s15 =	simm.s32 $0x12400  }
0x45a: {  	[tilespmem:s15], [sflag:$0x1] =	stream.indirect_vreg.gather [hbm4b:s1+s3], $0x80, v3, vm0, $0xb8;
	[tilespmem:$0x18400] =	vst v63  }
0x45b: {  	s16 =	simm.s32 $0x12C00  }
0x45c: {  	[tilespmem:s16], [sflag:$0x1] =	stream.indirect_vreg.gather [hbm4b:s5+s3], $0x80, v3, vm0, $0xb8;
	[tilespmem:$0x18400] =	vst v63  }
0x45d: {  	s17 =	simm.s32 $0x13400  }
0x45e: {  	[tilespmem:s17], [sflag:$0x1] =	stream.indirect_vreg.gather [hbm4b:s6+s3], $0x80, v3, vm0, $0xb8;
	[tilespmem:$0x18400] =	vst v63  }
0x45f: {  	s21 =	simm.s32 $0x13C00  }
0x460: {  	[tilespmem:s21], [sflag:$0x1] =	stream.indirect_vreg.gather [hbm4b:s7+s3], $0x80, v3, vm0, $0xb8;
	[tilespmem:$0x18400] =	vst v63  }
0x461: {  	v3 =	vld [tilespmem:$0x290];
	_ =	sdelay $0x4  }
0x462: {  	v41 =	vshll.u32 v3, $0x3  }
0x463: {  	v3 =	vand.u32 $0x7, v3;
	v4 =	vand.u32 $0xFFFFFFC0, v41  }
0x464: {  	v3 =	vor.u32 v3, v4  }
0x465: {  	v4 =	vperm.xlane v3, v0;
	_ =	sdelay $0x1  }
0x466: {  	v4 =	vadd.s32 v1, v4;
	_ =	sdelay $0x3  }
0x467: {  	s21 =	simm.s32 $0x14400  }
0x468: {  	[tilespmem:s21], [sflag:$0x1] =	stream.indirect_vreg.gather [hbm4b:s1+s3], $0x80, v4, vm0, $0xb8;
	[tilespmem:$0x18400] =	vst v63  }
0x469: {  	v3 =	vperm.xlane v3, v2;
	s21 =	simm.s32 $0x14C00  }
0x46a: {  	[tilespmem:s21], [sflag:$0x1] =	stream.indirect_vreg.gather [hbm4b:s5+s3], $0x80, v4, vm0, $0xb8;
	[tilespmem:$0x18400] =	vst v63  }
0x46b: {  	s18 =	simm.s32 $0x15400;
	v3 =	vadd.s32 v1, v3  }
0x46c: {  	[tilespmem:s18], [sflag:$0x1] =	stream.indirect_vreg.gather [hbm4b:s6+s3], $0x80, v4, vm0, $0xb8;
	[tilespmem:$0x18400] =	vst v63  }
0x46d: {  	s22 =	simm.s32 $0x15C00  }
0x46e: {  	[tilespmem:s22], [sflag:$0x1] =	stream.indirect_vreg.gather [hbm4b:s7+s3], $0x80, v4, vm0, $0xb8;
	[tilespmem:$0x18400] =	vst v63  }
0x46f: {  	s23 =	simm.s32 $0x16400  }
0x470: {  	[tilespmem:s23], [sflag:$0x1] =	stream.indirect_vreg.gather [hbm4b:s1+s3], $0x80, v3, vm0, $0xb8;
	[tilespmem:$0x18400] =	vst v63  }
0x471: {  	s24 =	simm.s32 $0x16C00  }
0x472: {  	[tilespmem:s24], [sflag:$0x1] =	stream.indirect_vreg.gather [hbm4b:s5+s3], $0x80, v3, vm0, $0xb8;
	[tilespmem:$0x18400] =	vst v63  }
0x473: {  	s25 =	simm.s32 $0x17400  }
0x474: {  	[tilespmem:s25], [sflag:$0x1] =	stream.indirect_vreg.gather [hbm4b:s6+s3], $0x80, v3, vm0, $0xb8;
	[tilespmem:$0x18400] =	vst v63  }
0x475: {  	s21 =	simm.s32 $0x17C00  }
0x476: {  	[tilespmem:s21], [sflag:$0x1] =	stream.indirect_vreg.gather [hbm4b:s7+s3], $0x80, v3, vm0, $0xb8;
	[tilespmem:$0x18400] =	vst v63  }
0x477: {  	_ =	swait.ge [sflag:s19], $0x8000  }
0x478: {  	[sflag:s19] =	ssyncset.done $0x0  }
0x479: {  	s21 =	rddreg [dreg:$0x16];
	[sflag:s19] =	ssyncadd.s32 $0xFFFF8000  }
0x47a: {  	[hbm4b:s21+s3] =	stream.linear.scatter [tilespmem:s28], [sflag:$0x2], $0x8000, $0x38;
	[tilespmem:$0x18400] =	vst v63  }
0x47b: {  	_ =	swait.ge [sflag:s20], $0x8000  }
0x47c: {  	[sflag:s20] =	ssyncset.done $0x0  }
0x47d: {  	[sflag:s20] =	ssyncadd.s32 $0xFFFF8000  }
0x47e: {  	v3 =	vld [tilespmem:$0x2A0];
	_ =	sdelay $0x4  }
0x47f: {  	v42 =	vshll.u32 v3, $0x3  }
0x480: {  	v3 =	vand.u32 $0x7, v3;
	v4 =	vand.u32 $0xFFFFFFC0, v42  }
0x481: {  	v3 =	vor.u32 v3, v4  }
0x482: {  	v4 =	vperm.xlane v3, v0;
	_ =	sdelay $0x1  }
0x483: {  	v4 =	vadd.s32 v1, v4;
	_ =	sdelay $0x4  }
0x484: {  	[tilespmem:s28], [sflag:$0x1] =	stream.indirect_vreg.gather [hbm4b:s1+s3], $0x80, v4, vm0, $0xb8;
	[tilespmem:$0x18400] =	vst v63  }
0x485: {  	s21 =	simm.s32 $0xC00;
	v3 =	vperm.xlane v3, v2  }
0x486: {  	[tilespmem:s21], [sflag:$0x1] =	stream.indirect_vreg.gather [hbm4b:s5+s3], $0x80, v4, vm0, $0xb8;
	[tilespmem:$0x18400] =	vst v63  }
0x487: {  	v3 =	vadd.s32 v1, v3;
	s21 =	simm.s32 $0x1400  }
0x488: {  	[tilespmem:s21], [sflag:$0x1] =	stream.indirect_vreg.gather [hbm4b:s6+s3], $0x80, v4, vm0, $0xb8;
	[tilespmem:$0x18400] =	vst v63  }
0x489: {  	s21 =	simm.s32 $0x1C00  }
0x48a: {  	[tilespmem:s21], [sflag:$0x1] =	stream.indirect_vreg.gather [hbm4b:s7+s3], $0x80, v4, vm0, $0xb8;
	[tilespmem:$0x18400] =	vst v63  }
0x48b: {  	s21 =	simm.s32 $0x2400  }
0x48c: {  	[tilespmem:s21], [sflag:$0x1] =	stream.indirect_vreg.gather [hbm4b:s1+s3], $0x80, v3, vm0, $0xb8;
	[tilespmem:$0x18400] =	vst v63  }
0x48d: {  	s21 =	simm.s32 $0x2C00  }
0x48e: {  	[tilespmem:s21], [sflag:$0x1] =	stream.indirect_vreg.gather [hbm4b:s5+s3], $0x80, v3, vm0, $0xb8;
	[tilespmem:$0x18400] =	vst v63  }
0x48f: {  	s21 =	simm.s32 $0x3400  }
0x490: {  	[tilespmem:s21], [sflag:$0x1] =	stream.indirect_vreg.gather [hbm4b:s6+s3], $0x80, v3, vm0, $0xb8;
	[tilespmem:$0x18400] =	vst v63  }
0x491: {  	s12 =	simm.s32 $0x3C00  }
0x492: {  	[tilespmem:s12], [sflag:$0x1] =	stream.indirect_vreg.gather [hbm4b:s7+s3], $0x80, v3, vm0, $0xb8;
	[tilespmem:$0x18400] =	vst v63  }
0x493: {  	v3 =	vld [tilespmem:$0x2B0];
	_ =	sdelay $0x4  }
0x494: {  	v43 =	vshll.u32 v3, $0x3  }
0x495: {  	v3 =	vand.u32 $0x7, v3;
	v4 =	vand.u32 $0xFFFFFFC0, v43  }
0x496: {  	v3 =	vor.u32 v3, v4  }
0x497: {  	v4 =	vperm.xlane v3, v0;
	_ =	sdelay $0x1  }
0x498: {  	v4 =	vadd.s32 v1, v4;
	_ =	sdelay $0x3  }
0x499: {  	s10 =	simm.s32 $0x4400  }
0x49a: {  	[tilespmem:s10], [sflag:$0x1] =	stream.indirect_vreg.gather [hbm4b:s1+s3], $0x80, v4, vm0, $0xb8;
	[tilespmem:$0x18400] =	vst v63  }
0x49b: {  	s11 =	simm.s32 $0x4C00;
	v3 =	vperm.xlane v3, v2  }
0x49c: {  	[tilespmem:s11], [sflag:$0x1] =	stream.indirect_vreg.gather [hbm4b:s5+s3], $0x80, v4, vm0, $0xb8;
	[tilespmem:$0x18400] =	vst v63  }
0x49d: {  	s21 =	simm.s32 $0x5400;
	v3 =	vadd.s32 v1, v3  }
0x49e: {  	[tilespmem:s21], [sflag:$0x1] =	stream.indirect_vreg.gather [hbm4b:s6+s3], $0x80, v4, vm0, $0xb8;
	[tilespmem:$0x18400] =	vst v63  }
0x49f: {  	s4 =	simm.s32 $0x5C00  }
0x4a0: {  	[tilespmem:s4], [sflag:$0x1] =	stream.indirect_vreg.gather [hbm4b:s7+s3], $0x80, v4, vm0, $0xb8;
	[tilespmem:$0x18400] =	vst v63  }
0x4a1: {  	s21 =	simm.s32 $0x6400  }
0x4a2: {  	[tilespmem:s21], [sflag:$0x1] =	stream.indirect_vreg.gather [hbm4b:s1+s3], $0x80, v3, vm0, $0xb8;
	[tilespmem:$0x18400] =	vst v63  }
0x4a3: {  	s2 =	simm.s32 $0x6C00  }
0x4a4: {  	[tilespmem:s2], [sflag:$0x1] =	stream.indirect_vreg.gather [hbm4b:s5+s3], $0x80, v3, vm0, $0xb8;
	[tilespmem:$0x18400] =	vst v63  }
0x4a5: {  	s21 =	simm.s32 $0x7400  }
0x4a6: {  	[tilespmem:s21], [sflag:$0x1] =	stream.indirect_vreg.gather [hbm4b:s6+s3], $0x80, v3, vm0, $0xb8;
	[tilespmem:$0x18400] =	vst v63  }
0x4a7: {  	s8 =	simm.s32 $0x7C00  }
0x4a8: {  	[tilespmem:s8], [sflag:$0x1] =	stream.indirect_vreg.gather [hbm4b:s7+s3], $0x80, v3, vm0, $0xb8;
	[tilespmem:$0x18400] =	vst v63  }
0x4a9: {  	_ =	swait.ge [sflag:s19], $0x8000  }
0x4aa: {  	[sflag:s19] =	ssyncset.done $0x0  }
0x4ab: {  	s21 =	rddreg [dreg:$0x17];
	[sflag:s19] =	ssyncadd.s32 $0xFFFF8000  }
0x4ac: {  	[hbm4b:s21+s3] =	stream.linear.scatter [tilespmem:s26], [sflag:$0x2], $0x8000, $0x38;
	[tilespmem:$0x18400] =	vst v63  }
0x4ad: {  	_ =	swait.ge [sflag:s20], $0x8000  }
0x4ae: {  	[sflag:s20] =	ssyncset.done $0x0  }
0x4af: {  	[sflag:s20] =	ssyncadd.s32 $0xFFFF8000  }
0x4b0: {  	v3 =	vld [tilespmem:$0x2C0];
	_ =	sdelay $0x4  }
0x4b1: {  	v44 =	vshll.u32 v3, $0x3  }
0x4b2: {  	v3 =	vand.u32 $0x7, v3;
	v4 =	vand.u32 $0xFFFFFFC0, v44  }
0x4b3: {  	v3 =	vor.u32 v3, v4  }
0x4b4: {  	v4 =	vperm.xlane v3, v0;
	_ =	sdelay $0x1  }
0x4b5: {  	v4 =	vadd.s32 v1, v4;
	_ =	sdelay $0x4  }
0x4b6: {  	[tilespmem:s26], [sflag:$0x1] =	stream.indirect_vreg.gather [hbm4b:s1+s3], $0x80, v4, vm0, $0xb8;
	[tilespmem:$0x18400] =	vst v63  }
0x4b7: {  	s21 =	simm.s32 $0x8C00;
	v3 =	vperm.xlane v3, v2  }
0x4b8: {  	[tilespmem:s21], [sflag:$0x1] =	stream.indirect_vreg.gather [hbm4b:s5+s3], $0x80, v4, vm0, $0xb8;
	[tilespmem:$0x18400] =	vst v63  }
0x4b9: {  	s0 =	simm.s32 $0x9400;
	v3 =	vadd.s32 v1, v3  }
0x4ba: {  	[tilespmem:s0], [sflag:$0x1] =	stream.indirect_vreg.gather [hbm4b:s6+s3], $0x80, v4, vm0, $0xb8;
	[tilespmem:$0x18400] =	vst v63  }
0x4bb: {  	s9 =	simm.s32 $0x9C00  }
0x4bc: {  	[tilespmem:s9], [sflag:$0x1] =	stream.indirect_vreg.gather [hbm4b:s7+s3], $0x80, v4, vm0, $0xb8;
	[tilespmem:$0x18400] =	vst v63  }
0x4bd: {  	s21 =	simm.s32 $0xA400  }
0x4be: {  	[tilespmem:s21], [sflag:$0x1] =	stream.indirect_vreg.gather [hbm4b:s1+s3], $0x80, v3, vm0, $0xb8;
	[tilespmem:$0x18400] =	vst v63  }
0x4bf: {  	s30 =	simm.s32 $0xAC00  }
0x4c0: {  	[tilespmem:s30], [sflag:$0x1] =	stream.indirect_vreg.gather [hbm4b:s5+s3], $0x80, v3, vm0, $0xb8;
	[tilespmem:$0x18400] =	vst v63  }
0x4c1: {  	s21 =	simm.s32 $0xB400  }
0x4c2: {  	[tilespmem:s21], [sflag:$0x1] =	stream.indirect_vreg.gather [hbm4b:s6+s3], $0x80, v3, vm0, $0xb8;
	[tilespmem:$0x18400] =	vst v63  }
0x4c3: {  	s21 =	simm.s32 $0xBC00  }
0x4c4: {  	[tilespmem:s21], [sflag:$0x1] =	stream.indirect_vreg.gather [hbm4b:s7+s3], $0x80, v3, vm0, $0xb8;
	[tilespmem:$0x18400] =	vst v63  }
0x4c5: {  	v3 =	vld [tilespmem:$0x2D0];
	_ =	sdelay $0x4  }
0x4c6: {  	v45 =	vshll.u32 v3, $0x3  }
0x4c7: {  	v3 =	vand.u32 $0x7, v3;
	v4 =	vand.u32 $0xFFFFFFC0, v45  }
0x4c8: {  	v3 =	vor.u32 v3, v4  }
0x4c9: {  	v4 =	vperm.xlane v3, v0;
	_ =	sdelay $0x1  }
0x4ca: {  	v4 =	vadd.s32 v1, v4;
	_ =	sdelay $0x3  }
0x4cb: {  	s21 =	simm.s32 $0xC400  }
0x4cc: {  	[tilespmem:s21], [sflag:$0x1] =	stream.indirect_vreg.gather [hbm4b:s1+s3], $0x80, v4, vm0, $0xb8;
	[tilespmem:$0x18400] =	vst v63  }
0x4cd: {  	v3 =	vperm.xlane v3, v2;
	s21 =	simm.s32 $0xCC00  }
0x4ce: {  	[tilespmem:s21], [sflag:$0x1] =	stream.indirect_vreg.gather [hbm4b:s5+s3], $0x80, v4, vm0, $0xb8;
	[tilespmem:$0x18400] =	vst v63  }
0x4cf: {  	s31 =	simm.s32 $0xD400;
	v3 =	vadd.s32 v1, v3  }
0x4d0: {  	[tilespmem:s31], [sflag:$0x1] =	stream.indirect_vreg.gather [hbm4b:s6+s3], $0x80, v4, vm0, $0xb8;
	[tilespmem:$0x18400] =	vst v63  }
0x4d1: {  	s21 =	simm.s32 $0xDC00  }
0x4d2: {  	[tilespmem:s21], [sflag:$0x1] =	stream.indirect_vreg.gather [hbm4b:s7+s3], $0x80, v4, vm0, $0xb8;
	[tilespmem:$0x18400] =	vst v63  }
0x4d3: {  	s21 =	simm.s32 $0xE400  }
0x4d4: {  	[tilespmem:s21], [sflag:$0x1] =	stream.indirect_vreg.gather [hbm4b:s1+s3], $0x80, v3, vm0, $0xb8;
	[tilespmem:$0x18400] =	vst v63  }
0x4d5: {  	s21 =	simm.s32 $0xEC00  }
0x4d6: {  	[tilespmem:s21], [sflag:$0x1] =	stream.indirect_vreg.gather [hbm4b:s5+s3], $0x80, v3, vm0, $0xb8;
	[tilespmem:$0x18400] =	vst v63  }
0x4d7: {  	s21 =	simm.s32 $0xF400  }
0x4d8: {  	[tilespmem:s21], [sflag:$0x1] =	stream.indirect_vreg.gather [hbm4b:s6+s3], $0x80, v3, vm0, $0xb8;
	[tilespmem:$0x18400] =	vst v63  }
0x4d9: {  	s21 =	simm.s32 $0xFC00  }
0x4da: {  	[tilespmem:s21], [sflag:$0x1] =	stream.indirect_vreg.gather [hbm4b:s7+s3], $0x80, v3, vm0, $0xb8;
	[tilespmem:$0x18400] =	vst v63  }
0x4db: {  	_ =	swait.ge [sflag:s19], $0x8000  }
0x4dc: {  	[sflag:s19] =	ssyncset.done $0x0  }
0x4dd: {  	s21 =	rddreg [dreg:$0x18];
	[sflag:s19] =	ssyncadd.s32 $0xFFFF8000  }
0x4de: {  	[hbm4b:s21+s3] =	stream.linear.scatter [tilespmem:s29], [sflag:$0x2], $0x8000, $0x38;
	[tilespmem:$0x18400] =	vst v63  }
0x4df: {  	_ =	swait.ge [sflag:s20], $0x8000  }
0x4e0: {  	[sflag:s20] =	ssyncset.done $0x0  }
0x4e1: {  	[sflag:s20] =	ssyncadd.s32 $0xFFFF8000  }
0x4e2: {  	v3 =	vld [tilespmem:$0x2E0];
	_ =	sdelay $0x4  }
0x4e3: {  	v46 =	vshll.u32 v3, $0x3  }
0x4e4: {  	v3 =	vand.u32 $0x7, v3;
	v4 =	vand.u32 $0xFFFFFFC0, v46  }
0x4e5: {  	v3 =	vor.u32 v3, v4  }
0x4e6: {  	v4 =	vperm.xlane v3, v0;
	_ =	sdelay $0x1  }
0x4e7: {  	v4 =	vadd.s32 v1, v4;
	_ =	sdelay $0x4  }
0x4e8: {  	[tilespmem:s29], [sflag:$0x1] =	stream.indirect_vreg.gather [hbm4b:s1+s3], $0x80, v4, vm0, $0xb8;
	[tilespmem:$0x18400] =	vst v63  }
0x4e9: {  	s21 =	simm.s32 $0x10C00;
	v3 =	vperm.xlane v3, v2  }
0x4ea: {  	[tilespmem:s21], [sflag:$0x1] =	stream.indirect_vreg.gather [hbm4b:s5+s3], $0x80, v4, vm0, $0xb8;
	[tilespmem:$0x18400] =	vst v63  }
0x4eb: {  	s13 =	simm.s32 $0x11400;
	v3 =	vadd.s32 v1, v3  }
0x4ec: {  	[tilespmem:s13], [sflag:$0x1] =	stream.indirect_vreg.gather [hbm4b:s6+s3], $0x80, v4, vm0, $0xb8;
	[tilespmem:$0x18400] =	vst v63  }
0x4ed: {  	s14 =	simm.s32 $0x11C00  }
0x4ee: {  	[tilespmem:s14], [sflag:$0x1] =	stream.indirect_vreg.gather [hbm4b:s7+s3], $0x80, v4, vm0, $0xb8;
	[tilespmem:$0x18400] =	vst v63  }
0x4ef: {  	s15 =	simm.s32 $0x12400  }
0x4f0: {  	[tilespmem:s15], [sflag:$0x1] =	stream.indirect_vreg.gather [hbm4b:s1+s3], $0x80, v3, vm0, $0xb8;
	[tilespmem:$0x18400] =	vst v63  }
0x4f1: {  	s16 =	simm.s32 $0x12C00  }
0x4f2: {  	[tilespmem:s16], [sflag:$0x1] =	stream.indirect_vreg.gather [hbm4b:s5+s3], $0x80, v3, vm0, $0xb8;
	[tilespmem:$0x18400] =	vst v63  }
0x4f3: {  	s17 =	simm.s32 $0x13400  }
0x4f4: {  	[tilespmem:s17], [sflag:$0x1] =	stream.indirect_vreg.gather [hbm4b:s6+s3], $0x80, v3, vm0, $0xb8;
	[tilespmem:$0x18400] =	vst v63  }
0x4f5: {  	s21 =	simm.s32 $0x13C00  }
0x4f6: {  	[tilespmem:s21], [sflag:$0x1] =	stream.indirect_vreg.gather [hbm4b:s7+s3], $0x80, v3, vm0, $0xb8;
	[tilespmem:$0x18400] =	vst v63  }
0x4f7: {  	v3 =	vld [tilespmem:$0x2F0];
	_ =	sdelay $0x4  }
0x4f8: {  	v47 =	vshll.u32 v3, $0x3  }
0x4f9: {  	v3 =	vand.u32 $0x7, v3;
	v4 =	vand.u32 $0xFFFFFFC0, v47  }
0x4fa: {  	v3 =	vor.u32 v3, v4  }
0x4fb: {  	v4 =	vperm.xlane v3, v0;
	_ =	sdelay $0x1  }
0x4fc: {  	v4 =	vadd.s32 v1, v4;
	_ =	sdelay $0x3  }
0x4fd: {  	s21 =	simm.s32 $0x14400  }
0x4fe: {  	[tilespmem:s21], [sflag:$0x1] =	stream.indirect_vreg.gather [hbm4b:s1+s3], $0x80, v4, vm0, $0xb8;
	[tilespmem:$0x18400] =	vst v63  }
0x4ff: {  	v3 =	vperm.xlane v3, v2;
	s21 =	simm.s32 $0x14C00  }
0x500: {  	[tilespmem:s21], [sflag:$0x1] =	stream.indirect_vreg.gather [hbm4b:s5+s3], $0x80, v4, vm0, $0xb8;
	[tilespmem:$0x18400] =	vst v63  }
0x501: {  	s18 =	simm.s32 $0x15400;
	v3 =	vadd.s32 v1, v3  }
0x502: {  	[tilespmem:s18], [sflag:$0x1] =	stream.indirect_vreg.gather [hbm4b:s6+s3], $0x80, v4, vm0, $0xb8;
	[tilespmem:$0x18400] =	vst v63  }
0x503: {  	s22 =	simm.s32 $0x15C00  }
0x504: {  	[tilespmem:s22], [sflag:$0x1] =	stream.indirect_vreg.gather [hbm4b:s7+s3], $0x80, v4, vm0, $0xb8;
	[tilespmem:$0x18400] =	vst v63  }
0x505: {  	s23 =	simm.s32 $0x16400  }
0x506: {  	[tilespmem:s23], [sflag:$0x1] =	stream.indirect_vreg.gather [hbm4b:s1+s3], $0x80, v3, vm0, $0xb8;
	[tilespmem:$0x18400] =	vst v63  }
0x507: {  	s24 =	simm.s32 $0x16C00  }
0x508: {  	[tilespmem:s24], [sflag:$0x1] =	stream.indirect_vreg.gather [hbm4b:s5+s3], $0x80, v3, vm0, $0xb8;
	[tilespmem:$0x18400] =	vst v63  }
0x509: {  	s25 =	simm.s32 $0x17400  }
0x50a: {  	[tilespmem:s25], [sflag:$0x1] =	stream.indirect_vreg.gather [hbm4b:s6+s3], $0x80, v3, vm0, $0xb8;
	[tilespmem:$0x18400] =	vst v63  }
0x50b: {  	s21 =	simm.s32 $0x17C00  }
0x50c: {  	[tilespmem:s21], [sflag:$0x1] =	stream.indirect_vreg.gather [hbm4b:s7+s3], $0x80, v3, vm0, $0xb8;
	[tilespmem:$0x18400] =	vst v63  }
0x50d: {  	_ =	swait.ge [sflag:s19], $0x8000  }
0x50e: {  	[sflag:s19] =	ssyncset.done $0x0  }
0x50f: {  	s21 =	rddreg [dreg:$0x19];
	[sflag:s19] =	ssyncadd.s32 $0xFFFF8000  }
0x510: {  	[hbm4b:s21+s3] =	stream.linear.scatter [tilespmem:s28], [sflag:$0x2], $0x8000, $0x38;
	[tilespmem:$0x18400] =	vst v63  }
0x511: {  	_ =	swait.ge [sflag:s20], $0x8000  }
0x512: {  	[sflag:s20] =	ssyncset.done $0x0  }
0x513: {  	[sflag:s20] =	ssyncadd.s32 $0xFFFF8000  }
0x514: {  	v3 =	vld [tilespmem:$0x300];
	_ =	sdelay $0x4  }
0x515: {  	v48 =	vshll.u32 v3, $0x3  }
0x516: {  	v3 =	vand.u32 $0x7, v3;
	v4 =	vand.u32 $0xFFFFFFC0, v48  }
0x517: {  	v3 =	vor.u32 v3, v4  }
0x518: {  	v4 =	vperm.xlane v3, v0;
	_ =	sdelay $0x1  }
0x519: {  	v4 =	vadd.s32 v1, v4;
	_ =	sdelay $0x4  }
0x51a: {  	[tilespmem:s28], [sflag:$0x1] =	stream.indirect_vreg.gather [hbm4b:s1+s3], $0x80, v4, vm0, $0xb8;
	[tilespmem:$0x18400] =	vst v63  }
0x51b: {  	s21 =	simm.s32 $0xC00;
	v3 =	vperm.xlane v3, v2  }
0x51c: {  	[tilespmem:s21], [sflag:$0x1] =	stream.indirect_vreg.gather [hbm4b:s5+s3], $0x80, v4, vm0, $0xb8;
	[tilespmem:$0x18400] =	vst v63  }
0x51d: {  	v3 =	vadd.s32 v1, v3;
	s21 =	simm.s32 $0x1400  }
0x51e: {  	[tilespmem:s21], [sflag:$0x1] =	stream.indirect_vreg.gather [hbm4b:s6+s3], $0x80, v4, vm0, $0xb8;
	[tilespmem:$0x18400] =	vst v63  }
0x51f: {  	s21 =	simm.s32 $0x1C00  }
0x520: {  	[tilespmem:s21], [sflag:$0x1] =	stream.indirect_vreg.gather [hbm4b:s7+s3], $0x80, v4, vm0, $0xb8;
	[tilespmem:$0x18400] =	vst v63  }
0x521: {  	s21 =	simm.s32 $0x2400  }
0x522: {  	[tilespmem:s21], [sflag:$0x1] =	stream.indirect_vreg.gather [hbm4b:s1+s3], $0x80, v3, vm0, $0xb8;
	[tilespmem:$0x18400] =	vst v63  }
0x523: {  	s21 =	simm.s32 $0x2C00  }
0x524: {  	[tilespmem:s21], [sflag:$0x1] =	stream.indirect_vreg.gather [hbm4b:s5+s3], $0x80, v3, vm0, $0xb8;
	[tilespmem:$0x18400] =	vst v63  }
0x525: {  	s21 =	simm.s32 $0x3400  }
0x526: {  	[tilespmem:s21], [sflag:$0x1] =	stream.indirect_vreg.gather [hbm4b:s6+s3], $0x80, v3, vm0, $0xb8;
	[tilespmem:$0x18400] =	vst v63  }
0x527: {  	s12 =	simm.s32 $0x3C00  }
0x528: {  	[tilespmem:s12], [sflag:$0x1] =	stream.indirect_vreg.gather [hbm4b:s7+s3], $0x80, v3, vm0, $0xb8;
	[tilespmem:$0x18400] =	vst v63  }
0x529: {  	v3 =	vld [tilespmem:$0x310];
	_ =	sdelay $0x4  }
0x52a: {  	v49 =	vshll.u32 v3, $0x3  }
0x52b: {  	v3 =	vand.u32 $0x7, v3;
	v4 =	vand.u32 $0xFFFFFFC0, v49  }
0x52c: {  	v3 =	vor.u32 v3, v4  }
0x52d: {  	v4 =	vperm.xlane v3, v0;
	_ =	sdelay $0x1  }
0x52e: {  	v4 =	vadd.s32 v1, v4;
	_ =	sdelay $0x3  }
0x52f: {  	s10 =	simm.s32 $0x4400  }
0x530: {  	[tilespmem:s10], [sflag:$0x1] =	stream.indirect_vreg.gather [hbm4b:s1+s3], $0x80, v4, vm0, $0xb8;
	[tilespmem:$0x18400] =	vst v63  }
0x531: {  	s11 =	simm.s32 $0x4C00;
	v3 =	vperm.xlane v3, v2  }
0x532: {  	[tilespmem:s11], [sflag:$0x1] =	stream.indirect_vreg.gather [hbm4b:s5+s3], $0x80, v4, vm0, $0xb8;
	[tilespmem:$0x18400] =	vst v63  }
0x533: {  	s21 =	simm.s32 $0x5400;
	v3 =	vadd.s32 v1, v3  }
0x534: {  	[tilespmem:s21], [sflag:$0x1] =	stream.indirect_vreg.gather [hbm4b:s6+s3], $0x80, v4, vm0, $0xb8;
	[tilespmem:$0x18400] =	vst v63  }
0x535: {  	s4 =	simm.s32 $0x5C00  }
0x536: {  	[tilespmem:s4], [sflag:$0x1] =	stream.indirect_vreg.gather [hbm4b:s7+s3], $0x80, v4, vm0, $0xb8;
	[tilespmem:$0x18400] =	vst v63  }
0x537: {  	s11 =	simm.s32 $0x6400  }
0x538: {  	[tilespmem:s11], [sflag:$0x1] =	stream.indirect_vreg.gather [hbm4b:s1+s3], $0x80, v3, vm0, $0xb8;
	[tilespmem:$0x18400] =	vst v63  }
0x539: {  	s2 =	simm.s32 $0x6C00  }
0x53a: {  	[tilespmem:s2], [sflag:$0x1] =	stream.indirect_vreg.gather [hbm4b:s5+s3], $0x80, v3, vm0, $0xb8;
	[tilespmem:$0x18400] =	vst v63  }
0x53b: {  	s21 =	simm.s32 $0x7400  }
0x53c: {  	[tilespmem:s21], [sflag:$0x1] =	stream.indirect_vreg.gather [hbm4b:s6+s3], $0x80, v3, vm0, $0xb8;
	[tilespmem:$0x18400] =	vst v63  }
0x53d: {  	s8 =	simm.s32 $0x7C00  }
0x53e: {  	[tilespmem:s8], [sflag:$0x1] =	stream.indirect_vreg.gather [hbm4b:s7+s3], $0x80, v3, vm0, $0xb8;
	[tilespmem:$0x18400] =	vst v63  }
0x53f: {  	_ =	swait.ge [sflag:s19], $0x8000  }
0x540: {  	[sflag:s19] =	ssyncset.done $0x0  }
0x541: {  	s4 =	rddreg [dreg:$0x1a];
	[sflag:s19] =	ssyncadd.s32 $0xFFFF8000  }
0x542: {  	[hbm4b:s4+s3] =	stream.linear.scatter [tilespmem:s26], [sflag:$0x2], $0x8000, $0x38;
	[tilespmem:$0x18400] =	vst v63  }
0x543: {  	_ =	swait.ge [sflag:s20], $0x8000  }
0x544: {  	[sflag:s20] =	ssyncset.done $0x0  }
0x545: {  	[sflag:s20] =	ssyncadd.s32 $0xFFFF8000  }
0x546: {  	v3 =	vld [tilespmem:$0x320];
	_ =	sdelay $0x4  }
0x547: {  	v50 =	vshll.u32 v3, $0x3  }
0x548: {  	v3 =	vand.u32 $0x7, v3;
	v4 =	vand.u32 $0xFFFFFFC0, v50  }
0x549: {  	v3 =	vor.u32 v3, v4  }
0x54a: {  	v4 =	vperm.xlane v3, v0;
	_ =	sdelay $0x1  }
0x54b: {  	v4 =	vadd.s32 v1, v4;
	_ =	sdelay $0x4  }
0x54c: {  	[tilespmem:s26], [sflag:$0x1] =	stream.indirect_vreg.gather [hbm4b:s1+s3], $0x80, v4, vm0, $0xb8;
	[tilespmem:$0x18400] =	vst v63  }
0x54d: {  	s8 =	simm.s32 $0x8C00;
	v3 =	vperm.xlane v3, v2  }
0x54e: {  	[tilespmem:s8], [sflag:$0x1] =	stream.indirect_vreg.gather [hbm4b:s5+s3], $0x80, v4, vm0, $0xb8;
	[tilespmem:$0x18400] =	vst v63  }
0x54f: {  	s0 =	simm.s32 $0x9400;
	v3 =	vadd.s32 v1, v3  }
0x550: {  	[tilespmem:s0], [sflag:$0x1] =	stream.indirect_vreg.gather [hbm4b:s6+s3], $0x80, v4, vm0, $0xb8;
	[tilespmem:$0x18400] =	vst v63  }
0x551: {  	s9 =	simm.s32 $0x9C00  }
0x552: {  	[tilespmem:s9], [sflag:$0x1] =	stream.indirect_vreg.gather [hbm4b:s7+s3], $0x80, v4, vm0, $0xb8;
	[tilespmem:$0x18400] =	vst v63  }
0x553: {  	s9 =	simm.s32 $0xA400  }
0x554: {  	[tilespmem:s9], [sflag:$0x1] =	stream.indirect_vreg.gather [hbm4b:s1+s3], $0x80, v3, vm0, $0xb8;
	[tilespmem:$0x18400] =	vst v63  }
0x555: {  	s30 =	simm.s32 $0xAC00  }
0x556: {  	[tilespmem:s30], [sflag:$0x1] =	stream.indirect_vreg.gather [hbm4b:s5+s3], $0x80, v3, vm0, $0xb8;
	[tilespmem:$0x18400] =	vst v63  }
0x557: {  	s21 =	simm.s32 $0xB400  }
0x558: {  	[tilespmem:s21], [sflag:$0x1] =	stream.indirect_vreg.gather [hbm4b:s6+s3], $0x80, v3, vm0, $0xb8;
	[tilespmem:$0x18400] =	vst v63  }
0x559: {  	s30 =	simm.s32 $0xBC00  }
0x55a: {  	[tilespmem:s30], [sflag:$0x1] =	stream.indirect_vreg.gather [hbm4b:s7+s3], $0x80, v3, vm0, $0xb8;
	[tilespmem:$0x18400] =	vst v63  }
0x55b: {  	v3 =	vld [tilespmem:$0x330];
	_ =	sdelay $0x4  }
0x55c: {  	v51 =	vshll.u32 v3, $0x3  }
0x55d: {  	v3 =	vand.u32 $0x7, v3;
	v4 =	vand.u32 $0xFFFFFFC0, v51  }
0x55e: {  	v3 =	vor.u32 v3, v4  }
0x55f: {  	v4 =	vperm.xlane v3, v0;
	_ =	sdelay $0x1  }
0x560: {  	v4 =	vadd.s32 v1, v4;
	_ =	sdelay $0x3  }
0x561: {  	s4 =	simm.s32 $0xC400  }
0x562: {  	[tilespmem:s4], [sflag:$0x1] =	stream.indirect_vreg.gather [hbm4b:s1+s3], $0x80, v4, vm0, $0xb8;
	[tilespmem:$0x18400] =	vst v63  }
0x563: {  	s8 =	simm.s32 $0xCC00;
	v3 =	vperm.xlane v3, v2  }
0x564: {  	[tilespmem:s8], [sflag:$0x1] =	stream.indirect_vreg.gather [hbm4b:s5+s3], $0x80, v4, vm0, $0xb8;
	[tilespmem:$0x18400] =	vst v63  }
0x565: {  	s31 =	simm.s32 $0xD400;
	v3 =	vadd.s32 v1, v3  }
0x566: {  	[tilespmem:s31], [sflag:$0x1] =	stream.indirect_vreg.gather [hbm4b:s6+s3], $0x80, v4, vm0, $0xb8;
	[tilespmem:$0x18400] =	vst v63  }
0x567: {  	s9 =	simm.s32 $0xDC00  }
0x568: {  	[tilespmem:s9], [sflag:$0x1] =	stream.indirect_vreg.gather [hbm4b:s7+s3], $0x80, v4, vm0, $0xb8;
	[tilespmem:$0x18400] =	vst v63  }
0x569: {  	s21 =	simm.s32 $0xE400  }
0x56a: {  	[tilespmem:s21], [sflag:$0x1] =	stream.indirect_vreg.gather [hbm4b:s1+s3], $0x80, v3, vm0, $0xb8;
	[tilespmem:$0x18400] =	vst v63  }
0x56b: {  	s30 =	simm.s32 $0xEC00  }
0x56c: {  	[tilespmem:s30], [sflag:$0x1] =	stream.indirect_vreg.gather [hbm4b:s5+s3], $0x80, v3, vm0, $0xb8;
	[tilespmem:$0x18400] =	vst v63  }
0x56d: {  	s31 =	simm.s32 $0xF400  }
0x56e: {  	[tilespmem:s31], [sflag:$0x1] =	stream.indirect_vreg.gather [hbm4b:s6+s3], $0x80, v3, vm0, $0xb8;
	[tilespmem:$0x18400] =	vst v63  }
0x56f: {  	s4 =	simm.s32 $0xFC00  }
0x570: {  	[tilespmem:s4], [sflag:$0x1] =	stream.indirect_vreg.gather [hbm4b:s7+s3], $0x80, v3, vm0, $0xb8;
	[tilespmem:$0x18400] =	vst v63  }
0x571: {  	_ =	swait.ge [sflag:s19], $0x8000  }
0x572: {  	[sflag:s19] =	ssyncset.done $0x0  }
0x573: {  	s8 =	rddreg [dreg:$0x1b];
	[sflag:s19] =	ssyncadd.s32 $0xFFFF8000  }
0x574: {  	[hbm4b:s8+s3] =	stream.linear.scatter [tilespmem:s29], [sflag:$0x2], $0x8000, $0x38;
	[tilespmem:$0x18400] =	vst v63  }
0x575: {  	_ =	swait.ge [sflag:s20], $0x8000  }
0x576: {  	[sflag:s20] =	ssyncset.done $0x0  }
0x577: {  	[sflag:s20] =	ssyncadd.s32 $0xFFFF8000  }
0x578: {  	v3 =	vld [tilespmem:$0x340];
	_ =	sdelay $0x4  }
0x579: {  	v52 =	vshll.u32 v3, $0x3  }
0x57a: {  	v3 =	vand.u32 $0x7, v3;
	v4 =	vand.u32 $0xFFFFFFC0, v52  }
0x57b: {  	v3 =	vor.u32 v3, v4  }
0x57c: {  	v4 =	vperm.xlane v3, v0;
	_ =	sdelay $0x1  }
0x57d: {  	v4 =	vadd.s32 v1, v4;
	_ =	sdelay $0x4  }
0x57e: {  	[tilespmem:s29], [sflag:$0x1] =	stream.indirect_vreg.gather [hbm4b:s1+s3], $0x80, v4, vm0, $0xb8;
	[tilespmem:$0x18400] =	vst v63  }
0x57f: {  	s9 =	simm.s32 $0x10C00;
	v3 =	vperm.xlane v3, v2  }
0x580: {  	[tilespmem:s9], [sflag:$0x1] =	stream.indirect_vreg.gather [hbm4b:s5+s3], $0x80, v4, vm0, $0xb8;
	[tilespmem:$0x18400] =	vst v63  }
0x581: {  	s13 =	simm.s32 $0x11400;
	v3 =	vadd.s32 v1, v3  }
0x582: {  	[tilespmem:s13], [sflag:$0x1] =	stream.indirect_vreg.gather [hbm4b:s6+s3], $0x80, v4, vm0, $0xb8;
	[tilespmem:$0x18400] =	vst v63  }
0x583: {  	s14 =	simm.s32 $0x11C00  }
0x584: {  	[tilespmem:s14], [sflag:$0x1] =	stream.indirect_vreg.gather [hbm4b:s7+s3], $0x80, v4, vm0, $0xb8;
	[tilespmem:$0x18400] =	vst v63  }
0x585: {  	s15 =	simm.s32 $0x12400  }
0x586: {  	[tilespmem:s15], [sflag:$0x1] =	stream.indirect_vreg.gather [hbm4b:s1+s3], $0x80, v3, vm0, $0xb8;
	[tilespmem:$0x18400] =	vst v63  }
0x587: {  	s16 =	simm.s32 $0x12C00  }
0x588: {  	[tilespmem:s16], [sflag:$0x1] =	stream.indirect_vreg.gather [hbm4b:s5+s3], $0x80, v3, vm0, $0xb8;
	[tilespmem:$0x18400] =	vst v63  }
0x589: {  	s17 =	simm.s32 $0x13400  }
0x58a: {  	[tilespmem:s17], [sflag:$0x1] =	stream.indirect_vreg.gather [hbm4b:s6+s3], $0x80, v3, vm0, $0xb8;
	[tilespmem:$0x18400] =	vst v63  }
0x58b: {  	s21 =	simm.s32 $0x13C00  }
0x58c: {  	[tilespmem:s21], [sflag:$0x1] =	stream.indirect_vreg.gather [hbm4b:s7+s3], $0x80, v3, vm0, $0xb8;
	[tilespmem:$0x18400] =	vst v63  }
0x58d: {  	v3 =	vld [tilespmem:$0x350];
	_ =	sdelay $0x4  }
0x58e: {  	v53 =	vshll.u32 v3, $0x3  }
0x58f: {  	v3 =	vand.u32 $0x7, v3;
	v4 =	vand.u32 $0xFFFFFFC0, v53  }
0x590: {  	v3 =	vor.u32 v3, v4  }
0x591: {  	v4 =	vperm.xlane v3, v0;
	_ =	sdelay $0x1  }
0x592: {  	v4 =	vadd.s32 v1, v4;
	_ =	sdelay $0x3  }
0x593: {  	s30 =	simm.s32 $0x14400  }
0x594: {  	[tilespmem:s30], [sflag:$0x1] =	stream.indirect_vreg.gather [hbm4b:s1+s3], $0x80, v4, vm0, $0xb8;
	[tilespmem:$0x18400] =	vst v63  }
0x595: {  	s31 =	simm.s32 $0x14C00;
	v3 =	vperm.xlane v3, v2  }
0x596: {  	[tilespmem:s31], [sflag:$0x1] =	stream.indirect_vreg.gather [hbm4b:s5+s3], $0x80, v4, vm0, $0xb8;
	[tilespmem:$0x18400] =	vst v63  }
0x597: {  	s18 =	simm.s32 $0x15400;
	v3 =	vadd.s32 v1, v3  }
0x598: {  	[tilespmem:s18], [sflag:$0x1] =	stream.indirect_vreg.gather [hbm4b:s6+s3], $0x80, v4, vm0, $0xb8;
	[tilespmem:$0x18400] =	vst v63  }
0x599: {  	s22 =	simm.s32 $0x15C00  }
0x59a: {  	[tilespmem:s22], [sflag:$0x1] =	stream.indirect_vreg.gather [hbm4b:s7+s3], $0x80, v4, vm0, $0xb8;
	[tilespmem:$0x18400] =	vst v63  }
0x59b: {  	s23 =	simm.s32 $0x16400  }
0x59c: {  	[tilespmem:s23], [sflag:$0x1] =	stream.indirect_vreg.gather [hbm4b:s1+s3], $0x80, v3, vm0, $0xb8;
	[tilespmem:$0x18400] =	vst v63  }
0x59d: {  	s24 =	simm.s32 $0x16C00  }
0x59e: {  	[tilespmem:s24], [sflag:$0x1] =	stream.indirect_vreg.gather [hbm4b:s5+s3], $0x80, v3, vm0, $0xb8;
	[tilespmem:$0x18400] =	vst v63  }
0x59f: {  	s25 =	simm.s32 $0x17400  }
0x5a0: {  	[tilespmem:s25], [sflag:$0x1] =	stream.indirect_vreg.gather [hbm4b:s6+s3], $0x80, v3, vm0, $0xb8;
	[tilespmem:$0x18400] =	vst v63  }
0x5a1: {  	s8 =	simm.s32 $0x17C00  }
0x5a2: {  	[tilespmem:s8], [sflag:$0x1] =	stream.indirect_vreg.gather [hbm4b:s7+s3], $0x80, v3, vm0, $0xb8;
	[tilespmem:$0x18400] =	vst v63  }
0x5a3: {  	_ =	swait.ge [sflag:s19], $0x8000  }
0x5a4: {  	[sflag:s19] =	ssyncset.done $0x0  }
0x5a5: {  	s9 =	rddreg [dreg:$0x1c];
	[sflag:s19] =	ssyncadd.s32 $0xFFFF8000  }
0x5a6: {  	[hbm4b:s9+s3] =	stream.linear.scatter [tilespmem:s28], [sflag:$0x2], $0x8000, $0x38;
	[tilespmem:$0x18400] =	vst v63  }
0x5a7: {  	_ =	swait.ge [sflag:s20], $0x8000  }
0x5a8: {  	[sflag:s20] =	ssyncset.done $0x0  }
0x5a9: {  	[sflag:s20] =	ssyncadd.s32 $0xFFFF8000  }
0x5aa: {  	v3 =	vld [tilespmem:$0x360];
	_ =	sdelay $0x4  }
0x5ab: {  	v54 =	vshll.u32 v3, $0x3  }
0x5ac: {  	v3 =	vand.u32 $0x7, v3;
	v4 =	vand.u32 $0xFFFFFFC0, v54  }
0x5ad: {  	v3 =	vor.u32 v3, v4  }
0x5ae: {  	v4 =	vperm.xlane v3, v0;
	_ =	sdelay $0x1  }
0x5af: {  	v4 =	vadd.s32 v1, v4;
	_ =	sdelay $0x4  }
0x5b0: {  	[tilespmem:s28], [sflag:$0x1] =	stream.indirect_vreg.gather [hbm4b:s1+s3], $0x80, v4, vm0, $0xb8;
	[tilespmem:$0x18400] =	vst v63  }
0x5b1: {  	s25 =	simm.s32 $0xC00;
	v3 =	vperm.xlane v3, v2  }
0x5b2: {  	[tilespmem:s25], [sflag:$0x1] =	stream.indirect_vreg.gather [hbm4b:s5+s3], $0x80, v4, vm0, $0xb8;
	[tilespmem:$0x18400] =	vst v63  }
0x5b3: {  	s30 =	simm.s32 $0x1400;
	v3 =	vadd.s32 v1, v3  }
0x5b4: {  	[tilespmem:s30], [sflag:$0x1] =	stream.indirect_vreg.gather [hbm4b:s6+s3], $0x80, v4, vm0, $0xb8;
	[tilespmem:$0x18400] =	vst v63  }
0x5b5: {  	s31 =	simm.s32 $0x1C00  }
0x5b6: {  	[tilespmem:s31], [sflag:$0x1] =	stream.indirect_vreg.gather [hbm4b:s7+s3], $0x80, v4, vm0, $0xb8;
	[tilespmem:$0x18400] =	vst v63  }
0x5b7: {  	s9 =	simm.s32 $0x2400  }
0x5b8: {  	[tilespmem:s9], [sflag:$0x1] =	stream.indirect_vreg.gather [hbm4b:s1+s3], $0x80, v3, vm0, $0xb8;
	[tilespmem:$0x18400] =	vst v63  }
0x5b9: {  	s21 =	simm.s32 $0x2C00  }
0x5ba: {  	[tilespmem:s21], [sflag:$0x1] =	stream.indirect_vreg.gather [hbm4b:s5+s3], $0x80, v3, vm0, $0xb8;
	[tilespmem:$0x18400] =	vst v63  }
0x5bb: {  	s25 =	simm.s32 $0x3400  }
0x5bc: {  	[tilespmem:s25], [sflag:$0x1] =	stream.indirect_vreg.gather [hbm4b:s6+s3], $0x80, v3, vm0, $0xb8;
	[tilespmem:$0x18400] =	vst v63  }
0x5bd: {  	s12 =	simm.s32 $0x3C00  }
0x5be: {  	[tilespmem:s12], [sflag:$0x1] =	stream.indirect_vreg.gather [hbm4b:s7+s3], $0x80, v3, vm0, $0xb8;
	[tilespmem:$0x18400] =	vst v63  }
0x5bf: {  	v3 =	vld [tilespmem:$0x370];
	_ =	sdelay $0x4  }
0x5c0: {  	v55 =	vshll.u32 v3, $0x3  }
0x5c1: {  	v3 =	vand.u32 $0x7, v3;
	v4 =	vand.u32 $0xFFFFFFC0, v55  }
0x5c2: {  	v3 =	vor.u32 v3, v4  }
0x5c3: {  	v4 =	vperm.xlane v3, v0;
	_ =	sdelay $0x1  }
0x5c4: {  	v4 =	vadd.s32 v1, v4;
	_ =	sdelay $0x3  }
0x5c5: {  	s30 =	simm.s32 $0x4400  }
0x5c6: {  	[tilespmem:s30], [sflag:$0x1] =	stream.indirect_vreg.gather [hbm4b:s1+s3], $0x80, v4, vm0, $0xb8;
	[tilespmem:$0x18400] =	vst v63  }
0x5c7: {  	s31 =	simm.s32 $0x4C00;
	v3 =	vperm.xlane v3, v2  }
0x5c8: {  	[tilespmem:s31], [sflag:$0x1] =	stream.indirect_vreg.gather [hbm4b:s5+s3], $0x80, v4, vm0, $0xb8;
	[tilespmem:$0x18400] =	vst v63  }
0x5c9: {  	s21 =	simm.s32 $0x5400;
	v3 =	vadd.s32 v1, v3  }
0x5ca: {  	[tilespmem:s21], [sflag:$0x1] =	stream.indirect_vreg.gather [hbm4b:s6+s3], $0x80, v4, vm0, $0xb8;
	[tilespmem:$0x18400] =	vst v63  }
0x5cb: {  	s10 =	simm.s32 $0x5C00  }
0x5cc: {  	[tilespmem:s10], [sflag:$0x1] =	stream.indirect_vreg.gather [hbm4b:s7+s3], $0x80, v4, vm0, $0xb8;
	[tilespmem:$0x18400] =	vst v63  }
0x5cd: {  	s25 =	simm.s32 $0x6400  }
0x5ce: {  	[tilespmem:s25], [sflag:$0x1] =	stream.indirect_vreg.gather [hbm4b:s1+s3], $0x80, v3, vm0, $0xb8;
	[tilespmem:$0x18400] =	vst v63  }
0x5cf: {  	s11 =	simm.s32 $0x6C00  }
0x5d0: {  	[tilespmem:s11], [sflag:$0x1] =	stream.indirect_vreg.gather [hbm4b:s5+s3], $0x80, v3, vm0, $0xb8;
	[tilespmem:$0x18400] =	vst v63  }
0x5d1: {  	s31 =	simm.s32 $0x7400  }
0x5d2: {  	[tilespmem:s31], [sflag:$0x1] =	stream.indirect_vreg.gather [hbm4b:s6+s3], $0x80, v3, vm0, $0xb8;
	[tilespmem:$0x18400] =	vst v63  }
0x5d3: {  	s21 =	simm.s32 $0x7C00  }
0x5d4: {  	[tilespmem:s21], [sflag:$0x1] =	stream.indirect_vreg.gather [hbm4b:s7+s3], $0x80, v3, vm0, $0xb8;
	[tilespmem:$0x18400] =	vst v63  }
0x5d5: {  	_ =	swait.ge [sflag:s19], $0x8000  }
0x5d6: {  	[sflag:s19] =	ssyncset.done $0x0  }
0x5d7: {  	s25 =	rddreg [dreg:$0x1d];
	[sflag:s19] =	ssyncadd.s32 $0xFFFF8000  }
0x5d8: {  	[hbm4b:s25+s3] =	stream.linear.scatter [tilespmem:s26], [sflag:$0x2], $0x8000, $0x38;
	[tilespmem:$0x18400] =	vst v63  }
0x5d9: {  	_ =	swait.ge [sflag:s20], $0x8000  }
0x5da: {  	[sflag:s20] =	ssyncset.done $0x0  }
0x5db: {  	[sflag:s20] =	ssyncadd.s32 $0xFFFF8000  }
0x5dc: {  	v3 =	vld [tilespmem:$0x380];
	_ =	sdelay $0x4  }
0x5dd: {  	v56 =	vshll.u32 v3, $0x3  }
0x5de: {  	v3 =	vand.u32 $0x7, v3;
	v4 =	vand.u32 $0xFFFFFFC0, v56  }
0x5df: {  	v3 =	vor.u32 v3, v4  }
0x5e0: {  	v4 =	vperm.xlane v3, v0;
	_ =	sdelay $0x1  }
0x5e1: {  	v4 =	vadd.s32 v1, v4;
	_ =	sdelay $0x4  }
0x5e2: {  	[tilespmem:s26], [sflag:$0x1] =	stream.indirect_vreg.gather [hbm4b:s1+s3], $0x80, v4, vm0, $0xb8;
	[tilespmem:$0x18400] =	vst v63  }
0x5e3: {  	s31 =	simm.s32 $0x8C00;
	v3 =	vperm.xlane v3, v2  }
0x5e4: {  	[tilespmem:s31], [sflag:$0x1] =	stream.indirect_vreg.gather [hbm4b:s5+s3], $0x80, v4, vm0, $0xb8;
	[tilespmem:$0x18400] =	vst v63  }
0x5e5: {  	s2 =	simm.s32 $0x9400;
	v3 =	vadd.s32 v1, v3  }
0x5e6: {  	[tilespmem:s2], [sflag:$0x1] =	stream.indirect_vreg.gather [hbm4b:s6+s3], $0x80, v4, vm0, $0xb8;
	[tilespmem:$0x18400] =	vst v63  }
0x5e7: {  	s21 =	simm.s32 $0x9C00  }
0x5e8: {  	[tilespmem:s21], [sflag:$0x1] =	stream.indirect_vreg.gather [hbm4b:s7+s3], $0x80, v4, vm0, $0xb8;
	[tilespmem:$0x18400] =	vst v63  }
0x5e9: {  	s31 =	simm.s32 $0xA400  }
0x5ea: {  	[tilespmem:s31], [sflag:$0x1] =	stream.indirect_vreg.gather [hbm4b:s1+s3], $0x80, v3, vm0, $0xb8;
	[tilespmem:$0x18400] =	vst v63  }
0x5eb: {  	s31 =	simm.s32 $0xAC00  }
0x5ec: {  	[tilespmem:s31], [sflag:$0x1] =	stream.indirect_vreg.gather [hbm4b:s5+s3], $0x80, v3, vm0, $0xb8;
	[tilespmem:$0x18400] =	vst v63  }
0x5ed: {  	s21 =	simm.s32 $0xB400  }
0x5ee: {  	[tilespmem:s21], [sflag:$0x1] =	stream.indirect_vreg.gather [hbm4b:s6+s3], $0x80, v3, vm0, $0xb8;
	[tilespmem:$0x18400] =	vst v63  }
0x5ef: {  	s21 =	simm.s32 $0xBC00  }
0x5f0: {  	[tilespmem:s21], [sflag:$0x1] =	stream.indirect_vreg.gather [hbm4b:s7+s3], $0x80, v3, vm0, $0xb8;
	[tilespmem:$0x18400] =	vst v63  }
0x5f1: {  	v3 =	vld [tilespmem:$0x390];
	_ =	sdelay $0x4  }
0x5f2: {  	v57 =	vshll.u32 v3, $0x3  }
0x5f3: {  	v3 =	vand.u32 $0x7, v3;
	v4 =	vand.u32 $0xFFFFFFC0, v57  }
0x5f4: {  	v3 =	vor.u32 v3, v4  }
0x5f5: {  	v4 =	vperm.xlane v3, v0;
	_ =	sdelay $0x1  }
0x5f6: {  	v4 =	vadd.s32 v1, v4;
	_ =	sdelay $0x3  }
0x5f7: {  	s21 =	simm.s32 $0xC400  }
0x5f8: {  	[tilespmem:s21], [sflag:$0x1] =	stream.indirect_vreg.gather [hbm4b:s1+s3], $0x80, v4, vm0, $0xb8;
	[tilespmem:$0x18400] =	vst v63  }
0x5f9: {  	v3 =	vperm.xlane v3, v2;
	s21 =	simm.s32 $0xCC00  }
0x5fa: {  	[tilespmem:s21], [sflag:$0x1] =	stream.indirect_vreg.gather [hbm4b:s5+s3], $0x80, v4, vm0, $0xb8;
	[tilespmem:$0x18400] =	vst v63  }
0x5fb: {  	v3 =	vadd.s32 v1, v3;
	s21 =	simm.s32 $0xD400  }
0x5fc: {  	[tilespmem:s21], [sflag:$0x1] =	stream.indirect_vreg.gather [hbm4b:s6+s3], $0x80, v4, vm0, $0xb8;
	[tilespmem:$0x18400] =	vst v63  }
0x5fd: {  	s21 =	simm.s32 $0xDC00  }
0x5fe: {  	[tilespmem:s21], [sflag:$0x1] =	stream.indirect_vreg.gather [hbm4b:s7+s3], $0x80, v4, vm0, $0xb8;
	[tilespmem:$0x18400] =	vst v63  }
0x5ff: {  	s21 =	simm.s32 $0xE400  }
0x600: {  	[tilespmem:s21], [sflag:$0x1] =	stream.indirect_vreg.gather [hbm4b:s1+s3], $0x80, v3, vm0, $0xb8;
	[tilespmem:$0x18400] =	vst v63  }
0x601: {  	s21 =	simm.s32 $0xEC00  }
0x602: {  	[tilespmem:s21], [sflag:$0x1] =	stream.indirect_vreg.gather [hbm4b:s5+s3], $0x80, v3, vm0, $0xb8;
	[tilespmem:$0x18400] =	vst v63  }
0x603: {  	s21 =	simm.s32 $0xF400  }
0x604: {  	[tilespmem:s21], [sflag:$0x1] =	stream.indirect_vreg.gather [hbm4b:s6+s3], $0x80, v3, vm0, $0xb8;
	[tilespmem:$0x18400] =	vst v63  }
0x605: {  	s21 =	simm.s32 $0xFC00  }
0x606: {  	[tilespmem:s21], [sflag:$0x1] =	stream.indirect_vreg.gather [hbm4b:s7+s3], $0x80, v3, vm0, $0xb8;
	[tilespmem:$0x18400] =	vst v63  }
0x607: {  	_ =	swait.ge [sflag:s19], $0x8000  }
0x608: {  	[sflag:s19] =	ssyncset.done $0x0  }
0x609: {  	s21 =	rddreg [dreg:$0x1e];
	[sflag:s19] =	ssyncadd.s32 $0xFFFF8000  }
0x60a: {  	[hbm4b:s21+s3] =	stream.linear.scatter [tilespmem:s29], [sflag:$0x2], $0x8000, $0x38;
	[tilespmem:$0x18400] =	vst v63  }
0x60b: {  	_ =	swait.ge [sflag:s20], $0x8000  }
0x60c: {  	[sflag:s20] =	ssyncset.done $0x0  }
0x60d: {  	[sflag:s20] =	ssyncadd.s32 $0xFFFF8000  }
0x60e: {  	v3 =	vld [tilespmem:$0x3A0];
	_ =	sdelay $0x4  }
0x60f: {  	v58 =	vshll.u32 v3, $0x3  }
0x610: {  	v3 =	vand.u32 $0x7, v3;
	v4 =	vand.u32 $0xFFFFFFC0, v58  }
0x611: {  	v3 =	vor.u32 v3, v4  }
0x612: {  	v4 =	vperm.xlane v3, v0;
	_ =	sdelay $0x1  }
0x613: {  	v4 =	vadd.s32 v1, v4;
	_ =	sdelay $0x4  }
0x614: {  	[tilespmem:s29], [sflag:$0x1] =	stream.indirect_vreg.gather [hbm4b:s1+s3], $0x80, v4, vm0, $0xb8;
	[tilespmem:$0x18400] =	vst v63  }
0x615: {  	s21 =	simm.s32 $0x10C00;
	v3 =	vperm.xlane v3, v2  }
0x616: {  	[tilespmem:s21], [sflag:$0x1] =	stream.indirect_vreg.gather [hbm4b:s5+s3], $0x80, v4, vm0, $0xb8;
	[tilespmem:$0x18400] =	vst v63  }
0x617: {  	s0 =	simm.s32 $0x11400;
	v3 =	vadd.s32 v1, v3  }
0x618: {  	[tilespmem:s0], [sflag:$0x1] =	stream.indirect_vreg.gather [hbm4b:s6+s3], $0x80, v4, vm0, $0xb8;
	[tilespmem:$0x18400] =	vst v63  }
0x619: {  	s13 =	simm.s32 $0x11C00  }
0x61a: {  	[tilespmem:s13], [sflag:$0x1] =	stream.indirect_vreg.gather [hbm4b:s7+s3], $0x80, v4, vm0, $0xb8;
	[tilespmem:$0x18400] =	vst v63  }
0x61b: {  	s14 =	simm.s32 $0x12400  }
0x61c: {  	[tilespmem:s14], [sflag:$0x1] =	stream.indirect_vreg.gather [hbm4b:s1+s3], $0x80, v3, vm0, $0xb8;
	[tilespmem:$0x18400] =	vst v63  }
0x61d: {  	s15 =	simm.s32 $0x12C00  }
0x61e: {  	[tilespmem:s15], [sflag:$0x1] =	stream.indirect_vreg.gather [hbm4b:s5+s3], $0x80, v3, vm0, $0xb8;
	[tilespmem:$0x18400] =	vst v63  }
0x61f: {  	s16 =	simm.s32 $0x13400  }
0x620: {  	[tilespmem:s16], [sflag:$0x1] =	stream.indirect_vreg.gather [hbm4b:s6+s3], $0x80, v3, vm0, $0xb8;
	[tilespmem:$0x18400] =	vst v63  }
0x621: {  	s13 =	simm.s32 $0x13C00  }
0x622: {  	[tilespmem:s13], [sflag:$0x1] =	stream.indirect_vreg.gather [hbm4b:s7+s3], $0x80, v3, vm0, $0xb8;
	[tilespmem:$0x18400] =	vst v63  }
0x623: {  	v3 =	vld [tilespmem:$0x3B0];
	_ =	sdelay $0x4  }
0x624: {  	v59 =	vshll.u32 v3, $0x3  }
0x625: {  	v3 =	vand.u32 $0x7, v3;
	v4 =	vand.u32 $0xFFFFFFC0, v59  }
0x626: {  	v3 =	vor.u32 v3, v4  }
0x627: {  	v4 =	vperm.xlane v3, v0;
	_ =	sdelay $0x1  }
0x628: {  	v4 =	vadd.s32 v1, v4;
	_ =	sdelay $0x3  }
0x629: {  	s14 =	simm.s32 $0x14400  }
0x62a: {  	[tilespmem:s14], [sflag:$0x1] =	stream.indirect_vreg.gather [hbm4b:s1+s3], $0x80, v4, vm0, $0xb8;
	[tilespmem:$0x18400] =	vst v63  }
0x62b: {  	s15 =	simm.s32 $0x14C00;
	v3 =	vperm.xlane v3, v2  }
0x62c: {  	[tilespmem:s15], [sflag:$0x1] =	stream.indirect_vreg.gather [hbm4b:s5+s3], $0x80, v4, vm0, $0xb8;
	[tilespmem:$0x18400] =	vst v63  }
0x62d: {  	s17 =	simm.s32 $0x15400;
	v3 =	vadd.s32 v1, v3  }
0x62e: {  	[tilespmem:s17], [sflag:$0x1] =	stream.indirect_vreg.gather [hbm4b:s6+s3], $0x80, v4, vm0, $0xb8;
	[tilespmem:$0x18400] =	vst v63  }
0x62f: {  	s18 =	simm.s32 $0x15C00  }
0x630: {  	[tilespmem:s18], [sflag:$0x1] =	stream.indirect_vreg.gather [hbm4b:s7+s3], $0x80, v4, vm0, $0xb8;
	[tilespmem:$0x18400] =	vst v63  }
0x631: {  	s22 =	simm.s32 $0x16400  }
0x632: {  	[tilespmem:s22], [sflag:$0x1] =	stream.indirect_vreg.gather [hbm4b:s1+s3], $0x80, v3, vm0, $0xb8;
	[tilespmem:$0x18400] =	vst v63  }
0x633: {  	s23 =	simm.s32 $0x16C00  }
0x634: {  	[tilespmem:s23], [sflag:$0x1] =	stream.indirect_vreg.gather [hbm4b:s5+s3], $0x80, v3, vm0, $0xb8;
	[tilespmem:$0x18400] =	vst v63  }
0x635: {  	s24 =	simm.s32 $0x17400  }
0x636: {  	[tilespmem:s24], [sflag:$0x1] =	stream.indirect_vreg.gather [hbm4b:s6+s3], $0x80, v3, vm0, $0xb8;
	[tilespmem:$0x18400] =	vst v63  }
0x637: {  	s16 =	simm.s32 $0x17C00  }
0x638: {  	[tilespmem:s16], [sflag:$0x1] =	stream.indirect_vreg.gather [hbm4b:s7+s3], $0x80, v3, vm0, $0xb8;
	[tilespmem:$0x18400] =	vst v63  }
0x639: {  	_ =	swait.ge [sflag:s19], $0x8000  }
0x63a: {  	[sflag:s19] =	ssyncset.done $0x0  }
0x63b: {  	s17 =	rddreg [dreg:$0x1f];
	[sflag:s19] =	ssyncadd.s32 $0xFFFF8000  }
0x63c: {  	[hbm4b:s17+s3] =	stream.linear.scatter [tilespmem:s28], [sflag:$0x2], $0x8000, $0x38;
	[tilespmem:$0x18400] =	vst v63  }
0x63d: {  	_ =	swait.ge [sflag:s20], $0x8000  }
0x63e: {  	[sflag:s20] =	ssyncset.done $0x0  }
0x63f: {  	[sflag:s20] =	ssyncadd.s32 $0xFFFF8000  }
0x640: {  	v3 =	vld [tilespmem:$0x3C0];
	_ =	sdelay $0x4  }
0x641: {  	v60 =	vshll.u32 v3, $0x3  }
0x642: {  	v3 =	vand.u32 $0x7, v3;
	v4 =	vand.u32 $0xFFFFFFC0, v60  }
0x643: {  	v3 =	vor.u32 v3, v4  }
0x644: {  	v4 =	vperm.xlane v3, v0;
	_ =	sdelay $0x1  }
0x645: {  	v4 =	vadd.s32 v1, v4;
	_ =	sdelay $0x4  }
0x646: {  	[tilespmem:s28], [sflag:$0x1] =	stream.indirect_vreg.gather [hbm4b:s1+s3], $0x80, v4, vm0, $0xb8;
	[tilespmem:$0x18400] =	vst v63  }
0x647: {  	s8 =	simm.s32 $0xC00;
	v3 =	vperm.xlane v3, v2  }
0x648: {  	[tilespmem:s8], [sflag:$0x1] =	stream.indirect_vreg.gather [hbm4b:s5+s3], $0x80, v4, vm0, $0xb8;
	[tilespmem:$0x18400] =	vst v63  }
0x649: {  	s18 =	simm.s32 $0x1400;
	v3 =	vadd.s32 v1, v3  }
0x64a: {  	[tilespmem:s18], [sflag:$0x1] =	stream.indirect_vreg.gather [hbm4b:s6+s3], $0x80, v4, vm0, $0xb8;
	[tilespmem:$0x18400] =	vst v63  }
0x64b: {  	s21 =	simm.s32 $0x1C00  }
0x64c: {  	[tilespmem:s21], [sflag:$0x1] =	stream.indirect_vreg.gather [hbm4b:s7+s3], $0x80, v4, vm0, $0xb8;
	[tilespmem:$0x18400] =	vst v63  }
0x64d: {  	s22 =	simm.s32 $0x2400  }
0x64e: {  	[tilespmem:s22], [sflag:$0x1] =	stream.indirect_vreg.gather [hbm4b:s1+s3], $0x80, v3, vm0, $0xb8;
	[tilespmem:$0x18400] =	vst v63  }
0x64f: {  	s23 =	simm.s32 $0x2C00  }
0x650: {  	[tilespmem:s23], [sflag:$0x1] =	stream.indirect_vreg.gather [hbm4b:s5+s3], $0x80, v3, vm0, $0xb8;
	[tilespmem:$0x18400] =	vst v63  }
0x651: {  	s24 =	simm.s32 $0x3400  }
0x652: {  	[tilespmem:s24], [sflag:$0x1] =	stream.indirect_vreg.gather [hbm4b:s6+s3], $0x80, v3, vm0, $0xb8;
	[tilespmem:$0x18400] =	vst v63  }
0x653: {  	s4 =	simm.s32 $0x3C00  }
0x654: {  	[tilespmem:s4], [sflag:$0x1] =	stream.indirect_vreg.gather [hbm4b:s7+s3], $0x80, v3, vm0, $0xb8;
	[tilespmem:$0x18400] =	vst v63  }
0x655: {  	v3 =	vld [tilespmem:$0x3D0];
	_ =	sdelay $0x4  }
0x656: {  	v61 =	vshll.u32 v3, $0x3  }
0x657: {  	v3 =	vand.u32 $0x7, v3;
	v4 =	vand.u32 $0xFFFFFFC0, v61  }
0x658: {  	v3 =	vor.u32 v3, v4  }
0x659: {  	v4 =	vperm.xlane v3, v0;
	_ =	sdelay $0x1  }
0x65a: {  	v4 =	vadd.s32 v1, v4;
	_ =	sdelay $0x3  }
0x65b: {  	s9 =	simm.s32 $0x4400  }
0x65c: {  	[tilespmem:s9], [sflag:$0x1] =	stream.indirect_vreg.gather [hbm4b:s1+s3], $0x80, v4, vm0, $0xb8;
	[tilespmem:$0x18400] =	vst v63  }
0x65d: {  	s30 =	simm.s32 $0x4C00;
	v3 =	vperm.xlane v3, v2  }
0x65e: {  	[tilespmem:s30], [sflag:$0x1] =	stream.indirect_vreg.gather [hbm4b:s5+s3], $0x80, v4, vm0, $0xb8;
	[tilespmem:$0x18400] =	vst v63  }
0x65f: {  	s4 =	simm.s32 $0x5400;
	v3 =	vadd.s32 v1, v3  }
0x660: {  	[tilespmem:s4], [sflag:$0x1] =	stream.indirect_vreg.gather [hbm4b:s6+s3], $0x80, v4, vm0, $0xb8;
	[tilespmem:$0x18400] =	vst v63  }
0x661: {  	s12 =	simm.s32 $0x5C00  }
0x662: {  	[tilespmem:s12], [sflag:$0x1] =	stream.indirect_vreg.gather [hbm4b:s7+s3], $0x80, v4, vm0, $0xb8;
	[tilespmem:$0x18400] =	vst v63  }
0x663: {  	s8 =	simm.s32 $0x6400  }
0x664: {  	[tilespmem:s8], [sflag:$0x1] =	stream.indirect_vreg.gather [hbm4b:s1+s3], $0x80, v3, vm0, $0xb8;
	[tilespmem:$0x18400] =	vst v63  }
0x665: {  	s10 =	simm.s32 $0x6C00  }
0x666: {  	[tilespmem:s10], [sflag:$0x1] =	stream.indirect_vreg.gather [hbm4b:s5+s3], $0x80, v3, vm0, $0xb8;
	[tilespmem:$0x18400] =	vst v63  }
0x667: {  	s9 =	simm.s32 $0x7400  }
0x668: {  	[tilespmem:s9], [sflag:$0x1] =	stream.indirect_vreg.gather [hbm4b:s6+s3], $0x80, v3, vm0, $0xb8;
	[tilespmem:$0x18400] =	vst v63  }
0x669: {  	s11 =	simm.s32 $0x7C00  }
0x66a: {  	[tilespmem:s11], [sflag:$0x1] =	stream.indirect_vreg.gather [hbm4b:s7+s3], $0x80, v3, vm0, $0xb8;
	[tilespmem:$0x18400] =	vst v63  }
0x66b: {  	s0 =	sld [smem:$0x7F8];
	_ =	swait.ge [sflag:s19], $0x8000  }
0x66c: {  	s10 =	sld [smem:$0x7F9]  }
0x66d: {  	[sflag:s19] =	ssyncset.done $0x0  }
0x66e: {  	[sflag:s19] =	ssyncadd.s32 $0xFFFF8000  }
0x66f: {  	[hbm4b:s10+s3] =	stream.linear.scatter [tilespmem:s26], [sflag:$0x2], $0x8000, $0x38;
	[tilespmem:$0x18400] =	vst v63  }
0x670: {  	_ =	swait.ge [sflag:s20], $0x8000  }
0x671: {  	[sflag:s20] =	ssyncset.done $0x0  }
0x672: {  	[sflag:s20] =	ssyncadd.s32 $0xFFFF8000  }
0x673: {  	v3 =	vld [tilespmem:$0x3E0];
	_ =	sdelay $0x4  }
0x674: {  	v62 =	vshll.u32 v3, $0x3  }
0x675: {  	v3 =	vand.u32 $0x7, v3;
	v4 =	vand.u32 $0xFFFFFFC0, v62  }
0x676: {  	v3 =	vor.u32 v3, v4  }
0x677: {  	v4 =	vperm.xlane v3, v0;
	_ =	sdelay $0x1  }
0x678: {  	v4 =	vadd.s32 v1, v4;
	_ =	sdelay $0x4  }
0x679: {  	[tilespmem:s26], [sflag:$0x1] =	stream.indirect_vreg.gather [hbm4b:s1+s3], $0x80, v4, vm0, $0xb8;
	[tilespmem:$0x18400] =	vst v63  }
0x67a: {  	s11 =	simm.s32 $0x8C00;
	v3 =	vperm.xlane v3, v2  }
0x67b: {  	[tilespmem:s11], [sflag:$0x1] =	stream.indirect_vreg.gather [hbm4b:s5+s3], $0x80, v4, vm0, $0xb8;
	[tilespmem:$0x18400] =	vst v63  }
0x67c: {  	s25 =	simm.s32 $0x9400;
	v3 =	vadd.s32 v1, v3  }
0x67d: {  	[tilespmem:s25], [sflag:$0x1] =	stream.indirect_vreg.gather [hbm4b:s6+s3], $0x80, v4, vm0, $0xb8;
	[tilespmem:$0x18400] =	vst v63  }
0x67e: {  	s2 =	simm.s32 $0x9C00  }
0x67f: {  	[tilespmem:s2], [sflag:$0x1] =	stream.indirect_vreg.gather [hbm4b:s7+s3], $0x80, v4, vm0, $0xb8;
	[tilespmem:$0x18400] =	vst v63  }
0x680: {  	s12 =	simm.s32 $0xA400  }
0x681: {  	[tilespmem:s12], [sflag:$0x1] =	stream.indirect_vreg.gather [hbm4b:s1+s3], $0x80, v3, vm0, $0xb8;
	[tilespmem:$0x18400] =	vst v63  }
0x682: {  	s31 =	simm.s32 $0xAC00  }
0x683: {  	[tilespmem:s31], [sflag:$0x1] =	stream.indirect_vreg.gather [hbm4b:s5+s3], $0x80, v3, vm0, $0xb8;
	[tilespmem:$0x18400] =	vst v63  }
0x684: {  	s13 =	simm.s32 $0xB400  }
0x685: {  	[tilespmem:s13], [sflag:$0x1] =	stream.indirect_vreg.gather [hbm4b:s6+s3], $0x80, v3, vm0, $0xb8;
	[tilespmem:$0x18400] =	vst v63  }
0x686: {  	s14 =	simm.s32 $0xBC00  }
0x687: {  	[tilespmem:s14], [sflag:$0x1] =	stream.indirect_vreg.gather [hbm4b:s7+s3], $0x80, v3, vm0, $0xb8;
	[tilespmem:$0x18400] =	vst v63  }
0x688: {  	v3 =	vld [tilespmem:$0x3F0];
	_ =	sdelay $0x4  }
0x689: {  	v63 =	vshll.u32 v3, $0x3  }
0x68a: {  	v3 =	vand.u32 $0x7, v3;
	v4 =	vand.u32 $0xFFFFFFC0, v63  }
0x68b: {  	v3 =	vor.u32 v3, v4  }
0x68c: {  	v4 =	vperm.xlane v3, v0;
	_ =	sdelay $0x1  }
0x68d: {  	v4 =	vadd.s32 v1, v4;
	_ =	sdelay $0x3  }
0x68e: {  	s15 =	simm.s32 $0xC400  }
0x68f: {  	[tilespmem:s15], [sflag:$0x1] =	stream.indirect_vreg.gather [hbm4b:s1+s3], $0x80, v4, vm0, $0xb8;
	[tilespmem:$0x18400] =	vst v63  }
0x690: {  	s16 =	simm.s32 $0xCC00;
	v3 =	vperm.xlane v3, v2  }
0x691: {  	[tilespmem:s16], [sflag:$0x1] =	stream.indirect_vreg.gather [hbm4b:s5+s3], $0x80, v4, vm0, $0xb8;
	[tilespmem:$0x18400] =	vst v63  }
0x692: {  	s17 =	simm.s32 $0xD400;
	v3 =	vadd.s32 v1, v3  }
0x693: {  	[tilespmem:s17], [sflag:$0x1] =	stream.indirect_vreg.gather [hbm4b:s6+s3], $0x80, v4, vm0, $0xb8;
	[tilespmem:$0x18400] =	vst v63  }
0x694: {  	s18 =	simm.s32 $0xDC00  }
0x695: {  	[tilespmem:s18], [sflag:$0x1] =	stream.indirect_vreg.gather [hbm4b:s7+s3], $0x80, v4, vm0, $0xb8;
	[tilespmem:$0x18400] =	vst v63  }
0x696: {  	s21 =	simm.s32 $0xE400  }
0x697: {  	[tilespmem:s21], [sflag:$0x1] =	stream.indirect_vreg.gather [hbm4b:s1+s3], $0x80, v3, vm0, $0xb8;
	[tilespmem:$0x18400] =	vst v63  }
0x698: {  	s22 =	simm.s32 $0xEC00  }
0x699: {  	[tilespmem:s22], [sflag:$0x1] =	stream.indirect_vreg.gather [hbm4b:s5+s3], $0x80, v3, vm0, $0xb8;
	[tilespmem:$0x18400] =	vst v63  }
0x69a: {  	s23 =	simm.s32 $0xF400  }
0x69b: {  	[tilespmem:s23], [sflag:$0x1] =	stream.indirect_vreg.gather [hbm4b:s6+s3], $0x80, v3, vm0, $0xb8;
	[tilespmem:$0x18400] =	vst v63  }
0x69c: {  	s24 =	simm.s32 $0xFC00  }
0x69d: {  	[tilespmem:s24], [sflag:$0x1] =	stream.indirect_vreg.gather [hbm4b:s7+s3], $0x80, v3, vm0, $0xb8;
	[tilespmem:$0x18400] =	vst v63  }
0x69e: {  	_ =	swait.ge [sflag:s19], $0x8000  }
0x69f: {  	s25 =	sld [smem:$0x7FA]  }
0x6a0: {  	[sflag:s19] =	ssyncset.done $0x0  }
0x6a1: {  	[sflag:s19] =	ssyncadd.s32 $0xFFFF8000  }
0x6a2: {  	[hbm4b:s25+s3] =	stream.linear.scatter [tilespmem:s29], [sflag:$0x2], $0x8000, $0x38;
	[tilespmem:$0x18400] =	vst v63  }
0x6a3: {  	_ =	swait.ge [sflag:s19], $0x8000  }
0x6a4: {  	s30 =	sld [smem:$0x7FB]  }
0x6a5: {  	[sflag:s19] =	ssyncset.done $0x0  }
0x6a6: {  	[sflag:s19] =	ssyncadd.s32 $0xFFFF8000  }
0x6a7: {  	[hbm4b:s30+s3] =	stream.linear.scatter [tilespmem:s28], [sflag:$0x2], $0x8000, $0x38;
	[tilespmem:$0x18400] =	vst v63  }
0x6a8: {  	_ =	swait.ge [sflag:s19], $0x8000  }
0x6a9: {  	s31 =	sld [smem:$0x7FD]  }
0x6aa: {  	[sflag:s19] =	ssyncset.done $0x0  }
0x6ab: {  	[sflag:s19] =	ssyncadd.s32 $0xFFFF8000  }
0x6ac: {  	[hbm4b:s31+s3] =	stream.linear.scatter [tilespmem:s26], [sflag:$0x2], $0x8000, $0x38;
	[tilespmem:$0x18400] =	vst v63  }
0x6ad: {  	_ =	swait.ge [sflag:s20], $0x8000  }
0x6ae: {  	[sflag:s20] =	ssyncset.done $0x0  }
0x6af: {  	[sflag:s20] =	ssyncadd.s32 $0xFFFF8000  }
0x6b0: {  	p0 =	sne.s32 s0, $0x1;
	_ =	swait.ge [sflag:s20], $0x8000  }
.Ltmp0:
0x6b1: {  	[sflag:s20] =	ssyncset.done $0x0;
	(pc) =	sbr.rel @p0 .LBB2_1-.Ltmp0, $4  }
0x6b2: {  	[sflag:s20] =	ssyncadd.s32 $0xFFFF8000  }
0x6b3: {  	_ =	swait.ge [sflag:s20], $0x8000  }
0x6b4: {  	[sflag:s20] =	ssyncset.done $0x0  }
0x6b5: {  	s0 =	sadd.s32 $0xFFFFFFFF, s0;
	[sflag:s20] =	ssyncadd.s32 $0xFFFF8000  }
0x6b6: {  	_ =	sfence.sel $0x180000  }
0x6b7: {  	[bflag:$0x0] =	sbarrier.arrive $0xFFFF  }
0x6b8: {  	_ =	strace $0x90000047  }
0x6b9: {  	s0 =	stileid.u32;
	[bflag:$0x2] =	sbarrier.arrive $0xFFFF  }
0x6ba: {  	p0 =	sne.s32 s0, $0x0;
	s0 =	rddreg [dreg:$0x3]  }
0x6bb: {  	s0 =	sadd.s32 @!p0 $0x100000, s0  }
0x6bc: {  	[sflag:s0] =	ssyncadd.tile.s32 @!p0 $0x1;
	_ =	shalt  }
.Lfunc_end2:
_tile_overlayer_lowered:
.L_overlay_start_2:
0x6bd: {  	(tag) =	ssettag $0x2  }
0x6be: {  	s0 =	rddreg [dreg:$0x0];
	s2 =	stileid.u32  }
0x6bf: {  	s1 =	rddreg [dreg:$0x1];
	p0 =	sne.s32 s2, $0x0  }
0x6c0: {  	s3 =	rddreg [dreg:$0x2];
	[bflag:$0x3] =	sbarrier.arrive $0xFFFF;
	s2 =	simm.s32 @!p0 $0x1C03  }
0x6c1: {  	[timem:s3], [sflag:s2] =	dma.local @!p0 [hbm:s0], s1  }
0x6c2: {  	s0 =	simm.s32 @!p0 $0x3  }
0x6c3: {  	_ =	swait.ge @!p0 [sflag:s0], s1  }
0x6c4: {  	s1 =	ssub.s32 @!p0 $0x0, s1;
	[sflag:s0] =	ssyncset.done @!p0 $0x0  }
0x6c5: {  	[sflag:s0] =	ssyncadd.s32 @!p0 s1  }
0x6c6: {  	[bflag:$0x3] =	sbarrier.arrive $0xFFFF  }
0x6c7: {  	_ =	shalt  }

</sc_bundles>
